<compile_context>
chip_gen: v7x
topology: tpu7x:2x2x1
jax: 0.10.2.dev20260603
libtpu: 0.0.44.dev20260713+nightly
codegen_flags: <defaults>
</compile_context>

<pallas_src>
import jax
import jax.numpy as jnp
from jax import lax
from jax.experimental import pallas as pl
from jax.experimental.pallas import tpu as pltpu
from jax.experimental.pallas import tpu_sc as plsc

_NS = 16
_K = 64
_NB = 5
_LA = 4
_RB = 24
_BN = 2000


def _pre_body(x_ref, pos_ref, wl_ref, ws_ref, wp_ref, bp_ref,
              f_ref, g_ref, q_ref):
    x = x_ref[...]
    pos = pos_ref[...]
    wp = wp_ref[...]
    p = (pos[:, 0:1] * wp[0:1, :] + pos[:, 1:2] * wp[1:2, :]
         + pos[:, 2:3] * wp[2:3, :])
    a = jnp.dot(x, ws_ref[...], preferred_element_type=jnp.float32) + p
    f = jnp.exp(-a)
    u = jnp.dot(x, wl_ref[...], preferred_element_type=jnp.float32) - p
    f_ref[...] = f
    g_ref[...] = f * u
    q_ref[...] = p + bp_ref[...]


def _precompute(x, pos, w_lin, w_src, w_pos, b_pos):
    n, d = x.shape
    fgq = jax.ShapeDtypeStruct((n, d), jnp.float32)
    return pl.pallas_call(
        _pre_body,
        grid=(n // _BN,),
        in_specs=[
            pl.BlockSpec((_BN, d), lambda i: (i, 0)),
            pl.BlockSpec((_BN, 3), lambda i: (i, 0)),
            pl.BlockSpec((d, d), lambda i: (0, 0)),
            pl.BlockSpec((d, d), lambda i: (0, 0)),
            pl.BlockSpec((3, d), lambda i: (0, 0)),
            pl.BlockSpec((1, d), lambda i: (0, 0)),
        ],
        out_specs=[pl.BlockSpec((_BN, d), lambda i: (i, 0))] * 3,
        out_shape=[fgq, fgq, fgq],
    )(x, pos, w_lin, w_src, w_pos, b_pos.reshape(1, d))


def _edge_body(src_hbm, dst_hbm, f_hbm, g_hbm,
               acc1_hbm, acc2_hbm,
               sall, dall, rows, sidx, acc_s, sem_g, sem_s):
    e = src_hbm.shape[0] - 2 * _RB * _K
    d = f_hbm.shape[1]
    n_acc = acc1_hbm.shape[0]
    nch = e // _K
    rpt = n_acc // _NS
    cid = lax.axis_index("c")
    sid = lax.axis_index("s")

    basec = nch // _NS
    extra = nch % _NS
    start = sid * basec + jnp.minimum(sid, extra)
    nct = basec + jnp.where(sid < extra, 1, 0)

    def refill(blk):
        off = (start + blk * _RB) * _K
        slot = (blk % 2) * _RB * _K
        pltpu.sync_copy(src_hbm.at[pl.ds(off, _RB * _K)],
                        sall.at[pl.ds(slot, _RB * _K)])
        pltpu.sync_copy(dst_hbm.at[pl.ds(off, _RB * _K)],
                        dall.at[pl.ds(slot, _RB * _K)])

    refill(0)

    zero16 = jnp.zeros((16,), jnp.float32)

    def zrow(i, carry):
        for j in range(d // 16):
            rows[0][i, pl.ds(j * 16, 16)] = zero16
        return carry

    lax.fori_loop(0, _K, zrow, 0)

    base = sid * rpt
    for b in range(rpt // _K):
        pltpu.sync_copy(rows[0], acc_s.at[pl.ds(base + b * _K, _K)])
    plsc.subcore_barrier()

    def fire_gather(k, b):
        idx = sall.at[pl.ds(((k // _RB) % 2) * _RB * _K
                            + (k % _RB) * _K, _K)]

        @pl.when(cid == 0)
        def _():
            pltpu.async_copy(f_hbm.at[idx], rows[b], sem_g[b])

        @pl.when(cid == 1)
        def _():
            pltpu.async_copy(g_hbm.at[idx], rows[b], sem_g[b])

    dump16 = jnp.full((16,), n_acc - 1, jnp.int32)

    for j in range(_LA):
        @pl.when(j < nct)
        def _():
            fire_gather(j, j)

    def group(i0, carry):
        for b in range(_NB):
            k = i0 * _NB + b

            @pl.when(k < nct)
            def _():
                pltpu.make_async_copy(f_hbm.at[pl.ds(0, _K)], rows[b],
                                      sem_g[b]).wait()

                boff = (((k // _RB) % 2) * _RB + (k % _RB)) * _K
                for g in range(_K // 16):
                    s16 = sall[pl.ds(boff + g * 16, 16)]
                    d16 = dall[pl.ds(boff + g * 16, 16)]
                    sidx[b][0, pl.ds(g * 16, 16)] = jnp.where(
                        s16 == d16, dump16, d16)

                @pl.when(jnp.logical_and((k + _LA + 1) % _RB == 0,
                                         k + _LA + 1 < nct))
                def _():
                    refill((k + _LA + 1) // _RB)

                b2 = (b + _LA) % _NB

                @pl.when(k >= _NB - _LA)
                def _():
                    pltpu.make_async_copy(rows[b2],
                                          acc_s.at[pl.ds(0, _K)],
                                          sem_s[b2]).wait()

                @pl.when(k + _LA < nct)
                def _():
                    fire_gather(k + _LA, b2)

                pltpu.async_copy(rows[b], acc_s.at[sidx[b].at[0]],
                                 sem_s[b], add=True)
        return carry

    lax.fori_loop(0, (nct + _NB - 1) // _NB, group, 0)

    for b in range(_NB):
        pend = (nct - 1) % _NB == b
        for t in range(1, _NB - _LA):
            pend = jnp.logical_or(pend, (nct - 1 - t) % _NB == b)

        @pl.when(pend)
        def _():
            pltpu.make_async_copy(rows[b], acc_s.at[pl.ds(0, _K)],
                                  sem_s[b]).wait()

    plsc.subcore_barrier()

    @pl.when(cid == 0)
    def _():
        pltpu.sync_copy(acc_s.at[pl.ds(base, rpt)],
                        acc1_hbm.at[pl.ds(base, rpt)])

    @pl.when(cid == 1)
    def _():
        pltpu.sync_copy(acc_s.at[pl.ds(base, rpt)],
                        acc2_hbm.at[pl.ds(base, rpt)])


def _edge_pass(src, dst, f, g, n_acc):
    d = f.shape[1]
    acc = jax.ShapeDtypeStruct((n_acc, d), jnp.float32)
    mesh = plsc.VectorSubcoreMesh(core_axis_name="c", subcore_axis_name="s",
                                  num_cores=2, num_subcores=_NS)
    run = pl.kernel(
        _edge_body,
        out_type=[acc, acc],
        mesh=mesh,
        scratch_types=[
            pltpu.VMEM((2 * _RB * _K,), jnp.int32),
            pltpu.VMEM((2 * _RB * _K,), jnp.int32),
            [pltpu.VMEM((_K, d), jnp.float32) for _ in range(_NB)],
            [pltpu.VMEM((1, _K), jnp.int32) for _ in range(_NB)],
            pltpu.VMEM_SHARED((n_acc, d), jnp.float32),
            [pltpu.SemaphoreType.DMA for _ in range(_NB)],
            [pltpu.SemaphoreType.DMA for _ in range(_NB)],
        ],
    )
    src_p = jnp.pad(src, (0, 2 * _RB * _K))
    dst_p = jnp.pad(dst, (0, 2 * _RB * _K))
    return run(src_p, dst_p, f, g)


def _fin_body(a1_ref, a2_ref, f_ref, g_ref, q_ref, o_ref):
    den = a1_ref[...] + f_ref[...]
    num = a2_ref[...] + g_ref[...]
    o_ref[...] = num / den + q_ref[...]


def _finalize(acc1, acc2, f, g, q):
    n, d = f.shape
    blk = pl.BlockSpec((_BN, d), lambda i: (i, 0))
    return pl.pallas_call(
        _fin_body,
        grid=(n // _BN,),
        in_specs=[blk, blk, blk, blk, blk],
        out_specs=blk,
        out_shape=jax.ShapeDtypeStruct((n, d), jnp.float32),
    )(acc1, acc2, f, g, q)


@jax.jit
def kernel(x, pos, edge_index, W_lin, W_src, W_dst, W_pos, b_pos):
    del W_dst
    n = x.shape[0]
    n_acc = (n // 1024 + 1) * 1024
    f, g, q = _precompute(x, pos, W_lin, W_src, W_pos, b_pos)
    acc1, acc2 = _edge_pass(edge_index[0], edge_index[1], f, g, n_acc)
    return _finalize(acc1, acc2, f, g, q)

# --- scband reference (transcript-rebuilt; emitter-appended) ---
"""Pipeline reference for scband-transformer-block-30021821399845 (READ-ONLY COPY).

The authoritative reference and input builder live on the scoring server;
editing this copy changes nothing except your own understanding.
"""

import jax, jax.numpy as jnp
import numpy as np

N = 10000
E = 320000
D_IN = 128
D_OUT = 128


def setup_inputs(seed: int = 0):
    key = jax.random.key(seed)
    ks = jax.random.split(key, 8)
    x = jax.random.normal(ks[0], (N, D_IN), dtype=jnp.float32)
    pos = jax.random.normal(ks[1], (N, 3), dtype=jnp.float32)
    edge_index = jax.random.randint(ks[2], (2, E), 0, N, dtype=jnp.int32)
    s = 1.0 / np.sqrt(D_IN)
    W_lin = jax.random.uniform(ks[3], (D_IN, D_OUT), jnp.float32, -s, s)
    W_src = jax.random.uniform(ks[4], (D_IN, D_OUT), jnp.float32, -s, s)
    W_dst = jax.random.uniform(ks[5], (D_IN, D_OUT), jnp.float32, -s, s)
    sp = 1.0 / np.sqrt(3.0)
    W_pos = jax.random.uniform(ks[6], (3, D_OUT), jnp.float32, -sp, sp)
    b_pos = jax.random.uniform(ks[7], (D_OUT,), jnp.float32, -sp, sp)
    return {"x": x, "pos": pos, "edge_index": edge_index, "W_lin": W_lin,
            "W_src": W_src, "W_dst": W_dst, "W_pos": W_pos, "b_pos": b_pos}


def _forward(x, pos, W_lin, W_src, W_dst, W_pos, b_pos, edge_index):
    # PyG PointTransformerConv with pos_nn=Linear(3,out), attn_nn=None, aggr='add',
    # add_self_loops=True (remove existing self loops, add canonical ones).
    n = x.shape[0]
    alpha_src = x @ W_src  # lin_src(x)
    alpha_dst = x @ W_dst  # lin_dst(x)
    x_lin = x @ W_lin      # lin(x), message value features
    src = edge_index[0]
    dst = edge_index[1]
    loop = jnp.arange(n, dtype=src.dtype)
    src_all = jnp.concatenate([src, loop])
    dst_all = jnp.concatenate([dst, loop])
    # remove_self_loops on the original edges (mask them out), then add_self_loops
    valid = jnp.concatenate([src != dst, jnp.ones((n,), dtype=bool)])
    rel = pos[dst_all] - pos[src_all]  # pos_i - pos_j  (i = dst, j = src)
    delta = rel @ W_pos + b_pos        # pos_nn(pos_i - pos_j)
    alpha = alpha_dst[dst_all] - alpha_src[src_all] + delta  # alpha_i - alpha_j + delta
    alpha = jnp.where(valid[:, None], alpha, -jnp.inf)
    # per-destination, per-channel softmax over incoming edges
    amax = jax.ops.segment_max(alpha, dst_all, num_segments=n)
    ex = jnp.exp(alpha - amax[dst_all])
    denom = jax.ops.segment_sum(ex, dst_all, num_segments=n)
    w = ex / denom[dst_all]
    msg = w * (x_lin[src_all] + delta)
    out = jax.ops.segment_sum(msg, dst_all, num_segments=n)
    return out


def reference(x, pos, edge_index, W_lin, W_src, W_dst, W_pos, b_pos):
    return _forward(x, pos, W_lin, W_src, W_dst, W_pos, b_pos, edge_index)

if __name__ == "__main__":
    import jax
    _d = setup_inputs()
    print(jax.jit(kernel)(*tuple(_d.values())))

</pallas_src>

<mosaic_0001>
#map = affine_map<(d0, d1) -> (0)>
#map1 = affine_map<(d0, d1) -> (0, 0)>
module attributes {stable_mosaic.version = 14 : i64} {
  func.func @_edge_body(%arg0: i32, %arg1: i32, %arg2: memref<323072xi32, #tpu.memory_space<hbm>>, %arg3: memref<323072xi32, #tpu.memory_space<hbm>>, %arg4: memref<10000x128xf32, #tpu.memory_space<hbm>>, %arg5: memref<10000x128xf32, #tpu.memory_space<hbm>>, %arg6: memref<10240x128xf32, #tpu.memory_space<hbm>>, %arg7: memref<10240x128xf32, #tpu.memory_space<hbm>>, %arg8: memref<3072xi32, #tpu.memory_space<vmem>>, %arg9: memref<3072xi32, #tpu.memory_space<vmem>>, %arg10: memref<64x128xf32, #tpu.memory_space<vmem>>, %arg11: memref<64x128xf32, #tpu.memory_space<vmem>>, %arg12: memref<64x128xf32, #tpu.memory_space<vmem>>, %arg13: memref<64x128xf32, #tpu.memory_space<vmem>>, %arg14: memref<64x128xf32, #tpu.memory_space<vmem>>, %arg15: memref<1x64xi32, #tpu.memory_space<vmem>>, %arg16: memref<1x64xi32, #tpu.memory_space<vmem>>, %arg17: memref<1x64xi32, #tpu.memory_space<vmem>>, %arg18: memref<1x64xi32, #tpu.memory_space<vmem>>, %arg19: memref<1x64xi32, #tpu.memory_space<vmem>>, %arg20: memref<10240x128xf32, #tpu.memory_space<vmem_shared>>, %arg21: memref<!tpu.dma_semaphore, #tpu.memory_space<semaphore_mem>>, %arg22: memref<!tpu.dma_semaphore, #tpu.memory_space<semaphore_mem>>, %arg23: memref<!tpu.dma_semaphore, #tpu.memory_space<semaphore_mem>>, %arg24: memref<!tpu.dma_semaphore, #tpu.memory_space<semaphore_mem>>, %arg25: memref<!tpu.dma_semaphore, #tpu.memory_space<semaphore_mem>>, %arg26: memref<!tpu.dma_semaphore, #tpu.memory_space<semaphore_mem>>, %arg27: memref<!tpu.dma_semaphore, #tpu.memory_space<semaphore_mem>>, %arg28: memref<!tpu.dma_semaphore, #tpu.memory_space<semaphore_mem>>, %arg29: memref<!tpu.dma_semaphore, #tpu.memory_space<semaphore_mem>>, %arg30: memref<!tpu.dma_semaphore, #tpu.memory_space<semaphore_mem>>) attributes {dimension_semantics = [#tpu.dimension_semantics<core_parallel>, #tpu.dimension_semantics<subcore_parallel>], iteration_bounds = array<i64: 2, 16>, scalar_prefetch = 0 : i64, scratch_operands = 23 : i64, tpu.core_type = #tpu.core_type<sc_vector_subcore>, window_params = [{transform_indices = #map}, {transform_indices = #map}, {transform_indices = #map1}, {transform_indices = #map1}, {transform_indices = #map1}, {transform_indices = #map1}]} {
    %mul3A = arith.constant 312 : i32
    %mul3A_0 = arith.muli %arg1, %mul3A : i32
    %min3A = arith.constant 8 : i32
    %min3A_1 = arith.minsi %arg1, %min3A : i32
    %add3A = arith.addi %mul3A_0, %min3A_1 : i32
    %lt3A = arith.constant 8 : i32
    %lt3A_2 = arith.cmpi slt, %arg1, %lt3A : i32
    %jit3A = arith.constant 1 : i32
    %jit3A_3 = arith.constant 0 : i32
    %select_n3A = arith.select %lt3A_2, %jit3A, %jit3A_3 : i32
    %add3A_4 = arith.constant 312 : i32
    %add3A_5 = arith.addi %add3A_4, %select_n3A : i32
    %add3A_6 = arith.constant 0 : i32
    %add3A_7 = arith.addi %add3A, %add3A_6 : i32
    %mul3A_8 = arith.constant 64 : i32
    %mul3A_9 = arith.muli %add3A_7, %mul3A_8 : i32
    "tpu.region"() ({
      %run_scoped3A = tpu.sem_alloc : memref<!tpu.dma_semaphore, #tpu.memory_space<semaphore_mem>>
      %dma_start3A = arith.constant 0 : i32
      %dma_start3A_213 = tpu.memref_slice %arg8[%dma_start3A] : memref<3072xi32, #tpu.memory_space<vmem>> -> memref<1536xi32, #tpu.memory_space<vmem>>
      %dma_start3A_214 = tpu.memref_slice %arg2[%mul3A_9] : memref<323072xi32, #tpu.memory_space<hbm>> -> memref<1536xi32, #tpu.memory_space<hbm>>
      %dma_start3A_215 = arith.constant 0 : i32
      %dma_start3A_216 = tpu.memref_slice %arg8[%dma_start3A_215] : memref<3072xi32, #tpu.memory_space<vmem>> -> memref<1536xi32, #tpu.memory_space<vmem>>
      %dma_start3A_217 = tpu.memref_slice %arg2[%mul3A_9] : memref<323072xi32, #tpu.memory_space<hbm>> -> memref<1536xi32, #tpu.memory_space<hbm>>
      tpu.enqueue_dma source(%dma_start3A_217 : memref<1536xi32, #tpu.memory_space<hbm>>) target(%dma_start3A_216 : memref<1536xi32, #tpu.memory_space<vmem>>) target_semaphore(%run_scoped3A : memref<!tpu.dma_semaphore, #tpu.memory_space<semaphore_mem>>)
      %dma_wait3A = arith.constant 0 : i32
      %dma_wait3A_218 = tpu.memref_slice %arg8[%dma_wait3A] : memref<3072xi32, #tpu.memory_space<vmem>> -> memref<1536xi32, #tpu.memory_space<vmem>>
      %dma_wait3A_219 = tpu.memref_slice %arg2[%mul3A_9] : memref<323072xi32, #tpu.memory_space<hbm>> -> memref<1536xi32, #tpu.memory_space<hbm>>
      %dma_wait3A_220 = arith.constant 0 : i32
      %dma_wait3A_221 = tpu.memref_slice %arg8[%dma_wait3A_220] : memref<3072xi32, #tpu.memory_space<vmem>> -> memref<1536xi32, #tpu.memory_space<vmem>>
      %dma_wait3A_222 = tpu.memref_slice %arg2[%mul3A_9] : memref<323072xi32, #tpu.memory_space<hbm>> -> memref<1536xi32, #tpu.memory_space<hbm>>
      tpu.wait_dma2 semaphore(%run_scoped3A : memref<!tpu.dma_semaphore, #tpu.memory_space<semaphore_mem>>) src(%dma_wait3A_222 : memref<1536xi32, #tpu.memory_space<hbm>>) dst(%dma_wait3A_221 : memref<1536xi32, #tpu.memory_space<vmem>>)
      tpu.yield
    }) : () -> ()
    "tpu.region"() ({
      %run_scoped3A = tpu.sem_alloc : memref<!tpu.dma_semaphore, #tpu.memory_space<semaphore_mem>>
      %dma_start3A = arith.constant 0 : i32
      %dma_start3A_213 = tpu.memref_slice %arg9[%dma_start3A] : memref<3072xi32, #tpu.memory_space<vmem>> -> memref<1536xi32, #tpu.memory_space<vmem>>
      %dma_start3A_214 = tpu.memref_slice %arg3[%mul3A_9] : memref<323072xi32, #tpu.memory_space<hbm>> -> memref<1536xi32, #tpu.memory_space<hbm>>
      %dma_start3A_215 = arith.constant 0 : i32
      %dma_start3A_216 = tpu.memref_slice %arg9[%dma_start3A_215] : memref<3072xi32, #tpu.memory_space<vmem>> -> memref<1536xi32, #tpu.memory_space<vmem>>
      %dma_start3A_217 = tpu.memref_slice %arg3[%mul3A_9] : memref<323072xi32, #tpu.memory_space<hbm>> -> memref<1536xi32, #tpu.memory_space<hbm>>
      tpu.enqueue_dma source(%dma_start3A_217 : memref<1536xi32, #tpu.memory_space<hbm>>) target(%dma_start3A_216 : memref<1536xi32, #tpu.memory_space<vmem>>) target_semaphore(%run_scoped3A : memref<!tpu.dma_semaphore, #tpu.memory_space<semaphore_mem>>)
      %dma_wait3A = arith.constant 0 : i32
      %dma_wait3A_218 = tpu.memref_slice %arg9[%dma_wait3A] : memref<3072xi32, #tpu.memory_space<vmem>> -> memref<1536xi32, #tpu.memory_space<vmem>>
      %dma_wait3A_219 = tpu.memref_slice %arg3[%mul3A_9] : memref<323072xi32, #tpu.memory_space<hbm>> -> memref<1536xi32, #tpu.memory_space<hbm>>
      %dma_wait3A_220 = arith.constant 0 : i32
      %dma_wait3A_221 = tpu.memref_slice %arg9[%dma_wait3A_220] : memref<3072xi32, #tpu.memory_space<vmem>> -> memref<1536xi32, #tpu.memory_space<vmem>>
      %dma_wait3A_222 = tpu.memref_slice %arg3[%mul3A_9] : memref<323072xi32, #tpu.memory_space<hbm>> -> memref<1536xi32, #tpu.memory_space<hbm>>
      tpu.wait_dma2 semaphore(%run_scoped3A : memref<!tpu.dma_semaphore, #tpu.memory_space<semaphore_mem>>) src(%dma_wait3A_222 : memref<1536xi32, #tpu.memory_space<hbm>>) dst(%dma_wait3A_221 : memref<1536xi32, #tpu.memory_space<vmem>>)
      tpu.yield
    }) : () -> ()
    %broadcast_in_dim3A = arith.constant 0.000000e+00 : f32
    %broadcast_in_dim3A_10 = vector.broadcast %broadcast_in_dim3A : f32 to vector<16xf32>
    %scan3A = arith.constant 0 : i32
    %scan3A_11 = arith.constant 0 : i32
    %scan3A_12 = arith.constant 64 : i32
    %scan3A_13 = arith.addi %scan3A_11, %scan3A_12 : i32
    %scan3A_14 = arith.constant 1 : i32
    scf.for %scan3A_213 = %scan3A_11 to %scan3A_13 step %scan3A_14  : i32 {
      %swap3A = arith.index_cast %scan3A_213 : i32 to index
      %swap3A_214 = arith.constant 0 : index
      %swap3A_215 = tpu.vector_load %arg10[%swap3A, %swap3A_214] {strides = array<i32>} : memref<64x128xf32, #tpu.memory_space<vmem>>, vector<1x16xf32>,
      %swap3A_216 = vector.shape_cast %swap3A_215 : vector<1x16xf32> to vector<16xf32>
      %swap3A_217 = vector.shape_cast %broadcast_in_dim3A_10 : vector<16xf32> to vector<1x16xf32>
      tpu.vector_store %arg10[%swap3A, %swap3A_214], %swap3A_217 {strides = array<i32>} : memref<64x128xf32, #tpu.memory_space<vmem>>, vector<1x16xf32>,
      %swap3A_218 = arith.index_cast %scan3A_213 : i32 to index
      %swap3A_219 = arith.constant 16 : index
      %swap3A_220 = tpu.vector_load %arg10[%swap3A_218, %swap3A_219] {strides = array<i32>} : memref<64x128xf32, #tpu.memory_space<vmem>>, vector<1x16xf32>,
      %swap3A_221 = vector.shape_cast %swap3A_220 : vector<1x16xf32> to vector<16xf32>
      %swap3A_222 = vector.shape_cast %broadcast_in_dim3A_10 : vector<16xf32> to vector<1x16xf32>
      tpu.vector_store %arg10[%swap3A_218, %swap3A_219], %swap3A_222 {strides = array<i32>} : memref<64x128xf32, #tpu.memory_space<vmem>>, vector<1x16xf32>,
      %swap3A_223 = arith.index_cast %scan3A_213 : i32 to index
      %swap3A_224 = arith.constant 32 : index
      %swap3A_225 = tpu.vector_load %arg10[%swap3A_223, %swap3A_224] {strides = array<i32>} : memref<64x128xf32, #tpu.memory_space<vmem>>, vector<1x16xf32>,
      %swap3A_226 = vector.shape_cast %swap3A_225 : vector<1x16xf32> to vector<16xf32>
      %swap3A_227 = vector.shape_cast %broadcast_in_dim3A_10 : vector<16xf32> to vector<1x16xf32>
      tpu.vector_store %arg10[%swap3A_223, %swap3A_224], %swap3A_227 {strides = array<i32>} : memref<64x128xf32, #tpu.memory_space<vmem>>, vector<1x16xf32>,
      %swap3A_228 = arith.index_cast %scan3A_213 : i32 to index
      %swap3A_229 = arith.constant 48 : index
      %swap3A_230 = tpu.vector_load %arg10[%swap3A_228, %swap3A_229] {strides = array<i32>} : memref<64x128xf32, #tpu.memory_space<vmem>>, vector<1x16xf32>,
      %swap3A_231 = vector.shape_cast %swap3A_230 : vector<1x16xf32> to vector<16xf32>
      %swap3A_232 = vector.shape_cast %broadcast_in_dim3A_10 : vector<16xf32> to vector<1x16xf32>
      tpu.vector_store %arg10[%swap3A_228, %swap3A_229], %swap3A_232 {strides = array<i32>} : memref<64x128xf32, #tpu.memory_space<vmem>>, vector<1x16xf32>,
      %swap3A_233 = arith.index_cast %scan3A_213 : i32 to index
      %swap3A_234 = arith.constant 64 : index
      %swap3A_235 = tpu.vector_load %arg10[%swap3A_233, %swap3A_234] {strides = array<i32>} : memref<64x128xf32, #tpu.memory_space<vmem>>, vector<1x16xf32>,
      %swap3A_236 = vector.shape_cast %swap3A_235 : vector<1x16xf32> to vector<16xf32>
      %swap3A_237 = vector.shape_cast %broadcast_in_dim3A_10 : vector<16xf32> to vector<1x16xf32>
      tpu.vector_store %arg10[%swap3A_233, %swap3A_234], %swap3A_237 {strides = array<i32>} : memref<64x128xf32, #tpu.memory_space<vmem>>, vector<1x16xf32>,
      %swap3A_238 = arith.index_cast %scan3A_213 : i32 to index
      %swap3A_239 = arith.constant 80 : index
      %swap3A_240 = tpu.vector_load %arg10[%swap3A_238, %swap3A_239] {strides = array<i32>} : memref<64x128xf32, #tpu.memory_space<vmem>>, vector<1x16xf32>,
      %swap3A_241 = vector.shape_cast %swap3A_240 : vector<1x16xf32> to vector<16xf32>
      %swap3A_242 = vector.shape_cast %broadcast_in_dim3A_10 : vector<16xf32> to vector<1x16xf32>
      tpu.vector_store %arg10[%swap3A_238, %swap3A_239], %swap3A_242 {strides = array<i32>} : memref<64x128xf32, #tpu.memory_space<vmem>>, vector<1x16xf32>,
      %swap3A_243 = arith.index_cast %scan3A_213 : i32 to index
      %swap3A_244 = arith.constant 96 : index
      %swap3A_245 = tpu.vector_load %arg10[%swap3A_243, %swap3A_244] {strides = array<i32>} : memref<64x128xf32, #tpu.memory_space<vmem>>, vector<1x16xf32>,
      %swap3A_246 = vector.shape_cast %swap3A_245 : vector<1x16xf32> to vector<16xf32>
      %swap3A_247 = vector.shape_cast %broadcast_in_dim3A_10 : vector<16xf32> to vector<1x16xf32>
      tpu.vector_store %arg10[%swap3A_243, %swap3A_244], %swap3A_247 {strides = array<i32>} : memref<64x128xf32, #tpu.memory_space<vmem>>, vector<1x16xf32>,
      %swap3A_248 = arith.index_cast %scan3A_213 : i32 to index
      %swap3A_249 = arith.constant 112 : index
      %swap3A_250 = tpu.vector_load %arg10[%swap3A_248, %swap3A_249] {strides = array<i32>} : memref<64x128xf32, #tpu.memory_space<vmem>>, vector<1x16xf32>,
      %swap3A_251 = vector.shape_cast %swap3A_250 : vector<1x16xf32> to vector<16xf32>
      %swap3A_252 = vector.shape_cast %broadcast_in_dim3A_10 : vector<16xf32> to vector<1x16xf32>
      tpu.vector_store %arg10[%swap3A_248, %swap3A_249], %swap3A_252 {strides = array<i32>} : memref<64x128xf32, #tpu.memory_space<vmem>>, vector<1x16xf32>,
    }
    %scan3A_15 = arith.constant 64 : i32
    %mul3A_16 = arith.constant 640 : i32
    %mul3A_17 = arith.muli %arg1, %mul3A_16 : i32
    %add3A_18 = arith.constant 0 : i32
    %add3A_19 = arith.addi %mul3A_17, %add3A_18 : i32
    "tpu.region"() ({
      %run_scoped3A = tpu.sem_alloc : memref<!tpu.dma_semaphore, #tpu.memory_space<semaphore_mem>>
      %dma_start3A = arith.constant 0 : i32
      %dma_start3A_213 = tpu.memref_slice %arg20[%add3A_19, %dma_start3A] : memref<10240x128xf32, #tpu.memory_space<vmem_shared>> -> memref<64x128xf32, #tpu.memory_space<vmem_shared>>
      %dma_start3A_214 = arith.constant 0 : i32
      %dma_start3A_215 = tpu.memref_slice %arg20[%add3A_19, %dma_start3A_214] : memref<10240x128xf32, #tpu.memory_space<vmem_shared>> -> memref<64x128xf32, #tpu.memory_space<vmem_shared>>
      tpu.enqueue_dma source(%arg10 : memref<64x128xf32, #tpu.memory_space<vmem>>) target(%dma_start3A_215 : memref<64x128xf32, #tpu.memory_space<vmem_shared>>) target_semaphore(%run_scoped3A : memref<!tpu.dma_semaphore, #tpu.memory_space<semaphore_mem>>)
      %dma_wait3A = arith.constant 0 : i32
      %dma_wait3A_216 = tpu.memref_slice %arg20[%add3A_19, %dma_wait3A] : memref<10240x128xf32, #tpu.memory_space<vmem_shared>> -> memref<64x128xf32, #tpu.memory_space<vmem_shared>>
      %dma_wait3A_217 = arith.constant 0 : i32
      %dma_wait3A_218 = tpu.memref_slice %arg20[%add3A_19, %dma_wait3A_217] : memref<10240x128xf32, #tpu.memory_space<vmem_shared>> -> memref<64x128xf32, #tpu.memory_space<vmem_shared>>
      tpu.wait_dma2 semaphore(%run_scoped3A : memref<!tpu.dma_semaphore, #tpu.memory_space<semaphore_mem>>) src(%arg10 : memref<64x128xf32, #tpu.memory_space<vmem>>) dst(%dma_wait3A_218 : memref<64x128xf32, #tpu.memory_space<vmem_shared>>)
      tpu.yield
    }) : () -> ()
    %add3A_20 = arith.constant 64 : i32
    %add3A_21 = arith.addi %mul3A_17, %add3A_20 : i32
    "tpu.region"() ({
      %run_scoped3A = tpu.sem_alloc : memref<!tpu.dma_semaphore, #tpu.memory_space<semaphore_mem>>
      %dma_start3A = arith.constant 0 : i32
      %dma_start3A_213 = tpu.memref_slice %arg20[%add3A_21, %dma_start3A] : memref<10240x128xf32, #tpu.memory_space<vmem_shared>> -> memref<64x128xf32, #tpu.memory_space<vmem_shared>>
      %dma_start3A_214 = arith.constant 0 : i32
      %dma_start3A_215 = tpu.memref_slice %arg20[%add3A_21, %dma_start3A_214] : memref<10240x128xf32, #tpu.memory_space<vmem_shared>> -> memref<64x128xf32, #tpu.memory_space<vmem_shared>>
      tpu.enqueue_dma source(%arg10 : memref<64x128xf32, #tpu.memory_space<vmem>>) target(%dma_start3A_215 : memref<64x128xf32, #tpu.memory_space<vmem_shared>>) target_semaphore(%run_scoped3A : memref<!tpu.dma_semaphore, #tpu.memory_space<semaphore_mem>>)
      %dma_wait3A = arith.constant 0 : i32
      %dma_wait3A_216 = tpu.memref_slice %arg20[%add3A_21, %dma_wait3A] : memref<10240x128xf32, #tpu.memory_space<vmem_shared>> -> memref<64x128xf32, #tpu.memory_space<vmem_shared>>
      %dma_wait3A_217 = arith.constant 0 : i32
      %dma_wait3A_218 = tpu.memref_slice %arg20[%add3A_21, %dma_wait3A_217] : memref<10240x128xf32, #tpu.memory_space<vmem_shared>> -> memref<64x128xf32, #tpu.memory_space<vmem_shared>>
      tpu.wait_dma2 semaphore(%run_scoped3A : memref<!tpu.dma_semaphore, #tpu.memory_space<semaphore_mem>>) src(%arg10 : memref<64x128xf32, #tpu.memory_space<vmem>>) dst(%dma_wait3A_218 : memref<64x128xf32, #tpu.memory_space<vmem_shared>>)
      tpu.yield
    }) : () -> ()
    %add3A_22 = arith.constant 128 : i32
    %add3A_23 = arith.addi %mul3A_17, %add3A_22 : i32
    "tpu.region"() ({
      %run_scoped3A = tpu.sem_alloc : memref<!tpu.dma_semaphore, #tpu.memory_space<semaphore_mem>>
      %dma_start3A = arith.constant 0 : i32
      %dma_start3A_213 = tpu.memref_slice %arg20[%add3A_23, %dma_start3A] : memref<10240x128xf32, #tpu.memory_space<vmem_shared>> -> memref<64x128xf32, #tpu.memory_space<vmem_shared>>
      %dma_start3A_214 = arith.constant 0 : i32
      %dma_start3A_215 = tpu.memref_slice %arg20[%add3A_23, %dma_start3A_214] : memref<10240x128xf32, #tpu.memory_space<vmem_shared>> -> memref<64x128xf32, #tpu.memory_space<vmem_shared>>
      tpu.enqueue_dma source(%arg10 : memref<64x128xf32, #tpu.memory_space<vmem>>) target(%dma_start3A_215 : memref<64x128xf32, #tpu.memory_space<vmem_shared>>) target_semaphore(%run_scoped3A : memref<!tpu.dma_semaphore, #tpu.memory_space<semaphore_mem>>)
      %dma_wait3A = arith.constant 0 : i32
      %dma_wait3A_216 = tpu.memref_slice %arg20[%add3A_23, %dma_wait3A] : memref<10240x128xf32, #tpu.memory_space<vmem_shared>> -> memref<64x128xf32, #tpu.memory_space<vmem_shared>>
      %dma_wait3A_217 = arith.constant 0 : i32
      %dma_wait3A_218 = tpu.memref_slice %arg20[%add3A_23, %dma_wait3A_217] : memref<10240x128xf32, #tpu.memory_space<vmem_shared>> -> memref<64x128xf32, #tpu.memory_space<vmem_shared>>
      tpu.wait_dma2 semaphore(%run_scoped3A : memref<!tpu.dma_semaphore, #tpu.memory_space<semaphore_mem>>) src(%arg10 : memref<64x128xf32, #tpu.memory_space<vmem>>) dst(%dma_wait3A_218 : memref<64x128xf32, #tpu.memory_space<vmem_shared>>)
      tpu.yield
    }) : () -> ()
    %add3A_24 = arith.constant 192 : i32
    %add3A_25 = arith.addi %mul3A_17, %add3A_24 : i32
    "tpu.region"() ({
      %run_scoped3A = tpu.sem_alloc : memref<!tpu.dma_semaphore, #tpu.memory_space<semaphore_mem>>
      %dma_start3A = arith.constant 0 : i32
      %dma_start3A_213 = tpu.memref_slice %arg20[%add3A_25, %dma_start3A] : memref<10240x128xf32, #tpu.memory_space<vmem_shared>> -> memref<64x128xf32, #tpu.memory_space<vmem_shared>>
      %dma_start3A_214 = arith.constant 0 : i32
      %dma_start3A_215 = tpu.memref_slice %arg20[%add3A_25, %dma_start3A_214] : memref<10240x128xf32, #tpu.memory_space<vmem_shared>> -> memref<64x128xf32, #tpu.memory_space<vmem_shared>>
      tpu.enqueue_dma source(%arg10 : memref<64x128xf32, #tpu.memory_space<vmem>>) target(%dma_start3A_215 : memref<64x128xf32, #tpu.memory_space<vmem_shared>>) target_semaphore(%run_scoped3A : memref<!tpu.dma_semaphore, #tpu.memory_space<semaphore_mem>>)
      %dma_wait3A = arith.constant 0 : i32
      %dma_wait3A_216 = tpu.memref_slice %arg20[%add3A_25, %dma_wait3A] : memref<10240x128xf32, #tpu.memory_space<vmem_shared>> -> memref<64x128xf32, #tpu.memory_space<vmem_shared>>
      %dma_wait3A_217 = arith.constant 0 : i32
      %dma_wait3A_218 = tpu.memref_slice %arg20[%add3A_25, %dma_wait3A_217] : memref<10240x128xf32, #tpu.memory_space<vmem_shared>> -> memref<64x128xf32, #tpu.memory_space<vmem_shared>>
      tpu.wait_dma2 semaphore(%run_scoped3A : memref<!tpu.dma_semaphore, #tpu.memory_space<semaphore_mem>>) src(%arg10 : memref<64x128xf32, #tpu.memory_space<vmem>>) dst(%dma_wait3A_218 : memref<64x128xf32, #tpu.memory_space<vmem_shared>>)
      tpu.yield
    }) : () -> ()
    %add3A_26 = arith.constant 256 : i32
    %add3A_27 = arith.addi %mul3A_17, %add3A_26 : i32
    "tpu.region"() ({
      %run_scoped3A = tpu.sem_alloc : memref<!tpu.dma_semaphore, #tpu.memory_space<semaphore_mem>>
      %dma_start3A = arith.constant 0 : i32
      %dma_start3A_213 = tpu.memref_slice %arg20[%add3A_27, %dma_start3A] : memref<10240x128xf32, #tpu.memory_space<vmem_shared>> -> memref<64x128xf32, #tpu.memory_space<vmem_shared>>
      %dma_start3A_214 = arith.constant 0 : i32
      %dma_start3A_215 = tpu.memref_slice %arg20[%add3A_27, %dma_start3A_214] : memref<10240x128xf32, #tpu.memory_space<vmem_shared>> -> memref<64x128xf32, #tpu.memory_space<vmem_shared>>
      tpu.enqueue_dma source(%arg10 : memref<64x128xf32, #tpu.memory_space<vmem>>) target(%dma_start3A_215 : memref<64x128xf32, #tpu.memory_space<vmem_shared>>) target_semaphore(%run_scoped3A : memref<!tpu.dma_semaphore, #tpu.memory_space<semaphore_mem>>)
      %dma_wait3A = arith.constant 0 : i32
      %dma_wait3A_216 = tpu.memref_slice %arg20[%add3A_27, %dma_wait3A] : memref<10240x128xf32, #tpu.memory_space<vmem_shared>> -> memref<64x128xf32, #tpu.memory_space<vmem_shared>>
      %dma_wait3A_217 = arith.constant 0 : i32
      %dma_wait3A_218 = tpu.memref_slice %arg20[%add3A_27, %dma_wait3A_217] : memref<10240x128xf32, #tpu.memory_space<vmem_shared>> -> memref<64x128xf32, #tpu.memory_space<vmem_shared>>
      tpu.wait_dma2 semaphore(%run_scoped3A : memref<!tpu.dma_semaphore, #tpu.memory_space<semaphore_mem>>) src(%arg10 : memref<64x128xf32, #tpu.memory_space<vmem>>) dst(%dma_wait3A_218 : memref<64x128xf32, #tpu.memory_space<vmem_shared>>)
      tpu.yield
    }) : () -> ()
    %add3A_28 = arith.constant 320 : i32
    %add3A_29 = arith.addi %mul3A_17, %add3A_28 : i32
    "tpu.region"() ({
      %run_scoped3A = tpu.sem_alloc : memref<!tpu.dma_semaphore, #tpu.memory_space<semaphore_mem>>
      %dma_start3A = arith.constant 0 : i32
      %dma_start3A_213 = tpu.memref_slice %arg20[%add3A_29, %dma_start3A] : memref<10240x128xf32, #tpu.memory_space<vmem_shared>> -> memref<64x128xf32, #tpu.memory_space<vmem_shared>>
      %dma_start3A_214 = arith.constant 0 : i32
      %dma_start3A_215 = tpu.memref_slice %arg20[%add3A_29, %dma_start3A_214] : memref<10240x128xf32, #tpu.memory_space<vmem_shared>> -> memref<64x128xf32, #tpu.memory_space<vmem_shared>>
      tpu.enqueue_dma source(%arg10 : memref<64x128xf32, #tpu.memory_space<vmem>>) target(%dma_start3A_215 : memref<64x128xf32, #tpu.memory_space<vmem_shared>>) target_semaphore(%run_scoped3A : memref<!tpu.dma_semaphore, #tpu.memory_space<semaphore_mem>>)
      %dma_wait3A = arith.constant 0 : i32
      %dma_wait3A_216 = tpu.memref_slice %arg20[%add3A_29, %dma_wait3A] : memref<10240x128xf32, #tpu.memory_space<vmem_shared>> -> memref<64x128xf32, #tpu.memory_space<vmem_shared>>
      %dma_wait3A_217 = arith.constant 0 : i32
      %dma_wait3A_218 = tpu.memref_slice %arg20[%add3A_29, %dma_wait3A_217] : memref<10240x128xf32, #tpu.memory_space<vmem_shared>> -> memref<64x128xf32, #tpu.memory_space<vmem_shared>>
      tpu.wait_dma2 semaphore(%run_scoped3A : memref<!tpu.dma_semaphore, #tpu.memory_space<semaphore_mem>>) src(%arg10 : memref<64x128xf32, #tpu.memory_space<vmem>>) dst(%dma_wait3A_218 : memref<64x128xf32, #tpu.memory_space<vmem_shared>>)
      tpu.yield
    }) : () -> ()
    %add3A_30 = arith.constant 384 : i32
    %add3A_31 = arith.addi %mul3A_17, %add3A_30 : i32
    "tpu.region"() ({
      %run_scoped3A = tpu.sem_alloc : memref<!tpu.dma_semaphore, #tpu.memory_space<semaphore_mem>>
      %dma_start3A = arith.constant 0 : i32
      %dma_start3A_213 = tpu.memref_slice %arg20[%add3A_31, %dma_start3A] : memref<10240x128xf32, #tpu.memory_space<vmem_shared>> -> memref<64x128xf32, #tpu.memory_space<vmem_shared>>
      %dma_start3A_214 = arith.constant 0 : i32
      %dma_start3A_215 = tpu.memref_slice %arg20[%add3A_31, %dma_start3A_214] : memref<10240x128xf32, #tpu.memory_space<vmem_shared>> -> memref<64x128xf32, #tpu.memory_space<vmem_shared>>
      tpu.enqueue_dma source(%arg10 : memref<64x128xf32, #tpu.memory_space<vmem>>) target(%dma_start3A_215 : memref<64x128xf32, #tpu.memory_space<vmem_shared>>) target_semaphore(%run_scoped3A : memref<!tpu.dma_semaphore, #tpu.memory_space<semaphore_mem>>)
      %dma_wait3A = arith.constant 0 : i32
      %dma_wait3A_216 = tpu.memref_slice %arg20[%add3A_31, %dma_wait3A] : memref<10240x128xf32, #tpu.memory_space<vmem_shared>> -> memref<64x128xf32, #tpu.memory_space<vmem_shared>>
      %dma_wait3A_217 = arith.constant 0 : i32
      %dma_wait3A_218 = tpu.memref_slice %arg20[%add3A_31, %dma_wait3A_217] : memref<10240x128xf32, #tpu.memory_space<vmem_shared>> -> memref<64x128xf32, #tpu.memory_space<vmem_shared>>
      tpu.wait_dma2 semaphore(%run_scoped3A : memref<!tpu.dma_semaphore, #tpu.memory_space<semaphore_mem>>) src(%arg10 : memref<64x128xf32, #tpu.memory_space<vmem>>) dst(%dma_wait3A_218 : memref<64x128xf32, #tpu.memory_space<vmem_shared>>)
      tpu.yield
    }) : () -> ()
    %add3A_32 = arith.constant 448 : i32
    %add3A_33 = arith.addi %mul3A_17, %add3A_32 : i32
    "tpu.region"() ({
      %run_scoped3A = tpu.sem_alloc : memref<!tpu.dma_semaphore, #tpu.memory_space<semaphore_mem>>
      %dma_start3A = arith.constant 0 : i32
      %dma_start3A_213 = tpu.memref_slice %arg20[%add3A_33, %dma_start3A] : memref<10240x128xf32, #tpu.memory_space<vmem_shared>> -> memref<64x128xf32, #tpu.memory_space<vmem_shared>>
      %dma_start3A_214 = arith.constant 0 : i32
      %dma_start3A_215 = tpu.memref_slice %arg20[%add3A_33, %dma_start3A_214] : memref<10240x128xf32, #tpu.memory_space<vmem_shared>> -> memref<64x128xf32, #tpu.memory_space<vmem_shared>>
      tpu.enqueue_dma source(%arg10 : memref<64x128xf32, #tpu.memory_space<vmem>>) target(%dma_start3A_215 : memref<64x128xf32, #tpu.memory_space<vmem_shared>>) target_semaphore(%run_scoped3A : memref<!tpu.dma_semaphore, #tpu.memory_space<semaphore_mem>>)
      %dma_wait3A = arith.constant 0 : i32
      %dma_wait3A_216 = tpu.memref_slice %arg20[%add3A_33, %dma_wait3A] : memref<10240x128xf32, #tpu.memory_space<vmem_shared>> -> memref<64x128xf32, #tpu.memory_space<vmem_shared>>
      %dma_wait3A_217 = arith.constant 0 : i32
      %dma_wait3A_218 = tpu.memref_slice %arg20[%add3A_33, %dma_wait3A_217] : memref<10240x128xf32, #tpu.memory_space<vmem_shared>> -> memref<64x128xf32, #tpu.memory_space<vmem_shared>>
      tpu.wait_dma2 semaphore(%run_scoped3A : memref<!tpu.dma_semaphore, #tpu.memory_space<semaphore_mem>>) src(%arg10 : memref<64x128xf32, #tpu.memory_space<vmem>>) dst(%dma_wait3A_218 : memref<64x128xf32, #tpu.memory_space<vmem_shared>>)
      tpu.yield
    }) : () -> ()
    %add3A_34 = arith.constant 512 : i32
    %add3A_35 = arith.addi %mul3A_17, %add3A_34 : i32
    "tpu.region"() ({
      %run_scoped3A = tpu.sem_alloc : memref<!tpu.dma_semaphore, #tpu.memory_space<semaphore_mem>>
      %dma_start3A = arith.constant 0 : i32
      %dma_start3A_213 = tpu.memref_slice %arg20[%add3A_35, %dma_start3A] : memref<10240x128xf32, #tpu.memory_space<vmem_shared>> -> memref<64x128xf32, #tpu.memory_space<vmem_shared>>
      %dma_start3A_214 = arith.constant 0 : i32
      %dma_start3A_215 = tpu.memref_slice %arg20[%add3A_35, %dma_start3A_214] : memref<10240x128xf32, #tpu.memory_space<vmem_shared>> -> memref<64x128xf32, #tpu.memory_space<vmem_shared>>
      tpu.enqueue_dma source(%arg10 : memref<64x128xf32, #tpu.memory_space<vmem>>) target(%dma_start3A_215 : memref<64x128xf32, #tpu.memory_space<vmem_shared>>) target_semaphore(%run_scoped3A : memref<!tpu.dma_semaphore, #tpu.memory_space<semaphore_mem>>)
      %dma_wait3A = arith.constant 0 : i32
      %dma_wait3A_216 = tpu.memref_slice %arg20[%add3A_35, %dma_wait3A] : memref<10240x128xf32, #tpu.memory_space<vmem_shared>> -> memref<64x128xf32, #tpu.memory_space<vmem_shared>>
      %dma_wait3A_217 = arith.constant 0 : i32
      %dma_wait3A_218 = tpu.memref_slice %arg20[%add3A_35, %dma_wait3A_217] : memref<10240x128xf32, #tpu.memory_space<vmem_shared>> -> memref<64x128xf32, #tpu.memory_space<vmem_shared>>
      tpu.wait_dma2 semaphore(%run_scoped3A : memref<!tpu.dma_semaphore, #tpu.memory_space<semaphore_mem>>) src(%arg10 : memref<64x128xf32, #tpu.memory_space<vmem>>) dst(%dma_wait3A_218 : memref<64x128xf32, #tpu.memory_space<vmem_shared>>)
      tpu.yield
    }) : () -> ()
    %add3A_36 = arith.constant 576 : i32
    %add3A_37 = arith.addi %mul3A_17, %add3A_36 : i32
    "tpu.region"() ({
      %run_scoped3A = tpu.sem_alloc : memref<!tpu.dma_semaphore, #tpu.memory_space<semaphore_mem>>
      %dma_start3A = arith.constant 0 : i32
      %dma_start3A_213 = tpu.memref_slice %arg20[%add3A_37, %dma_start3A] : memref<10240x128xf32, #tpu.memory_space<vmem_shared>> -> memref<64x128xf32, #tpu.memory_space<vmem_shared>>
      %dma_start3A_214 = arith.constant 0 : i32
      %dma_start3A_215 = tpu.memref_slice %arg20[%add3A_37, %dma_start3A_214] : memref<10240x128xf32, #tpu.memory_space<vmem_shared>> -> memref<64x128xf32, #tpu.memory_space<vmem_shared>>
      tpu.enqueue_dma source(%arg10 : memref<64x128xf32, #tpu.memory_space<vmem>>) target(%dma_start3A_215 : memref<64x128xf32, #tpu.memory_space<vmem_shared>>) target_semaphore(%run_scoped3A : memref<!tpu.dma_semaphore, #tpu.memory_space<semaphore_mem>>)
      %dma_wait3A = arith.constant 0 : i32
      %dma_wait3A_216 = tpu.memref_slice %arg20[%add3A_37, %dma_wait3A] : memref<10240x128xf32, #tpu.memory_space<vmem_shared>> -> memref<64x128xf32, #tpu.memory_space<vmem_shared>>
      %dma_wait3A_217 = arith.constant 0 : i32
      %dma_wait3A_218 = tpu.memref_slice %arg20[%add3A_37, %dma_wait3A_217] : memref<10240x128xf32, #tpu.memory_space<vmem_shared>> -> memref<64x128xf32, #tpu.memory_space<vmem_shared>>
      tpu.wait_dma2 semaphore(%run_scoped3A : memref<!tpu.dma_semaphore, #tpu.memory_space<semaphore_mem>>) src(%arg10 : memref<64x128xf32, #tpu.memory_space<vmem>>) dst(%dma_wait3A_218 : memref<64x128xf32, #tpu.memory_space<vmem_shared>>)
      tpu.yield
    }) : () -> ()
    %barrier3A = arith.constant 0 : index
    tpu.barrier barrier_id(%barrier3A)
    %broadcast_in_dim3A_38 = arith.constant 10239 : i32
    %broadcast_in_dim3A_39 = vector.broadcast %broadcast_in_dim3A_38 : i32 to vector<16xi32>
    %gt3A = arith.constant 0 : i32
    %gt3A_40 = arith.cmpi sgt, %add3A_5, %gt3A : i32
    %convert_element_type3A = arith.extui %gt3A_40 : i1 to i32
    %cond3A = arith.constant 0 : i32
    %cond3A_41 = arith.cmpi ne, %convert_element_type3A, %cond3A : i32
    scf.if %cond3A_41 {
      %eq3A_213 = arith.constant 0 : i32
      %eq3A_214 = arith.cmpi eq, %arg0, %eq3A_213 : i32
      %convert_element_type3A_215 = arith.extui %eq3A_214 : i1 to i32
      %cond3A_216 = arith.constant 0 : i32
      %cond3A_217 = arith.cmpi ne, %convert_element_type3A_215, %cond3A_216 : i32
      scf.if %cond3A_217 {
        %dma_start3A = arith.constant 0 : i32
        %dma_start3A_223 = tpu.memref_slice %arg8[%dma_start3A] : memref<3072xi32, #tpu.memory_space<vmem>> -> memref<64xi32, #tpu.memory_space<vmem>>
        %dma_start3A_224 = arith.constant 0 : i32
        %dma_start3A_225 = arith.constant 0 : i32
        %dma_start3A_226 = tpu.memref_slice %arg4[%dma_start3A_224, %dma_start3A_225] : memref<10000x128xf32, #tpu.memory_space<hbm>> -> memref<10000x128xf32, #tpu.memory_space<hbm>>
        tpu.enqueue_indirect_dma source(%dma_start3A_226 : memref<10000x128xf32, #tpu.memory_space<hbm>>) target(%arg10 : memref<64x128xf32, #tpu.memory_space<vmem>>) offsets(%dma_start3A_223 : memref<64xi32, #tpu.memory_space<vmem>>) semaphore(%arg21 : memref<!tpu.dma_semaphore, #tpu.memory_space<semaphore_mem>>)
      } else {
      }
      %eq3A_218 = arith.constant 1 : i32
      %eq3A_219 = arith.cmpi eq, %arg0, %eq3A_218 : i32
      %convert_element_type3A_220 = arith.extui %eq3A_219 : i1 to i32
      %cond3A_221 = arith.constant 0 : i32
      %cond3A_222 = arith.cmpi ne, %convert_element_type3A_220, %cond3A_221 : i32
      scf.if %cond3A_222 {
        %dma_start3A = arith.constant 0 : i32
        %dma_start3A_223 = tpu.memref_slice %arg8[%dma_start3A] : memref<3072xi32, #tpu.memory_space<vmem>> -> memref<64xi32, #tpu.memory_space<vmem>>
        %dma_start3A_224 = arith.constant 0 : i32
        %dma_start3A_225 = arith.constant 0 : i32
        %dma_start3A_226 = tpu.memref_slice %arg5[%dma_start3A_224, %dma_start3A_225] : memref<10000x128xf32, #tpu.memory_space<hbm>> -> memref<10000x128xf32, #tpu.memory_space<hbm>>
        tpu.enqueue_indirect_dma source(%dma_start3A_226 : memref<10000x128xf32, #tpu.memory_space<hbm>>) target(%arg10 : memref<64x128xf32, #tpu.memory_space<vmem>>) offsets(%dma_start3A_223 : memref<64xi32, #tpu.memory_space<vmem>>) semaphore(%arg21 : memref<!tpu.dma_semaphore, #tpu.memory_space<semaphore_mem>>)
      } else {
      }
    } else {
    }
    %gt3A_42 = arith.constant 1 : i32
    %gt3A_43 = arith.cmpi sgt, %add3A_5, %gt3A_42 : i32
    %convert_element_type3A_44 = arith.extui %gt3A_43 : i1 to i32
    %cond3A_45 = arith.constant 0 : i32
    %cond3A_46 = arith.cmpi ne, %convert_element_type3A_44, %cond3A_45 : i32
    scf.if %cond3A_46 {
      %eq3A_213 = arith.constant 0 : i32
      %eq3A_214 = arith.cmpi eq, %arg0, %eq3A_213 : i32
      %convert_element_type3A_215 = arith.extui %eq3A_214 : i1 to i32
      %cond3A_216 = arith.constant 0 : i32
      %cond3A_217 = arith.cmpi ne, %convert_element_type3A_215, %cond3A_216 : i32
      scf.if %cond3A_217 {
        %dma_start3A = arith.constant 64 : i32
        %dma_start3A_223 = tpu.memref_slice %arg8[%dma_start3A] : memref<3072xi32, #tpu.memory_space<vmem>> -> memref<64xi32, #tpu.memory_space<vmem>>
        %dma_start3A_224 = arith.constant 0 : i32
        %dma_start3A_225 = arith.constant 0 : i32
        %dma_start3A_226 = tpu.memref_slice %arg4[%dma_start3A_224, %dma_start3A_225] : memref<10000x128xf32, #tpu.memory_space<hbm>> -> memref<10000x128xf32, #tpu.memory_space<hbm>>
        tpu.enqueue_indirect_dma source(%dma_start3A_226 : memref<10000x128xf32, #tpu.memory_space<hbm>>) target(%arg11 : memref<64x128xf32, #tpu.memory_space<vmem>>) offsets(%dma_start3A_223 : memref<64xi32, #tpu.memory_space<vmem>>) semaphore(%arg22 : memref<!tpu.dma_semaphore, #tpu.memory_space<semaphore_mem>>)
      } else {
      }
      %eq3A_218 = arith.constant 1 : i32
      %eq3A_219 = arith.cmpi eq, %arg0, %eq3A_218 : i32
      %convert_element_type3A_220 = arith.extui %eq3A_219 : i1 to i32
      %cond3A_221 = arith.constant 0 : i32
      %cond3A_222 = arith.cmpi ne, %convert_element_type3A_220, %cond3A_221 : i32
      scf.if %cond3A_222 {
        %dma_start3A = arith.constant 64 : i32
        %dma_start3A_223 = tpu.memref_slice %arg8[%dma_start3A] : memref<3072xi32, #tpu.memory_space<vmem>> -> memref<64xi32, #tpu.memory_space<vmem>>
        %dma_start3A_224 = arith.constant 0 : i32
        %dma_start3A_225 = arith.constant 0 : i32
        %dma_start3A_226 = tpu.memref_slice %arg5[%dma_start3A_224, %dma_start3A_225] : memref<10000x128xf32, #tpu.memory_space<hbm>> -> memref<10000x128xf32, #tpu.memory_space<hbm>>
        tpu.enqueue_indirect_dma source(%dma_start3A_226 : memref<10000x128xf32, #tpu.memory_space<hbm>>) target(%arg11 : memref<64x128xf32, #tpu.memory_space<vmem>>) offsets(%dma_start3A_223 : memref<64xi32, #tpu.memory_space<vmem>>) semaphore(%arg22 : memref<!tpu.dma_semaphore, #tpu.memory_space<semaphore_mem>>)
      } else {
      }
    } else {
    }
    %gt3A_47 = arith.constant 2 : i32
    %gt3A_48 = arith.cmpi sgt, %add3A_5, %gt3A_47 : i32
    %convert_element_type3A_49 = arith.extui %gt3A_48 : i1 to i32
    %cond3A_50 = arith.constant 0 : i32
    %cond3A_51 = arith.cmpi ne, %convert_element_type3A_49, %cond3A_50 : i32
    scf.if %cond3A_51 {
      %eq3A_213 = arith.constant 0 : i32
      %eq3A_214 = arith.cmpi eq, %arg0, %eq3A_213 : i32
      %convert_element_type3A_215 = arith.extui %eq3A_214 : i1 to i32
      %cond3A_216 = arith.constant 0 : i32
      %cond3A_217 = arith.cmpi ne, %convert_element_type3A_215, %cond3A_216 : i32
      scf.if %cond3A_217 {
        %dma_start3A = arith.constant 128 : i32
        %dma_start3A_223 = tpu.memref_slice %arg8[%dma_start3A] : memref<3072xi32, #tpu.memory_space<vmem>> -> memref<64xi32, #tpu.memory_space<vmem>>
        %dma_start3A_224 = arith.constant 0 : i32
        %dma_start3A_225 = arith.constant 0 : i32
        %dma_start3A_226 = tpu.memref_slice %arg4[%dma_start3A_224, %dma_start3A_225] : memref<10000x128xf32, #tpu.memory_space<hbm>> -> memref<10000x128xf32, #tpu.memory_space<hbm>>
        tpu.enqueue_indirect_dma source(%dma_start3A_226 : memref<10000x128xf32, #tpu.memory_space<hbm>>) target(%arg12 : memref<64x128xf32, #tpu.memory_space<vmem>>) offsets(%dma_start3A_223 : memref<64xi32, #tpu.memory_space<vmem>>) semaphore(%arg23 : memref<!tpu.dma_semaphore, #tpu.memory_space<semaphore_mem>>)
      } else {
      }
      %eq3A_218 = arith.constant 1 : i32
      %eq3A_219 = arith.cmpi eq, %arg0, %eq3A_218 : i32
      %convert_element_type3A_220 = arith.extui %eq3A_219 : i1 to i32
      %cond3A_221 = arith.constant 0 : i32
      %cond3A_222 = arith.cmpi ne, %convert_element_type3A_220, %cond3A_221 : i32
      scf.if %cond3A_222 {
        %dma_start3A = arith.constant 128 : i32
        %dma_start3A_223 = tpu.memref_slice %arg8[%dma_start3A] : memref<3072xi32, #tpu.memory_space<vmem>> -> memref<64xi32, #tpu.memory_space<vmem>>
        %dma_start3A_224 = arith.constant 0 : i32
        %dma_start3A_225 = arith.constant 0 : i32
        %dma_start3A_226 = tpu.memref_slice %arg5[%dma_start3A_224, %dma_start3A_225] : memref<10000x128xf32, #tpu.memory_space<hbm>> -> memref<10000x128xf32, #tpu.memory_space<hbm>>
        tpu.enqueue_indirect_dma source(%dma_start3A_226 : memref<10000x128xf32, #tpu.memory_space<hbm>>) target(%arg12 : memref<64x128xf32, #tpu.memory_space<vmem>>) offsets(%dma_start3A_223 : memref<64xi32, #tpu.memory_space<vmem>>) semaphore(%arg23 : memref<!tpu.dma_semaphore, #tpu.memory_space<semaphore_mem>>)
      } else {
      }
    } else {
    }
    %gt3A_52 = arith.constant 3 : i32
    %gt3A_53 = arith.cmpi sgt, %add3A_5, %gt3A_52 : i32
    %convert_element_type3A_54 = arith.extui %gt3A_53 : i1 to i32
    %cond3A_55 = arith.constant 0 : i32
    %cond3A_56 = arith.cmpi ne, %convert_element_type3A_54, %cond3A_55 : i32
    scf.if %cond3A_56 {
      %eq3A_213 = arith.constant 0 : i32
      %eq3A_214 = arith.cmpi eq, %arg0, %eq3A_213 : i32
      %convert_element_type3A_215 = arith.extui %eq3A_214 : i1 to i32
      %cond3A_216 = arith.constant 0 : i32
      %cond3A_217 = arith.cmpi ne, %convert_element_type3A_215, %cond3A_216 : i32
      scf.if %cond3A_217 {
        %dma_start3A = arith.constant 192 : i32
        %dma_start3A_223 = tpu.memref_slice %arg8[%dma_start3A] : memref<3072xi32, #tpu.memory_space<vmem>> -> memref<64xi32, #tpu.memory_space<vmem>>
        %dma_start3A_224 = arith.constant 0 : i32
        %dma_start3A_225 = arith.constant 0 : i32
        %dma_start3A_226 = tpu.memref_slice %arg4[%dma_start3A_224, %dma_start3A_225] : memref<10000x128xf32, #tpu.memory_space<hbm>> -> memref<10000x128xf32, #tpu.memory_space<hbm>>
        tpu.enqueue_indirect_dma source(%dma_start3A_226 : memref<10000x128xf32, #tpu.memory_space<hbm>>) target(%arg13 : memref<64x128xf32, #tpu.memory_space<vmem>>) offsets(%dma_start3A_223 : memref<64xi32, #tpu.memory_space<vmem>>) semaphore(%arg24 : memref<!tpu.dma_semaphore, #tpu.memory_space<semaphore_mem>>)
      } else {
      }
      %eq3A_218 = arith.constant 1 : i32
      %eq3A_219 = arith.cmpi eq, %arg0, %eq3A_218 : i32
      %convert_element_type3A_220 = arith.extui %eq3A_219 : i1 to i32
      %cond3A_221 = arith.constant 0 : i32
      %cond3A_222 = arith.cmpi ne, %convert_element_type3A_220, %cond3A_221 : i32
      scf.if %cond3A_222 {
        %dma_start3A = arith.constant 192 : i32
        %dma_start3A_223 = tpu.memref_slice %arg8[%dma_start3A] : memref<3072xi32, #tpu.memory_space<vmem>> -> memref<64xi32, #tpu.memory_space<vmem>>
        %dma_start3A_224 = arith.constant 0 : i32
        %dma_start3A_225 = arith.constant 0 : i32
        %dma_start3A_226 = tpu.memref_slice %arg5[%dma_start3A_224, %dma_start3A_225] : memref<10000x128xf32, #tpu.memory_space<hbm>> -> memref<10000x128xf32, #tpu.memory_space<hbm>>
        tpu.enqueue_indirect_dma source(%dma_start3A_226 : memref<10000x128xf32, #tpu.memory_space<hbm>>) target(%arg13 : memref<64x128xf32, #tpu.memory_space<vmem>>) offsets(%dma_start3A_223 : memref<64xi32, #tpu.memory_space<vmem>>) semaphore(%arg24 : memref<!tpu.dma_semaphore, #tpu.memory_space<semaphore_mem>>)
      } else {
      }
    } else {
    }
    %add3A_57 = arith.constant 5 : i32
    %add3A_58 = arith.addi %add3A_5, %add3A_57 : i32
    %sub3A = arith.constant 1 : i32
    %sub3A_59 = arith.subi %add3A_58, %sub3A : i32
    %jit3A_60 = arith.constant 5 : i32
    %div3A = arith.divsi %sub3A_59, %jit3A_60 : i32
    %sign3A = arith.constant 0 : i32
    %sign3A_61 = arith.cmpi sgt, %sub3A_59, %sign3A : i32
    %sign3A_62 = arith.extui %sign3A_61 : i1 to i32
    %sign3A_63 = arith.constant 0 : i32
    %sign3A_64 = arith.cmpi slt, %sub3A_59, %sign3A_63 : i32
    %sign3A_65 = arith.extui %sign3A_64 : i1 to i32
    %sign3A_66 = arith.subi %sign3A_62, %sign3A_65 : i32
    %sign3A_67 = arith.constant 0 : i32
    %sign3A_68 = arith.cmpi sgt, %jit3A_60, %sign3A_67 : i32
    %sign3A_69 = arith.extui %sign3A_68 : i1 to i32
    %sign3A_70 = arith.constant 0 : i32
    %sign3A_71 = arith.cmpi slt, %jit3A_60, %sign3A_70 : i32
    %sign3A_72 = arith.extui %sign3A_71 : i1 to i32
    %sign3A_73 = arith.subi %sign3A_69, %sign3A_72 : i32
    %ne3A = arith.cmpi ne, %sign3A_66, %sign3A_73 : i32
    %rem3A = arith.remsi %sub3A_59, %jit3A_60 : i32
    %ne3A_74 = arith.constant 0 : i32
    %ne3A_75 = arith.cmpi ne, %rem3A, %ne3A_74 : i32
    %and3A = arith.andi %ne3A, %ne3A_75 : i1
    %sub3A_76 = arith.constant 1 : i32
    %sub3A_77 = arith.subi %div3A, %sub3A_76 : i32
    %select_n3A_78 = arith.select %and3A, %sub3A_77, %div3A : i32
    %while3A = arith.constant 0 : i32
    %while3A_79 = arith.constant 0 : i32
    %while3A_80 = arith.subi %select_n3A_78, %while3A_79 : i32
    %while3A_81 = arith.addi %while3A_79, %while3A_80 : i32
    %while3A_82 = arith.constant 1 : i32
    %while3A_83 = arith.divsi %while3A_80, %while3A_82 : i32
    %while3A_84 = arith.muli %while3A_83, %while3A_82 : i32
    %while3A_85 = arith.addi %while3A_79, %while3A_84 : i32
    %while3A_86 = arith.constant 1 : i32
    scf.for %while3A_213 = %while3A_79 to %while3A_85 step %while3A_86  : i32 {
      %mul3A_214 = arith.constant 5 : i32
      %mul3A_215 = arith.muli %while3A_213, %mul3A_214 : i32
      %add3A_216 = arith.constant 0 : i32
      %add3A_217 = arith.addi %mul3A_215, %add3A_216 : i32
      %lt3A_218 = arith.cmpi slt, %add3A_217, %add3A_5 : i32
      %convert_element_type3A_219 = arith.extui %lt3A_218 : i1 to i32
      %cond3A_220 = arith.constant 0 : i32
      %cond3A_221 = arith.cmpi ne, %convert_element_type3A_219, %cond3A_220 : i32
      scf.if %cond3A_221 {
        %dma_wait3A = arith.constant 0 : i32
        %dma_wait3A_254 = arith.constant 0 : i32
        %dma_wait3A_255 = tpu.memref_slice %arg4[%dma_wait3A, %dma_wait3A_254] : memref<10000x128xf32, #tpu.memory_space<hbm>> -> memref<64x128xf32, #tpu.memory_space<hbm>>
        %dma_wait3A_256 = arith.constant 0 : i32
        %dma_wait3A_257 = arith.constant 0 : i32
        %dma_wait3A_258 = tpu.memref_slice %arg4[%dma_wait3A_256, %dma_wait3A_257] : memref<10000x128xf32, #tpu.memory_space<hbm>> -> memref<64x128xf32, #tpu.memory_space<hbm>>
        tpu.wait_dma2 semaphore(%arg21 : memref<!tpu.dma_semaphore, #tpu.memory_space<semaphore_mem>>) src(%dma_wait3A_258 : memref<64x128xf32, #tpu.memory_space<hbm>>) dst(%arg10 : memref<64x128xf32, #tpu.memory_space<vmem>>)
        %jit3A_259 = arith.constant 24 : i32
        %div3A_260 = arith.divsi %add3A_217, %jit3A_259 : i32
        %sign3A_261 = arith.constant 0 : i32
        %sign3A_262 = arith.cmpi sgt, %add3A_217, %sign3A_261 : i32
        %sign3A_263 = arith.extui %sign3A_262 : i1 to i32
        %sign3A_264 = arith.constant 0 : i32
        %sign3A_265 = arith.cmpi slt, %add3A_217, %sign3A_264 : i32
        %sign3A_266 = arith.extui %sign3A_265 : i1 to i32
        %sign3A_267 = arith.subi %sign3A_263, %sign3A_266 : i32
        %sign3A_268 = arith.constant 0 : i32
        %sign3A_269 = arith.cmpi sgt, %jit3A_259, %sign3A_268 : i32
        %sign3A_270 = arith.extui %sign3A_269 : i1 to i32
        %sign3A_271 = arith.constant 0 : i32
        %sign3A_272 = arith.cmpi slt, %jit3A_259, %sign3A_271 : i32
        %sign3A_273 = arith.extui %sign3A_272 : i1 to i32
        %sign3A_274 = arith.subi %sign3A_270, %sign3A_273 : i32
        %ne3A_275 = arith.cmpi ne, %sign3A_267, %sign3A_274 : i32
        %rem3A_276 = arith.remsi %add3A_217, %jit3A_259 : i32
        %ne3A_277 = arith.constant 0 : i32
        %ne3A_278 = arith.cmpi ne, %rem3A_276, %ne3A_277 : i32
        %and3A_279 = arith.andi %ne3A_275, %ne3A_278 : i1
        %sub3A_280 = arith.constant 1 : i32
        %sub3A_281 = arith.subi %div3A_260, %sub3A_280 : i32
        %select_n3A_282 = arith.select %and3A_279, %sub3A_281, %div3A_260 : i32
        %jit3A_283 = arith.constant 2 : i32
        %eq3A_284 = arith.constant 0 : i32
        %eq3A_285 = arith.cmpi eq, %jit3A_283, %eq3A_284 : i32
        %jit3A_286 = arith.constant 1 : i32
        %select_n3A_287 = arith.select %eq3A_285, %jit3A_286, %jit3A_283 : i32
        %rem3A_288 = arith.remsi %select_n3A_282, %select_n3A_287 : i32
        %ne3A_289 = arith.constant 0 : i32
        %ne3A_290 = arith.cmpi ne, %rem3A_288, %ne3A_289 : i32
        %lt3A_291 = arith.constant 0 : i32
        %lt3A_292 = arith.cmpi slt, %rem3A_288, %lt3A_291 : i32
        %lt3A_293 = arith.constant 0 : i32
        %lt3A_294 = arith.cmpi slt, %select_n3A_287, %lt3A_293 : i32
        %ne3A_295 = arith.xori %lt3A_292, %lt3A_294 : i1
        %and3A_296 = arith.andi %ne3A_295, %ne3A_290 : i1
        %add3A_297 = arith.addi %rem3A_288, %select_n3A_287 : i32
        %select_n3A_298 = arith.select %and3A_296, %add3A_297, %rem3A_288 : i32
        %mul3A_299 = arith.constant 24 : i32
        %mul3A_300 = arith.muli %select_n3A_298, %mul3A_299 : i32
        %jit3A_301 = arith.constant 24 : i32
        %eq3A_302 = arith.constant 0 : i32
        %eq3A_303 = arith.cmpi eq, %jit3A_301, %eq3A_302 : i32
        %jit3A_304 = arith.constant 1 : i32
        %select_n3A_305 = arith.select %eq3A_303, %jit3A_304, %jit3A_301 : i32
        %rem3A_306 = arith.remsi %add3A_217, %select_n3A_305 : i32
        %ne3A_307 = arith.constant 0 : i32
        %ne3A_308 = arith.cmpi ne, %rem3A_306, %ne3A_307 : i32
        %lt3A_309 = arith.constant 0 : i32
        %lt3A_310 = arith.cmpi slt, %rem3A_306, %lt3A_309 : i32
        %lt3A_311 = arith.constant 0 : i32
        %lt3A_312 = arith.cmpi slt, %select_n3A_305, %lt3A_311 : i32
        %ne3A_313 = arith.xori %lt3A_310, %lt3A_312 : i1
        %and3A_314 = arith.andi %ne3A_313, %ne3A_308 : i1
        %add3A_315 = arith.addi %rem3A_306, %select_n3A_305 : i32
        %select_n3A_316 = arith.select %and3A_314, %add3A_315, %rem3A_306 : i32
        %add3A_317 = arith.addi %mul3A_300, %select_n3A_316 : i32
        %mul3A_318 = arith.constant 64 : i32
        %mul3A_319 = arith.muli %add3A_317, %mul3A_318 : i32
        %add3A_320 = arith.constant 0 : i32
        %add3A_321 = arith.addi %mul3A_319, %add3A_320 : i32
        %get3A = arith.index_cast %add3A_321 : i32 to index
        %get3A_322 = tpu.vector_load %arg8[%get3A] {strides = array<i32>} : memref<3072xi32, #tpu.memory_space<vmem>>, vector<16xi32>,
        %get3A_323 = vector.shape_cast %get3A_322 : vector<16xi32> to vector<16xi32>
        %add3A_324 = arith.constant 0 : i32
        %add3A_325 = arith.addi %mul3A_319, %add3A_324 : i32
        %get3A_326 = arith.index_cast %add3A_325 : i32 to index
        %get3A_327 = tpu.vector_load %arg9[%get3A_326] {strides = array<i32>} : memref<3072xi32, #tpu.memory_space<vmem>>, vector<16xi32>,
        %get3A_328 = vector.shape_cast %get3A_327 : vector<16xi32> to vector<16xi32>
        %eq3A_329 = arith.cmpi eq, %get3A_323, %get3A_328 : vector<16xi32>
        %select_n3A_330 = arith.select %eq3A_329, %broadcast_in_dim3A_39, %get3A_328 : vector<16xi1>, vector<16xi32>
        %swap3A = arith.constant 0 : i32
        %swap3A_331 = arith.index_cast %swap3A : i32 to index
        %swap3A_332 = arith.constant 0 : index
        %swap3A_333 = tpu.vector_load %arg15[%swap3A_331, %swap3A_332] {strides = array<i32>} : memref<1x64xi32, #tpu.memory_space<vmem>>, vector<1x16xi32>,
        %swap3A_334 = vector.shape_cast %swap3A_333 : vector<1x16xi32> to vector<16xi32>
        %swap3A_335 = vector.shape_cast %select_n3A_330 : vector<16xi32> to vector<1x16xi32>
        tpu.vector_store %arg15[%swap3A_331, %swap3A_332], %swap3A_335 {strides = array<i32>} : memref<1x64xi32, #tpu.memory_space<vmem>>, vector<1x16xi32>,
        %add3A_336 = arith.constant 16 : i32
        %add3A_337 = arith.addi %mul3A_319, %add3A_336 : i32
        %get3A_338 = arith.index_cast %add3A_337 : i32 to index
        %get3A_339 = tpu.vector_load %arg8[%get3A_338] {strides = array<i32>} : memref<3072xi32, #tpu.memory_space<vmem>>, vector<16xi32>,
        %get3A_340 = vector.shape_cast %get3A_339 : vector<16xi32> to vector<16xi32>
        %add3A_341 = arith.constant 16 : i32
        %add3A_342 = arith.addi %mul3A_319, %add3A_341 : i32
        %get3A_343 = arith.index_cast %add3A_342 : i32 to index
        %get3A_344 = tpu.vector_load %arg9[%get3A_343] {strides = array<i32>} : memref<3072xi32, #tpu.memory_space<vmem>>, vector<16xi32>,
        %get3A_345 = vector.shape_cast %get3A_344 : vector<16xi32> to vector<16xi32>
        %eq3A_346 = arith.cmpi eq, %get3A_340, %get3A_345 : vector<16xi32>
        %select_n3A_347 = arith.select %eq3A_346, %broadcast_in_dim3A_39, %get3A_345 : vector<16xi1>, vector<16xi32>
        %swap3A_348 = arith.constant 0 : i32
        %swap3A_349 = arith.index_cast %swap3A_348 : i32 to index
        %swap3A_350 = arith.constant 16 : index
        %swap3A_351 = tpu.vector_load %arg15[%swap3A_349, %swap3A_350] {strides = array<i32>} : memref<1x64xi32, #tpu.memory_space<vmem>>, vector<1x16xi32>,
        %swap3A_352 = vector.shape_cast %swap3A_351 : vector<1x16xi32> to vector<16xi32>
        %swap3A_353 = vector.shape_cast %select_n3A_347 : vector<16xi32> to vector<1x16xi32>
        tpu.vector_store %arg15[%swap3A_349, %swap3A_350], %swap3A_353 {strides = array<i32>} : memref<1x64xi32, #tpu.memory_space<vmem>>, vector<1x16xi32>,
        %add3A_354 = arith.constant 32 : i32
        %add3A_355 = arith.addi %mul3A_319, %add3A_354 : i32
        %get3A_356 = arith.index_cast %add3A_355 : i32 to index
        %get3A_357 = tpu.vector_load %arg8[%get3A_356] {strides = array<i32>} : memref<3072xi32, #tpu.memory_space<vmem>>, vector<16xi32>,
        %get3A_358 = vector.shape_cast %get3A_357 : vector<16xi32> to vector<16xi32>
        %add3A_359 = arith.constant 32 : i32
        %add3A_360 = arith.addi %mul3A_319, %add3A_359 : i32
        %get3A_361 = arith.index_cast %add3A_360 : i32 to index
        %get3A_362 = tpu.vector_load %arg9[%get3A_361] {strides = array<i32>} : memref<3072xi32, #tpu.memory_space<vmem>>, vector<16xi32>,
        %get3A_363 = vector.shape_cast %get3A_362 : vector<16xi32> to vector<16xi32>
        %eq3A_364 = arith.cmpi eq, %get3A_358, %get3A_363 : vector<16xi32>
        %select_n3A_365 = arith.select %eq3A_364, %broadcast_in_dim3A_39, %get3A_363 : vector<16xi1>, vector<16xi32>
        %swap3A_366 = arith.constant 0 : i32
        %swap3A_367 = arith.index_cast %swap3A_366 : i32 to index
        %swap3A_368 = arith.constant 32 : index
        %swap3A_369 = tpu.vector_load %arg15[%swap3A_367, %swap3A_368] {strides = array<i32>} : memref<1x64xi32, #tpu.memory_space<vmem>>, vector<1x16xi32>,
        %swap3A_370 = vector.shape_cast %swap3A_369 : vector<1x16xi32> to vector<16xi32>
        %swap3A_371 = vector.shape_cast %select_n3A_365 : vector<16xi32> to vector<1x16xi32>
        tpu.vector_store %arg15[%swap3A_367, %swap3A_368], %swap3A_371 {strides = array<i32>} : memref<1x64xi32, #tpu.memory_space<vmem>>, vector<1x16xi32>,
        %add3A_372 = arith.constant 48 : i32
        %add3A_373 = arith.addi %mul3A_319, %add3A_372 : i32
        %get3A_374 = arith.index_cast %add3A_373 : i32 to index
        %get3A_375 = tpu.vector_load %arg8[%get3A_374] {strides = array<i32>} : memref<3072xi32, #tpu.memory_space<vmem>>, vector<16xi32>,
        %get3A_376 = vector.shape_cast %get3A_375 : vector<16xi32> to vector<16xi32>
        %add3A_377 = arith.constant 48 : i32
        %add3A_378 = arith.addi %mul3A_319, %add3A_377 : i32
        %get3A_379 = arith.index_cast %add3A_378 : i32 to index
        %get3A_380 = tpu.vector_load %arg9[%get3A_379] {strides = array<i32>} : memref<3072xi32, #tpu.memory_space<vmem>>, vector<16xi32>,
        %get3A_381 = vector.shape_cast %get3A_380 : vector<16xi32> to vector<16xi32>
        %eq3A_382 = arith.cmpi eq, %get3A_376, %get3A_381 : vector<16xi32>
        %select_n3A_383 = arith.select %eq3A_382, %broadcast_in_dim3A_39, %get3A_381 : vector<16xi1>, vector<16xi32>
        %swap3A_384 = arith.constant 0 : i32
        %swap3A_385 = arith.index_cast %swap3A_384 : i32 to index
        %swap3A_386 = arith.constant 48 : index
        %swap3A_387 = tpu.vector_load %arg15[%swap3A_385, %swap3A_386] {strides = array<i32>} : memref<1x64xi32, #tpu.memory_space<vmem>>, vector<1x16xi32>,
        %swap3A_388 = vector.shape_cast %swap3A_387 : vector<1x16xi32> to vector<16xi32>
        %swap3A_389 = vector.shape_cast %select_n3A_383 : vector<16xi32> to vector<1x16xi32>
        tpu.vector_store %arg15[%swap3A_385, %swap3A_386], %swap3A_389 {strides = array<i32>} : memref<1x64xi32, #tpu.memory_space<vmem>>, vector<1x16xi32>,
        %add3A_390 = arith.constant 4 : i32
        %add3A_391 = arith.addi %add3A_217, %add3A_390 : i32
        %add3A_392 = arith.constant 1 : i32
        %add3A_393 = arith.addi %add3A_391, %add3A_392 : i32
        %jit3A_394 = arith.constant 24 : i32
        %eq3A_395 = arith.constant 0 : i32
        %eq3A_396 = arith.cmpi eq, %jit3A_394, %eq3A_395 : i32
        %jit3A_397 = arith.constant 1 : i32
        %select_n3A_398 = arith.select %eq3A_396, %jit3A_397, %jit3A_394 : i32
        %rem3A_399 = arith.remsi %add3A_393, %select_n3A_398 : i32
        %ne3A_400 = arith.constant 0 : i32
        %ne3A_401 = arith.cmpi ne, %rem3A_399, %ne3A_400 : i32
        %lt3A_402 = arith.constant 0 : i32
        %lt3A_403 = arith.cmpi slt, %rem3A_399, %lt3A_402 : i32
        %lt3A_404 = arith.constant 0 : i32
        %lt3A_405 = arith.cmpi slt, %select_n3A_398, %lt3A_404 : i32
        %ne3A_406 = arith.xori %lt3A_403, %lt3A_405 : i1
        %and3A_407 = arith.andi %ne3A_406, %ne3A_401 : i1
        %add3A_408 = arith.addi %rem3A_399, %select_n3A_398 : i32
        %select_n3A_409 = arith.select %and3A_407, %add3A_408, %rem3A_399 : i32
        %eq3A_410 = arith.constant 0 : i32
        %eq3A_411 = arith.cmpi eq, %select_n3A_409, %eq3A_410 : i32
        %add3A_412 = arith.constant 4 : i32
        %add3A_413 = arith.addi %add3A_217, %add3A_412 : i32
        %add3A_414 = arith.constant 1 : i32
        %add3A_415 = arith.addi %add3A_413, %add3A_414 : i32
        %lt3A_416 = arith.cmpi slt, %add3A_415, %add3A_5 : i32
        %and3A_417 = arith.andi %eq3A_411, %lt3A_416 : i1
        %convert_element_type3A_418 = arith.extui %and3A_417 : i1 to i32
        %cond3A_419 = arith.constant 0 : i32
        %cond3A_420 = arith.cmpi ne, %convert_element_type3A_418, %cond3A_419 : i32
        scf.if %cond3A_420 {
          %add3A_437 = arith.constant 4 : i32
          %add3A_438 = arith.addi %add3A_217, %add3A_437 : i32
          %add3A_439 = arith.constant 1 : i32
          %add3A_440 = arith.addi %add3A_438, %add3A_439 : i32
          %jit3A_441 = arith.constant 24 : i32
          %div3A_442 = arith.divsi %add3A_440, %jit3A_441 : i32
          %sign3A_443 = arith.constant 0 : i32
          %sign3A_444 = arith.cmpi sgt, %add3A_440, %sign3A_443 : i32
          %sign3A_445 = arith.extui %sign3A_444 : i1 to i32
          %sign3A_446 = arith.constant 0 : i32
          %sign3A_447 = arith.cmpi slt, %add3A_440, %sign3A_446 : i32
          %sign3A_448 = arith.extui %sign3A_447 : i1 to i32
          %sign3A_449 = arith.subi %sign3A_445, %sign3A_448 : i32
          %sign3A_450 = arith.constant 0 : i32
          %sign3A_451 = arith.cmpi sgt, %jit3A_441, %sign3A_450 : i32
          %sign3A_452 = arith.extui %sign3A_451 : i1 to i32
          %sign3A_453 = arith.constant 0 : i32
          %sign3A_454 = arith.cmpi slt, %jit3A_441, %sign3A_453 : i32
          %sign3A_455 = arith.extui %sign3A_454 : i1 to i32
          %sign3A_456 = arith.subi %sign3A_452, %sign3A_455 : i32
          %ne3A_457 = arith.cmpi ne, %sign3A_449, %sign3A_456 : i32
          %rem3A_458 = arith.remsi %add3A_440, %jit3A_441 : i32
          %ne3A_459 = arith.constant 0 : i32
          %ne3A_460 = arith.cmpi ne, %rem3A_458, %ne3A_459 : i32
          %and3A_461 = arith.andi %ne3A_457, %ne3A_460 : i1
          %sub3A_462 = arith.constant 1 : i32
          %sub3A_463 = arith.subi %div3A_442, %sub3A_462 : i32
          %select_n3A_464 = arith.select %and3A_461, %sub3A_463, %div3A_442 : i32
          %mul3A_465 = arith.constant 24 : i32
          %mul3A_466 = arith.muli %select_n3A_464, %mul3A_465 : i32
          %add3A_467 = arith.addi %add3A, %mul3A_466 : i32
          %mul3A_468 = arith.constant 64 : i32
          %mul3A_469 = arith.muli %add3A_467, %mul3A_468 : i32
          %jit3A_470 = arith.constant 2 : i32
          %eq3A_471 = arith.constant 0 : i32
          %eq3A_472 = arith.cmpi eq, %jit3A_470, %eq3A_471 : i32
          %jit3A_473 = arith.constant 1 : i32
          %select_n3A_474 = arith.select %eq3A_472, %jit3A_473, %jit3A_470 : i32
          %rem3A_475 = arith.remsi %select_n3A_464, %select_n3A_474 : i32
          %ne3A_476 = arith.constant 0 : i32
          %ne3A_477 = arith.cmpi ne, %rem3A_475, %ne3A_476 : i32
          %lt3A_478 = arith.constant 0 : i32
          %lt3A_479 = arith.cmpi slt, %rem3A_475, %lt3A_478 : i32
          %lt3A_480 = arith.constant 0 : i32
          %lt3A_481 = arith.cmpi slt, %select_n3A_474, %lt3A_480 : i32
          %ne3A_482 = arith.xori %lt3A_479, %lt3A_481 : i1
          %and3A_483 = arith.andi %ne3A_482, %ne3A_477 : i1
          %add3A_484 = arith.addi %rem3A_475, %select_n3A_474 : i32
          %select_n3A_485 = arith.select %and3A_483, %add3A_484, %rem3A_475 : i32
          %mul3A_486 = arith.constant 24 : i32
          %mul3A_487 = arith.muli %select_n3A_485, %mul3A_486 : i32
          %mul3A_488 = arith.constant 64 : i32
          %mul3A_489 = arith.muli %mul3A_487, %mul3A_488 : i32
          "tpu.region"() ({
            %run_scoped3A = tpu.sem_alloc : memref<!tpu.dma_semaphore, #tpu.memory_space<semaphore_mem>>
            %dma_start3A_490 = tpu.memref_slice %arg8[%mul3A_489] : memref<3072xi32, #tpu.memory_space<vmem>> -> memref<1536xi32, #tpu.memory_space<vmem>>
            %dma_start3A_491 = tpu.memref_slice %arg2[%mul3A_469] : memref<323072xi32, #tpu.memory_space<hbm>> -> memref<1536xi32, #tpu.memory_space<hbm>>
            %dma_start3A_492 = tpu.memref_slice %arg8[%mul3A_489] : memref<3072xi32, #tpu.memory_space<vmem>> -> memref<1536xi32, #tpu.memory_space<vmem>>
            %dma_start3A_493 = tpu.memref_slice %arg2[%mul3A_469] : memref<323072xi32, #tpu.memory_space<hbm>> -> memref<1536xi32, #tpu.memory_space<hbm>>
            tpu.enqueue_dma source(%dma_start3A_493 : memref<1536xi32, #tpu.memory_space<hbm>>) target(%dma_start3A_492 : memref<1536xi32, #tpu.memory_space<vmem>>) target_semaphore(%run_scoped3A : memref<!tpu.dma_semaphore, #tpu.memory_space<semaphore_mem>>)
            %dma_wait3A_494 = tpu.memref_slice %arg8[%mul3A_489] : memref<3072xi32, #tpu.memory_space<vmem>> -> memref<1536xi32, #tpu.memory_space<vmem>>
            %dma_wait3A_495 = tpu.memref_slice %arg2[%mul3A_469] : memref<323072xi32, #tpu.memory_space<hbm>> -> memref<1536xi32, #tpu.memory_space<hbm>>
            %dma_wait3A_496 = tpu.memref_slice %arg8[%mul3A_489] : memref<3072xi32, #tpu.memory_space<vmem>> -> memref<1536xi32, #tpu.memory_space<vmem>>
            %dma_wait3A_497 = tpu.memref_slice %arg2[%mul3A_469] : memref<323072xi32, #tpu.memory_space<hbm>> -> memref<1536xi32, #tpu.memory_space<hbm>>
            tpu.wait_dma2 semaphore(%run_scoped3A : memref<!tpu.dma_semaphore, #tpu.memory_space<semaphore_mem>>) src(%dma_wait3A_497 : memref<1536xi32, #tpu.memory_space<hbm>>) dst(%dma_wait3A_496 : memref<1536xi32, #tpu.memory_space<vmem>>)
            tpu.yield
          }) : () -> ()
          "tpu.region"() ({
            %run_scoped3A = tpu.sem_alloc : memref<!tpu.dma_semaphore, #tpu.memory_space<semaphore_mem>>
            %dma_start3A_490 = tpu.memref_slice %arg9[%mul3A_489] : memref<3072xi32, #tpu.memory_space<vmem>> -> memref<1536xi32, #tpu.memory_space<vmem>>
            %dma_start3A_491 = tpu.memref_slice %arg3[%mul3A_469] : memref<323072xi32, #tpu.memory_space<hbm>> -> memref<1536xi32, #tpu.memory_space<hbm>>
            %dma_start3A_492 = tpu.memref_slice %arg9[%mul3A_489] : memref<3072xi32, #tpu.memory_space<vmem>> -> memref<1536xi32, #tpu.memory_space<vmem>>
            %dma_start3A_493 = tpu.memref_slice %arg3[%mul3A_469] : memref<323072xi32, #tpu.memory_space<hbm>> -> memref<1536xi32, #tpu.memory_space<hbm>>
            tpu.enqueue_dma source(%dma_start3A_493 : memref<1536xi32, #tpu.memory_space<hbm>>) target(%dma_start3A_492 : memref<1536xi32, #tpu.memory_space<vmem>>) target_semaphore(%run_scoped3A : memref<!tpu.dma_semaphore, #tpu.memory_space<semaphore_mem>>)
            %dma_wait3A_494 = tpu.memref_slice %arg9[%mul3A_489] : memref<3072xi32, #tpu.memory_space<vmem>> -> memref<1536xi32, #tpu.memory_space<vmem>>
            %dma_wait3A_495 = tpu.memref_slice %arg3[%mul3A_469] : memref<323072xi32, #tpu.memory_space<hbm>> -> memref<1536xi32, #tpu.memory_space<hbm>>
            %dma_wait3A_496 = tpu.memref_slice %arg9[%mul3A_489] : memref<3072xi32, #tpu.memory_space<vmem>> -> memref<1536xi32, #tpu.memory_space<vmem>>
            %dma_wait3A_497 = tpu.memref_slice %arg3[%mul3A_469] : memref<323072xi32, #tpu.memory_space<hbm>> -> memref<1536xi32, #tpu.memory_space<hbm>>
            tpu.wait_dma2 semaphore(%run_scoped3A : memref<!tpu.dma_semaphore, #tpu.memory_space<semaphore_mem>>) src(%dma_wait3A_497 : memref<1536xi32, #tpu.memory_space<hbm>>) dst(%dma_wait3A_496 : memref<1536xi32, #tpu.memory_space<vmem>>)
            tpu.yield
          }) : () -> ()
        } else {
        }
        %ge3A = arith.constant 1 : i32
        %ge3A_421 = arith.cmpi sge, %add3A_217, %ge3A : i32
        %convert_element_type3A_422 = arith.extui %ge3A_421 : i1 to i32
        %cond3A_423 = arith.constant 0 : i32
        %cond3A_424 = arith.cmpi ne, %convert_element_type3A_422, %cond3A_423 : i32
        scf.if %cond3A_424 {
          %dma_wait3A_437 = arith.constant 0 : i32
          %dma_wait3A_438 = arith.constant 0 : i32
          %dma_wait3A_439 = tpu.memref_slice %arg20[%dma_wait3A_437, %dma_wait3A_438] : memref<10240x128xf32, #tpu.memory_space<vmem_shared>> -> memref<64x128xf32, #tpu.memory_space<vmem_shared>>
          %dma_wait3A_440 = arith.constant 0 : i32
          %dma_wait3A_441 = arith.constant 0 : i32
          %dma_wait3A_442 = tpu.memref_slice %arg20[%dma_wait3A_440, %dma_wait3A_441] : memref<10240x128xf32, #tpu.memory_space<vmem_shared>> -> memref<64x128xf32, #tpu.memory_space<vmem_shared>>
          tpu.wait_dma2 semaphore(%arg30 : memref<!tpu.dma_semaphore, #tpu.memory_space<semaphore_mem>>) src(%arg14 : memref<64x128xf32, #tpu.memory_space<vmem>>) dst(%dma_wait3A_442 : memref<64x128xf32, #tpu.memory_space<vmem_shared>>)
        } else {
        }
        %add3A_425 = arith.constant 4 : i32
        %add3A_426 = arith.addi %add3A_217, %add3A_425 : i32
        %lt3A_427 = arith.cmpi slt, %add3A_426, %add3A_5 : i32
        %convert_element_type3A_428 = arith.extui %lt3A_427 : i1 to i32
        %cond3A_429 = arith.constant 0 : i32
        %cond3A_430 = arith.cmpi ne, %convert_element_type3A_428, %cond3A_429 : i32
        scf.if %cond3A_430 {
          %add3A_437 = arith.constant 4 : i32
          %add3A_438 = arith.addi %add3A_217, %add3A_437 : i32
          %jit3A_439 = arith.constant 24 : i32
          %div3A_440 = arith.divsi %add3A_438, %jit3A_439 : i32
          %sign3A_441 = arith.constant 0 : i32
          %sign3A_442 = arith.cmpi sgt, %add3A_438, %sign3A_441 : i32
          %sign3A_443 = arith.extui %sign3A_442 : i1 to i32
          %sign3A_444 = arith.constant 0 : i32
          %sign3A_445 = arith.cmpi slt, %add3A_438, %sign3A_444 : i32
          %sign3A_446 = arith.extui %sign3A_445 : i1 to i32
          %sign3A_447 = arith.subi %sign3A_443, %sign3A_446 : i32
          %sign3A_448 = arith.constant 0 : i32
          %sign3A_449 = arith.cmpi sgt, %jit3A_439, %sign3A_448 : i32
          %sign3A_450 = arith.extui %sign3A_449 : i1 to i32
          %sign3A_451 = arith.constant 0 : i32
          %sign3A_452 = arith.cmpi slt, %jit3A_439, %sign3A_451 : i32
          %sign3A_453 = arith.extui %sign3A_452 : i1 to i32
          %sign3A_454 = arith.subi %sign3A_450, %sign3A_453 : i32
          %ne3A_455 = arith.cmpi ne, %sign3A_447, %sign3A_454 : i32
          %rem3A_456 = arith.remsi %add3A_438, %jit3A_439 : i32
          %ne3A_457 = arith.constant 0 : i32
          %ne3A_458 = arith.cmpi ne, %rem3A_456, %ne3A_457 : i32
          %and3A_459 = arith.andi %ne3A_455, %ne3A_458 : i1
          %sub3A_460 = arith.constant 1 : i32
          %sub3A_461 = arith.subi %div3A_440, %sub3A_460 : i32
          %select_n3A_462 = arith.select %and3A_459, %sub3A_461, %div3A_440 : i32
          %jit3A_463 = arith.constant 2 : i32
          %eq3A_464 = arith.constant 0 : i32
          %eq3A_465 = arith.cmpi eq, %jit3A_463, %eq3A_464 : i32
          %jit3A_466 = arith.constant 1 : i32
          %select_n3A_467 = arith.select %eq3A_465, %jit3A_466, %jit3A_463 : i32
          %rem3A_468 = arith.remsi %select_n3A_462, %select_n3A_467 : i32
          %ne3A_469 = arith.constant 0 : i32
          %ne3A_470 = arith.cmpi ne, %rem3A_468, %ne3A_469 : i32
          %lt3A_471 = arith.constant 0 : i32
          %lt3A_472 = arith.cmpi slt, %rem3A_468, %lt3A_471 : i32
          %lt3A_473 = arith.constant 0 : i32
          %lt3A_474 = arith.cmpi slt, %select_n3A_467, %lt3A_473 : i32
          %ne3A_475 = arith.xori %lt3A_472, %lt3A_474 : i1
          %and3A_476 = arith.andi %ne3A_475, %ne3A_470 : i1
          %add3A_477 = arith.addi %rem3A_468, %select_n3A_467 : i32
          %select_n3A_478 = arith.select %and3A_476, %add3A_477, %rem3A_468 : i32
          %mul3A_479 = arith.constant 24 : i32
          %mul3A_480 = arith.muli %select_n3A_478, %mul3A_479 : i32
          %mul3A_481 = arith.constant 64 : i32
          %mul3A_482 = arith.muli %mul3A_480, %mul3A_481 : i32
          %jit3A_483 = arith.constant 24 : i32
          %eq3A_484 = arith.constant 0 : i32
          %eq3A_485 = arith.cmpi eq, %jit3A_483, %eq3A_484 : i32
          %jit3A_486 = arith.constant 1 : i32
          %select_n3A_487 = arith.select %eq3A_485, %jit3A_486, %jit3A_483 : i32
          %rem3A_488 = arith.remsi %add3A_438, %select_n3A_487 : i32
          %ne3A_489 = arith.constant 0 : i32
          %ne3A_490 = arith.cmpi ne, %rem3A_488, %ne3A_489 : i32
          %lt3A_491 = arith.constant 0 : i32
          %lt3A_492 = arith.cmpi slt, %rem3A_488, %lt3A_491 : i32
          %lt3A_493 = arith.constant 0 : i32
          %lt3A_494 = arith.cmpi slt, %select_n3A_487, %lt3A_493 : i32
          %ne3A_495 = arith.xori %lt3A_492, %lt3A_494 : i1
          %and3A_496 = arith.andi %ne3A_495, %ne3A_490 : i1
          %add3A_497 = arith.addi %rem3A_488, %select_n3A_487 : i32
          %select_n3A_498 = arith.select %and3A_496, %add3A_497, %rem3A_488 : i32
          %mul3A_499 = arith.constant 64 : i32
          %mul3A_500 = arith.muli %select_n3A_498, %mul3A_499 : i32
          %add3A_501 = arith.addi %mul3A_482, %mul3A_500 : i32
          %eq3A_502 = arith.constant 0 : i32
          %eq3A_503 = arith.cmpi eq, %arg0, %eq3A_502 : i32
          %convert_element_type3A_504 = arith.extui %eq3A_503 : i1 to i32
          %cond3A_505 = arith.constant 0 : i32
          %cond3A_506 = arith.cmpi ne, %convert_element_type3A_504, %cond3A_505 : i32
          scf.if %cond3A_506 {
            %dma_start3A_512 = tpu.memref_slice %arg8[%add3A_501] : memref<3072xi32, #tpu.memory_space<vmem>> -> memref<64xi32, #tpu.memory_space<vmem>>
            %dma_start3A_513 = arith.constant 0 : i32
            %dma_start3A_514 = arith.constant 0 : i32
            %dma_start3A_515 = tpu.memref_slice %arg4[%dma_start3A_513, %dma_start3A_514] : memref<10000x128xf32, #tpu.memory_space<hbm>> -> memref<10000x128xf32, #tpu.memory_space<hbm>>
            tpu.enqueue_indirect_dma source(%dma_start3A_515 : memref<10000x128xf32, #tpu.memory_space<hbm>>) target(%arg14 : memref<64x128xf32, #tpu.memory_space<vmem>>) offsets(%dma_start3A_512 : memref<64xi32, #tpu.memory_space<vmem>>) semaphore(%arg25 : memref<!tpu.dma_semaphore, #tpu.memory_space<semaphore_mem>>)
          } else {
          }
          %eq3A_507 = arith.constant 1 : i32
          %eq3A_508 = arith.cmpi eq, %arg0, %eq3A_507 : i32
          %convert_element_type3A_509 = arith.extui %eq3A_508 : i1 to i32
          %cond3A_510 = arith.constant 0 : i32
          %cond3A_511 = arith.cmpi ne, %convert_element_type3A_509, %cond3A_510 : i32
          scf.if %cond3A_511 {
            %dma_start3A_512 = tpu.memref_slice %arg8[%add3A_501] : memref<3072xi32, #tpu.memory_space<vmem>> -> memref<64xi32, #tpu.memory_space<vmem>>
            %dma_start3A_513 = arith.constant 0 : i32
            %dma_start3A_514 = arith.constant 0 : i32
            %dma_start3A_515 = tpu.memref_slice %arg5[%dma_start3A_513, %dma_start3A_514] : memref<10000x128xf32, #tpu.memory_space<hbm>> -> memref<10000x128xf32, #tpu.memory_space<hbm>>
            tpu.enqueue_indirect_dma source(%dma_start3A_515 : memref<10000x128xf32, #tpu.memory_space<hbm>>) target(%arg14 : memref<64x128xf32, #tpu.memory_space<vmem>>) offsets(%dma_start3A_512 : memref<64xi32, #tpu.memory_space<vmem>>) semaphore(%arg25 : memref<!tpu.dma_semaphore, #tpu.memory_space<semaphore_mem>>)
          } else {
          }
        } else {
        }
        %dma_start3A = arith.constant 0 : i32
        %dma_start3A_431 = arith.constant 0 : i32
        %dma_start3A_432 = tpu.memref_slice %arg15[%dma_start3A, %dma_start3A_431] : memref<1x64xi32, #tpu.memory_space<vmem>> -> memref<1x64xi32, #tpu.memory_space<vmem>>
        %dma_start3A_433 = tpu.memref_squeeze %dma_start3A_432 : memref<1x64xi32, #tpu.memory_space<vmem>> -> memref<64xi32, #tpu.memory_space<vmem>>
        %dma_start3A_434 = arith.constant 0 : i32
        %dma_start3A_435 = arith.constant 0 : i32
        %dma_start3A_436 = tpu.memref_slice %arg20[%dma_start3A_434, %dma_start3A_435] : memref<10240x128xf32, #tpu.memory_space<vmem_shared>> -> memref<10240x128xf32, #tpu.memory_space<vmem_shared>>
        tpu.enqueue_indirect_dma source(%arg10 : memref<64x128xf32, #tpu.memory_space<vmem>>) target(%dma_start3A_436 : memref<10240x128xf32, #tpu.memory_space<vmem_shared>>) offsets(%dma_start3A_433 : memref<64xi32, #tpu.memory_space<vmem>>) semaphore(%arg26 : memref<!tpu.dma_semaphore, #tpu.memory_space<semaphore_mem>>) {add = true}
      } else {
      }
      %mul3A_222 = arith.constant 5 : i32
      %mul3A_223 = arith.muli %while3A_213, %mul3A_222 : i32
      %add3A_224 = arith.constant 1 : i32
      %add3A_225 = arith.addi %mul3A_223, %add3A_224 : i32
      %lt3A_226 = arith.cmpi slt, %add3A_225, %add3A_5 : i32
      %convert_element_type3A_227 = arith.extui %lt3A_226 : i1 to i32
      %cond3A_228 = arith.constant 0 : i32
      %cond3A_229 = arith.cmpi ne, %convert_element_type3A_227, %cond3A_228 : i32
      scf.if %cond3A_229 {
        %dma_wait3A = arith.constant 0 : i32
        %dma_wait3A_254 = arith.constant 0 : i32
        %dma_wait3A_255 = tpu.memref_slice %arg4[%dma_wait3A, %dma_wait3A_254] : memref<10000x128xf32, #tpu.memory_space<hbm>> -> memref<64x128xf32, #tpu.memory_space<hbm>>
        %dma_wait3A_256 = arith.constant 0 : i32
        %dma_wait3A_257 = arith.constant 0 : i32
        %dma_wait3A_258 = tpu.memref_slice %arg4[%dma_wait3A_256, %dma_wait3A_257] : memref<10000x128xf32, #tpu.memory_space<hbm>> -> memref<64x128xf32, #tpu.memory_space<hbm>>
        tpu.wait_dma2 semaphore(%arg22 : memref<!tpu.dma_semaphore, #tpu.memory_space<semaphore_mem>>) src(%dma_wait3A_258 : memref<64x128xf32, #tpu.memory_space<hbm>>) dst(%arg11 : memref<64x128xf32, #tpu.memory_space<vmem>>)
        %jit3A_259 = arith.constant 24 : i32
        %div3A_260 = arith.divsi %add3A_225, %jit3A_259 : i32
        %sign3A_261 = arith.constant 0 : i32
        %sign3A_262 = arith.cmpi sgt, %add3A_225, %sign3A_261 : i32
        %sign3A_263 = arith.extui %sign3A_262 : i1 to i32
        %sign3A_264 = arith.constant 0 : i32
        %sign3A_265 = arith.cmpi slt, %add3A_225, %sign3A_264 : i32
        %sign3A_266 = arith.extui %sign3A_265 : i1 to i32
        %sign3A_267 = arith.subi %sign3A_263, %sign3A_266 : i32
        %sign3A_268 = arith.constant 0 : i32
        %sign3A_269 = arith.cmpi sgt, %jit3A_259, %sign3A_268 : i32
        %sign3A_270 = arith.extui %sign3A_269 : i1 to i32
        %sign3A_271 = arith.constant 0 : i32
        %sign3A_272 = arith.cmpi slt, %jit3A_259, %sign3A_271 : i32
        %sign3A_273 = arith.extui %sign3A_272 : i1 to i32
        %sign3A_274 = arith.subi %sign3A_270, %sign3A_273 : i32
        %ne3A_275 = arith.cmpi ne, %sign3A_267, %sign3A_274 : i32
        %rem3A_276 = arith.remsi %add3A_225, %jit3A_259 : i32
        %ne3A_277 = arith.constant 0 : i32
        %ne3A_278 = arith.cmpi ne, %rem3A_276, %ne3A_277 : i32
        %and3A_279 = arith.andi %ne3A_275, %ne3A_278 : i1
        %sub3A_280 = arith.constant 1 : i32
        %sub3A_281 = arith.subi %div3A_260, %sub3A_280 : i32
        %select_n3A_282 = arith.select %and3A_279, %sub3A_281, %div3A_260 : i32
        %jit3A_283 = arith.constant 2 : i32
        %eq3A_284 = arith.constant 0 : i32
        %eq3A_285 = arith.cmpi eq, %jit3A_283, %eq3A_284 : i32
        %jit3A_286 = arith.constant 1 : i32
        %select_n3A_287 = arith.select %eq3A_285, %jit3A_286, %jit3A_283 : i32
        %rem3A_288 = arith.remsi %select_n3A_282, %select_n3A_287 : i32
        %ne3A_289 = arith.constant 0 : i32
        %ne3A_290 = arith.cmpi ne, %rem3A_288, %ne3A_289 : i32
        %lt3A_291 = arith.constant 0 : i32
        %lt3A_292 = arith.cmpi slt, %rem3A_288, %lt3A_291 : i32
        %lt3A_293 = arith.constant 0 : i32
        %lt3A_294 = arith.cmpi slt, %select_n3A_287, %lt3A_293 : i32
        %ne3A_295 = arith.xori %lt3A_292, %lt3A_294 : i1
        %and3A_296 = arith.andi %ne3A_295, %ne3A_290 : i1
        %add3A_297 = arith.addi %rem3A_288, %select_n3A_287 : i32
        %select_n3A_298 = arith.select %and3A_296, %add3A_297, %rem3A_288 : i32
        %mul3A_299 = arith.constant 24 : i32
        %mul3A_300 = arith.muli %select_n3A_298, %mul3A_299 : i32
        %jit3A_301 = arith.constant 24 : i32
        %eq3A_302 = arith.constant 0 : i32
        %eq3A_303 = arith.cmpi eq, %jit3A_301, %eq3A_302 : i32
        %jit3A_304 = arith.constant 1 : i32
        %select_n3A_305 = arith.select %eq3A_303, %jit3A_304, %jit3A_301 : i32
        %rem3A_306 = arith.remsi %add3A_225, %select_n3A_305 : i32
        %ne3A_307 = arith.constant 0 : i32
        %ne3A_308 = arith.cmpi ne, %rem3A_306, %ne3A_307 : i32
        %lt3A_309 = arith.constant 0 : i32
        %lt3A_310 = arith.cmpi slt, %rem3A_306, %lt3A_309 : i32
        %lt3A_311 = arith.constant 0 : i32
        %lt3A_312 = arith.cmpi slt, %select_n3A_305, %lt3A_311 : i32
        %ne3A_313 = arith.xori %lt3A_310, %lt3A_312 : i1
        %and3A_314 = arith.andi %ne3A_313, %ne3A_308 : i1
        %add3A_315 = arith.addi %rem3A_306, %select_n3A_305 : i32
        %select_n3A_316 = arith.select %and3A_314, %add3A_315, %rem3A_306 : i32
        %add3A_317 = arith.addi %mul3A_300, %select_n3A_316 : i32
        %mul3A_318 = arith.constant 64 : i32
        %mul3A_319 = arith.muli %add3A_317, %mul3A_318 : i32
        %add3A_320 = arith.constant 0 : i32
        %add3A_321 = arith.addi %mul3A_319, %add3A_320 : i32
        %get3A = arith.index_cast %add3A_321 : i32 to index
        %get3A_322 = tpu.vector_load %arg8[%get3A] {strides = array<i32>} : memref<3072xi32, #tpu.memory_space<vmem>>, vector<16xi32>,
        %get3A_323 = vector.shape_cast %get3A_322 : vector<16xi32> to vector<16xi32>
        %add3A_324 = arith.constant 0 : i32
        %add3A_325 = arith.addi %mul3A_319, %add3A_324 : i32
        %get3A_326 = arith.index_cast %add3A_325 : i32 to index
        %get3A_327 = tpu.vector_load %arg9[%get3A_326] {strides = array<i32>} : memref<3072xi32, #tpu.memory_space<vmem>>, vector<16xi32>,
        %get3A_328 = vector.shape_cast %get3A_327 : vector<16xi32> to vector<16xi32>
        %eq3A_329 = arith.cmpi eq, %get3A_323, %get3A_328 : vector<16xi32>
        %select_n3A_330 = arith.select %eq3A_329, %broadcast_in_dim3A_39, %get3A_328 : vector<16xi1>, vector<16xi32>
        %swap3A = arith.constant 0 : i32
        %swap3A_331 = arith.index_cast %swap3A : i32 to index
        %swap3A_332 = arith.constant 0 : index
        %swap3A_333 = tpu.vector_load %arg16[%swap3A_331, %swap3A_332] {strides = array<i32>} : memref<1x64xi32, #tpu.memory_space<vmem>>, vector<1x16xi32>,
        %swap3A_334 = vector.shape_cast %swap3A_333 : vector<1x16xi32> to vector<16xi32>
        %swap3A_335 = vector.shape_cast %select_n3A_330 : vector<16xi32> to vector<1x16xi32>
        tpu.vector_store %arg16[%swap3A_331, %swap3A_332], %swap3A_335 {strides = array<i32>} : memref<1x64xi32, #tpu.memory_space<vmem>>, vector<1x16xi32>,
        %add3A_336 = arith.constant 16 : i32
        %add3A_337 = arith.addi %mul3A_319, %add3A_336 : i32
        %get3A_338 = arith.index_cast %add3A_337 : i32 to index
        %get3A_339 = tpu.vector_load %arg8[%get3A_338] {strides = array<i32>} : memref<3072xi32, #tpu.memory_space<vmem>>, vector<16xi32>,
        %get3A_340 = vector.shape_cast %get3A_339 : vector<16xi32> to vector<16xi32>
        %add3A_341 = arith.constant 16 : i32
        %add3A_342 = arith.addi %mul3A_319, %add3A_341 : i32
        %get3A_343 = arith.index_cast %add3A_342 : i32 to index
        %get3A_344 = tpu.vector_load %arg9[%get3A_343] {strides = array<i32>} : memref<3072xi32, #tpu.memory_space<vmem>>, vector<16xi32>,
        %get3A_345 = vector.shape_cast %get3A_344 : vector<16xi32> to vector<16xi32>
        %eq3A_346 = arith.cmpi eq, %get3A_340, %get3A_345 : vector<16xi32>
        %select_n3A_347 = arith.select %eq3A_346, %broadcast_in_dim3A_39, %get3A_345 : vector<16xi1>, vector<16xi32>
        %swap3A_348 = arith.constant 0 : i32
        %swap3A_349 = arith.index_cast %swap3A_348 : i32 to index
        %swap3A_350 = arith.constant 16 : index
        %swap3A_351 = tpu.vector_load %arg16[%swap3A_349, %swap3A_350] {strides = array<i32>} : memref<1x64xi32, #tpu.memory_space<vmem>>, vector<1x16xi32>,
        %swap3A_352 = vector.shape_cast %swap3A_351 : vector<1x16xi32> to vector<16xi32>
        %swap3A_353 = vector.shape_cast %select_n3A_347 : vector<16xi32> to vector<1x16xi32>
        tpu.vector_store %arg16[%swap3A_349, %swap3A_350], %swap3A_353 {strides = array<i32>} : memref<1x64xi32, #tpu.memory_space<vmem>>, vector<1x16xi32>,
        %add3A_354 = arith.constant 32 : i32
        %add3A_355 = arith.addi %mul3A_319, %add3A_354 : i32
        %get3A_356 = arith.index_cast %add3A_355 : i32 to index
        %get3A_357 = tpu.vector_load %arg8[%get3A_356] {strides = array<i32>} : memref<3072xi32, #tpu.memory_space<vmem>>, vector<16xi32>,
        %get3A_358 = vector.shape_cast %get3A_357 : vector<16xi32> to vector<16xi32>
        %add3A_359 = arith.constant 32 : i32
        %add3A_360 = arith.addi %mul3A_319, %add3A_359 : i32
        %get3A_361 = arith.index_cast %add3A_360 : i32 to index
        %get3A_362 = tpu.vector_load %arg9[%get3A_361] {strides = array<i32>} : memref<3072xi32, #tpu.memory_space<vmem>>, vector<16xi32>,
        %get3A_363 = vector.shape_cast %get3A_362 : vector<16xi32> to vector<16xi32>
        %eq3A_364 = arith.cmpi eq, %get3A_358, %get3A_363 : vector<16xi32>
        %select_n3A_365 = arith.select %eq3A_364, %broadcast_in_dim3A_39, %get3A_363 : vector<16xi1>, vector<16xi32>
        %swap3A_366 = arith.constant 0 : i32
        %swap3A_367 = arith.index_cast %swap3A_366 : i32 to index
        %swap3A_368 = arith.constant 32 : index
        %swap3A_369 = tpu.vector_load %arg16[%swap3A_367, %swap3A_368] {strides = array<i32>} : memref<1x64xi32, #tpu.memory_space<vmem>>, vector<1x16xi32>,
        %swap3A_370 = vector.shape_cast %swap3A_369 : vector<1x16xi32> to vector<16xi32>
        %swap3A_371 = vector.shape_cast %select_n3A_365 : vector<16xi32> to vector<1x16xi32>
        tpu.vector_store %arg16[%swap3A_367, %swap3A_368], %swap3A_371 {strides = array<i32>} : memref<1x64xi32, #tpu.memory_space<vmem>>, vector<1x16xi32>,
        %add3A_372 = arith.constant 48 : i32
        %add3A_373 = arith.addi %mul3A_319, %add3A_372 : i32
        %get3A_374 = arith.index_cast %add3A_373 : i32 to index
        %get3A_375 = tpu.vector_load %arg8[%get3A_374] {strides = array<i32>} : memref<3072xi32, #tpu.memory_space<vmem>>, vector<16xi32>,
        %get3A_376 = vector.shape_cast %get3A_375 : vector<16xi32> to vector<16xi32>
        %add3A_377 = arith.constant 48 : i32
        %add3A_378 = arith.addi %mul3A_319, %add3A_377 : i32
        %get3A_379 = arith.index_cast %add3A_378 : i32 to index
        %get3A_380 = tpu.vector_load %arg9[%get3A_379] {strides = array<i32>} : memref<3072xi32, #tpu.memory_space<vmem>>, vector<16xi32>,
        %get3A_381 = vector.shape_cast %get3A_380 : vector<16xi32> to vector<16xi32>
        %eq3A_382 = arith.cmpi eq, %get3A_376, %get3A_381 : vector<16xi32>
        %select_n3A_383 = arith.select %eq3A_382, %broadcast_in_dim3A_39, %get3A_381 : vector<16xi1>, vector<16xi32>
        %swap3A_384 = arith.constant 0 : i32
        %swap3A_385 = arith.index_cast %swap3A_384 : i32 to index
        %swap3A_386 = arith.constant 48 : index
        %swap3A_387 = tpu.vector_load %arg16[%swap3A_385, %swap3A_386] {strides = array<i32>} : memref<1x64xi32, #tpu.memory_space<vmem>>, vector<1x16xi32>,
        %swap3A_388 = vector.shape_cast %swap3A_387 : vector<1x16xi32> to vector<16xi32>
        %swap3A_389 = vector.shape_cast %select_n3A_383 : vector<16xi32> to vector<1x16xi32>
        tpu.vector_store %arg16[%swap3A_385, %swap3A_386], %swap3A_389 {strides = array<i32>} : memref<1x64xi32, #tpu.memory_space<vmem>>, vector<1x16xi32>,
        %add3A_390 = arith.constant 4 : i32
        %add3A_391 = arith.addi %add3A_225, %add3A_390 : i32
        %add3A_392 = arith.constant 1 : i32
        %add3A_393 = arith.addi %add3A_391, %add3A_392 : i32
        %jit3A_394 = arith.constant 24 : i32
        %eq3A_395 = arith.constant 0 : i32
        %eq3A_396 = arith.cmpi eq, %jit3A_394, %eq3A_395 : i32
        %jit3A_397 = arith.constant 1 : i32
        %select_n3A_398 = arith.select %eq3A_396, %jit3A_397, %jit3A_394 : i32
        %rem3A_399 = arith.remsi %add3A_393, %select_n3A_398 : i32
        %ne3A_400 = arith.constant 0 : i32
        %ne3A_401 = arith.cmpi ne, %rem3A_399, %ne3A_400 : i32
        %lt3A_402 = arith.constant 0 : i32
        %lt3A_403 = arith.cmpi slt, %rem3A_399, %lt3A_402 : i32
        %lt3A_404 = arith.constant 0 : i32
        %lt3A_405 = arith.cmpi slt, %select_n3A_398, %lt3A_404 : i32
        %ne3A_406 = arith.xori %lt3A_403, %lt3A_405 : i1
        %and3A_407 = arith.andi %ne3A_406, %ne3A_401 : i1
        %add3A_408 = arith.addi %rem3A_399, %select_n3A_398 : i32
        %select_n3A_409 = arith.select %and3A_407, %add3A_408, %rem3A_399 : i32
        %eq3A_410 = arith.constant 0 : i32
        %eq3A_411 = arith.cmpi eq, %select_n3A_409, %eq3A_410 : i32
        %add3A_412 = arith.constant 4 : i32
        %add3A_413 = arith.addi %add3A_225, %add3A_412 : i32
        %add3A_414 = arith.constant 1 : i32
        %add3A_415 = arith.addi %add3A_413, %add3A_414 : i32
        %lt3A_416 = arith.cmpi slt, %add3A_415, %add3A_5 : i32
        %and3A_417 = arith.andi %eq3A_411, %lt3A_416 : i1
        %convert_element_type3A_418 = arith.extui %and3A_417 : i1 to i32
        %cond3A_419 = arith.constant 0 : i32
        %cond3A_420 = arith.cmpi ne, %convert_element_type3A_418, %cond3A_419 : i32
        scf.if %cond3A_420 {
          %add3A_437 = arith.constant 4 : i32
          %add3A_438 = arith.addi %add3A_225, %add3A_437 : i32
          %add3A_439 = arith.constant 1 : i32
          %add3A_440 = arith.addi %add3A_438, %add3A_439 : i32
          %jit3A_441 = arith.constant 24 : i32
          %div3A_442 = arith.divsi %add3A_440, %jit3A_441 : i32
          %sign3A_443 = arith.constant 0 : i32
          %sign3A_444 = arith.cmpi sgt, %add3A_440, %sign3A_443 : i32
          %sign3A_445 = arith.extui %sign3A_444 : i1 to i32
          %sign3A_446 = arith.constant 0 : i32
          %sign3A_447 = arith.cmpi slt, %add3A_440, %sign3A_446 : i32
          %sign3A_448 = arith.extui %sign3A_447 : i1 to i32
          %sign3A_449 = arith.subi %sign3A_445, %sign3A_448 : i32
          %sign3A_450 = arith.constant 0 : i32
          %sign3A_451 = arith.cmpi sgt, %jit3A_441, %sign3A_450 : i32
          %sign3A_452 = arith.extui %sign3A_451 : i1 to i32
          %sign3A_453 = arith.constant 0 : i32
          %sign3A_454 = arith.cmpi slt, %jit3A_441, %sign3A_453 : i32
          %sign3A_455 = arith.extui %sign3A_454 : i1 to i32
          %sign3A_456 = arith.subi %sign3A_452, %sign3A_455 : i32
          %ne3A_457 = arith.cmpi ne, %sign3A_449, %sign3A_456 : i32
          %rem3A_458 = arith.remsi %add3A_440, %jit3A_441 : i32
          %ne3A_459 = arith.constant 0 : i32
          %ne3A_460 = arith.cmpi ne, %rem3A_458, %ne3A_459 : i32
          %and3A_461 = arith.andi %ne3A_457, %ne3A_460 : i1
          %sub3A_462 = arith.constant 1 : i32
          %sub3A_463 = arith.subi %div3A_442, %sub3A_462 : i32
          %select_n3A_464 = arith.select %and3A_461, %sub3A_463, %div3A_442 : i32
          %mul3A_465 = arith.constant 24 : i32
          %mul3A_466 = arith.muli %select_n3A_464, %mul3A_465 : i32
          %add3A_467 = arith.addi %add3A, %mul3A_466 : i32
          %mul3A_468 = arith.constant 64 : i32
          %mul3A_469 = arith.muli %add3A_467, %mul3A_468 : i32
          %jit3A_470 = arith.constant 2 : i32
          %eq3A_471 = arith.constant 0 : i32
          %eq3A_472 = arith.cmpi eq, %jit3A_470, %eq3A_471 : i32
          %jit3A_473 = arith.constant 1 : i32
          %select_n3A_474 = arith.select %eq3A_472, %jit3A_473, %jit3A_470 : i32
          %rem3A_475 = arith.remsi %select_n3A_464, %select_n3A_474 : i32
          %ne3A_476 = arith.constant 0 : i32
          %ne3A_477 = arith.cmpi ne, %rem3A_475, %ne3A_476 : i32
          %lt3A_478 = arith.constant 0 : i32
          %lt3A_479 = arith.cmpi slt, %rem3A_475, %lt3A_478 : i32
          %lt3A_480 = arith.constant 0 : i32
          %lt3A_481 = arith.cmpi slt, %select_n3A_474, %lt3A_480 : i32
          %ne3A_482 = arith.xori %lt3A_479, %lt3A_481 : i1
          %and3A_483 = arith.andi %ne3A_482, %ne3A_477 : i1
          %add3A_484 = arith.addi %rem3A_475, %select_n3A_474 : i32
          %select_n3A_485 = arith.select %and3A_483, %add3A_484, %rem3A_475 : i32
          %mul3A_486 = arith.constant 24 : i32
          %mul3A_487 = arith.muli %select_n3A_485, %mul3A_486 : i32
          %mul3A_488 = arith.constant 64 : i32
          %mul3A_489 = arith.muli %mul3A_487, %mul3A_488 : i32
          "tpu.region"() ({
            %run_scoped3A = tpu.sem_alloc : memref<!tpu.dma_semaphore, #tpu.memory_space<semaphore_mem>>
            %dma_start3A_490 = tpu.memref_slice %arg8[%mul3A_489] : memref<3072xi32, #tpu.memory_space<vmem>> -> memref<1536xi32, #tpu.memory_space<vmem>>
            %dma_start3A_491 = tpu.memref_slice %arg2[%mul3A_469] : memref<323072xi32, #tpu.memory_space<hbm>> -> memref<1536xi32, #tpu.memory_space<hbm>>
            %dma_start3A_492 = tpu.memref_slice %arg8[%mul3A_489] : memref<3072xi32, #tpu.memory_space<vmem>> -> memref<1536xi32, #tpu.memory_space<vmem>>
            %dma_start3A_493 = tpu.memref_slice %arg2[%mul3A_469] : memref<323072xi32, #tpu.memory_space<hbm>> -> memref<1536xi32, #tpu.memory_space<hbm>>
            tpu.enqueue_dma source(%dma_start3A_493 : memref<1536xi32, #tpu.memory_space<hbm>>) target(%dma_start3A_492 : memref<1536xi32, #tpu.memory_space<vmem>>) target_semaphore(%run_scoped3A : memref<!tpu.dma_semaphore, #tpu.memory_space<semaphore_mem>>)
            %dma_wait3A_494 = tpu.memref_slice %arg8[%mul3A_489] : memref<3072xi32, #tpu.memory_space<vmem>> -> memref<1536xi32, #tpu.memory_space<vmem>>
            %dma_wait3A_495 = tpu.memref_slice %arg2[%mul3A_469] : memref<323072xi32, #tpu.memory_space<hbm>> -> memref<1536xi32, #tpu.memory_space<hbm>>
            %dma_wait3A_496 = tpu.memref_slice %arg8[%mul3A_489] : memref<3072xi32, #tpu.memory_space<vmem>> -> memref<1536xi32, #tpu.memory_space<vmem>>
            %dma_wait3A_497 = tpu.memref_slice %arg2[%mul3A_469] : memref<323072xi32, #tpu.memory_space<hbm>> -> memref<1536xi32, #tpu.memory_space<hbm>>
            tpu.wait_dma2 semaphore(%run_scoped3A : memref<!tpu.dma_semaphore, #tpu.memory_space<semaphore_mem>>) src(%dma_wait3A_497 : memref<1536xi32, #tpu.memory_space<hbm>>) dst(%dma_wait3A_496 : memref<1536xi32, #tpu.memory_space<vmem>>)
            tpu.yield
          }) : () -> ()
          "tpu.region"() ({
            %run_scoped3A = tpu.sem_alloc : memref<!tpu.dma_semaphore, #tpu.memory_space<semaphore_mem>>
            %dma_start3A_490 = tpu.memref_slice %arg9[%mul3A_489] : memref<3072xi32, #tpu.memory_space<vmem>> -> memref<1536xi32, #tpu.memory_space<vmem>>
            %dma_start3A_491 = tpu.memref_slice %arg3[%mul3A_469] : memref<323072xi32, #tpu.memory_space<hbm>> -> memref<1536xi32, #tpu.memory_space<hbm>>
            %dma_start3A_492 = tpu.memref_slice %arg9[%mul3A_489] : memref<3072xi32, #tpu.memory_space<vmem>> -> memref<1536xi32, #tpu.memory_space<vmem>>
            %dma_start3A_493 = tpu.memref_slice %arg3[%mul3A_469] : memref<323072xi32, #tpu.memory_space<hbm>> -> memref<1536xi32, #tpu.memory_space<hbm>>
            tpu.enqueue_dma source(%dma_start3A_493 : memref<1536xi32, #tpu.memory_space<hbm>>) target(%dma_start3A_492 : memref<1536xi32, #tpu.memory_space<vmem>>) target_semaphore(%run_scoped3A : memref<!tpu.dma_semaphore, #tpu.memory_space<semaphore_mem>>)
            %dma_wait3A_494 = tpu.memref_slice %arg9[%mul3A_489] : memref<3072xi32, #tpu.memory_space<vmem>> -> memref<1536xi32, #tpu.memory_space<vmem>>
            %dma_wait3A_495 = tpu.memref_slice %arg3[%mul3A_469] : memref<323072xi32, #tpu.memory_space<hbm>> -> memref<1536xi32, #tpu.memory_space<hbm>>
            %dma_wait3A_496 = tpu.memref_slice %arg9[%mul3A_489] : memref<3072xi32, #tpu.memory_space<vmem>> -> memref<1536xi32, #tpu.memory_space<vmem>>
            %dma_wait3A_497 = tpu.memref_slice %arg3[%mul3A_469] : memref<323072xi32, #tpu.memory_space<hbm>> -> memref<1536xi32, #tpu.memory_space<hbm>>
            tpu.wait_dma2 semaphore(%run_scoped3A : memref<!tpu.dma_semaphore, #tpu.memory_space<semaphore_mem>>) src(%dma_wait3A_497 : memref<1536xi32, #tpu.memory_space<hbm>>) dst(%dma_wait3A_496 : memref<1536xi32, #tpu.memory_space<vmem>>)
            tpu.yield
          }) : () -> ()
        } else {
        }
        %ge3A = arith.constant 1 : i32
        %ge3A_421 = arith.cmpi sge, %add3A_225, %ge3A : i32
        %convert_element_type3A_422 = arith.extui %ge3A_421 : i1 to i32
        %cond3A_423 = arith.constant 0 : i32
        %cond3A_424 = arith.cmpi ne, %convert_element_type3A_422, %cond3A_423 : i32
        scf.if %cond3A_424 {
          %dma_wait3A_437 = arith.constant 0 : i32
          %dma_wait3A_438 = arith.constant 0 : i32
          %dma_wait3A_439 = tpu.memref_slice %arg20[%dma_wait3A_437, %dma_wait3A_438] : memref<10240x128xf32, #tpu.memory_space<vmem_shared>> -> memref<64x128xf32, #tpu.memory_space<vmem_shared>>
          %dma_wait3A_440 = arith.constant 0 : i32
          %dma_wait3A_441 = arith.constant 0 : i32
          %dma_wait3A_442 = tpu.memref_slice %arg20[%dma_wait3A_440, %dma_wait3A_441] : memref<10240x128xf32, #tpu.memory_space<vmem_shared>> -> memref<64x128xf32, #tpu.memory_space<vmem_shared>>
          tpu.wait_dma2 semaphore(%arg26 : memref<!tpu.dma_semaphore, #tpu.memory_space<semaphore_mem>>) src(%arg10 : memref<64x128xf32, #tpu.memory_space<vmem>>) dst(%dma_wait3A_442 : memref<64x128xf32, #tpu.memory_space<vmem_shared>>)
        } else {
        }
        %add3A_425 = arith.constant 4 : i32
        %add3A_426 = arith.addi %add3A_225, %add3A_425 : i32
        %lt3A_427 = arith.cmpi slt, %add3A_426, %add3A_5 : i32
        %convert_element_type3A_428 = arith.extui %lt3A_427 : i1 to i32
        %cond3A_429 = arith.constant 0 : i32
        %cond3A_430 = arith.cmpi ne, %convert_element_type3A_428, %cond3A_429 : i32
        scf.if %cond3A_430 {
          %add3A_437 = arith.constant 4 : i32
          %add3A_438 = arith.addi %add3A_225, %add3A_437 : i32
          %jit3A_439 = arith.constant 24 : i32
          %div3A_440 = arith.divsi %add3A_438, %jit3A_439 : i32
          %sign3A_441 = arith.constant 0 : i32
          %sign3A_442 = arith.cmpi sgt, %add3A_438, %sign3A_441 : i32
          %sign3A_443 = arith.extui %sign3A_442 : i1 to i32
          %sign3A_444 = arith.constant 0 : i32
          %sign3A_445 = arith.cmpi slt, %add3A_438, %sign3A_444 : i32
          %sign3A_446 = arith.extui %sign3A_445 : i1 to i32
          %sign3A_447 = arith.subi %sign3A_443, %sign3A_446 : i32
          %sign3A_448 = arith.constant 0 : i32
          %sign3A_449 = arith.cmpi sgt, %jit3A_439, %sign3A_448 : i32
          %sign3A_450 = arith.extui %sign3A_449 : i1 to i32
          %sign3A_451 = arith.constant 0 : i32
          %sign3A_452 = arith.cmpi slt, %jit3A_439, %sign3A_451 : i32
          %sign3A_453 = arith.extui %sign3A_452 : i1 to i32
          %sign3A_454 = arith.subi %sign3A_450, %sign3A_453 : i32
          %ne3A_455 = arith.cmpi ne, %sign3A_447, %sign3A_454 : i32
          %rem3A_456 = arith.remsi %add3A_438, %jit3A_439 : i32
          %ne3A_457 = arith.constant 0 : i32
          %ne3A_458 = arith.cmpi ne, %rem3A_456, %ne3A_457 : i32
          %and3A_459 = arith.andi %ne3A_455, %ne3A_458 : i1
          %sub3A_460 = arith.constant 1 : i32
          %sub3A_461 = arith.subi %div3A_440, %sub3A_460 : i32
          %select_n3A_462 = arith.select %and3A_459, %sub3A_461, %div3A_440 : i32
          %jit3A_463 = arith.constant 2 : i32
          %eq3A_464 = arith.constant 0 : i32
          %eq3A_465 = arith.cmpi eq, %jit3A_463, %eq3A_464 : i32
          %jit3A_466 = arith.constant 1 : i32
          %select_n3A_467 = arith.select %eq3A_465, %jit3A_466, %jit3A_463 : i32
          %rem3A_468 = arith.remsi %select_n3A_462, %select_n3A_467 : i32
          %ne3A_469 = arith.constant 0 : i32
          %ne3A_470 = arith.cmpi ne, %rem3A_468, %ne3A_469 : i32
          %lt3A_471 = arith.constant 0 : i32
          %lt3A_472 = arith.cmpi slt, %rem3A_468, %lt3A_471 : i32
          %lt3A_473 = arith.constant 0 : i32
          %lt3A_474 = arith.cmpi slt, %select_n3A_467, %lt3A_473 : i32
          %ne3A_475 = arith.xori %lt3A_472, %lt3A_474 : i1
          %and3A_476 = arith.andi %ne3A_475, %ne3A_470 : i1
          %add3A_477 = arith.addi %rem3A_468, %select_n3A_467 : i32
          %select_n3A_478 = arith.select %and3A_476, %add3A_477, %rem3A_468 : i32
          %mul3A_479 = arith.constant 24 : i32
          %mul3A_480 = arith.muli %select_n3A_478, %mul3A_479 : i32
          %mul3A_481 = arith.constant 64 : i32
          %mul3A_482 = arith.muli %mul3A_480, %mul3A_481 : i32
          %jit3A_483 = arith.constant 24 : i32
          %eq3A_484 = arith.constant 0 : i32
          %eq3A_485 = arith.cmpi eq, %jit3A_483, %eq3A_484 : i32
          %jit3A_486 = arith.constant 1 : i32
          %select_n3A_487 = arith.select %eq3A_485, %jit3A_486, %jit3A_483 : i32
          %rem3A_488 = arith.remsi %add3A_438, %select_n3A_487 : i32
          %ne3A_489 = arith.constant 0 : i32
          %ne3A_490 = arith.cmpi ne, %rem3A_488, %ne3A_489 : i32
          %lt3A_491 = arith.constant 0 : i32
          %lt3A_492 = arith.cmpi slt, %rem3A_488, %lt3A_491 : i32
          %lt3A_493 = arith.constant 0 : i32
          %lt3A_494 = arith.cmpi slt, %select_n3A_487, %lt3A_493 : i32
          %ne3A_495 = arith.xori %lt3A_492, %lt3A_494 : i1
          %and3A_496 = arith.andi %ne3A_495, %ne3A_490 : i1
          %add3A_497 = arith.addi %rem3A_488, %select_n3A_487 : i32
          %select_n3A_498 = arith.select %and3A_496, %add3A_497, %rem3A_488 : i32
          %mul3A_499 = arith.constant 64 : i32
          %mul3A_500 = arith.muli %select_n3A_498, %mul3A_499 : i32
          %add3A_501 = arith.addi %mul3A_482, %mul3A_500 : i32
          %eq3A_502 = arith.constant 0 : i32
          %eq3A_503 = arith.cmpi eq, %arg0, %eq3A_502 : i32
          %convert_element_type3A_504 = arith.extui %eq3A_503 : i1 to i32
          %cond3A_505 = arith.constant 0 : i32
          %cond3A_506 = arith.cmpi ne, %convert_element_type3A_504, %cond3A_505 : i32
          scf.if %cond3A_506 {
            %dma_start3A_512 = tpu.memref_slice %arg8[%add3A_501] : memref<3072xi32, #tpu.memory_space<vmem>> -> memref<64xi32, #tpu.memory_space<vmem>>
            %dma_start3A_513 = arith.constant 0 : i32
            %dma_start3A_514 = arith.constant 0 : i32
            %dma_start3A_515 = tpu.memref_slice %arg4[%dma_start3A_513, %dma_start3A_514] : memref<10000x128xf32, #tpu.memory_space<hbm>> -> memref<10000x128xf32, #tpu.memory_space<hbm>>
            tpu.enqueue_indirect_dma source(%dma_start3A_515 : memref<10000x128xf32, #tpu.memory_space<hbm>>) target(%arg10 : memref<64x128xf32, #tpu.memory_space<vmem>>) offsets(%dma_start3A_512 : memref<64xi32, #tpu.memory_space<vmem>>) semaphore(%arg21 : memref<!tpu.dma_semaphore, #tpu.memory_space<semaphore_mem>>)
          } else {
          }
          %eq3A_507 = arith.constant 1 : i32
          %eq3A_508 = arith.cmpi eq, %arg0, %eq3A_507 : i32
          %convert_element_type3A_509 = arith.extui %eq3A_508 : i1 to i32
          %cond3A_510 = arith.constant 0 : i32
          %cond3A_511 = arith.cmpi ne, %convert_element_type3A_509, %cond3A_510 : i32
          scf.if %cond3A_511 {
            %dma_start3A_512 = tpu.memref_slice %arg8[%add3A_501] : memref<3072xi32, #tpu.memory_space<vmem>> -> memref<64xi32, #tpu.memory_space<vmem>>
            %dma_start3A_513 = arith.constant 0 : i32
            %dma_start3A_514 = arith.constant 0 : i32
            %dma_start3A_515 = tpu.memref_slice %arg5[%dma_start3A_513, %dma_start3A_514] : memref<10000x128xf32, #tpu.memory_space<hbm>> -> memref<10000x128xf32, #tpu.memory_space<hbm>>
            tpu.enqueue_indirect_dma source(%dma_start3A_515 : memref<10000x128xf32, #tpu.memory_space<hbm>>) target(%arg10 : memref<64x128xf32, #tpu.memory_space<vmem>>) offsets(%dma_start3A_512 : memref<64xi32, #tpu.memory_space<vmem>>) semaphore(%arg21 : memref<!tpu.dma_semaphore, #tpu.memory_space<semaphore_mem>>)
          } else {
          }
        } else {
        }
        %dma_start3A = arith.constant 0 : i32
        %dma_start3A_431 = arith.constant 0 : i32
        %dma_start3A_432 = tpu.memref_slice %arg16[%dma_start3A, %dma_start3A_431] : memref<1x64xi32, #tpu.memory_space<vmem>> -> memref<1x64xi32, #tpu.memory_space<vmem>>
        %dma_start3A_433 = tpu.memref_squeeze %dma_start3A_432 : memref<1x64xi32, #tpu.memory_space<vmem>> -> memref<64xi32, #tpu.memory_space<vmem>>
        %dma_start3A_434 = arith.constant 0 : i32
        %dma_start3A_435 = arith.constant 0 : i32
        %dma_start3A_436 = tpu.memref_slice %arg20[%dma_start3A_434, %dma_start3A_435] : memref<10240x128xf32, #tpu.memory_space<vmem_shared>> -> memref<10240x128xf32, #tpu.memory_space<vmem_shared>>
        tpu.enqueue_indirect_dma source(%arg11 : memref<64x128xf32, #tpu.memory_space<vmem>>) target(%dma_start3A_436 : memref<10240x128xf32, #tpu.memory_space<vmem_shared>>) offsets(%dma_start3A_433 : memref<64xi32, #tpu.memory_space<vmem>>) semaphore(%arg27 : memref<!tpu.dma_semaphore, #tpu.memory_space<semaphore_mem>>) {add = true}
      } else {
      }
      %mul3A_230 = arith.constant 5 : i32
      %mul3A_231 = arith.muli %while3A_213, %mul3A_230 : i32
      %add3A_232 = arith.constant 2 : i32
      %add3A_233 = arith.addi %mul3A_231, %add3A_232 : i32
      %lt3A_234 = arith.cmpi slt, %add3A_233, %add3A_5 : i32
      %convert_element_type3A_235 = arith.extui %lt3A_234 : i1 to i32
      %cond3A_236 = arith.constant 0 : i32
      %cond3A_237 = arith.cmpi ne, %convert_element_type3A_235, %cond3A_236 : i32
      scf.if %cond3A_237 {
        %dma_wait3A = arith.constant 0 : i32
        %dma_wait3A_254 = arith.constant 0 : i32
        %dma_wait3A_255 = tpu.memref_slice %arg4[%dma_wait3A, %dma_wait3A_254] : memref<10000x128xf32, #tpu.memory_space<hbm>> -> memref<64x128xf32, #tpu.memory_space<hbm>>
        %dma_wait3A_256 = arith.constant 0 : i32
        %dma_wait3A_257 = arith.constant 0 : i32
        %dma_wait3A_258 = tpu.memref_slice %arg4[%dma_wait3A_256, %dma_wait3A_257] : memref<10000x128xf32, #tpu.memory_space<hbm>> -> memref<64x128xf32, #tpu.memory_space<hbm>>
        tpu.wait_dma2 semaphore(%arg23 : memref<!tpu.dma_semaphore, #tpu.memory_space<semaphore_mem>>) src(%dma_wait3A_258 : memref<64x128xf32, #tpu.memory_space<hbm>>) dst(%arg12 : memref<64x128xf32, #tpu.memory_space<vmem>>)
        %jit3A_259 = arith.constant 24 : i32
        %div3A_260 = arith.divsi %add3A_233, %jit3A_259 : i32
        %sign3A_261 = arith.constant 0 : i32
        %sign3A_262 = arith.cmpi sgt, %add3A_233, %sign3A_261 : i32
        %sign3A_263 = arith.extui %sign3A_262 : i1 to i32
        %sign3A_264 = arith.constant 0 : i32
        %sign3A_265 = arith.cmpi slt, %add3A_233, %sign3A_264 : i32
        %sign3A_266 = arith.extui %sign3A_265 : i1 to i32
        %sign3A_267 = arith.subi %sign3A_263, %sign3A_266 : i32
        %sign3A_268 = arith.constant 0 : i32
        %sign3A_269 = arith.cmpi sgt, %jit3A_259, %sign3A_268 : i32
        %sign3A_270 = arith.extui %sign3A_269 : i1 to i32
        %sign3A_271 = arith.constant 0 : i32
        %sign3A_272 = arith.cmpi slt, %jit3A_259, %sign3A_271 : i32
        %sign3A_273 = arith.extui %sign3A_272 : i1 to i32
        %sign3A_274 = arith.subi %sign3A_270, %sign3A_273 : i32
        %ne3A_275 = arith.cmpi ne, %sign3A_267, %sign3A_274 : i32
        %rem3A_276 = arith.remsi %add3A_233, %jit3A_259 : i32
        %ne3A_277 = arith.constant 0 : i32
        %ne3A_278 = arith.cmpi ne, %rem3A_276, %ne3A_277 : i32
        %and3A_279 = arith.andi %ne3A_275, %ne3A_278 : i1
        %sub3A_280 = arith.constant 1 : i32
        %sub3A_281 = arith.subi %div3A_260, %sub3A_280 : i32
        %select_n3A_282 = arith.select %and3A_279, %sub3A_281, %div3A_260 : i32
        %jit3A_283 = arith.constant 2 : i32
        %eq3A_284 = arith.constant 0 : i32
        %eq3A_285 = arith.cmpi eq, %jit3A_283, %eq3A_284 : i32
        %jit3A_286 = arith.constant 1 : i32
        %select_n3A_287 = arith.select %eq3A_285, %jit3A_286, %jit3A_283 : i32
        %rem3A_288 = arith.remsi %select_n3A_282, %select_n3A_287 : i32
        %ne3A_289 = arith.constant 0 : i32
        %ne3A_290 = arith.cmpi ne, %rem3A_288, %ne3A_289 : i32
        %lt3A_291 = arith.constant 0 : i32
        %lt3A_292 = arith.cmpi slt, %rem3A_288, %lt3A_291 : i32
        %lt3A_293 = arith.constant 0 : i32
        %lt3A_294 = arith.cmpi slt, %select_n3A_287, %lt3A_293 : i32
        %ne3A_295 = arith.xori %lt3A_292, %lt3A_294 : i1
        %and3A_296 = arith.andi %ne3A_295, %ne3A_290 : i1
        %add3A_297 = arith.addi %rem3A_288, %select_n3A_287 : i32
        %select_n3A_298 = arith.select %and3A_296, %add3A_297, %rem3A_288 : i32
        %mul3A_299 = arith.constant 24 : i32
        %mul3A_300 = arith.muli %select_n3A_298, %mul3A_299 : i32
        %jit3A_301 = arith.constant 24 : i32
        %eq3A_302 = arith.constant 0 : i32
        %eq3A_303 = arith.cmpi eq, %jit3A_301, %eq3A_302 : i32
        %jit3A_304 = arith.constant 1 : i32
        %select_n3A_305 = arith.select %eq3A_303, %jit3A_304, %jit3A_301 : i32
        %rem3A_306 = arith.remsi %add3A_233, %select_n3A_305 : i32
        %ne3A_307 = arith.constant 0 : i32
        %ne3A_308 = arith.cmpi ne, %rem3A_306, %ne3A_307 : i32
        %lt3A_309 = arith.constant 0 : i32
        %lt3A_310 = arith.cmpi slt, %rem3A_306, %lt3A_309 : i32
        %lt3A_311 = arith.constant 0 : i32
        %lt3A_312 = arith.cmpi slt, %select_n3A_305, %lt3A_311 : i32
        %ne3A_313 = arith.xori %lt3A_310, %lt3A_312 : i1
        %and3A_314 = arith.andi %ne3A_313, %ne3A_308 : i1
        %add3A_315 = arith.addi %rem3A_306, %select_n3A_305 : i32
        %select_n3A_316 = arith.select %and3A_314, %add3A_315, %rem3A_306 : i32
        %add3A_317 = arith.addi %mul3A_300, %select_n3A_316 : i32
        %mul3A_318 = arith.constant 64 : i32
        %mul3A_319 = arith.muli %add3A_317, %mul3A_318 : i32
        %add3A_320 = arith.constant 0 : i32
        %add3A_321 = arith.addi %mul3A_319, %add3A_320 : i32
        %get3A = arith.index_cast %add3A_321 : i32 to index
        %get3A_322 = tpu.vector_load %arg8[%get3A] {strides = array<i32>} : memref<3072xi32, #tpu.memory_space<vmem>>, vector<16xi32>,
        %get3A_323 = vector.shape_cast %get3A_322 : vector<16xi32> to vector<16xi32>
        %add3A_324 = arith.constant 0 : i32
        %add3A_325 = arith.addi %mul3A_319, %add3A_324 : i32
        %get3A_326 = arith.index_cast %add3A_325 : i32 to index
        %get3A_327 = tpu.vector_load %arg9[%get3A_326] {strides = array<i32>} : memref<3072xi32, #tpu.memory_space<vmem>>, vector<16xi32>,
        %get3A_328 = vector.shape_cast %get3A_327 : vector<16xi32> to vector<16xi32>
        %eq3A_329 = arith.cmpi eq, %get3A_323, %get3A_328 : vector<16xi32>
        %select_n3A_330 = arith.select %eq3A_329, %broadcast_in_dim3A_39, %get3A_328 : vector<16xi1>, vector<16xi32>
        %swap3A = arith.constant 0 : i32
        %swap3A_331 = arith.index_cast %swap3A : i32 to index
        %swap3A_332 = arith.constant 0 : index
        %swap3A_333 = tpu.vector_load %arg17[%swap3A_331, %swap3A_332] {strides = array<i32>} : memref<1x64xi32, #tpu.memory_space<vmem>>, vector<1x16xi32>,
        %swap3A_334 = vector.shape_cast %swap3A_333 : vector<1x16xi32> to vector<16xi32>
        %swap3A_335 = vector.shape_cast %select_n3A_330 : vector<16xi32> to vector<1x16xi32>
        tpu.vector_store %arg17[%swap3A_331, %swap3A_332], %swap3A_335 {strides = array<i32>} : memref<1x64xi32, #tpu.memory_space<vmem>>, vector<1x16xi32>,
        %add3A_336 = arith.constant 16 : i32
        %add3A_337 = arith.addi %mul3A_319, %add3A_336 : i32
        %get3A_338 = arith.index_cast %add3A_337 : i32 to index
        %get3A_339 = tpu.vector_load %arg8[%get3A_338] {strides = array<i32>} : memref<3072xi32, #tpu.memory_space<vmem>>, vector<16xi32>,
        %get3A_340 = vector.shape_cast %get3A_339 : vector<16xi32> to vector<16xi32>
        %add3A_341 = arith.constant 16 : i32
        %add3A_342 = arith.addi %mul3A_319, %add3A_341 : i32
        %get3A_343 = arith.index_cast %add3A_342 : i32 to index
        %get3A_344 = tpu.vector_load %arg9[%get3A_343] {strides = array<i32>} : memref<3072xi32, #tpu.memory_space<vmem>>, vector<16xi32>,
        %get3A_345 = vector.shape_cast %get3A_344 : vector<16xi32> to vector<16xi32>
        %eq3A_346 = arith.cmpi eq, %get3A_340, %get3A_345 : vector<16xi32>
        %select_n3A_347 = arith.select %eq3A_346, %broadcast_in_dim3A_39, %get3A_345 : vector<16xi1>, vector<16xi32>
        %swap3A_348 = arith.constant 0 : i32
        %swap3A_349 = arith.index_cast %swap3A_348 : i32 to index
        %swap3A_350 = arith.constant 16 : index
        %swap3A_351 = tpu.vector_load %arg17[%swap3A_349, %swap3A_350] {strides = array<i32>} : memref<1x64xi32, #tpu.memory_space<vmem>>, vector<1x16xi32>,
        %swap3A_352 = vector.shape_cast %swap3A_351 : vector<1x16xi32> to vector<16xi32>
        %swap3A_353 = vector.shape_cast %select_n3A_347 : vector<16xi32> to vector<1x16xi32>
        tpu.vector_store %arg17[%swap3A_349, %swap3A_350], %swap3A_353 {strides = array<i32>} : memref<1x64xi32, #tpu.memory_space<vmem>>, vector<1x16xi32>,
        %add3A_354 = arith.constant 32 : i32
        %add3A_355 = arith.addi %mul3A_319, %add3A_354 : i32
        %get3A_356 = arith.index_cast %add3A_355 : i32 to index
        %get3A_357 = tpu.vector_load %arg8[%get3A_356] {strides = array<i32>} : memref<3072xi32, #tpu.memory_space<vmem>>, vector<16xi32>,
        %get3A_358 = vector.shape_cast %get3A_357 : vector<16xi32> to vector<16xi32>
        %add3A_359 = arith.constant 32 : i32
        %add3A_360 = arith.addi %mul3A_319, %add3A_359 : i32
        %get3A_361 = arith.index_cast %add3A_360 : i32 to index
        %get3A_362 = tpu.vector_load %arg9[%get3A_361] {strides = array<i32>} : memref<3072xi32, #tpu.memory_space<vmem>>, vector<16xi32>,
        %get3A_363 = vector.shape_cast %get3A_362 : vector<16xi32> to vector<16xi32>
        %eq3A_364 = arith.cmpi eq, %get3A_358, %get3A_363 : vector<16xi32>
        %select_n3A_365 = arith.select %eq3A_364, %broadcast_in_dim3A_39, %get3A_363 : vector<16xi1>, vector<16xi32>
        %swap3A_366 = arith.constant 0 : i32
        %swap3A_367 = arith.index_cast %swap3A_366 : i32 to index
        %swap3A_368 = arith.constant 32 : index
        %swap3A_369 = tpu.vector_load %arg17[%swap3A_367, %swap3A_368] {strides = array<i32>} : memref<1x64xi32, #tpu.memory_space<vmem>>, vector<1x16xi32>,
        %swap3A_370 = vector.shape_cast %swap3A_369 : vector<1x16xi32> to vector<16xi32>
        %swap3A_371 = vector.shape_cast %select_n3A_365 : vector<16xi32> to vector<1x16xi32>
        tpu.vector_store %arg17[%swap3A_367, %swap3A_368], %swap3A_371 {strides = array<i32>} : memref<1x64xi32, #tpu.memory_space<vmem>>, vector<1x16xi32>,
        %add3A_372 = arith.constant 48 : i32
        %add3A_373 = arith.addi %mul3A_319, %add3A_372 : i32
        %get3A_374 = arith.index_cast %add3A_373 : i32 to index
        %get3A_375 = tpu.vector_load %arg8[%get3A_374] {strides = array<i32>} : memref<3072xi32, #tpu.memory_space<vmem>>, vector<16xi32>,
        %get3A_376 = vector.shape_cast %get3A_375 : vector<16xi32> to vector<16xi32>
        %add3A_377 = arith.constant 48 : i32
        %add3A_378 = arith.addi %mul3A_319, %add3A_377 : i32
        %get3A_379 = arith.index_cast %add3A_378 : i32 to index
        %get3A_380 = tpu.vector_load %arg9[%get3A_379] {strides = array<i32>} : memref<3072xi32, #tpu.memory_space<vmem>>, vector<16xi32>,
        %get3A_381 = vector.shape_cast %get3A_380 : vector<16xi32> to vector<16xi32>
        %eq3A_382 = arith.cmpi eq, %get3A_376, %get3A_381 : vector<16xi32>
        %select_n3A_383 = arith.select %eq3A_382, %broadcast_in_dim3A_39, %get3A_381 : vector<16xi1>, vector<16xi32>
        %swap3A_384 = arith.constant 0 : i32
        %swap3A_385 = arith.index_cast %swap3A_384 : i32 to index
        %swap3A_386 = arith.constant 48 : index
        %swap3A_387 = tpu.vector_load %arg17[%swap3A_385, %swap3A_386] {strides = array<i32>} : memref<1x64xi32, #tpu.memory_space<vmem>>, vector<1x16xi32>,
        %swap3A_388 = vector.shape_cast %swap3A_387 : vector<1x16xi32> to vector<16xi32>
        %swap3A_389 = vector.shape_cast %select_n3A_383 : vector<16xi32> to vector<1x16xi32>
        tpu.vector_store %arg17[%swap3A_385, %swap3A_386], %swap3A_389 {strides = array<i32>} : memref<1x64xi32, #tpu.memory_space<vmem>>, vector<1x16xi32>,
        %add3A_390 = arith.constant 4 : i32
        %add3A_391 = arith.addi %add3A_233, %add3A_390 : i32
        %add3A_392 = arith.constant 1 : i32
        %add3A_393 = arith.addi %add3A_391, %add3A_392 : i32
        %jit3A_394 = arith.constant 24 : i32
        %eq3A_395 = arith.constant 0 : i32
        %eq3A_396 = arith.cmpi eq, %jit3A_394, %eq3A_395 : i32
        %jit3A_397 = arith.constant 1 : i32
        %select_n3A_398 = arith.select %eq3A_396, %jit3A_397, %jit3A_394 : i32
        %rem3A_399 = arith.remsi %add3A_393, %select_n3A_398 : i32
        %ne3A_400 = arith.constant 0 : i32
        %ne3A_401 = arith.cmpi ne, %rem3A_399, %ne3A_400 : i32
        %lt3A_402 = arith.constant 0 : i32
        %lt3A_403 = arith.cmpi slt, %rem3A_399, %lt3A_402 : i32
        %lt3A_404 = arith.constant 0 : i32
        %lt3A_405 = arith.cmpi slt, %select_n3A_398, %lt3A_404 : i32
        %ne3A_406 = arith.xori %lt3A_403, %lt3A_405 : i1
        %and3A_407 = arith.andi %ne3A_406, %ne3A_401 : i1
        %add3A_408 = arith.addi %rem3A_399, %select_n3A_398 : i32
        %select_n3A_409 = arith.select %and3A_407, %add3A_408, %rem3A_399 : i32
        %eq3A_410 = arith.constant 0 : i32
        %eq3A_411 = arith.cmpi eq, %select_n3A_409, %eq3A_410 : i32
        %add3A_412 = arith.constant 4 : i32
        %add3A_413 = arith.addi %add3A_233, %add3A_412 : i32
        %add3A_414 = arith.constant 1 : i32
        %add3A_415 = arith.addi %add3A_413, %add3A_414 : i32
        %lt3A_416 = arith.cmpi slt, %add3A_415, %add3A_5 : i32
        %and3A_417 = arith.andi %eq3A_411, %lt3A_416 : i1
        %convert_element_type3A_418 = arith.extui %and3A_417 : i1 to i32
        %cond3A_419 = arith.constant 0 : i32
        %cond3A_420 = arith.cmpi ne, %convert_element_type3A_418, %cond3A_419 : i32
        scf.if %cond3A_420 {
          %add3A_437 = arith.constant 4 : i32
          %add3A_438 = arith.addi %add3A_233, %add3A_437 : i32
          %add3A_439 = arith.constant 1 : i32
          %add3A_440 = arith.addi %add3A_438, %add3A_439 : i32
          %jit3A_441 = arith.constant 24 : i32
          %div3A_442 = arith.divsi %add3A_440, %jit3A_441 : i32
          %sign3A_443 = arith.constant 0 : i32
          %sign3A_444 = arith.cmpi sgt, %add3A_440, %sign3A_443 : i32
          %sign3A_445 = arith.extui %sign3A_444 : i1 to i32
          %sign3A_446 = arith.constant 0 : i32
          %sign3A_447 = arith.cmpi slt, %add3A_440, %sign3A_446 : i32
          %sign3A_448 = arith.extui %sign3A_447 : i1 to i32
          %sign3A_449 = arith.subi %sign3A_445, %sign3A_448 : i32
          %sign3A_450 = arith.constant 0 : i32
          %sign3A_451 = arith.cmpi sgt, %jit3A_441, %sign3A_450 : i32
          %sign3A_452 = arith.extui %sign3A_451 : i1 to i32
          %sign3A_453 = arith.constant 0 : i32
          %sign3A_454 = arith.cmpi slt, %jit3A_441, %sign3A_453 : i32
          %sign3A_455 = arith.extui %sign3A_454 : i1 to i32
          %sign3A_456 = arith.subi %sign3A_452, %sign3A_455 : i32
          %ne3A_457 = arith.cmpi ne, %sign3A_449, %sign3A_456 : i32
          %rem3A_458 = arith.remsi %add3A_440, %jit3A_441 : i32
          %ne3A_459 = arith.constant 0 : i32
          %ne3A_460 = arith.cmpi ne, %rem3A_458, %ne3A_459 : i32
          %and3A_461 = arith.andi %ne3A_457, %ne3A_460 : i1
          %sub3A_462 = arith.constant 1 : i32
          %sub3A_463 = arith.subi %div3A_442, %sub3A_462 : i32
          %select_n3A_464 = arith.select %and3A_461, %sub3A_463, %div3A_442 : i32
          %mul3A_465 = arith.constant 24 : i32
          %mul3A_466 = arith.muli %select_n3A_464, %mul3A_465 : i32
          %add3A_467 = arith.addi %add3A, %mul3A_466 : i32
          %mul3A_468 = arith.constant 64 : i32
          %mul3A_469 = arith.muli %add3A_467, %mul3A_468 : i32
          %jit3A_470 = arith.constant 2 : i32
          %eq3A_471 = arith.constant 0 : i32
          %eq3A_472 = arith.cmpi eq, %jit3A_470, %eq3A_471 : i32
          %jit3A_473 = arith.constant 1 : i32
          %select_n3A_474 = arith.select %eq3A_472, %jit3A_473, %jit3A_470 : i32
          %rem3A_475 = arith.remsi %select_n3A_464, %select_n3A_474 : i32
          %ne3A_476 = arith.constant 0 : i32
          %ne3A_477 = arith.cmpi ne, %rem3A_475, %ne3A_476 : i32
          %lt3A_478 = arith.constant 0 : i32
          %lt3A_479 = arith.cmpi slt, %rem3A_475, %lt3A_478 : i32
          %lt3A_480 = arith.constant 0 : i32
          %lt3A_481 = arith.cmpi slt, %select_n3A_474, %lt3A_480 : i32
          %ne3A_482 = arith.xori %lt3A_479, %lt3A_481 : i1
          %and3A_483 = arith.andi %ne3A_482, %ne3A_477 : i1
          %add3A_484 = arith.addi %rem3A_475, %select_n3A_474 : i32
          %select_n3A_485 = arith.select %and3A_483, %add3A_484, %rem3A_475 : i32
          %mul3A_486 = arith.constant 24 : i32
          %mul3A_487 = arith.muli %select_n3A_485, %mul3A_486 : i32
          %mul3A_488 = arith.constant 64 : i32
          %mul3A_489 = arith.muli %mul3A_487, %mul3A_488 : i32
          "tpu.region"() ({
            %run_scoped3A = tpu.sem_alloc : memref<!tpu.dma_semaphore, #tpu.memory_space<semaphore_mem>>
            %dma_start3A_490 = tpu.memref_slice %arg8[%mul3A_489] : memref<3072xi32, #tpu.memory_space<vmem>> -> memref<1536xi32, #tpu.memory_space<vmem>>
            %dma_start3A_491 = tpu.memref_slice %arg2[%mul3A_469] : memref<323072xi32, #tpu.memory_space<hbm>> -> memref<1536xi32, #tpu.memory_space<hbm>>
            %dma_start3A_492 = tpu.memref_slice %arg8[%mul3A_489] : memref<3072xi32, #tpu.memory_space<vmem>> -> memref<1536xi32, #tpu.memory_space<vmem>>
            %dma_start3A_493 = tpu.memref_slice %arg2[%mul3A_469] : memref<323072xi32, #tpu.memory_space<hbm>> -> memref<1536xi32, #tpu.memory_space<hbm>>
            tpu.enqueue_dma source(%dma_start3A_493 : memref<1536xi32, #tpu.memory_space<hbm>>) target(%dma_start3A_492 : memref<1536xi32, #tpu.memory_space<vmem>>) target_semaphore(%run_scoped3A : memref<!tpu.dma_semaphore, #tpu.memory_space<semaphore_mem>>)
            %dma_wait3A_494 = tpu.memref_slice %arg8[%mul3A_489] : memref<3072xi32, #tpu.memory_space<vmem>> -> memref<1536xi32, #tpu.memory_space<vmem>>
            %dma_wait3A_495 = tpu.memref_slice %arg2[%mul3A_469] : memref<323072xi32, #tpu.memory_space<hbm>> -> memref<1536xi32, #tpu.memory_space<hbm>>
            %dma_wait3A_496 = tpu.memref_slice %arg8[%mul3A_489] : memref<3072xi32, #tpu.memory_space<vmem>> -> memref<1536xi32, #tpu.memory_space<vmem>>
            %dma_wait3A_497 = tpu.memref_slice %arg2[%mul3A_469] : memref<323072xi32, #tpu.memory_space<hbm>> -> memref<1536xi32, #tpu.memory_space<hbm>>
            tpu.wait_dma2 semaphore(%run_scoped3A : memref<!tpu.dma_semaphore, #tpu.memory_space<semaphore_mem>>) src(%dma_wait3A_497 : memref<1536xi32, #tpu.memory_space<hbm>>) dst(%dma_wait3A_496 : memref<1536xi32, #tpu.memory_space<vmem>>)
            tpu.yield
          }) : () -> ()
          "tpu.region"() ({
            %run_scoped3A = tpu.sem_alloc : memref<!tpu.dma_semaphore, #tpu.memory_space<semaphore_mem>>
            %dma_start3A_490 = tpu.memref_slice %arg9[%mul3A_489] : memref<3072xi32, #tpu.memory_space<vmem>> -> memref<1536xi32, #tpu.memory_space<vmem>>
            %dma_start3A_491 = tpu.memref_slice %arg3[%mul3A_469] : memref<323072xi32, #tpu.memory_space<hbm>> -> memref<1536xi32, #tpu.memory_space<hbm>>
            %dma_start3A_492 = tpu.memref_slice %arg9[%mul3A_489] : memref<3072xi32, #tpu.memory_space<vmem>> -> memref<1536xi32, #tpu.memory_space<vmem>>
            %dma_start3A_493 = tpu.memref_slice %arg3[%mul3A_469] : memref<323072xi32, #tpu.memory_space<hbm>> -> memref<1536xi32, #tpu.memory_space<hbm>>
            tpu.enqueue_dma source(%dma_start3A_493 : memref<1536xi32, #tpu.memory_space<hbm>>) target(%dma_start3A_492 : memref<1536xi32, #tpu.memory_space<vmem>>) target_semaphore(%run_scoped3A : memref<!tpu.dma_semaphore, #tpu.memory_space<semaphore_mem>>)
            %dma_wait3A_494 = tpu.memref_slice %arg9[%mul3A_489] : memref<3072xi32, #tpu.memory_space<vmem>> -> memref<1536xi32, #tpu.memory_space<vmem>>
            %dma_wait3A_495 = tpu.memref_slice %arg3[%mul3A_469] : memref<323072xi32, #tpu.memory_space<hbm>> -> memref<1536xi32, #tpu.memory_space<hbm>>
            %dma_wait3A_496 = tpu.memref_slice %arg9[%mul3A_489] : memref<3072xi32, #tpu.memory_space<vmem>> -> memref<1536xi32, #tpu.memory_space<vmem>>
            %dma_wait3A_497 = tpu.memref_slice %arg3[%mul3A_469] : memref<323072xi32, #tpu.memory_space<hbm>> -> memref<1536xi32, #tpu.memory_space<hbm>>
            tpu.wait_dma2 semaphore(%run_scoped3A : memref<!tpu.dma_semaphore, #tpu.memory_space<semaphore_mem>>) src(%dma_wait3A_497 : memref<1536xi32, #tpu.memory_space<hbm>>) dst(%dma_wait3A_496 : memref<1536xi32, #tpu.memory_space<vmem>>)
            tpu.yield
          }) : () -> ()
        } else {
        }
        %ge3A = arith.constant 1 : i32
        %ge3A_421 = arith.cmpi sge, %add3A_233, %ge3A : i32
        %convert_element_type3A_422 = arith.extui %ge3A_421 : i1 to i32
        %cond3A_423 = arith.constant 0 : i32
        %cond3A_424 = arith.cmpi ne, %convert_element_type3A_422, %cond3A_423 : i32
        scf.if %cond3A_424 {
          %dma_wait3A_437 = arith.constant 0 : i32
          %dma_wait3A_438 = arith.constant 0 : i32
          %dma_wait3A_439 = tpu.memref_slice %arg20[%dma_wait3A_437, %dma_wait3A_438] : memref<10240x128xf32, #tpu.memory_space<vmem_shared>> -> memref<64x128xf32, #tpu.memory_space<vmem_shared>>
          %dma_wait3A_440 = arith.constant 0 : i32
          %dma_wait3A_441 = arith.constant 0 : i32
          %dma_wait3A_442 = tpu.memref_slice %arg20[%dma_wait3A_440, %dma_wait3A_441] : memref<10240x128xf32, #tpu.memory_space<vmem_shared>> -> memref<64x128xf32, #tpu.memory_space<vmem_shared>>
          tpu.wait_dma2 semaphore(%arg27 : memref<!tpu.dma_semaphore, #tpu.memory_space<semaphore_mem>>) src(%arg11 : memref<64x128xf32, #tpu.memory_space<vmem>>) dst(%dma_wait3A_442 : memref<64x128xf32, #tpu.memory_space<vmem_shared>>)
        } else {
        }
        %add3A_425 = arith.constant 4 : i32
        %add3A_426 = arith.addi %add3A_233, %add3A_425 : i32
        %lt3A_427 = arith.cmpi slt, %add3A_426, %add3A_5 : i32
        %convert_element_type3A_428 = arith.extui %lt3A_427 : i1 to i32
        %cond3A_429 = arith.constant 0 : i32
        %cond3A_430 = arith.cmpi ne, %convert_element_type3A_428, %cond3A_429 : i32
        scf.if %cond3A_430 {
          %add3A_437 = arith.constant 4 : i32
          %add3A_438 = arith.addi %add3A_233, %add3A_437 : i32
          %jit3A_439 = arith.constant 24 : i32
          %div3A_440 = arith.divsi %add3A_438, %jit3A_439 : i32
          %sign3A_441 = arith.constant 0 : i32
          %sign3A_442 = arith.cmpi sgt, %add3A_438, %sign3A_441 : i32
          %sign3A_443 = arith.extui %sign3A_442 : i1 to i32
          %sign3A_444 = arith.constant 0 : i32
          %sign3A_445 = arith.cmpi slt, %add3A_438, %sign3A_444 : i32
          %sign3A_446 = arith.extui %sign3A_445 : i1 to i32
          %sign3A_447 = arith.subi %sign3A_443, %sign3A_446 : i32
          %sign3A_448 = arith.constant 0 : i32
          %sign3A_449 = arith.cmpi sgt, %jit3A_439, %sign3A_448 : i32
          %sign3A_450 = arith.extui %sign3A_449 : i1 to i32
          %sign3A_451 = arith.constant 0 : i32
          %sign3A_452 = arith.cmpi slt, %jit3A_439, %sign3A_451 : i32
          %sign3A_453 = arith.extui %sign3A_452 : i1 to i32
          %sign3A_454 = arith.subi %sign3A_450, %sign3A_453 : i32
          %ne3A_455 = arith.cmpi ne, %sign3A_447, %sign3A_454 : i32
          %rem3A_456 = arith.remsi %add3A_438, %jit3A_439 : i32
          %ne3A_457 = arith.constant 0 : i32
          %ne3A_458 = arith.cmpi ne, %rem3A_456, %ne3A_457 : i32
          %and3A_459 = arith.andi %ne3A_455, %ne3A_458 : i1
          %sub3A_460 = arith.constant 1 : i32
          %sub3A_461 = arith.subi %div3A_440, %sub3A_460 : i32
          %select_n3A_462 = arith.select %and3A_459, %sub3A_461, %div3A_440 : i32
          %jit3A_463 = arith.constant 2 : i32
          %eq3A_464 = arith.constant 0 : i32
          %eq3A_465 = arith.cmpi eq, %jit3A_463, %eq3A_464 : i32
          %jit3A_466 = arith.constant 1 : i32
          %select_n3A_467 = arith.select %eq3A_465, %jit3A_466, %jit3A_463 : i32
          %rem3A_468 = arith.remsi %select_n3A_462, %select_n3A_467 : i32
          %ne3A_469 = arith.constant 0 : i32
          %ne3A_470 = arith.cmpi ne, %rem3A_468, %ne3A_469 : i32
          %lt3A_471 = arith.constant 0 : i32
          %lt3A_472 = arith.cmpi slt, %rem3A_468, %lt3A_471 : i32
          %lt3A_473 = arith.constant 0 : i32
          %lt3A_474 = arith.cmpi slt, %select_n3A_467, %lt3A_473 : i32
          %ne3A_475 = arith.xori %lt3A_472, %lt3A_474 : i1
          %and3A_476 = arith.andi %ne3A_475, %ne3A_470 : i1
          %add3A_477 = arith.addi %rem3A_468, %select_n3A_467 : i32
          %select_n3A_478 = arith.select %and3A_476, %add3A_477, %rem3A_468 : i32
          %mul3A_479 = arith.constant 24 : i32
          %mul3A_480 = arith.muli %select_n3A_478, %mul3A_479 : i32
          %mul3A_481 = arith.constant 64 : i32
          %mul3A_482 = arith.muli %mul3A_480, %mul3A_481 : i32
          %jit3A_483 = arith.constant 24 : i32
          %eq3A_484 = arith.constant 0 : i32
          %eq3A_485 = arith.cmpi eq, %jit3A_483, %eq3A_484 : i32
          %jit3A_486 = arith.constant 1 : i32
          %select_n3A_487 = arith.select %eq3A_485, %jit3A_486, %jit3A_483 : i32
          %rem3A_488 = arith.remsi %add3A_438, %select_n3A_487 : i32
          %ne3A_489 = arith.constant 0 : i32
          %ne3A_490 = arith.cmpi ne, %rem3A_488, %ne3A_489 : i32
          %lt3A_491 = arith.constant 0 : i32
          %lt3A_492 = arith.cmpi slt, %rem3A_488, %lt3A_491 : i32
          %lt3A_493 = arith.constant 0 : i32
          %lt3A_494 = arith.cmpi slt, %select_n3A_487, %lt3A_493 : i32
          %ne3A_495 = arith.xori %lt3A_492, %lt3A_494 : i1
          %and3A_496 = arith.andi %ne3A_495, %ne3A_490 : i1
          %add3A_497 = arith.addi %rem3A_488, %select_n3A_487 : i32
          %select_n3A_498 = arith.select %and3A_496, %add3A_497, %rem3A_488 : i32
          %mul3A_499 = arith.constant 64 : i32
          %mul3A_500 = arith.muli %select_n3A_498, %mul3A_499 : i32
          %add3A_501 = arith.addi %mul3A_482, %mul3A_500 : i32
          %eq3A_502 = arith.constant 0 : i32
          %eq3A_503 = arith.cmpi eq, %arg0, %eq3A_502 : i32
          %convert_element_type3A_504 = arith.extui %eq3A_503 : i1 to i32
          %cond3A_505 = arith.constant 0 : i32
          %cond3A_506 = arith.cmpi ne, %convert_element_type3A_504, %cond3A_505 : i32
          scf.if %cond3A_506 {
            %dma_start3A_512 = tpu.memref_slice %arg8[%add3A_501] : memref<3072xi32, #tpu.memory_space<vmem>> -> memref<64xi32, #tpu.memory_space<vmem>>
            %dma_start3A_513 = arith.constant 0 : i32
            %dma_start3A_514 = arith.constant 0 : i32
            %dma_start3A_515 = tpu.memref_slice %arg4[%dma_start3A_513, %dma_start3A_514] : memref<10000x128xf32, #tpu.memory_space<hbm>> -> memref<10000x128xf32, #tpu.memory_space<hbm>>
            tpu.enqueue_indirect_dma source(%dma_start3A_515 : memref<10000x128xf32, #tpu.memory_space<hbm>>) target(%arg11 : memref<64x128xf32, #tpu.memory_space<vmem>>) offsets(%dma_start3A_512 : memref<64xi32, #tpu.memory_space<vmem>>) semaphore(%arg22 : memref<!tpu.dma_semaphore, #tpu.memory_space<semaphore_mem>>)
          } else {
          }
          %eq3A_507 = arith.constant 1 : i32
          %eq3A_508 = arith.cmpi eq, %arg0, %eq3A_507 : i32
          %convert_element_type3A_509 = arith.extui %eq3A_508 : i1 to i32
          %cond3A_510 = arith.constant 0 : i32
          %cond3A_511 = arith.cmpi ne, %convert_element_type3A_509, %cond3A_510 : i32
          scf.if %cond3A_511 {
            %dma_start3A_512 = tpu.memref_slice %arg8[%add3A_501] : memref<3072xi32, #tpu.memory_space<vmem>> -> memref<64xi32, #tpu.memory_space<vmem>>
            %dma_start3A_513 = arith.constant 0 : i32
            %dma_start3A_514 = arith.constant 0 : i32
            %dma_start3A_515 = tpu.memref_slice %arg5[%dma_start3A_513, %dma_start3A_514] : memref<10000x128xf32, #tpu.memory_space<hbm>> -> memref<10000x128xf32, #tpu.memory_space<hbm>>
            tpu.enqueue_indirect_dma source(%dma_start3A_515 : memref<10000x128xf32, #tpu.memory_space<hbm>>) target(%arg11 : memref<64x128xf32, #tpu.memory_space<vmem>>) offsets(%dma_start3A_512 : memref<64xi32, #tpu.memory_space<vmem>>) semaphore(%arg22 : memref<!tpu.dma_semaphore, #tpu.memory_space<semaphore_mem>>)
          } else {
          }
        } else {
        }
        %dma_start3A = arith.constant 0 : i32
        %dma_start3A_431 = arith.constant 0 : i32
        %dma_start3A_432 = tpu.memref_slice %arg17[%dma_start3A, %dma_start3A_431] : memref<1x64xi32, #tpu.memory_space<vmem>> -> memref<1x64xi32, #tpu.memory_space<vmem>>
        %dma_start3A_433 = tpu.memref_squeeze %dma_start3A_432 : memref<1x64xi32, #tpu.memory_space<vmem>> -> memref<64xi32, #tpu.memory_space<vmem>>
        %dma_start3A_434 = arith.constant 0 : i32
        %dma_start3A_435 = arith.constant 0 : i32
        %dma_start3A_436 = tpu.memref_slice %arg20[%dma_start3A_434, %dma_start3A_435] : memref<10240x128xf32, #tpu.memory_space<vmem_shared>> -> memref<10240x128xf32, #tpu.memory_space<vmem_shared>>
        tpu.enqueue_indirect_dma source(%arg12 : memref<64x128xf32, #tpu.memory_space<vmem>>) target(%dma_start3A_436 : memref<10240x128xf32, #tpu.memory_space<vmem_shared>>) offsets(%dma_start3A_433 : memref<64xi32, #tpu.memory_space<vmem>>) semaphore(%arg28 : memref<!tpu.dma_semaphore, #tpu.memory_space<semaphore_mem>>) {add = true}
      } else {
      }
      %mul3A_238 = arith.constant 5 : i32
      %mul3A_239 = arith.muli %while3A_213, %mul3A_238 : i32
      %add3A_240 = arith.constant 3 : i32
      %add3A_241 = arith.addi %mul3A_239, %add3A_240 : i32
      %lt3A_242 = arith.cmpi slt, %add3A_241, %add3A_5 : i32
      %convert_element_type3A_243 = arith.extui %lt3A_242 : i1 to i32
      %cond3A_244 = arith.constant 0 : i32
      %cond3A_245 = arith.cmpi ne, %convert_element_type3A_243, %cond3A_244 : i32
      scf.if %cond3A_245 {
        %dma_wait3A = arith.constant 0 : i32
        %dma_wait3A_254 = arith.constant 0 : i32
        %dma_wait3A_255 = tpu.memref_slice %arg4[%dma_wait3A, %dma_wait3A_254] : memref<10000x128xf32, #tpu.memory_space<hbm>> -> memref<64x128xf32, #tpu.memory_space<hbm>>
        %dma_wait3A_256 = arith.constant 0 : i32
        %dma_wait3A_257 = arith.constant 0 : i32
        %dma_wait3A_258 = tpu.memref_slice %arg4[%dma_wait3A_256, %dma_wait3A_257] : memref<10000x128xf32, #tpu.memory_space<hbm>> -> memref<64x128xf32, #tpu.memory_space<hbm>>
        tpu.wait_dma2 semaphore(%arg24 : memref<!tpu.dma_semaphore, #tpu.memory_space<semaphore_mem>>) src(%dma_wait3A_258 : memref<64x128xf32, #tpu.memory_space<hbm>>) dst(%arg13 : memref<64x128xf32, #tpu.memory_space<vmem>>)
        %jit3A_259 = arith.constant 24 : i32
        %div3A_260 = arith.divsi %add3A_241, %jit3A_259 : i32
        %sign3A_261 = arith.constant 0 : i32
        %sign3A_262 = arith.cmpi sgt, %add3A_241, %sign3A_261 : i32
        %sign3A_263 = arith.extui %sign3A_262 : i1 to i32
        %sign3A_264 = arith.constant 0 : i32
        %sign3A_265 = arith.cmpi slt, %add3A_241, %sign3A_264 : i32
        %sign3A_266 = arith.extui %sign3A_265 : i1 to i32
        %sign3A_267 = arith.subi %sign3A_263, %sign3A_266 : i32
        %sign3A_268 = arith.constant 0 : i32
        %sign3A_269 = arith.cmpi sgt, %jit3A_259, %sign3A_268 : i32
        %sign3A_270 = arith.extui %sign3A_269 : i1 to i32
        %sign3A_271 = arith.constant 0 : i32
        %sign3A_272 = arith.cmpi slt, %jit3A_259, %sign3A_271 : i32
        %sign3A_273 = arith.extui %sign3A_272 : i1 to i32
        %sign3A_274 = arith.subi %sign3A_270, %sign3A_273 : i32
        %ne3A_275 = arith.cmpi ne, %sign3A_267, %sign3A_274 : i32
        %rem3A_276 = arith.remsi %add3A_241, %jit3A_259 : i32
        %ne3A_277 = arith.constant 0 : i32
        %ne3A_278 = arith.cmpi ne, %rem3A_276, %ne3A_277 : i32
        %and3A_279 = arith.andi %ne3A_275, %ne3A_278 : i1
        %sub3A_280 = arith.constant 1 : i32
        %sub3A_281 = arith.subi %div3A_260, %sub3A_280 : i32
        %select_n3A_282 = arith.select %and3A_279, %sub3A_281, %div3A_260 : i32
        %jit3A_283 = arith.constant 2 : i32
        %eq3A_284 = arith.constant 0 : i32
        %eq3A_285 = arith.cmpi eq, %jit3A_283, %eq3A_284 : i32
        %jit3A_286 = arith.constant 1 : i32
        %select_n3A_287 = arith.select %eq3A_285, %jit3A_286, %jit3A_283 : i32
        %rem3A_288 = arith.remsi %select_n3A_282, %select_n3A_287 : i32
        %ne3A_289 = arith.constant 0 : i32
        %ne3A_290 = arith.cmpi ne, %rem3A_288, %ne3A_289 : i32
        %lt3A_291 = arith.constant 0 : i32
        %lt3A_292 = arith.cmpi slt, %rem3A_288, %lt3A_291 : i32
        %lt3A_293 = arith.constant 0 : i32
        %lt3A_294 = arith.cmpi slt, %select_n3A_287, %lt3A_293 : i32
        %ne3A_295 = arith.xori %lt3A_292, %lt3A_294 : i1
        %and3A_296 = arith.andi %ne3A_295, %ne3A_290 : i1
        %add3A_297 = arith.addi %rem3A_288, %select_n3A_287 : i32
        %select_n3A_298 = arith.select %and3A_296, %add3A_297, %rem3A_288 : i32
        %mul3A_299 = arith.constant 24 : i32
        %mul3A_300 = arith.muli %select_n3A_298, %mul3A_299 : i32
        %jit3A_301 = arith.constant 24 : i32
        %eq3A_302 = arith.constant 0 : i32
        %eq3A_303 = arith.cmpi eq, %jit3A_301, %eq3A_302 : i32
        %jit3A_304 = arith.constant 1 : i32
        %select_n3A_305 = arith.select %eq3A_303, %jit3A_304, %jit3A_301 : i32
        %rem3A_306 = arith.remsi %add3A_241, %select_n3A_305 : i32
        %ne3A_307 = arith.constant 0 : i32
        %ne3A_308 = arith.cmpi ne, %rem3A_306, %ne3A_307 : i32
        %lt3A_309 = arith.constant 0 : i32
        %lt3A_310 = arith.cmpi slt, %rem3A_306, %lt3A_309 : i32
        %lt3A_311 = arith.constant 0 : i32
        %lt3A_312 = arith.cmpi slt, %select_n3A_305, %lt3A_311 : i32
        %ne3A_313 = arith.xori %lt3A_310, %lt3A_312 : i1
        %and3A_314 = arith.andi %ne3A_313, %ne3A_308 : i1
        %add3A_315 = arith.addi %rem3A_306, %select_n3A_305 : i32
        %select_n3A_316 = arith.select %and3A_314, %add3A_315, %rem3A_306 : i32
        %add3A_317 = arith.addi %mul3A_300, %select_n3A_316 : i32
        %mul3A_318 = arith.constant 64 : i32
        %mul3A_319 = arith.muli %add3A_317, %mul3A_318 : i32
        %add3A_320 = arith.constant 0 : i32
        %add3A_321 = arith.addi %mul3A_319, %add3A_320 : i32
        %get3A = arith.index_cast %add3A_321 : i32 to index
        %get3A_322 = tpu.vector_load %arg8[%get3A] {strides = array<i32>} : memref<3072xi32, #tpu.memory_space<vmem>>, vector<16xi32>,
        %get3A_323 = vector.shape_cast %get3A_322 : vector<16xi32> to vector<16xi32>
        %add3A_324 = arith.constant 0 : i32
        %add3A_325 = arith.addi %mul3A_319, %add3A_324 : i32
        %get3A_326 = arith.index_cast %add3A_325 : i32 to index
        %get3A_327 = tpu.vector_load %arg9[%get3A_326] {strides = array<i32>} : memref<3072xi32, #tpu.memory_space<vmem>>, vector<16xi32>,
        %get3A_328 = vector.shape_cast %get3A_327 : vector<16xi32> to vector<16xi32>
        %eq3A_329 = arith.cmpi eq, %get3A_323, %get3A_328 : vector<16xi32>
        %select_n3A_330 = arith.select %eq3A_329, %broadcast_in_dim3A_39, %get3A_328 : vector<16xi1>, vector<16xi32>
        %swap3A = arith.constant 0 : i32
        %swap3A_331 = arith.index_cast %swap3A : i32 to index
        %swap3A_332 = arith.constant 0 : index
        %swap3A_333 = tpu.vector_load %arg18[%swap3A_331, %swap3A_332] {strides = array<i32>} : memref<1x64xi32, #tpu.memory_space<vmem>>, vector<1x16xi32>,
        %swap3A_334 = vector.shape_cast %swap3A_333 : vector<1x16xi32> to vector<16xi32>
        %swap3A_335 = vector.shape_cast %select_n3A_330 : vector<16xi32> to vector<1x16xi32>
        tpu.vector_store %arg18[%swap3A_331, %swap3A_332], %swap3A_335 {strides = array<i32>} : memref<1x64xi32, #tpu.memory_space<vmem>>, vector<1x16xi32>,
        %add3A_336 = arith.constant 16 : i32
        %add3A_337 = arith.addi %mul3A_319, %add3A_336 : i32
        %get3A_338 = arith.index_cast %add3A_337 : i32 to index
        %get3A_339 = tpu.vector_load %arg8[%get3A_338] {strides = array<i32>} : memref<3072xi32, #tpu.memory_space<vmem>>, vector<16xi32>,
        %get3A_340 = vector.shape_cast %get3A_339 : vector<16xi32> to vector<16xi32>
        %add3A_341 = arith.constant 16 : i32
        %add3A_342 = arith.addi %mul3A_319, %add3A_341 : i32
        %get3A_343 = arith.index_cast %add3A_342 : i32 to index
        %get3A_344 = tpu.vector_load %arg9[%get3A_343] {strides = array<i32>} : memref<3072xi32, #tpu.memory_space<vmem>>, vector<16xi32>,
        %get3A_345 = vector.shape_cast %get3A_344 : vector<16xi32> to vector<16xi32>
        %eq3A_346 = arith.cmpi eq, %get3A_340, %get3A_345 : vector<16xi32>
        %select_n3A_347 = arith.select %eq3A_346, %broadcast_in_dim3A_39, %get3A_345 : vector<16xi1>, vector<16xi32>
        %swap3A_348 = arith.constant 0 : i32
        %swap3A_349 = arith.index_cast %swap3A_348 : i32 to index
        %swap3A_350 = arith.constant 16 : index
        %swap3A_351 = tpu.vector_load %arg18[%swap3A_349, %swap3A_350] {strides = array<i32>} : memref<1x64xi32, #tpu.memory_space<vmem>>, vector<1x16xi32>,
        %swap3A_352 = vector.shape_cast %swap3A_351 : vector<1x16xi32> to vector<16xi32>
        %swap3A_353 = vector.shape_cast %select_n3A_347 : vector<16xi32> to vector<1x16xi32>
        tpu.vector_store %arg18[%swap3A_349, %swap3A_350], %swap3A_353 {strides = array<i32>} : memref<1x64xi32, #tpu.memory_space<vmem>>, vector<1x16xi32>,
        %add3A_354 = arith.constant 32 : i32
        %add3A_355 = arith.addi %mul3A_319, %add3A_354 : i32
        %get3A_356 = arith.index_cast %add3A_355 : i32 to index
        %get3A_357 = tpu.vector_load %arg8[%get3A_356] {strides = array<i32>} : memref<3072xi32, #tpu.memory_space<vmem>>, vector<16xi32>,
        %get3A_358 = vector.shape_cast %get3A_357 : vector<16xi32> to vector<16xi32>
        %add3A_359 = arith.constant 32 : i32
        %add3A_360 = arith.addi %mul3A_319, %add3A_359 : i32
        %get3A_361 = arith.index_cast %add3A_360 : i32 to index
        %get3A_362 = tpu.vector_load %arg9[%get3A_361] {strides = array<i32>} : memref<3072xi32, #tpu.memory_space<vmem>>, vector<16xi32>,
        %get3A_363 = vector.shape_cast %get3A_362 : vector<16xi32> to vector<16xi32>
        %eq3A_364 = arith.cmpi eq, %get3A_358, %get3A_363 : vector<16xi32>
        %select_n3A_365 = arith.select %eq3A_364, %broadcast_in_dim3A_39, %get3A_363 : vector<16xi1>, vector<16xi32>
        %swap3A_366 = arith.constant 0 : i32
        %swap3A_367 = arith.index_cast %swap3A_366 : i32 to index
        %swap3A_368 = arith.constant 32 : index
        %swap3A_369 = tpu.vector_load %arg18[%swap3A_367, %swap3A_368] {strides = array<i32>} : memref<1x64xi32, #tpu.memory_space<vmem>>, vector<1x16xi32>,
        %swap3A_370 = vector.shape_cast %swap3A_369 : vector<1x16xi32> to vector<16xi32>
        %swap3A_371 = vector.shape_cast %select_n3A_365 : vector<16xi32> to vector<1x16xi32>
        tpu.vector_store %arg18[%swap3A_367, %swap3A_368], %swap3A_371 {strides = array<i32>} : memref<1x64xi32, #tpu.memory_space<vmem>>, vector<1x16xi32>,
        %add3A_372 = arith.constant 48 : i32
        %add3A_373 = arith.addi %mul3A_319, %add3A_372 : i32
        %get3A_374 = arith.index_cast %add3A_373 : i32 to index
        %get3A_375 = tpu.vector_load %arg8[%get3A_374] {strides = array<i32>} : memref<3072xi32, #tpu.memory_space<vmem>>, vector<16xi32>,
        %get3A_376 = vector.shape_cast %get3A_375 : vector<16xi32> to vector<16xi32>
        %add3A_377 = arith.constant 48 : i32
        %add3A_378 = arith.addi %mul3A_319, %add3A_377 : i32
        %get3A_379 = arith.index_cast %add3A_378 : i32 to index
        %get3A_380 = tpu.vector_load %arg9[%get3A_379] {strides = array<i32>} : memref<3072xi32, #tpu.memory_space<vmem>>, vector<16xi32>,
        %get3A_381 = vector.shape_cast %get3A_380 : vector<16xi32> to vector<16xi32>
        %eq3A_382 = arith.cmpi eq, %get3A_376, %get3A_381 : vector<16xi32>
        %select_n3A_383 = arith.select %eq3A_382, %broadcast_in_dim3A_39, %get3A_381 : vector<16xi1>, vector<16xi32>
        %swap3A_384 = arith.constant 0 : i32
        %swap3A_385 = arith.index_cast %swap3A_384 : i32 to index
        %swap3A_386 = arith.constant 48 : index
        %swap3A_387 = tpu.vector_load %arg18[%swap3A_385, %swap3A_386] {strides = array<i32>} : memref<1x64xi32, #tpu.memory_space<vmem>>, vector<1x16xi32>,
        %swap3A_388 = vector.shape_cast %swap3A_387 : vector<1x16xi32> to vector<16xi32>
        %swap3A_389 = vector.shape_cast %select_n3A_383 : vector<16xi32> to vector<1x16xi32>
        tpu.vector_store %arg18[%swap3A_385, %swap3A_386], %swap3A_389 {strides = array<i32>} : memref<1x64xi32, #tpu.memory_space<vmem>>, vector<1x16xi32>,
        %add3A_390 = arith.constant 4 : i32
        %add3A_391 = arith.addi %add3A_241, %add3A_390 : i32
        %add3A_392 = arith.constant 1 : i32
        %add3A_393 = arith.addi %add3A_391, %add3A_392 : i32
        %jit3A_394 = arith.constant 24 : i32
        %eq3A_395 = arith.constant 0 : i32
        %eq3A_396 = arith.cmpi eq, %jit3A_394, %eq3A_395 : i32
        %jit3A_397 = arith.constant 1 : i32
        %select_n3A_398 = arith.select %eq3A_396, %jit3A_397, %jit3A_394 : i32
        %rem3A_399 = arith.remsi %add3A_393, %select_n3A_398 : i32
        %ne3A_400 = arith.constant 0 : i32
        %ne3A_401 = arith.cmpi ne, %rem3A_399, %ne3A_400 : i32
        %lt3A_402 = arith.constant 0 : i32
        %lt3A_403 = arith.cmpi slt, %rem3A_399, %lt3A_402 : i32
        %lt3A_404 = arith.constant 0 : i32
        %lt3A_405 = arith.cmpi slt, %select_n3A_398, %lt3A_404 : i32
        %ne3A_406 = arith.xori %lt3A_403, %lt3A_405 : i1
        %and3A_407 = arith.andi %ne3A_406, %ne3A_401 : i1
        %add3A_408 = arith.addi %rem3A_399, %select_n3A_398 : i32
        %select_n3A_409 = arith.select %and3A_407, %add3A_408, %rem3A_399 : i32
        %eq3A_410 = arith.constant 0 : i32
        %eq3A_411 = arith.cmpi eq, %select_n3A_409, %eq3A_410 : i32
        %add3A_412 = arith.constant 4 : i32
        %add3A_413 = arith.addi %add3A_241, %add3A_412 : i32
        %add3A_414 = arith.constant 1 : i32
        %add3A_415 = arith.addi %add3A_413, %add3A_414 : i32
        %lt3A_416 = arith.cmpi slt, %add3A_415, %add3A_5 : i32
        %and3A_417 = arith.andi %eq3A_411, %lt3A_416 : i1
        %convert_element_type3A_418 = arith.extui %and3A_417 : i1 to i32
        %cond3A_419 = arith.constant 0 : i32
        %cond3A_420 = arith.cmpi ne, %convert_element_type3A_418, %cond3A_419 : i32
        scf.if %cond3A_420 {
          %add3A_437 = arith.constant 4 : i32
          %add3A_438 = arith.addi %add3A_241, %add3A_437 : i32
          %add3A_439 = arith.constant 1 : i32
          %add3A_440 = arith.addi %add3A_438, %add3A_439 : i32
          %jit3A_441 = arith.constant 24 : i32
          %div3A_442 = arith.divsi %add3A_440, %jit3A_441 : i32
          %sign3A_443 = arith.constant 0 : i32
          %sign3A_444 = arith.cmpi sgt, %add3A_440, %sign3A_443 : i32
          %sign3A_445 = arith.extui %sign3A_444 : i1 to i32
          %sign3A_446 = arith.constant 0 : i32
          %sign3A_447 = arith.cmpi slt, %add3A_440, %sign3A_446 : i32
          %sign3A_448 = arith.extui %sign3A_447 : i1 to i32
          %sign3A_449 = arith.subi %sign3A_445, %sign3A_448 : i32
          %sign3A_450 = arith.constant 0 : i32
          %sign3A_451 = arith.cmpi sgt, %jit3A_441, %sign3A_450 : i32
          %sign3A_452 = arith.extui %sign3A_451 : i1 to i32
          %sign3A_453 = arith.constant 0 : i32
          %sign3A_454 = arith.cmpi slt, %jit3A_441, %sign3A_453 : i32
          %sign3A_455 = arith.extui %sign3A_454 : i1 to i32
          %sign3A_456 = arith.subi %sign3A_452, %sign3A_455 : i32
          %ne3A_457 = arith.cmpi ne, %sign3A_449, %sign3A_456 : i32
          %rem3A_458 = arith.remsi %add3A_440, %jit3A_441 : i32
          %ne3A_459 = arith.constant 0 : i32
          %ne3A_460 = arith.cmpi ne, %rem3A_458, %ne3A_459 : i32
          %and3A_461 = arith.andi %ne3A_457, %ne3A_460 : i1
          %sub3A_462 = arith.constant 1 : i32
          %sub3A_463 = arith.subi %div3A_442, %sub3A_462 : i32
          %select_n3A_464 = arith.select %and3A_461, %sub3A_463, %div3A_442 : i32
          %mul3A_465 = arith.constant 24 : i32
          %mul3A_466 = arith.muli %select_n3A_464, %mul3A_465 : i32
          %add3A_467 = arith.addi %add3A, %mul3A_466 : i32
          %mul3A_468 = arith.constant 64 : i32
          %mul3A_469 = arith.muli %add3A_467, %mul3A_468 : i32
          %jit3A_470 = arith.constant 2 : i32
          %eq3A_471 = arith.constant 0 : i32
          %eq3A_472 = arith.cmpi eq, %jit3A_470, %eq3A_471 : i32
          %jit3A_473 = arith.constant 1 : i32
          %select_n3A_474 = arith.select %eq3A_472, %jit3A_473, %jit3A_470 : i32
          %rem3A_475 = arith.remsi %select_n3A_464, %select_n3A_474 : i32
          %ne3A_476 = arith.constant 0 : i32
          %ne3A_477 = arith.cmpi ne, %rem3A_475, %ne3A_476 : i32
          %lt3A_478 = arith.constant 0 : i32
          %lt3A_479 = arith.cmpi slt, %rem3A_475, %lt3A_478 : i32
          %lt3A_480 = arith.constant 0 : i32
          %lt3A_481 = arith.cmpi slt, %select_n3A_474, %lt3A_480 : i32
          %ne3A_482 = arith.xori %lt3A_479, %lt3A_481 : i1
          %and3A_483 = arith.andi %ne3A_482, %ne3A_477 : i1
          %add3A_484 = arith.addi %rem3A_475, %select_n3A_474 : i32
          %select_n3A_485 = arith.select %and3A_483, %add3A_484, %rem3A_475 : i32
          %mul3A_486 = arith.constant 24 : i32
          %mul3A_487 = arith.muli %select_n3A_485, %mul3A_486 : i32
          %mul3A_488 = arith.constant 64 : i32
          %mul3A_489 = arith.muli %mul3A_487, %mul3A_488 : i32
          "tpu.region"() ({
            %run_scoped3A = tpu.sem_alloc : memref<!tpu.dma_semaphore, #tpu.memory_space<semaphore_mem>>
            %dma_start3A_490 = tpu.memref_slice %arg8[%mul3A_489] : memref<3072xi32, #tpu.memory_space<vmem>> -> memref<1536xi32, #tpu.memory_space<vmem>>
            %dma_start3A_491 = tpu.memref_slice %arg2[%mul3A_469] : memref<323072xi32, #tpu.memory_space<hbm>> -> memref<1536xi32, #tpu.memory_space<hbm>>
            %dma_start3A_492 = tpu.memref_slice %arg8[%mul3A_489] : memref<3072xi32, #tpu.memory_space<vmem>> -> memref<1536xi32, #tpu.memory_space<vmem>>
            %dma_start3A_493 = tpu.memref_slice %arg2[%mul3A_469] : memref<323072xi32, #tpu.memory_space<hbm>> -> memref<1536xi32, #tpu.memory_space<hbm>>
            tpu.enqueue_dma source(%dma_start3A_493 : memref<1536xi32, #tpu.memory_space<hbm>>) target(%dma_start3A_492 : memref<1536xi32, #tpu.memory_space<vmem>>) target_semaphore(%run_scoped3A : memref<!tpu.dma_semaphore, #tpu.memory_space<semaphore_mem>>)
            %dma_wait3A_494 = tpu.memref_slice %arg8[%mul3A_489] : memref<3072xi32, #tpu.memory_space<vmem>> -> memref<1536xi32, #tpu.memory_space<vmem>>
            %dma_wait3A_495 = tpu.memref_slice %arg2[%mul3A_469] : memref<323072xi32, #tpu.memory_space<hbm>> -> memref<1536xi32, #tpu.memory_space<hbm>>
            %dma_wait3A_496 = tpu.memref_slice %arg8[%mul3A_489] : memref<3072xi32, #tpu.memory_space<vmem>> -> memref<1536xi32, #tpu.memory_space<vmem>>
            %dma_wait3A_497 = tpu.memref_slice %arg2[%mul3A_469] : memref<323072xi32, #tpu.memory_space<hbm>> -> memref<1536xi32, #tpu.memory_space<hbm>>
            tpu.wait_dma2 semaphore(%run_scoped3A : memref<!tpu.dma_semaphore, #tpu.memory_space<semaphore_mem>>) src(%dma_wait3A_497 : memref<1536xi32, #tpu.memory_space<hbm>>) dst(%dma_wait3A_496 : memref<1536xi32, #tpu.memory_space<vmem>>)
            tpu.yield
          }) : () -> ()
          "tpu.region"() ({
            %run_scoped3A = tpu.sem_alloc : memref<!tpu.dma_semaphore, #tpu.memory_space<semaphore_mem>>
            %dma_start3A_490 = tpu.memref_slice %arg9[%mul3A_489] : memref<3072xi32, #tpu.memory_space<vmem>> -> memref<1536xi32, #tpu.memory_space<vmem>>
            %dma_start3A_491 = tpu.memref_slice %arg3[%mul3A_469] : memref<323072xi32, #tpu.memory_space<hbm>> -> memref<1536xi32, #tpu.memory_space<hbm>>
            %dma_start3A_492 = tpu.memref_slice %arg9[%mul3A_489] : memref<3072xi32, #tpu.memory_space<vmem>> -> memref<1536xi32, #tpu.memory_space<vmem>>
            %dma_start3A_493 = tpu.memref_slice %arg3[%mul3A_469] : memref<323072xi32, #tpu.memory_space<hbm>> -> memref<1536xi32, #tpu.memory_space<hbm>>
            tpu.enqueue_dma source(%dma_start3A_493 : memref<1536xi32, #tpu.memory_space<hbm>>) target(%dma_start3A_492 : memref<1536xi32, #tpu.memory_space<vmem>>) target_semaphore(%run_scoped3A : memref<!tpu.dma_semaphore, #tpu.memory_space<semaphore_mem>>)
            %dma_wait3A_494 = tpu.memref_slice %arg9[%mul3A_489] : memref<3072xi32, #tpu.memory_space<vmem>> -> memref<1536xi32, #tpu.memory_space<vmem>>
            %dma_wait3A_495 = tpu.memref_slice %arg3[%mul3A_469] : memref<323072xi32, #tpu.memory_space<hbm>> -> memref<1536xi32, #tpu.memory_space<hbm>>
            %dma_wait3A_496 = tpu.memref_slice %arg9[%mul3A_489] : memref<3072xi32, #tpu.memory_space<vmem>> -> memref<1536xi32, #tpu.memory_space<vmem>>
            %dma_wait3A_497 = tpu.memref_slice %arg3[%mul3A_469] : memref<323072xi32, #tpu.memory_space<hbm>> -> memref<1536xi32, #tpu.memory_space<hbm>>
            tpu.wait_dma2 semaphore(%run_scoped3A : memref<!tpu.dma_semaphore, #tpu.memory_space<semaphore_mem>>) src(%dma_wait3A_497 : memref<1536xi32, #tpu.memory_space<hbm>>) dst(%dma_wait3A_496 : memref<1536xi32, #tpu.memory_space<vmem>>)
            tpu.yield
          }) : () -> ()
        } else {
        }
        %ge3A = arith.constant 1 : i32
        %ge3A_421 = arith.cmpi sge, %add3A_241, %ge3A : i32
        %convert_element_type3A_422 = arith.extui %ge3A_421 : i1 to i32
        %cond3A_423 = arith.constant 0 : i32
        %cond3A_424 = arith.cmpi ne, %convert_element_type3A_422, %cond3A_423 : i32
        scf.if %cond3A_424 {
          %dma_wait3A_437 = arith.constant 0 : i32
          %dma_wait3A_438 = arith.constant 0 : i32
          %dma_wait3A_439 = tpu.memref_slice %arg20[%dma_wait3A_437, %dma_wait3A_438] : memref<10240x128xf32, #tpu.memory_space<vmem_shared>> -> memref<64x128xf32, #tpu.memory_space<vmem_shared>>
          %dma_wait3A_440 = arith.constant 0 : i32
          %dma_wait3A_441 = arith.constant 0 : i32
          %dma_wait3A_442 = tpu.memref_slice %arg20[%dma_wait3A_440, %dma_wait3A_441] : memref<10240x128xf32, #tpu.memory_space<vmem_shared>> -> memref<64x128xf32, #tpu.memory_space<vmem_shared>>
          tpu.wait_dma2 semaphore(%arg28 : memref<!tpu.dma_semaphore, #tpu.memory_space<semaphore_mem>>) src(%arg12 : memref<64x128xf32, #tpu.memory_space<vmem>>) dst(%dma_wait3A_442 : memref<64x128xf32, #tpu.memory_space<vmem_shared>>)
        } else {
        }
        %add3A_425 = arith.constant 4 : i32
        %add3A_426 = arith.addi %add3A_241, %add3A_425 : i32
        %lt3A_427 = arith.cmpi slt, %add3A_426, %add3A_5 : i32
        %convert_element_type3A_428 = arith.extui %lt3A_427 : i1 to i32
        %cond3A_429 = arith.constant 0 : i32
        %cond3A_430 = arith.cmpi ne, %convert_element_type3A_428, %cond3A_429 : i32
        scf.if %cond3A_430 {
          %add3A_437 = arith.constant 4 : i32
          %add3A_438 = arith.addi %add3A_241, %add3A_437 : i32
          %jit3A_439 = arith.constant 24 : i32
          %div3A_440 = arith.divsi %add3A_438, %jit3A_439 : i32
          %sign3A_441 = arith.constant 0 : i32
          %sign3A_442 = arith.cmpi sgt, %add3A_438, %sign3A_441 : i32
          %sign3A_443 = arith.extui %sign3A_442 : i1 to i32
          %sign3A_444 = arith.constant 0 : i32
          %sign3A_445 = arith.cmpi slt, %add3A_438, %sign3A_444 : i32
          %sign3A_446 = arith.extui %sign3A_445 : i1 to i32
          %sign3A_447 = arith.subi %sign3A_443, %sign3A_446 : i32
          %sign3A_448 = arith.constant 0 : i32
          %sign3A_449 = arith.cmpi sgt, %jit3A_439, %sign3A_448 : i32
          %sign3A_450 = arith.extui %sign3A_449 : i1 to i32
          %sign3A_451 = arith.constant 0 : i32
          %sign3A_452 = arith.cmpi slt, %jit3A_439, %sign3A_451 : i32
          %sign3A_453 = arith.extui %sign3A_452 : i1 to i32
          %sign3A_454 = arith.subi %sign3A_450, %sign3A_453 : i32
          %ne3A_455 = arith.cmpi ne, %sign3A_447, %sign3A_454 : i32
          %rem3A_456 = arith.remsi %add3A_438, %jit3A_439 : i32
          %ne3A_457 = arith.constant 0 : i32
          %ne3A_458 = arith.cmpi ne, %rem3A_456, %ne3A_457 : i32
          %and3A_459 = arith.andi %ne3A_455, %ne3A_458 : i1
          %sub3A_460 = arith.constant 1 : i32
          %sub3A_461 = arith.subi %div3A_440, %sub3A_460 : i32
          %select_n3A_462 = arith.select %and3A_459, %sub3A_461, %div3A_440 : i32
          %jit3A_463 = arith.constant 2 : i32
          %eq3A_464 = arith.constant 0 : i32
          %eq3A_465 = arith.cmpi eq, %jit3A_463, %eq3A_464 : i32
          %jit3A_466 = arith.constant 1 : i32
          %select_n3A_467 = arith.select %eq3A_465, %jit3A_466, %jit3A_463 : i32
          %rem3A_468 = arith.remsi %select_n3A_462, %select_n3A_467 : i32
          %ne3A_469 = arith.constant 0 : i32
          %ne3A_470 = arith.cmpi ne, %rem3A_468, %ne3A_469 : i32
          %lt3A_471 = arith.constant 0 : i32
          %lt3A_472 = arith.cmpi slt, %rem3A_468, %lt3A_471 : i32
          %lt3A_473 = arith.constant 0 : i32
          %lt3A_474 = arith.cmpi slt, %select_n3A_467, %lt3A_473 : i32
          %ne3A_475 = arith.xori %lt3A_472, %lt3A_474 : i1
          %and3A_476 = arith.andi %ne3A_475, %ne3A_470 : i1
          %add3A_477 = arith.addi %rem3A_468, %select_n3A_467 : i32
          %select_n3A_478 = arith.select %and3A_476, %add3A_477, %rem3A_468 : i32
          %mul3A_479 = arith.constant 24 : i32
          %mul3A_480 = arith.muli %select_n3A_478, %mul3A_479 : i32
          %mul3A_481 = arith.constant 64 : i32
          %mul3A_482 = arith.muli %mul3A_480, %mul3A_481 : i32
          %jit3A_483 = arith.constant 24 : i32
          %eq3A_484 = arith.constant 0 : i32
          %eq3A_485 = arith.cmpi eq, %jit3A_483, %eq3A_484 : i32
          %jit3A_486 = arith.constant 1 : i32
          %select_n3A_487 = arith.select %eq3A_485, %jit3A_486, %jit3A_483 : i32
          %rem3A_488 = arith.remsi %add3A_438, %select_n3A_487 : i32
          %ne3A_489 = arith.constant 0 : i32
          %ne3A_490 = arith.cmpi ne, %rem3A_488, %ne3A_489 : i32
          %lt3A_491 = arith.constant 0 : i32
          %lt3A_492 = arith.cmpi slt, %rem3A_488, %lt3A_491 : i32
          %lt3A_493 = arith.constant 0 : i32
          %lt3A_494 = arith.cmpi slt, %select_n3A_487, %lt3A_493 : i32
          %ne3A_495 = arith.xori %lt3A_492, %lt3A_494 : i1
          %and3A_496 = arith.andi %ne3A_495, %ne3A_490 : i1
          %add3A_497 = arith.addi %rem3A_488, %select_n3A_487 : i32
          %select_n3A_498 = arith.select %and3A_496, %add3A_497, %rem3A_488 : i32
          %mul3A_499 = arith.constant 64 : i32
          %mul3A_500 = arith.muli %select_n3A_498, %mul3A_499 : i32
          %add3A_501 = arith.addi %mul3A_482, %mul3A_500 : i32
          %eq3A_502 = arith.constant 0 : i32
          %eq3A_503 = arith.cmpi eq, %arg0, %eq3A_502 : i32
          %convert_element_type3A_504 = arith.extui %eq3A_503 : i1 to i32
          %cond3A_505 = arith.constant 0 : i32
          %cond3A_506 = arith.cmpi ne, %convert_element_type3A_504, %cond3A_505 : i32
          scf.if %cond3A_506 {
            %dma_start3A_512 = tpu.memref_slice %arg8[%add3A_501] : memref<3072xi32, #tpu.memory_space<vmem>> -> memref<64xi32, #tpu.memory_space<vmem>>
            %dma_start3A_513 = arith.constant 0 : i32
            %dma_start3A_514 = arith.constant 0 : i32
            %dma_start3A_515 = tpu.memref_slice %arg4[%dma_start3A_513, %dma_start3A_514] : memref<10000x128xf32, #tpu.memory_space<hbm>> -> memref<10000x128xf32, #tpu.memory_space<hbm>>
            tpu.enqueue_indirect_dma source(%dma_start3A_515 : memref<10000x128xf32, #tpu.memory_space<hbm>>) target(%arg12 : memref<64x128xf32, #tpu.memory_space<vmem>>) offsets(%dma_start3A_512 : memref<64xi32, #tpu.memory_space<vmem>>) semaphore(%arg23 : memref<!tpu.dma_semaphore, #tpu.memory_space<semaphore_mem>>)
          } else {
          }
          %eq3A_507 = arith.constant 1 : i32
          %eq3A_508 = arith.cmpi eq, %arg0, %eq3A_507 : i32
          %convert_element_type3A_509 = arith.extui %eq3A_508 : i1 to i32
          %cond3A_510 = arith.constant 0 : i32
          %cond3A_511 = arith.cmpi ne, %convert_element_type3A_509, %cond3A_510 : i32
          scf.if %cond3A_511 {
            %dma_start3A_512 = tpu.memref_slice %arg8[%add3A_501] : memref<3072xi32, #tpu.memory_space<vmem>> -> memref<64xi32, #tpu.memory_space<vmem>>
            %dma_start3A_513 = arith.constant 0 : i32
            %dma_start3A_514 = arith.constant 0 : i32
            %dma_start3A_515 = tpu.memref_slice %arg5[%dma_start3A_513, %dma_start3A_514] : memref<10000x128xf32, #tpu.memory_space<hbm>> -> memref<10000x128xf32, #tpu.memory_space<hbm>>
            tpu.enqueue_indirect_dma source(%dma_start3A_515 : memref<10000x128xf32, #tpu.memory_space<hbm>>) target(%arg12 : memref<64x128xf32, #tpu.memory_space<vmem>>) offsets(%dma_start3A_512 : memref<64xi32, #tpu.memory_space<vmem>>) semaphore(%arg23 : memref<!tpu.dma_semaphore, #tpu.memory_space<semaphore_mem>>)
          } else {
          }
        } else {
        }
        %dma_start3A = arith.constant 0 : i32
        %dma_start3A_431 = arith.constant 0 : i32
        %dma_start3A_432 = tpu.memref_slice %arg18[%dma_start3A, %dma_start3A_431] : memref<1x64xi32, #tpu.memory_space<vmem>> -> memref<1x64xi32, #tpu.memory_space<vmem>>
        %dma_start3A_433 = tpu.memref_squeeze %dma_start3A_432 : memref<1x64xi32, #tpu.memory_space<vmem>> -> memref<64xi32, #tpu.memory_space<vmem>>
        %dma_start3A_434 = arith.constant 0 : i32
        %dma_start3A_435 = arith.constant 0 : i32
        %dma_start3A_436 = tpu.memref_slice %arg20[%dma_start3A_434, %dma_start3A_435] : memref<10240x128xf32, #tpu.memory_space<vmem_shared>> -> memref<10240x128xf32, #tpu.memory_space<vmem_shared>>
        tpu.enqueue_indirect_dma source(%arg13 : memref<64x128xf32, #tpu.memory_space<vmem>>) target(%dma_start3A_436 : memref<10240x128xf32, #tpu.memory_space<vmem_shared>>) offsets(%dma_start3A_433 : memref<64xi32, #tpu.memory_space<vmem>>) semaphore(%arg29 : memref<!tpu.dma_semaphore, #tpu.memory_space<semaphore_mem>>) {add = true}
      } else {
      }
      %mul3A_246 = arith.constant 5 : i32
      %mul3A_247 = arith.muli %while3A_213, %mul3A_246 : i32
      %add3A_248 = arith.constant 4 : i32
      %add3A_249 = arith.addi %mul3A_247, %add3A_248 : i32
      %lt3A_250 = arith.cmpi slt, %add3A_249, %add3A_5 : i32
      %convert_element_type3A_251 = arith.extui %lt3A_250 : i1 to i32
      %cond3A_252 = arith.constant 0 : i32
      %cond3A_253 = arith.cmpi ne, %convert_element_type3A_251, %cond3A_252 : i32
      scf.if %cond3A_253 {
        %dma_wait3A = arith.constant 0 : i32
        %dma_wait3A_254 = arith.constant 0 : i32
        %dma_wait3A_255 = tpu.memref_slice %arg4[%dma_wait3A, %dma_wait3A_254] : memref<10000x128xf32, #tpu.memory_space<hbm>> -> memref<64x128xf32, #tpu.memory_space<hbm>>
        %dma_wait3A_256 = arith.constant 0 : i32
        %dma_wait3A_257 = arith.constant 0 : i32
        %dma_wait3A_258 = tpu.memref_slice %arg4[%dma_wait3A_256, %dma_wait3A_257] : memref<10000x128xf32, #tpu.memory_space<hbm>> -> memref<64x128xf32, #tpu.memory_space<hbm>>
        tpu.wait_dma2 semaphore(%arg25 : memref<!tpu.dma_semaphore, #tpu.memory_space<semaphore_mem>>) src(%dma_wait3A_258 : memref<64x128xf32, #tpu.memory_space<hbm>>) dst(%arg14 : memref<64x128xf32, #tpu.memory_space<vmem>>)
        %jit3A_259 = arith.constant 24 : i32
        %div3A_260 = arith.divsi %add3A_249, %jit3A_259 : i32
        %sign3A_261 = arith.constant 0 : i32
        %sign3A_262 = arith.cmpi sgt, %add3A_249, %sign3A_261 : i32
        %sign3A_263 = arith.extui %sign3A_262 : i1 to i32
        %sign3A_264 = arith.constant 0 : i32
        %sign3A_265 = arith.cmpi slt, %add3A_249, %sign3A_264 : i32
        %sign3A_266 = arith.extui %sign3A_265 : i1 to i32
        %sign3A_267 = arith.subi %sign3A_263, %sign3A_266 : i32
        %sign3A_268 = arith.constant 0 : i32
        %sign3A_269 = arith.cmpi sgt, %jit3A_259, %sign3A_268 : i32
        %sign3A_270 = arith.extui %sign3A_269 : i1 to i32
        %sign3A_271 = arith.constant 0 : i32
        %sign3A_272 = arith.cmpi slt, %jit3A_259, %sign3A_271 : i32
        %sign3A_273 = arith.extui %sign3A_272 : i1 to i32
        %sign3A_274 = arith.subi %sign3A_270, %sign3A_273 : i32
        %ne3A_275 = arith.cmpi ne, %sign3A_267, %sign3A_274 : i32
        %rem3A_276 = arith.remsi %add3A_249, %jit3A_259 : i32
        %ne3A_277 = arith.constant 0 : i32
        %ne3A_278 = arith.cmpi ne, %rem3A_276, %ne3A_277 : i32
        %and3A_279 = arith.andi %ne3A_275, %ne3A_278 : i1
        %sub3A_280 = arith.constant 1 : i32
        %sub3A_281 = arith.subi %div3A_260, %sub3A_280 : i32
        %select_n3A_282 = arith.select %and3A_279, %sub3A_281, %div3A_260 : i32
        %jit3A_283 = arith.constant 2 : i32
        %eq3A_284 = arith.constant 0 : i32
        %eq3A_285 = arith.cmpi eq, %jit3A_283, %eq3A_284 : i32
        %jit3A_286 = arith.constant 1 : i32
        %select_n3A_287 = arith.select %eq3A_285, %jit3A_286, %jit3A_283 : i32
        %rem3A_288 = arith.remsi %select_n3A_282, %select_n3A_287 : i32
        %ne3A_289 = arith.constant 0 : i32
        %ne3A_290 = arith.cmpi ne, %rem3A_288, %ne3A_289 : i32
        %lt3A_291 = arith.constant 0 : i32
        %lt3A_292 = arith.cmpi slt, %rem3A_288, %lt3A_291 : i32
        %lt3A_293 = arith.constant 0 : i32
        %lt3A_294 = arith.cmpi slt, %select_n3A_287, %lt3A_293 : i32
        %ne3A_295 = arith.xori %lt3A_292, %lt3A_294 : i1
        %and3A_296 = arith.andi %ne3A_295, %ne3A_290 : i1
        %add3A_297 = arith.addi %rem3A_288, %select_n3A_287 : i32
        %select_n3A_298 = arith.select %and3A_296, %add3A_297, %rem3A_288 : i32
        %mul3A_299 = arith.constant 24 : i32
        %mul3A_300 = arith.muli %select_n3A_298, %mul3A_299 : i32
        %jit3A_301 = arith.constant 24 : i32
        %eq3A_302 = arith.constant 0 : i32
        %eq3A_303 = arith.cmpi eq, %jit3A_301, %eq3A_302 : i32
        %jit3A_304 = arith.constant 1 : i32
        %select_n3A_305 = arith.select %eq3A_303, %jit3A_304, %jit3A_301 : i32
        %rem3A_306 = arith.remsi %add3A_249, %select_n3A_305 : i32
        %ne3A_307 = arith.constant 0 : i32
        %ne3A_308 = arith.cmpi ne, %rem3A_306, %ne3A_307 : i32
        %lt3A_309 = arith.constant 0 : i32
        %lt3A_310 = arith.cmpi slt, %rem3A_306, %lt3A_309 : i32
        %lt3A_311 = arith.constant 0 : i32
        %lt3A_312 = arith.cmpi slt, %select_n3A_305, %lt3A_311 : i32
        %ne3A_313 = arith.xori %lt3A_310, %lt3A_312 : i1
        %and3A_314 = arith.andi %ne3A_313, %ne3A_308 : i1
        %add3A_315 = arith.addi %rem3A_306, %select_n3A_305 : i32
        %select_n3A_316 = arith.select %and3A_314, %add3A_315, %rem3A_306 : i32
        %add3A_317 = arith.addi %mul3A_300, %select_n3A_316 : i32
        %mul3A_318 = arith.constant 64 : i32
        %mul3A_319 = arith.muli %add3A_317, %mul3A_318 : i32
        %add3A_320 = arith.constant 0 : i32
        %add3A_321 = arith.addi %mul3A_319, %add3A_320 : i32
        %get3A = arith.index_cast %add3A_321 : i32 to index
        %get3A_322 = tpu.vector_load %arg8[%get3A] {strides = array<i32>} : memref<3072xi32, #tpu.memory_space<vmem>>, vector<16xi32>,
        %get3A_323 = vector.shape_cast %get3A_322 : vector<16xi32> to vector<16xi32>
        %add3A_324 = arith.constant 0 : i32
        %add3A_325 = arith.addi %mul3A_319, %add3A_324 : i32
        %get3A_326 = arith.index_cast %add3A_325 : i32 to index
        %get3A_327 = tpu.vector_load %arg9[%get3A_326] {strides = array<i32>} : memref<3072xi32, #tpu.memory_space<vmem>>, vector<16xi32>,
        %get3A_328 = vector.shape_cast %get3A_327 : vector<16xi32> to vector<16xi32>
        %eq3A_329 = arith.cmpi eq, %get3A_323, %get3A_328 : vector<16xi32>
        %select_n3A_330 = arith.select %eq3A_329, %broadcast_in_dim3A_39, %get3A_328 : vector<16xi1>, vector<16xi32>
        %swap3A = arith.constant 0 : i32
        %swap3A_331 = arith.index_cast %swap3A : i32 to index
        %swap3A_332 = arith.constant 0 : index
        %swap3A_333 = tpu.vector_load %arg19[%swap3A_331, %swap3A_332] {strides = array<i32>} : memref<1x64xi32, #tpu.memory_space<vmem>>, vector<1x16xi32>,
        %swap3A_334 = vector.shape_cast %swap3A_333 : vector<1x16xi32> to vector<16xi32>
        %swap3A_335 = vector.shape_cast %select_n3A_330 : vector<16xi32> to vector<1x16xi32>
        tpu.vector_store %arg19[%swap3A_331, %swap3A_332], %swap3A_335 {strides = array<i32>} : memref<1x64xi32, #tpu.memory_space<vmem>>, vector<1x16xi32>,
        %add3A_336 = arith.constant 16 : i32
        %add3A_337 = arith.addi %mul3A_319, %add3A_336 : i32
        %get3A_338 = arith.index_cast %add3A_337 : i32 to index
        %get3A_339 = tpu.vector_load %arg8[%get3A_338] {strides = array<i32>} : memref<3072xi32, #tpu.memory_space<vmem>>, vector<16xi32>,
        %get3A_340 = vector.shape_cast %get3A_339 : vector<16xi32> to vector<16xi32>
        %add3A_341 = arith.constant 16 : i32
        %add3A_342 = arith.addi %mul3A_319, %add3A_341 : i32
        %get3A_343 = arith.index_cast %add3A_342 : i32 to index
        %get3A_344 = tpu.vector_load %arg9[%get3A_343] {strides = array<i32>} : memref<3072xi32, #tpu.memory_space<vmem>>, vector<16xi32>,
        %get3A_345 = vector.shape_cast %get3A_344 : vector<16xi32> to vector<16xi32>
        %eq3A_346 = arith.cmpi eq, %get3A_340, %get3A_345 : vector<16xi32>
        %select_n3A_347 = arith.select %eq3A_346, %broadcast_in_dim3A_39, %get3A_345 : vector<16xi1>, vector<16xi32>
        %swap3A_348 = arith.constant 0 : i32
        %swap3A_349 = arith.index_cast %swap3A_348 : i32 to index
        %swap3A_350 = arith.constant 16 : index
        %swap3A_351 = tpu.vector_load %arg19[%swap3A_349, %swap3A_350] {strides = array<i32>} : memref<1x64xi32, #tpu.memory_space<vmem>>, vector<1x16xi32>,
        %swap3A_352 = vector.shape_cast %swap3A_351 : vector<1x16xi32> to vector<16xi32>
        %swap3A_353 = vector.shape_cast %select_n3A_347 : vector<16xi32> to vector<1x16xi32>
        tpu.vector_store %arg19[%swap3A_349, %swap3A_350], %swap3A_353 {strides = array<i32>} : memref<1x64xi32, #tpu.memory_space<vmem>>, vector<1x16xi32>,
        %add3A_354 = arith.constant 32 : i32
        %add3A_355 = arith.addi %mul3A_319, %add3A_354 : i32
        %get3A_356 = arith.index_cast %add3A_355 : i32 to index
        %get3A_357 = tpu.vector_load %arg8[%get3A_356] {strides = array<i32>} : memref<3072xi32, #tpu.memory_space<vmem>>, vector<16xi32>,
        %get3A_358 = vector.shape_cast %get3A_357 : vector<16xi32> to vector<16xi32>
        %add3A_359 = arith.constant 32 : i32
        %add3A_360 = arith.addi %mul3A_319, %add3A_359 : i32
        %get3A_361 = arith.index_cast %add3A_360 : i32 to index
        %get3A_362 = tpu.vector_load %arg9[%get3A_361] {strides = array<i32>} : memref<3072xi32, #tpu.memory_space<vmem>>, vector<16xi32>,
        %get3A_363 = vector.shape_cast %get3A_362 : vector<16xi32> to vector<16xi32>
        %eq3A_364 = arith.cmpi eq, %get3A_358, %get3A_363 : vector<16xi32>
        %select_n3A_365 = arith.select %eq3A_364, %broadcast_in_dim3A_39, %get3A_363 : vector<16xi1>, vector<16xi32>
        %swap3A_366 = arith.constant 0 : i32
        %swap3A_367 = arith.index_cast %swap3A_366 : i32 to index
        %swap3A_368 = arith.constant 32 : index
        %swap3A_369 = tpu.vector_load %arg19[%swap3A_367, %swap3A_368] {strides = array<i32>} : memref<1x64xi32, #tpu.memory_space<vmem>>, vector<1x16xi32>,
        %swap3A_370 = vector.shape_cast %swap3A_369 : vector<1x16xi32> to vector<16xi32>
        %swap3A_371 = vector.shape_cast %select_n3A_365 : vector<16xi32> to vector<1x16xi32>
        tpu.vector_store %arg19[%swap3A_367, %swap3A_368], %swap3A_371 {strides = array<i32>} : memref<1x64xi32, #tpu.memory_space<vmem>>, vector<1x16xi32>,
        %add3A_372 = arith.constant 48 : i32
        %add3A_373 = arith.addi %mul3A_319, %add3A_372 : i32
        %get3A_374 = arith.index_cast %add3A_373 : i32 to index
        %get3A_375 = tpu.vector_load %arg8[%get3A_374] {strides = array<i32>} : memref<3072xi32, #tpu.memory_space<vmem>>, vector<16xi32>,
        %get3A_376 = vector.shape_cast %get3A_375 : vector<16xi32> to vector<16xi32>
        %add3A_377 = arith.constant 48 : i32
        %add3A_378 = arith.addi %mul3A_319, %add3A_377 : i32
        %get3A_379 = arith.index_cast %add3A_378 : i32 to index
        %get3A_380 = tpu.vector_load %arg9[%get3A_379] {strides = array<i32>} : memref<3072xi32, #tpu.memory_space<vmem>>, vector<16xi32>,
        %get3A_381 = vector.shape_cast %get3A_380 : vector<16xi32> to vector<16xi32>
        %eq3A_382 = arith.cmpi eq, %get3A_376, %get3A_381 : vector<16xi32>
        %select_n3A_383 = arith.select %eq3A_382, %broadcast_in_dim3A_39, %get3A_381 : vector<16xi1>, vector<16xi32>
        %swap3A_384 = arith.constant 0 : i32
        %swap3A_385 = arith.index_cast %swap3A_384 : i32 to index
        %swap3A_386 = arith.constant 48 : index
        %swap3A_387 = tpu.vector_load %arg19[%swap3A_385, %swap3A_386] {strides = array<i32>} : memref<1x64xi32, #tpu.memory_space<vmem>>, vector<1x16xi32>,
        %swap3A_388 = vector.shape_cast %swap3A_387 : vector<1x16xi32> to vector<16xi32>
        %swap3A_389 = vector.shape_cast %select_n3A_383 : vector<16xi32> to vector<1x16xi32>
        tpu.vector_store %arg19[%swap3A_385, %swap3A_386], %swap3A_389 {strides = array<i32>} : memref<1x64xi32, #tpu.memory_space<vmem>>, vector<1x16xi32>,
        %add3A_390 = arith.constant 4 : i32
        %add3A_391 = arith.addi %add3A_249, %add3A_390 : i32
        %add3A_392 = arith.constant 1 : i32
        %add3A_393 = arith.addi %add3A_391, %add3A_392 : i32
        %jit3A_394 = arith.constant 24 : i32
        %eq3A_395 = arith.constant 0 : i32
        %eq3A_396 = arith.cmpi eq, %jit3A_394, %eq3A_395 : i32
        %jit3A_397 = arith.constant 1 : i32
        %select_n3A_398 = arith.select %eq3A_396, %jit3A_397, %jit3A_394 : i32
        %rem3A_399 = arith.remsi %add3A_393, %select_n3A_398 : i32
        %ne3A_400 = arith.constant 0 : i32
        %ne3A_401 = arith.cmpi ne, %rem3A_399, %ne3A_400 : i32
        %lt3A_402 = arith.constant 0 : i32
        %lt3A_403 = arith.cmpi slt, %rem3A_399, %lt3A_402 : i32
        %lt3A_404 = arith.constant 0 : i32
        %lt3A_405 = arith.cmpi slt, %select_n3A_398, %lt3A_404 : i32
        %ne3A_406 = arith.xori %lt3A_403, %lt3A_405 : i1
        %and3A_407 = arith.andi %ne3A_406, %ne3A_401 : i1
        %add3A_408 = arith.addi %rem3A_399, %select_n3A_398 : i32
        %select_n3A_409 = arith.select %and3A_407, %add3A_408, %rem3A_399 : i32
        %eq3A_410 = arith.constant 0 : i32
        %eq3A_411 = arith.cmpi eq, %select_n3A_409, %eq3A_410 : i32
        %add3A_412 = arith.constant 4 : i32
        %add3A_413 = arith.addi %add3A_249, %add3A_412 : i32
        %add3A_414 = arith.constant 1 : i32
        %add3A_415 = arith.addi %add3A_413, %add3A_414 : i32
        %lt3A_416 = arith.cmpi slt, %add3A_415, %add3A_5 : i32
        %and3A_417 = arith.andi %eq3A_411, %lt3A_416 : i1
        %convert_element_type3A_418 = arith.extui %and3A_417 : i1 to i32
        %cond3A_419 = arith.constant 0 : i32
        %cond3A_420 = arith.cmpi ne, %convert_element_type3A_418, %cond3A_419 : i32
        scf.if %cond3A_420 {
          %add3A_437 = arith.constant 4 : i32
          %add3A_438 = arith.addi %add3A_249, %add3A_437 : i32
          %add3A_439 = arith.constant 1 : i32
          %add3A_440 = arith.addi %add3A_438, %add3A_439 : i32
          %jit3A_441 = arith.constant 24 : i32
          %div3A_442 = arith.divsi %add3A_440, %jit3A_441 : i32
          %sign3A_443 = arith.constant 0 : i32
          %sign3A_444 = arith.cmpi sgt, %add3A_440, %sign3A_443 : i32
          %sign3A_445 = arith.extui %sign3A_444 : i1 to i32
          %sign3A_446 = arith.constant 0 : i32
          %sign3A_447 = arith.cmpi slt, %add3A_440, %sign3A_446 : i32
          %sign3A_448 = arith.extui %sign3A_447 : i1 to i32
          %sign3A_449 = arith.subi %sign3A_445, %sign3A_448 : i32
          %sign3A_450 = arith.constant 0 : i32
          %sign3A_451 = arith.cmpi sgt, %jit3A_441, %sign3A_450 : i32
          %sign3A_452 = arith.extui %sign3A_451 : i1 to i32
          %sign3A_453 = arith.constant 0 : i32
          %sign3A_454 = arith.cmpi slt, %jit3A_441, %sign3A_453 : i32
          %sign3A_455 = arith.extui %sign3A_454 : i1 to i32
          %sign3A_456 = arith.subi %sign3A_452, %sign3A_455 : i32
          %ne3A_457 = arith.cmpi ne, %sign3A_449, %sign3A_456 : i32
          %rem3A_458 = arith.remsi %add3A_440, %jit3A_441 : i32
          %ne3A_459 = arith.constant 0 : i32
          %ne3A_460 = arith.cmpi ne, %rem3A_458, %ne3A_459 : i32
          %and3A_461 = arith.andi %ne3A_457, %ne3A_460 : i1
          %sub3A_462 = arith.constant 1 : i32
          %sub3A_463 = arith.subi %div3A_442, %sub3A_462 : i32
          %select_n3A_464 = arith.select %and3A_461, %sub3A_463, %div3A_442 : i32
          %mul3A_465 = arith.constant 24 : i32
          %mul3A_466 = arith.muli %select_n3A_464, %mul3A_465 : i32
          %add3A_467 = arith.addi %add3A, %mul3A_466 : i32
          %mul3A_468 = arith.constant 64 : i32
          %mul3A_469 = arith.muli %add3A_467, %mul3A_468 : i32
          %jit3A_470 = arith.constant 2 : i32
          %eq3A_471 = arith.constant 0 : i32
          %eq3A_472 = arith.cmpi eq, %jit3A_470, %eq3A_471 : i32
          %jit3A_473 = arith.constant 1 : i32
          %select_n3A_474 = arith.select %eq3A_472, %jit3A_473, %jit3A_470 : i32
          %rem3A_475 = arith.remsi %select_n3A_464, %select_n3A_474 : i32
          %ne3A_476 = arith.constant 0 : i32
          %ne3A_477 = arith.cmpi ne, %rem3A_475, %ne3A_476 : i32
          %lt3A_478 = arith.constant 0 : i32
          %lt3A_479 = arith.cmpi slt, %rem3A_475, %lt3A_478 : i32
          %lt3A_480 = arith.constant 0 : i32
          %lt3A_481 = arith.cmpi slt, %select_n3A_474, %lt3A_480 : i32
          %ne3A_482 = arith.xori %lt3A_479, %lt3A_481 : i1
          %and3A_483 = arith.andi %ne3A_482, %ne3A_477 : i1
          %add3A_484 = arith.addi %rem3A_475, %select_n3A_474 : i32
          %select_n3A_485 = arith.select %and3A_483, %add3A_484, %rem3A_475 : i32
          %mul3A_486 = arith.constant 24 : i32
          %mul3A_487 = arith.muli %select_n3A_485, %mul3A_486 : i32
          %mul3A_488 = arith.constant 64 : i32
          %mul3A_489 = arith.muli %mul3A_487, %mul3A_488 : i32
          "tpu.region"() ({
            %run_scoped3A = tpu.sem_alloc : memref<!tpu.dma_semaphore, #tpu.memory_space<semaphore_mem>>
            %dma_start3A_490 = tpu.memref_slice %arg8[%mul3A_489] : memref<3072xi32, #tpu.memory_space<vmem>> -> memref<1536xi32, #tpu.memory_space<vmem>>
            %dma_start3A_491 = tpu.memref_slice %arg2[%mul3A_469] : memref<323072xi32, #tpu.memory_space<hbm>> -> memref<1536xi32, #tpu.memory_space<hbm>>
            %dma_start3A_492 = tpu.memref_slice %arg8[%mul3A_489] : memref<3072xi32, #tpu.memory_space<vmem>> -> memref<1536xi32, #tpu.memory_space<vmem>>
            %dma_start3A_493 = tpu.memref_slice %arg2[%mul3A_469] : memref<323072xi32, #tpu.memory_space<hbm>> -> memref<1536xi32, #tpu.memory_space<hbm>>
            tpu.enqueue_dma source(%dma_start3A_493 : memref<1536xi32, #tpu.memory_space<hbm>>) target(%dma_start3A_492 : memref<1536xi32, #tpu.memory_space<vmem>>) target_semaphore(%run_scoped3A : memref<!tpu.dma_semaphore, #tpu.memory_space<semaphore_mem>>)
            %dma_wait3A_494 = tpu.memref_slice %arg8[%mul3A_489] : memref<3072xi32, #tpu.memory_space<vmem>> -> memref<1536xi32, #tpu.memory_space<vmem>>
            %dma_wait3A_495 = tpu.memref_slice %arg2[%mul3A_469] : memref<323072xi32, #tpu.memory_space<hbm>> -> memref<1536xi32, #tpu.memory_space<hbm>>
            %dma_wait3A_496 = tpu.memref_slice %arg8[%mul3A_489] : memref<3072xi32, #tpu.memory_space<vmem>> -> memref<1536xi32, #tpu.memory_space<vmem>>
            %dma_wait3A_497 = tpu.memref_slice %arg2[%mul3A_469] : memref<323072xi32, #tpu.memory_space<hbm>> -> memref<1536xi32, #tpu.memory_space<hbm>>
            tpu.wait_dma2 semaphore(%run_scoped3A : memref<!tpu.dma_semaphore, #tpu.memory_space<semaphore_mem>>) src(%dma_wait3A_497 : memref<1536xi32, #tpu.memory_space<hbm>>) dst(%dma_wait3A_496 : memref<1536xi32, #tpu.memory_space<vmem>>)
            tpu.yield
          }) : () -> ()
          "tpu.region"() ({
            %run_scoped3A = tpu.sem_alloc : memref<!tpu.dma_semaphore, #tpu.memory_space<semaphore_mem>>
            %dma_start3A_490 = tpu.memref_slice %arg9[%mul3A_489] : memref<3072xi32, #tpu.memory_space<vmem>> -> memref<1536xi32, #tpu.memory_space<vmem>>
            %dma_start3A_491 = tpu.memref_slice %arg3[%mul3A_469] : memref<323072xi32, #tpu.memory_space<hbm>> -> memref<1536xi32, #tpu.memory_space<hbm>>
            %dma_start3A_492 = tpu.memref_slice %arg9[%mul3A_489] : memref<3072xi32, #tpu.memory_space<vmem>> -> memref<1536xi32, #tpu.memory_space<vmem>>
            %dma_start3A_493 = tpu.memref_slice %arg3[%mul3A_469] : memref<323072xi32, #tpu.memory_space<hbm>> -> memref<1536xi32, #tpu.memory_space<hbm>>
            tpu.enqueue_dma source(%dma_start3A_493 : memref<1536xi32, #tpu.memory_space<hbm>>) target(%dma_start3A_492 : memref<1536xi32, #tpu.memory_space<vmem>>) target_semaphore(%run_scoped3A : memref<!tpu.dma_semaphore, #tpu.memory_space<semaphore_mem>>)
            %dma_wait3A_494 = tpu.memref_slice %arg9[%mul3A_489] : memref<3072xi32, #tpu.memory_space<vmem>> -> memref<1536xi32, #tpu.memory_space<vmem>>
            %dma_wait3A_495 = tpu.memref_slice %arg3[%mul3A_469] : memref<323072xi32, #tpu.memory_space<hbm>> -> memref<1536xi32, #tpu.memory_space<hbm>>
            %dma_wait3A_496 = tpu.memref_slice %arg9[%mul3A_489] : memref<3072xi32, #tpu.memory_space<vmem>> -> memref<1536xi32, #tpu.memory_space<vmem>>
            %dma_wait3A_497 = tpu.memref_slice %arg3[%mul3A_469] : memref<323072xi32, #tpu.memory_space<hbm>> -> memref<1536xi32, #tpu.memory_space<hbm>>
            tpu.wait_dma2 semaphore(%run_scoped3A : memref<!tpu.dma_semaphore, #tpu.memory_space<semaphore_mem>>) src(%dma_wait3A_497 : memref<1536xi32, #tpu.memory_space<hbm>>) dst(%dma_wait3A_496 : memref<1536xi32, #tpu.memory_space<vmem>>)
            tpu.yield
          }) : () -> ()
        } else {
        }
        %ge3A = arith.constant 1 : i32
        %ge3A_421 = arith.cmpi sge, %add3A_249, %ge3A : i32
        %convert_element_type3A_422 = arith.extui %ge3A_421 : i1 to i32
        %cond3A_423 = arith.constant 0 : i32
        %cond3A_424 = arith.cmpi ne, %convert_element_type3A_422, %cond3A_423 : i32
        scf.if %cond3A_424 {
          %dma_wait3A_437 = arith.constant 0 : i32
          %dma_wait3A_438 = arith.constant 0 : i32
          %dma_wait3A_439 = tpu.memref_slice %arg20[%dma_wait3A_437, %dma_wait3A_438] : memref<10240x128xf32, #tpu.memory_space<vmem_shared>> -> memref<64x128xf32, #tpu.memory_space<vmem_shared>>
          %dma_wait3A_440 = arith.constant 0 : i32
          %dma_wait3A_441 = arith.constant 0 : i32
          %dma_wait3A_442 = tpu.memref_slice %arg20[%dma_wait3A_440, %dma_wait3A_441] : memref<10240x128xf32, #tpu.memory_space<vmem_shared>> -> memref<64x128xf32, #tpu.memory_space<vmem_shared>>
          tpu.wait_dma2 semaphore(%arg29 : memref<!tpu.dma_semaphore, #tpu.memory_space<semaphore_mem>>) src(%arg13 : memref<64x128xf32, #tpu.memory_space<vmem>>) dst(%dma_wait3A_442 : memref<64x128xf32, #tpu.memory_space<vmem_shared>>)
        } else {
        }
        %add3A_425 = arith.constant 4 : i32
        %add3A_426 = arith.addi %add3A_249, %add3A_425 : i32
        %lt3A_427 = arith.cmpi slt, %add3A_426, %add3A_5 : i32
        %convert_element_type3A_428 = arith.extui %lt3A_427 : i1 to i32
        %cond3A_429 = arith.constant 0 : i32
        %cond3A_430 = arith.cmpi ne, %convert_element_type3A_428, %cond3A_429 : i32
        scf.if %cond3A_430 {
          %add3A_437 = arith.constant 4 : i32
          %add3A_438 = arith.addi %add3A_249, %add3A_437 : i32
          %jit3A_439 = arith.constant 24 : i32
          %div3A_440 = arith.divsi %add3A_438, %jit3A_439 : i32
          %sign3A_441 = arith.constant 0 : i32
          %sign3A_442 = arith.cmpi sgt, %add3A_438, %sign3A_441 : i32
          %sign3A_443 = arith.extui %sign3A_442 : i1 to i32
          %sign3A_444 = arith.constant 0 : i32
          %sign3A_445 = arith.cmpi slt, %add3A_438, %sign3A_444 : i32
          %sign3A_446 = arith.extui %sign3A_445 : i1 to i32
          %sign3A_447 = arith.subi %sign3A_443, %sign3A_446 : i32
          %sign3A_448 = arith.constant 0 : i32
          %sign3A_449 = arith.cmpi sgt, %jit3A_439, %sign3A_448 : i32
          %sign3A_450 = arith.extui %sign3A_449 : i1 to i32
          %sign3A_451 = arith.constant 0 : i32
          %sign3A_452 = arith.cmpi slt, %jit3A_439, %sign3A_451 : i32
          %sign3A_453 = arith.extui %sign3A_452 : i1 to i32
          %sign3A_454 = arith.subi %sign3A_450, %sign3A_453 : i32
          %ne3A_455 = arith.cmpi ne, %sign3A_447, %sign3A_454 : i32
          %rem3A_456 = arith.remsi %add3A_438, %jit3A_439 : i32
          %ne3A_457 = arith.constant 0 : i32
          %ne3A_458 = arith.cmpi ne, %rem3A_456, %ne3A_457 : i32
          %and3A_459 = arith.andi %ne3A_455, %ne3A_458 : i1
          %sub3A_460 = arith.constant 1 : i32
          %sub3A_461 = arith.subi %div3A_440, %sub3A_460 : i32
          %select_n3A_462 = arith.select %and3A_459, %sub3A_461, %div3A_440 : i32
          %jit3A_463 = arith.constant 2 : i32
          %eq3A_464 = arith.constant 0 : i32
          %eq3A_465 = arith.cmpi eq, %jit3A_463, %eq3A_464 : i32
          %jit3A_466 = arith.constant 1 : i32
          %select_n3A_467 = arith.select %eq3A_465, %jit3A_466, %jit3A_463 : i32
          %rem3A_468 = arith.remsi %select_n3A_462, %select_n3A_467 : i32
          %ne3A_469 = arith.constant 0 : i32
          %ne3A_470 = arith.cmpi ne, %rem3A_468, %ne3A_469 : i32
          %lt3A_471 = arith.constant 0 : i32
          %lt3A_472 = arith.cmpi slt, %rem3A_468, %lt3A_471 : i32
          %lt3A_473 = arith.constant 0 : i32
          %lt3A_474 = arith.cmpi slt, %select_n3A_467, %lt3A_473 : i32
          %ne3A_475 = arith.xori %lt3A_472, %lt3A_474 : i1
          %and3A_476 = arith.andi %ne3A_475, %ne3A_470 : i1
          %add3A_477 = arith.addi %rem3A_468, %select_n3A_467 : i32
          %select_n3A_478 = arith.select %and3A_476, %add3A_477, %rem3A_468 : i32
          %mul3A_479 = arith.constant 24 : i32
          %mul3A_480 = arith.muli %select_n3A_478, %mul3A_479 : i32
          %mul3A_481 = arith.constant 64 : i32
          %mul3A_482 = arith.muli %mul3A_480, %mul3A_481 : i32
          %jit3A_483 = arith.constant 24 : i32
          %eq3A_484 = arith.constant 0 : i32
          %eq3A_485 = arith.cmpi eq, %jit3A_483, %eq3A_484 : i32
          %jit3A_486 = arith.constant 1 : i32
          %select_n3A_487 = arith.select %eq3A_485, %jit3A_486, %jit3A_483 : i32
          %rem3A_488 = arith.remsi %add3A_438, %select_n3A_487 : i32
          %ne3A_489 = arith.constant 0 : i32
          %ne3A_490 = arith.cmpi ne, %rem3A_488, %ne3A_489 : i32
          %lt3A_491 = arith.constant 0 : i32
          %lt3A_492 = arith.cmpi slt, %rem3A_488, %lt3A_491 : i32
          %lt3A_493 = arith.constant 0 : i32
          %lt3A_494 = arith.cmpi slt, %select_n3A_487, %lt3A_493 : i32
          %ne3A_495 = arith.xori %lt3A_492, %lt3A_494 : i1
          %and3A_496 = arith.andi %ne3A_495, %ne3A_490 : i1
          %add3A_497 = arith.addi %rem3A_488, %select_n3A_487 : i32
          %select_n3A_498 = arith.select %and3A_496, %add3A_497, %rem3A_488 : i32
          %mul3A_499 = arith.constant 64 : i32
          %mul3A_500 = arith.muli %select_n3A_498, %mul3A_499 : i32
          %add3A_501 = arith.addi %mul3A_482, %mul3A_500 : i32
          %eq3A_502 = arith.constant 0 : i32
          %eq3A_503 = arith.cmpi eq, %arg0, %eq3A_502 : i32
          %convert_element_type3A_504 = arith.extui %eq3A_503 : i1 to i32
          %cond3A_505 = arith.constant 0 : i32
          %cond3A_506 = arith.cmpi ne, %convert_element_type3A_504, %cond3A_505 : i32
          scf.if %cond3A_506 {
            %dma_start3A_512 = tpu.memref_slice %arg8[%add3A_501] : memref<3072xi32, #tpu.memory_space<vmem>> -> memref<64xi32, #tpu.memory_space<vmem>>
            %dma_start3A_513 = arith.constant 0 : i32
            %dma_start3A_514 = arith.constant 0 : i32
            %dma_start3A_515 = tpu.memref_slice %arg4[%dma_start3A_513, %dma_start3A_514] : memref<10000x128xf32, #tpu.memory_space<hbm>> -> memref<10000x128xf32, #tpu.memory_space<hbm>>
            tpu.enqueue_indirect_dma source(%dma_start3A_515 : memref<10000x128xf32, #tpu.memory_space<hbm>>) target(%arg13 : memref<64x128xf32, #tpu.memory_space<vmem>>) offsets(%dma_start3A_512 : memref<64xi32, #tpu.memory_space<vmem>>) semaphore(%arg24 : memref<!tpu.dma_semaphore, #tpu.memory_space<semaphore_mem>>)
          } else {
          }
          %eq3A_507 = arith.constant 1 : i32
          %eq3A_508 = arith.cmpi eq, %arg0, %eq3A_507 : i32
          %convert_element_type3A_509 = arith.extui %eq3A_508 : i1 to i32
          %cond3A_510 = arith.constant 0 : i32
          %cond3A_511 = arith.cmpi ne, %convert_element_type3A_509, %cond3A_510 : i32
          scf.if %cond3A_511 {
            %dma_start3A_512 = tpu.memref_slice %arg8[%add3A_501] : memref<3072xi32, #tpu.memory_space<vmem>> -> memref<64xi32, #tpu.memory_space<vmem>>
            %dma_start3A_513 = arith.constant 0 : i32
            %dma_start3A_514 = arith.constant 0 : i32
            %dma_start3A_515 = tpu.memref_slice %arg5[%dma_start3A_513, %dma_start3A_514] : memref<10000x128xf32, #tpu.memory_space<hbm>> -> memref<10000x128xf32, #tpu.memory_space<hbm>>
            tpu.enqueue_indirect_dma source(%dma_start3A_515 : memref<10000x128xf32, #tpu.memory_space<hbm>>) target(%arg13 : memref<64x128xf32, #tpu.memory_space<vmem>>) offsets(%dma_start3A_512 : memref<64xi32, #tpu.memory_space<vmem>>) semaphore(%arg24 : memref<!tpu.dma_semaphore, #tpu.memory_space<semaphore_mem>>)
          } else {
          }
        } else {
        }
        %dma_start3A = arith.constant 0 : i32
        %dma_start3A_431 = arith.constant 0 : i32
        %dma_start3A_432 = tpu.memref_slice %arg19[%dma_start3A, %dma_start3A_431] : memref<1x64xi32, #tpu.memory_space<vmem>> -> memref<1x64xi32, #tpu.memory_space<vmem>>
        %dma_start3A_433 = tpu.memref_squeeze %dma_start3A_432 : memref<1x64xi32, #tpu.memory_space<vmem>> -> memref<64xi32, #tpu.memory_space<vmem>>
        %dma_start3A_434 = arith.constant 0 : i32
        %dma_start3A_435 = arith.constant 0 : i32
        %dma_start3A_436 = tpu.memref_slice %arg20[%dma_start3A_434, %dma_start3A_435] : memref<10240x128xf32, #tpu.memory_space<vmem_shared>> -> memref<10240x128xf32, #tpu.memory_space<vmem_shared>>
        tpu.enqueue_indirect_dma source(%arg14 : memref<64x128xf32, #tpu.memory_space<vmem>>) target(%dma_start3A_436 : memref<10240x128xf32, #tpu.memory_space<vmem_shared>>) offsets(%dma_start3A_433 : memref<64xi32, #tpu.memory_space<vmem>>) semaphore(%arg30 : memref<!tpu.dma_semaphore, #tpu.memory_space<semaphore_mem>>) {add = true}
      } else {
      }
    }
    %while3A_87 = arith.constant 1 : i32
    scf.for %while3A_213 = %while3A_85 to %while3A_81 step %while3A_87  : i32 {
      %mul3A_214 = arith.constant 5 : i32
      %mul3A_215 = arith.muli %while3A_213, %mul3A_214 : i32
      %add3A_216 = arith.constant 0 : i32
      %add3A_217 = arith.addi %mul3A_215, %add3A_216 : i32
      %lt3A_218 = arith.cmpi slt, %add3A_217, %add3A_5 : i32
      %convert_element_type3A_219 = arith.extui %lt3A_218 : i1 to i32
      %cond3A_220 = arith.constant 0 : i32
      %cond3A_221 = arith.cmpi ne, %convert_element_type3A_219, %cond3A_220 : i32
      scf.if %cond3A_221 {
        %dma_wait3A = arith.constant 0 : i32
        %dma_wait3A_254 = arith.constant 0 : i32
        %dma_wait3A_255 = tpu.memref_slice %arg4[%dma_wait3A, %dma_wait3A_254] : memref<10000x128xf32, #tpu.memory_space<hbm>> -> memref<64x128xf32, #tpu.memory_space<hbm>>
        %dma_wait3A_256 = arith.constant 0 : i32
        %dma_wait3A_257 = arith.constant 0 : i32
        %dma_wait3A_258 = tpu.memref_slice %arg4[%dma_wait3A_256, %dma_wait3A_257] : memref<10000x128xf32, #tpu.memory_space<hbm>> -> memref<64x128xf32, #tpu.memory_space<hbm>>
        tpu.wait_dma2 semaphore(%arg21 : memref<!tpu.dma_semaphore, #tpu.memory_space<semaphore_mem>>) src(%dma_wait3A_258 : memref<64x128xf32, #tpu.memory_space<hbm>>) dst(%arg10 : memref<64x128xf32, #tpu.memory_space<vmem>>)
        %jit3A_259 = arith.constant 24 : i32
        %div3A_260 = arith.divsi %add3A_217, %jit3A_259 : i32
        %sign3A_261 = arith.constant 0 : i32
        %sign3A_262 = arith.cmpi sgt, %add3A_217, %sign3A_261 : i32
        %sign3A_263 = arith.extui %sign3A_262 : i1 to i32
        %sign3A_264 = arith.constant 0 : i32
        %sign3A_265 = arith.cmpi slt, %add3A_217, %sign3A_264 : i32
        %sign3A_266 = arith.extui %sign3A_265 : i1 to i32
        %sign3A_267 = arith.subi %sign3A_263, %sign3A_266 : i32
        %sign3A_268 = arith.constant 0 : i32
        %sign3A_269 = arith.cmpi sgt, %jit3A_259, %sign3A_268 : i32
        %sign3A_270 = arith.extui %sign3A_269 : i1 to i32
        %sign3A_271 = arith.constant 0 : i32
        %sign3A_272 = arith.cmpi slt, %jit3A_259, %sign3A_271 : i32
        %sign3A_273 = arith.extui %sign3A_272 : i1 to i32
        %sign3A_274 = arith.subi %sign3A_270, %sign3A_273 : i32
        %ne3A_275 = arith.cmpi ne, %sign3A_267, %sign3A_274 : i32
        %rem3A_276 = arith.remsi %add3A_217, %jit3A_259 : i32
        %ne3A_277 = arith.constant 0 : i32
        %ne3A_278 = arith.cmpi ne, %rem3A_276, %ne3A_277 : i32
        %and3A_279 = arith.andi %ne3A_275, %ne3A_278 : i1
        %sub3A_280 = arith.constant 1 : i32
        %sub3A_281 = arith.subi %div3A_260, %sub3A_280 : i32
        %select_n3A_282 = arith.select %and3A_279, %sub3A_281, %div3A_260 : i32
        %jit3A_283 = arith.constant 2 : i32
        %eq3A_284 = arith.constant 0 : i32
        %eq3A_285 = arith.cmpi eq, %jit3A_283, %eq3A_284 : i32
        %jit3A_286 = arith.constant 1 : i32
        %select_n3A_287 = arith.select %eq3A_285, %jit3A_286, %jit3A_283 : i32
        %rem3A_288 = arith.remsi %select_n3A_282, %select_n3A_287 : i32
        %ne3A_289 = arith.constant 0 : i32
        %ne3A_290 = arith.cmpi ne, %rem3A_288, %ne3A_289 : i32
        %lt3A_291 = arith.constant 0 : i32
        %lt3A_292 = arith.cmpi slt, %rem3A_288, %lt3A_291 : i32
        %lt3A_293 = arith.constant 0 : i32
        %lt3A_294 = arith.cmpi slt, %select_n3A_287, %lt3A_293 : i32
        %ne3A_295 = arith.xori %lt3A_292, %lt3A_294 : i1
        %and3A_296 = arith.andi %ne3A_295, %ne3A_290 : i1
        %add3A_297 = arith.addi %rem3A_288, %select_n3A_287 : i32
        %select_n3A_298 = arith.select %and3A_296, %add3A_297, %rem3A_288 : i32
        %mul3A_299 = arith.constant 24 : i32
        %mul3A_300 = arith.muli %select_n3A_298, %mul3A_299 : i32
        %jit3A_301 = arith.constant 24 : i32
        %eq3A_302 = arith.constant 0 : i32
        %eq3A_303 = arith.cmpi eq, %jit3A_301, %eq3A_302 : i32
        %jit3A_304 = arith.constant 1 : i32
        %select_n3A_305 = arith.select %eq3A_303, %jit3A_304, %jit3A_301 : i32
        %rem3A_306 = arith.remsi %add3A_217, %select_n3A_305 : i32
        %ne3A_307 = arith.constant 0 : i32
        %ne3A_308 = arith.cmpi ne, %rem3A_306, %ne3A_307 : i32
        %lt3A_309 = arith.constant 0 : i32
        %lt3A_310 = arith.cmpi slt, %rem3A_306, %lt3A_309 : i32
        %lt3A_311 = arith.constant 0 : i32
        %lt3A_312 = arith.cmpi slt, %select_n3A_305, %lt3A_311 : i32
        %ne3A_313 = arith.xori %lt3A_310, %lt3A_312 : i1
        %and3A_314 = arith.andi %ne3A_313, %ne3A_308 : i1
        %add3A_315 = arith.addi %rem3A_306, %select_n3A_305 : i32
        %select_n3A_316 = arith.select %and3A_314, %add3A_315, %rem3A_306 : i32
        %add3A_317 = arith.addi %mul3A_300, %select_n3A_316 : i32
        %mul3A_318 = arith.constant 64 : i32
        %mul3A_319 = arith.muli %add3A_317, %mul3A_318 : i32
        %add3A_320 = arith.constant 0 : i32
        %add3A_321 = arith.addi %mul3A_319, %add3A_320 : i32
        %get3A = arith.index_cast %add3A_321 : i32 to index
        %get3A_322 = tpu.vector_load %arg8[%get3A] {strides = array<i32>} : memref<3072xi32, #tpu.memory_space<vmem>>, vector<16xi32>,
        %get3A_323 = vector.shape_cast %get3A_322 : vector<16xi32> to vector<16xi32>
        %add3A_324 = arith.constant 0 : i32
        %add3A_325 = arith.addi %mul3A_319, %add3A_324 : i32
        %get3A_326 = arith.index_cast %add3A_325 : i32 to index
        %get3A_327 = tpu.vector_load %arg9[%get3A_326] {strides = array<i32>} : memref<3072xi32, #tpu.memory_space<vmem>>, vector<16xi32>,
        %get3A_328 = vector.shape_cast %get3A_327 : vector<16xi32> to vector<16xi32>
        %eq3A_329 = arith.cmpi eq, %get3A_323, %get3A_328 : vector<16xi32>
        %select_n3A_330 = arith.select %eq3A_329, %broadcast_in_dim3A_39, %get3A_328 : vector<16xi1>, vector<16xi32>
        %swap3A = arith.constant 0 : i32
        %swap3A_331 = arith.index_cast %swap3A : i32 to index
        %swap3A_332 = arith.constant 0 : index
        %swap3A_333 = tpu.vector_load %arg15[%swap3A_331, %swap3A_332] {strides = array<i32>} : memref<1x64xi32, #tpu.memory_space<vmem>>, vector<1x16xi32>,
        %swap3A_334 = vector.shape_cast %swap3A_333 : vector<1x16xi32> to vector<16xi32>
        %swap3A_335 = vector.shape_cast %select_n3A_330 : vector<16xi32> to vector<1x16xi32>
        tpu.vector_store %arg15[%swap3A_331, %swap3A_332], %swap3A_335 {strides = array<i32>} : memref<1x64xi32, #tpu.memory_space<vmem>>, vector<1x16xi32>,
        %add3A_336 = arith.constant 16 : i32
        %add3A_337 = arith.addi %mul3A_319, %add3A_336 : i32
        %get3A_338 = arith.index_cast %add3A_337 : i32 to index
        %get3A_339 = tpu.vector_load %arg8[%get3A_338] {strides = array<i32>} : memref<3072xi32, #tpu.memory_space<vmem>>, vector<16xi32>,
        %get3A_340 = vector.shape_cast %get3A_339 : vector<16xi32> to vector<16xi32>
        %add3A_341 = arith.constant 16 : i32
        %add3A_342 = arith.addi %mul3A_319, %add3A_341 : i32
        %get3A_343 = arith.index_cast %add3A_342 : i32 to index
        %get3A_344 = tpu.vector_load %arg9[%get3A_343] {strides = array<i32>} : memref<3072xi32, #tpu.memory_space<vmem>>, vector<16xi32>,
        %get3A_345 = vector.shape_cast %get3A_344 : vector<16xi32> to vector<16xi32>
        %eq3A_346 = arith.cmpi eq, %get3A_340, %get3A_345 : vector<16xi32>
        %select_n3A_347 = arith.select %eq3A_346, %broadcast_in_dim3A_39, %get3A_345 : vector<16xi1>, vector<16xi32>
        %swap3A_348 = arith.constant 0 : i32
        %swap3A_349 = arith.index_cast %swap3A_348 : i32 to index
        %swap3A_350 = arith.constant 16 : index
        %swap3A_351 = tpu.vector_load %arg15[%swap3A_349, %swap3A_350] {strides = array<i32>} : memref<1x64xi32, #tpu.memory_space<vmem>>, vector<1x16xi32>,
        %swap3A_352 = vector.shape_cast %swap3A_351 : vector<1x16xi32> to vector<16xi32>
        %swap3A_353 = vector.shape_cast %select_n3A_347 : vector<16xi32> to vector<1x16xi32>
        tpu.vector_store %arg15[%swap3A_349, %swap3A_350], %swap3A_353 {strides = array<i32>} : memref<1x64xi32, #tpu.memory_space<vmem>>, vector<1x16xi32>,
        %add3A_354 = arith.constant 32 : i32
        %add3A_355 = arith.addi %mul3A_319, %add3A_354 : i32
        %get3A_356 = arith.index_cast %add3A_355 : i32 to index
        %get3A_357 = tpu.vector_load %arg8[%get3A_356] {strides = array<i32>} : memref<3072xi32, #tpu.memory_space<vmem>>, vector<16xi32>,
        %get3A_358 = vector.shape_cast %get3A_357 : vector<16xi32> to vector<16xi32>
        %add3A_359 = arith.constant 32 : i32
        %add3A_360 = arith.addi %mul3A_319, %add3A_359 : i32
        %get3A_361 = arith.index_cast %add3A_360 : i32 to index
        %get3A_362 = tpu.vector_load %arg9[%get3A_361] {strides = array<i32>} : memref<3072xi32, #tpu.memory_space<vmem>>, vector<16xi32>,
        %get3A_363 = vector.shape_cast %get3A_362 : vector<16xi32> to vector<16xi32>
        %eq3A_364 = arith.cmpi eq, %get3A_358, %get3A_363 : vector<16xi32>
        %select_n3A_365 = arith.select %eq3A_364, %broadcast_in_dim3A_39, %get3A_363 : vector<16xi1>, vector<16xi32>
        %swap3A_366 = arith.constant 0 : i32
        %swap3A_367 = arith.index_cast %swap3A_366 : i32 to index
        %swap3A_368 = arith.constant 32 : index
        %swap3A_369 = tpu.vector_load %arg15[%swap3A_367, %swap3A_368] {strides = array<i32>} : memref<1x64xi32, #tpu.memory_space<vmem>>, vector<1x16xi32>,
        %swap3A_370 = vector.shape_cast %swap3A_369 : vector<1x16xi32> to vector<16xi32>
        %swap3A_371 = vector.shape_cast %select_n3A_365 : vector<16xi32> to vector<1x16xi32>
        tpu.vector_store %arg15[%swap3A_367, %swap3A_368], %swap3A_371 {strides = array<i32>} : memref<1x64xi32, #tpu.memory_space<vmem>>, vector<1x16xi32>,
        %add3A_372 = arith.constant 48 : i32
        %add3A_373 = arith.addi %mul3A_319, %add3A_372 : i32
        %get3A_374 = arith.index_cast %add3A_373 : i32 to index
        %get3A_375 = tpu.vector_load %arg8[%get3A_374] {strides = array<i32>} : memref<3072xi32, #tpu.memory_space<vmem>>, vector<16xi32>,
        %get3A_376 = vector.shape_cast %get3A_375 : vector<16xi32> to vector<16xi32>
        %add3A_377 = arith.constant 48 : i32
        %add3A_378 = arith.addi %mul3A_319, %add3A_377 : i32
        %get3A_379 = arith.index_cast %add3A_378 : i32 to index
        %get3A_380 = tpu.vector_load %arg9[%get3A_379] {strides = array<i32>} : memref<3072xi32, #tpu.memory_space<vmem>>, vector<16xi32>,
        %get3A_381 = vector.shape_cast %get3A_380 : vector<16xi32> to vector<16xi32>
        %eq3A_382 = arith.cmpi eq, %get3A_376, %get3A_381 : vector<16xi32>
        %select_n3A_383 = arith.select %eq3A_382, %broadcast_in_dim3A_39, %get3A_381 : vector<16xi1>, vector<16xi32>
        %swap3A_384 = arith.constant 0 : i32
        %swap3A_385 = arith.index_cast %swap3A_384 : i32 to index
        %swap3A_386 = arith.constant 48 : index
        %swap3A_387 = tpu.vector_load %arg15[%swap3A_385, %swap3A_386] {strides = array<i32>} : memref<1x64xi32, #tpu.memory_space<vmem>>, vector<1x16xi32>,
        %swap3A_388 = vector.shape_cast %swap3A_387 : vector<1x16xi32> to vector<16xi32>
        %swap3A_389 = vector.shape_cast %select_n3A_383 : vector<16xi32> to vector<1x16xi32>
        tpu.vector_store %arg15[%swap3A_385, %swap3A_386], %swap3A_389 {strides = array<i32>} : memref<1x64xi32, #tpu.memory_space<vmem>>, vector<1x16xi32>,
        %add3A_390 = arith.constant 4 : i32
        %add3A_391 = arith.addi %add3A_217, %add3A_390 : i32
        %add3A_392 = arith.constant 1 : i32
        %add3A_393 = arith.addi %add3A_391, %add3A_392 : i32
        %jit3A_394 = arith.constant 24 : i32
        %eq3A_395 = arith.constant 0 : i32
        %eq3A_396 = arith.cmpi eq, %jit3A_394, %eq3A_395 : i32
        %jit3A_397 = arith.constant 1 : i32
        %select_n3A_398 = arith.select %eq3A_396, %jit3A_397, %jit3A_394 : i32
        %rem3A_399 = arith.remsi %add3A_393, %select_n3A_398 : i32
        %ne3A_400 = arith.constant 0 : i32
        %ne3A_401 = arith.cmpi ne, %rem3A_399, %ne3A_400 : i32
        %lt3A_402 = arith.constant 0 : i32
        %lt3A_403 = arith.cmpi slt, %rem3A_399, %lt3A_402 : i32
        %lt3A_404 = arith.constant 0 : i32
        %lt3A_405 = arith.cmpi slt, %select_n3A_398, %lt3A_404 : i32
        %ne3A_406 = arith.xori %lt3A_403, %lt3A_405 : i1
        %and3A_407 = arith.andi %ne3A_406, %ne3A_401 : i1
        %add3A_408 = arith.addi %rem3A_399, %select_n3A_398 : i32
        %select_n3A_409 = arith.select %and3A_407, %add3A_408, %rem3A_399 : i32
        %eq3A_410 = arith.constant 0 : i32
        %eq3A_411 = arith.cmpi eq, %select_n3A_409, %eq3A_410 : i32
        %add3A_412 = arith.constant 4 : i32
        %add3A_413 = arith.addi %add3A_217, %add3A_412 : i32
        %add3A_414 = arith.constant 1 : i32
        %add3A_415 = arith.addi %add3A_413, %add3A_414 : i32
        %lt3A_416 = arith.cmpi slt, %add3A_415, %add3A_5 : i32
        %and3A_417 = arith.andi %eq3A_411, %lt3A_416 : i1
        %convert_element_type3A_418 = arith.extui %and3A_417 : i1 to i32
        %cond3A_419 = arith.constant 0 : i32
        %cond3A_420 = arith.cmpi ne, %convert_element_type3A_418, %cond3A_419 : i32
        scf.if %cond3A_420 {
          %add3A_437 = arith.constant 4 : i32
          %add3A_438 = arith.addi %add3A_217, %add3A_437 : i32
          %add3A_439 = arith.constant 1 : i32
          %add3A_440 = arith.addi %add3A_438, %add3A_439 : i32
          %jit3A_441 = arith.constant 24 : i32
          %div3A_442 = arith.divsi %add3A_440, %jit3A_441 : i32
          %sign3A_443 = arith.constant 0 : i32
          %sign3A_444 = arith.cmpi sgt, %add3A_440, %sign3A_443 : i32
          %sign3A_445 = arith.extui %sign3A_444 : i1 to i32
          %sign3A_446 = arith.constant 0 : i32
          %sign3A_447 = arith.cmpi slt, %add3A_440, %sign3A_446 : i32
          %sign3A_448 = arith.extui %sign3A_447 : i1 to i32
          %sign3A_449 = arith.subi %sign3A_445, %sign3A_448 : i32
          %sign3A_450 = arith.constant 0 : i32
          %sign3A_451 = arith.cmpi sgt, %jit3A_441, %sign3A_450 : i32
          %sign3A_452 = arith.extui %sign3A_451 : i1 to i32
          %sign3A_453 = arith.constant 0 : i32
          %sign3A_454 = arith.cmpi slt, %jit3A_441, %sign3A_453 : i32
          %sign3A_455 = arith.extui %sign3A_454 : i1 to i32
          %sign3A_456 = arith.subi %sign3A_452, %sign3A_455 : i32
          %ne3A_457 = arith.cmpi ne, %sign3A_449, %sign3A_456 : i32
          %rem3A_458 = arith.remsi %add3A_440, %jit3A_441 : i32
          %ne3A_459 = arith.constant 0 : i32
          %ne3A_460 = arith.cmpi ne, %rem3A_458, %ne3A_459 : i32
          %and3A_461 = arith.andi %ne3A_457, %ne3A_460 : i1
          %sub3A_462 = arith.constant 1 : i32
          %sub3A_463 = arith.subi %div3A_442, %sub3A_462 : i32
          %select_n3A_464 = arith.select %and3A_461, %sub3A_463, %div3A_442 : i32
          %mul3A_465 = arith.constant 24 : i32
          %mul3A_466 = arith.muli %select_n3A_464, %mul3A_465 : i32
          %add3A_467 = arith.addi %add3A, %mul3A_466 : i32
          %mul3A_468 = arith.constant 64 : i32
          %mul3A_469 = arith.muli %add3A_467, %mul3A_468 : i32
          %jit3A_470 = arith.constant 2 : i32
          %eq3A_471 = arith.constant 0 : i32
          %eq3A_472 = arith.cmpi eq, %jit3A_470, %eq3A_471 : i32
          %jit3A_473 = arith.constant 1 : i32
          %select_n3A_474 = arith.select %eq3A_472, %jit3A_473, %jit3A_470 : i32
          %rem3A_475 = arith.remsi %select_n3A_464, %select_n3A_474 : i32
          %ne3A_476 = arith.constant 0 : i32
          %ne3A_477 = arith.cmpi ne, %rem3A_475, %ne3A_476 : i32
          %lt3A_478 = arith.constant 0 : i32
          %lt3A_479 = arith.cmpi slt, %rem3A_475, %lt3A_478 : i32
          %lt3A_480 = arith.constant 0 : i32
          %lt3A_481 = arith.cmpi slt, %select_n3A_474, %lt3A_480 : i32
          %ne3A_482 = arith.xori %lt3A_479, %lt3A_481 : i1
          %and3A_483 = arith.andi %ne3A_482, %ne3A_477 : i1
          %add3A_484 = arith.addi %rem3A_475, %select_n3A_474 : i32
          %select_n3A_485 = arith.select %and3A_483, %add3A_484, %rem3A_475 : i32
          %mul3A_486 = arith.constant 24 : i32
          %mul3A_487 = arith.muli %select_n3A_485, %mul3A_486 : i32
          %mul3A_488 = arith.constant 64 : i32
          %mul3A_489 = arith.muli %mul3A_487, %mul3A_488 : i32
          "tpu.region"() ({
            %run_scoped3A = tpu.sem_alloc : memref<!tpu.dma_semaphore, #tpu.memory_space<semaphore_mem>>
            %dma_start3A_490 = tpu.memref_slice %arg8[%mul3A_489] : memref<3072xi32, #tpu.memory_space<vmem>> -> memref<1536xi32, #tpu.memory_space<vmem>>
            %dma_start3A_491 = tpu.memref_slice %arg2[%mul3A_469] : memref<323072xi32, #tpu.memory_space<hbm>> -> memref<1536xi32, #tpu.memory_space<hbm>>
            %dma_start3A_492 = tpu.memref_slice %arg8[%mul3A_489] : memref<3072xi32, #tpu.memory_space<vmem>> -> memref<1536xi32, #tpu.memory_space<vmem>>
            %dma_start3A_493 = tpu.memref_slice %arg2[%mul3A_469] : memref<323072xi32, #tpu.memory_space<hbm>> -> memref<1536xi32, #tpu.memory_space<hbm>>
            tpu.enqueue_dma source(%dma_start3A_493 : memref<1536xi32, #tpu.memory_space<hbm>>) target(%dma_start3A_492 : memref<1536xi32, #tpu.memory_space<vmem>>) target_semaphore(%run_scoped3A : memref<!tpu.dma_semaphore, #tpu.memory_space<semaphore_mem>>)
            %dma_wait3A_494 = tpu.memref_slice %arg8[%mul3A_489] : memref<3072xi32, #tpu.memory_space<vmem>> -> memref<1536xi32, #tpu.memory_space<vmem>>
            %dma_wait3A_495 = tpu.memref_slice %arg2[%mul3A_469] : memref<323072xi32, #tpu.memory_space<hbm>> -> memref<1536xi32, #tpu.memory_space<hbm>>
            %dma_wait3A_496 = tpu.memref_slice %arg8[%mul3A_489] : memref<3072xi32, #tpu.memory_space<vmem>> -> memref<1536xi32, #tpu.memory_space<vmem>>
            %dma_wait3A_497 = tpu.memref_slice %arg2[%mul3A_469] : memref<323072xi32, #tpu.memory_space<hbm>> -> memref<1536xi32, #tpu.memory_space<hbm>>
            tpu.wait_dma2 semaphore(%run_scoped3A : memref<!tpu.dma_semaphore, #tpu.memory_space<semaphore_mem>>) src(%dma_wait3A_497 : memref<1536xi32, #tpu.memory_space<hbm>>) dst(%dma_wait3A_496 : memref<1536xi32, #tpu.memory_space<vmem>>)
            tpu.yield
          }) : () -> ()
          "tpu.region"() ({
            %run_scoped3A = tpu.sem_alloc : memref<!tpu.dma_semaphore, #tpu.memory_space<semaphore_mem>>
            %dma_start3A_490 = tpu.memref_slice %arg9[%mul3A_489] : memref<3072xi32, #tpu.memory_space<vmem>> -> memref<1536xi32, #tpu.memory_space<vmem>>
            %dma_start3A_491 = tpu.memref_slice %arg3[%mul3A_469] : memref<323072xi32, #tpu.memory_space<hbm>> -> memref<1536xi32, #tpu.memory_space<hbm>>
            %dma_start3A_492 = tpu.memref_slice %arg9[%mul3A_489] : memref<3072xi32, #tpu.memory_space<vmem>> -> memref<1536xi32, #tpu.memory_space<vmem>>
            %dma_start3A_493 = tpu.memref_slice %arg3[%mul3A_469] : memref<323072xi32, #tpu.memory_space<hbm>> -> memref<1536xi32, #tpu.memory_space<hbm>>
            tpu.enqueue_dma source(%dma_start3A_493 : memref<1536xi32, #tpu.memory_space<hbm>>) target(%dma_start3A_492 : memref<1536xi32, #tpu.memory_space<vmem>>) target_semaphore(%run_scoped3A : memref<!tpu.dma_semaphore, #tpu.memory_space<semaphore_mem>>)
            %dma_wait3A_494 = tpu.memref_slice %arg9[%mul3A_489] : memref<3072xi32, #tpu.memory_space<vmem>> -> memref<1536xi32, #tpu.memory_space<vmem>>
            %dma_wait3A_495 = tpu.memref_slice %arg3[%mul3A_469] : memref<323072xi32, #tpu.memory_space<hbm>> -> memref<1536xi32, #tpu.memory_space<hbm>>
            %dma_wait3A_496 = tpu.memref_slice %arg9[%mul3A_489] : memref<3072xi32, #tpu.memory_space<vmem>> -> memref<1536xi32, #tpu.memory_space<vmem>>
            %dma_wait3A_497 = tpu.memref_slice %arg3[%mul3A_469] : memref<323072xi32, #tpu.memory_space<hbm>> -> memref<1536xi32, #tpu.memory_space<hbm>>
            tpu.wait_dma2 semaphore(%run_scoped3A : memref<!tpu.dma_semaphore, #tpu.memory_space<semaphore_mem>>) src(%dma_wait3A_497 : memref<1536xi32, #tpu.memory_space<hbm>>) dst(%dma_wait3A_496 : memref<1536xi32, #tpu.memory_space<vmem>>)
            tpu.yield
          }) : () -> ()
        } else {
        }
        %ge3A = arith.constant 1 : i32
        %ge3A_421 = arith.cmpi sge, %add3A_217, %ge3A : i32
        %convert_element_type3A_422 = arith.extui %ge3A_421 : i1 to i32
        %cond3A_423 = arith.constant 0 : i32
        %cond3A_424 = arith.cmpi ne, %convert_element_type3A_422, %cond3A_423 : i32
        scf.if %cond3A_424 {
          %dma_wait3A_437 = arith.constant 0 : i32
          %dma_wait3A_438 = arith.constant 0 : i32
          %dma_wait3A_439 = tpu.memref_slice %arg20[%dma_wait3A_437, %dma_wait3A_438] : memref<10240x128xf32, #tpu.memory_space<vmem_shared>> -> memref<64x128xf32, #tpu.memory_space<vmem_shared>>
          %dma_wait3A_440 = arith.constant 0 : i32
          %dma_wait3A_441 = arith.constant 0 : i32
          %dma_wait3A_442 = tpu.memref_slice %arg20[%dma_wait3A_440, %dma_wait3A_441] : memref<10240x128xf32, #tpu.memory_space<vmem_shared>> -> memref<64x128xf32, #tpu.memory_space<vmem_shared>>
          tpu.wait_dma2 semaphore(%arg30 : memref<!tpu.dma_semaphore, #tpu.memory_space<semaphore_mem>>) src(%arg14 : memref<64x128xf32, #tpu.memory_space<vmem>>) dst(%dma_wait3A_442 : memref<64x128xf32, #tpu.memory_space<vmem_shared>>)
        } else {
        }
        %add3A_425 = arith.constant 4 : i32
        %add3A_426 = arith.addi %add3A_217, %add3A_425 : i32
        %lt3A_427 = arith.cmpi slt, %add3A_426, %add3A_5 : i32
        %convert_element_type3A_428 = arith.extui %lt3A_427 : i1 to i32
        %cond3A_429 = arith.constant 0 : i32
        %cond3A_430 = arith.cmpi ne, %convert_element_type3A_428, %cond3A_429 : i32
        scf.if %cond3A_430 {
          %add3A_437 = arith.constant 4 : i32
          %add3A_438 = arith.addi %add3A_217, %add3A_437 : i32
          %jit3A_439 = arith.constant 24 : i32
          %div3A_440 = arith.divsi %add3A_438, %jit3A_439 : i32
          %sign3A_441 = arith.constant 0 : i32
          %sign3A_442 = arith.cmpi sgt, %add3A_438, %sign3A_441 : i32
          %sign3A_443 = arith.extui %sign3A_442 : i1 to i32
          %sign3A_444 = arith.constant 0 : i32
          %sign3A_445 = arith.cmpi slt, %add3A_438, %sign3A_444 : i32
          %sign3A_446 = arith.extui %sign3A_445 : i1 to i32
          %sign3A_447 = arith.subi %sign3A_443, %sign3A_446 : i32
          %sign3A_448 = arith.constant 0 : i32
          %sign3A_449 = arith.cmpi sgt, %jit3A_439, %sign3A_448 : i32
          %sign3A_450 = arith.extui %sign3A_449 : i1 to i32
          %sign3A_451 = arith.constant 0 : i32
          %sign3A_452 = arith.cmpi slt, %jit3A_439, %sign3A_451 : i32
          %sign3A_453 = arith.extui %sign3A_452 : i1 to i32
          %sign3A_454 = arith.subi %sign3A_450, %sign3A_453 : i32
          %ne3A_455 = arith.cmpi ne, %sign3A_447, %sign3A_454 : i32
          %rem3A_456 = arith.remsi %add3A_438, %jit3A_439 : i32
          %ne3A_457 = arith.constant 0 : i32
          %ne3A_458 = arith.cmpi ne, %rem3A_456, %ne3A_457 : i32
          %and3A_459 = arith.andi %ne3A_455, %ne3A_458 : i1
          %sub3A_460 = arith.constant 1 : i32
          %sub3A_461 = arith.subi %div3A_440, %sub3A_460 : i32
          %select_n3A_462 = arith.select %and3A_459, %sub3A_461, %div3A_440 : i32
          %jit3A_463 = arith.constant 2 : i32
          %eq3A_464 = arith.constant 0 : i32
          %eq3A_465 = arith.cmpi eq, %jit3A_463, %eq3A_464 : i32
          %jit3A_466 = arith.constant 1 : i32
          %select_n3A_467 = arith.select %eq3A_465, %jit3A_466, %jit3A_463 : i32
          %rem3A_468 = arith.remsi %select_n3A_462, %select_n3A_467 : i32
          %ne3A_469 = arith.constant 0 : i32
          %ne3A_470 = arith.cmpi ne, %rem3A_468, %ne3A_469 : i32
          %lt3A_471 = arith.constant 0 : i32
          %lt3A_472 = arith.cmpi slt, %rem3A_468, %lt3A_471 : i32
          %lt3A_473 = arith.constant 0 : i32
          %lt3A_474 = arith.cmpi slt, %select_n3A_467, %lt3A_473 : i32
          %ne3A_475 = arith.xori %lt3A_472, %lt3A_474 : i1
          %and3A_476 = arith.andi %ne3A_475, %ne3A_470 : i1
          %add3A_477 = arith.addi %rem3A_468, %select_n3A_467 : i32
          %select_n3A_478 = arith.select %and3A_476, %add3A_477, %rem3A_468 : i32
          %mul3A_479 = arith.constant 24 : i32
          %mul3A_480 = arith.muli %select_n3A_478, %mul3A_479 : i32
          %mul3A_481 = arith.constant 64 : i32
          %mul3A_482 = arith.muli %mul3A_480, %mul3A_481 : i32
          %jit3A_483 = arith.constant 24 : i32
          %eq3A_484 = arith.constant 0 : i32
          %eq3A_485 = arith.cmpi eq, %jit3A_483, %eq3A_484 : i32
          %jit3A_486 = arith.constant 1 : i32
          %select_n3A_487 = arith.select %eq3A_485, %jit3A_486, %jit3A_483 : i32
          %rem3A_488 = arith.remsi %add3A_438, %select_n3A_487 : i32
          %ne3A_489 = arith.constant 0 : i32
          %ne3A_490 = arith.cmpi ne, %rem3A_488, %ne3A_489 : i32
          %lt3A_491 = arith.constant 0 : i32
          %lt3A_492 = arith.cmpi slt, %rem3A_488, %lt3A_491 : i32
          %lt3A_493 = arith.constant 0 : i32
          %lt3A_494 = arith.cmpi slt, %select_n3A_487, %lt3A_493 : i32
          %ne3A_495 = arith.xori %lt3A_492, %lt3A_494 : i1
          %and3A_496 = arith.andi %ne3A_495, %ne3A_490 : i1
          %add3A_497 = arith.addi %rem3A_488, %select_n3A_487 : i32
          %select_n3A_498 = arith.select %and3A_496, %add3A_497, %rem3A_488 : i32
          %mul3A_499 = arith.constant 64 : i32
          %mul3A_500 = arith.muli %select_n3A_498, %mul3A_499 : i32
          %add3A_501 = arith.addi %mul3A_482, %mul3A_500 : i32
          %eq3A_502 = arith.constant 0 : i32
          %eq3A_503 = arith.cmpi eq, %arg0, %eq3A_502 : i32
          %convert_element_type3A_504 = arith.extui %eq3A_503 : i1 to i32
          %cond3A_505 = arith.constant 0 : i32
          %cond3A_506 = arith.cmpi ne, %convert_element_type3A_504, %cond3A_505 : i32
          scf.if %cond3A_506 {
            %dma_start3A_512 = tpu.memref_slice %arg8[%add3A_501] : memref<3072xi32, #tpu.memory_space<vmem>> -> memref<64xi32, #tpu.memory_space<vmem>>
            %dma_start3A_513 = arith.constant 0 : i32
            %dma_start3A_514 = arith.constant 0 : i32
            %dma_start3A_515 = tpu.memref_slice %arg4[%dma_start3A_513, %dma_start3A_514] : memref<10000x128xf32, #tpu.memory_space<hbm>> -> memref<10000x128xf32, #tpu.memory_space<hbm>>
            tpu.enqueue_indirect_dma source(%dma_start3A_515 : memref<10000x128xf32, #tpu.memory_space<hbm>>) target(%arg14 : memref<64x128xf32, #tpu.memory_space<vmem>>) offsets(%dma_start3A_512 : memref<64xi32, #tpu.memory_space<vmem>>) semaphore(%arg25 : memref<!tpu.dma_semaphore, #tpu.memory_space<semaphore_mem>>)
          } else {
          }
          %eq3A_507 = arith.constant 1 : i32
          %eq3A_508 = arith.cmpi eq, %arg0, %eq3A_507 : i32
          %convert_element_type3A_509 = arith.extui %eq3A_508 : i1 to i32
          %cond3A_510 = arith.constant 0 : i32
          %cond3A_511 = arith.cmpi ne, %convert_element_type3A_509, %cond3A_510 : i32
          scf.if %cond3A_511 {
            %dma_start3A_512 = tpu.memref_slice %arg8[%add3A_501] : memref<3072xi32, #tpu.memory_space<vmem>> -> memref<64xi32, #tpu.memory_space<vmem>>
            %dma_start3A_513 = arith.constant 0 : i32
            %dma_start3A_514 = arith.constant 0 : i32
            %dma_start3A_515 = tpu.memref_slice %arg5[%dma_start3A_513, %dma_start3A_514] : memref<10000x128xf32, #tpu.memory_space<hbm>> -> memref<10000x128xf32, #tpu.memory_space<hbm>>
            tpu.enqueue_indirect_dma source(%dma_start3A_515 : memref<10000x128xf32, #tpu.memory_space<hbm>>) target(%arg14 : memref<64x128xf32, #tpu.memory_space<vmem>>) offsets(%dma_start3A_512 : memref<64xi32, #tpu.memory_space<vmem>>) semaphore(%arg25 : memref<!tpu.dma_semaphore, #tpu.memory_space<semaphore_mem>>)
          } else {
          }
        } else {
        }
        %dma_start3A = arith.constant 0 : i32
        %dma_start3A_431 = arith.constant 0 : i32
        %dma_start3A_432 = tpu.memref_slice %arg15[%dma_start3A, %dma_start3A_431] : memref<1x64xi32, #tpu.memory_space<vmem>> -> memref<1x64xi32, #tpu.memory_space<vmem>>
        %dma_start3A_433 = tpu.memref_squeeze %dma_start3A_432 : memref<1x64xi32, #tpu.memory_space<vmem>> -> memref<64xi32, #tpu.memory_space<vmem>>
        %dma_start3A_434 = arith.constant 0 : i32
        %dma_start3A_435 = arith.constant 0 : i32
        %dma_start3A_436 = tpu.memref_slice %arg20[%dma_start3A_434, %dma_start3A_435] : memref<10240x128xf32, #tpu.memory_space<vmem_shared>> -> memref<10240x128xf32, #tpu.memory_space<vmem_shared>>
        tpu.enqueue_indirect_dma source(%arg10 : memref<64x128xf32, #tpu.memory_space<vmem>>) target(%dma_start3A_436 : memref<10240x128xf32, #tpu.memory_space<vmem_shared>>) offsets(%dma_start3A_433 : memref<64xi32, #tpu.memory_space<vmem>>) semaphore(%arg26 : memref<!tpu.dma_semaphore, #tpu.memory_space<semaphore_mem>>) {add = true}
      } else {
      }
      %mul3A_222 = arith.constant 5 : i32
      %mul3A_223 = arith.muli %while3A_213, %mul3A_222 : i32
      %add3A_224 = arith.constant 1 : i32
      %add3A_225 = arith.addi %mul3A_223, %add3A_224 : i32
      %lt3A_226 = arith.cmpi slt, %add3A_225, %add3A_5 : i32
      %convert_element_type3A_227 = arith.extui %lt3A_226 : i1 to i32
      %cond3A_228 = arith.constant 0 : i32
      %cond3A_229 = arith.cmpi ne, %convert_element_type3A_227, %cond3A_228 : i32
      scf.if %cond3A_229 {
        %dma_wait3A = arith.constant 0 : i32
        %dma_wait3A_254 = arith.constant 0 : i32
        %dma_wait3A_255 = tpu.memref_slice %arg4[%dma_wait3A, %dma_wait3A_254] : memref<10000x128xf32, #tpu.memory_space<hbm>> -> memref<64x128xf32, #tpu.memory_space<hbm>>
        %dma_wait3A_256 = arith.constant 0 : i32
        %dma_wait3A_257 = arith.constant 0 : i32
        %dma_wait3A_258 = tpu.memref_slice %arg4[%dma_wait3A_256, %dma_wait3A_257] : memref<10000x128xf32, #tpu.memory_space<hbm>> -> memref<64x128xf32, #tpu.memory_space<hbm>>
        tpu.wait_dma2 semaphore(%arg22 : memref<!tpu.dma_semaphore, #tpu.memory_space<semaphore_mem>>) src(%dma_wait3A_258 : memref<64x128xf32, #tpu.memory_space<hbm>>) dst(%arg11 : memref<64x128xf32, #tpu.memory_space<vmem>>)
        %jit3A_259 = arith.constant 24 : i32
        %div3A_260 = arith.divsi %add3A_225, %jit3A_259 : i32
        %sign3A_261 = arith.constant 0 : i32
        %sign3A_262 = arith.cmpi sgt, %add3A_225, %sign3A_261 : i32
        %sign3A_263 = arith.extui %sign3A_262 : i1 to i32
        %sign3A_264 = arith.constant 0 : i32
        %sign3A_265 = arith.cmpi slt, %add3A_225, %sign3A_264 : i32
        %sign3A_266 = arith.extui %sign3A_265 : i1 to i32
        %sign3A_267 = arith.subi %sign3A_263, %sign3A_266 : i32
        %sign3A_268 = arith.constant 0 : i32
        %sign3A_269 = arith.cmpi sgt, %jit3A_259, %sign3A_268 : i32
        %sign3A_270 = arith.extui %sign3A_269 : i1 to i32
        %sign3A_271 = arith.constant 0 : i32
        %sign3A_272 = arith.cmpi slt, %jit3A_259, %sign3A_271 : i32
        %sign3A_273 = arith.extui %sign3A_272 : i1 to i32
        %sign3A_274 = arith.subi %sign3A_270, %sign3A_273 : i32
        %ne3A_275 = arith.cmpi ne, %sign3A_267, %sign3A_274 : i32
        %rem3A_276 = arith.remsi %add3A_225, %jit3A_259 : i32
        %ne3A_277 = arith.constant 0 : i32
        %ne3A_278 = arith.cmpi ne, %rem3A_276, %ne3A_277 : i32
        %and3A_279 = arith.andi %ne3A_275, %ne3A_278 : i1
        %sub3A_280 = arith.constant 1 : i32
        %sub3A_281 = arith.subi %div3A_260, %sub3A_280 : i32
        %select_n3A_282 = arith.select %and3A_279, %sub3A_281, %div3A_260 : i32
        %jit3A_283 = arith.constant 2 : i32
        %eq3A_284 = arith.constant 0 : i32
        %eq3A_285 = arith.cmpi eq, %jit3A_283, %eq3A_284 : i32
        %jit3A_286 = arith.constant 1 : i32
        %select_n3A_287 = arith.select %eq3A_285, %jit3A_286, %jit3A_283 : i32
        %rem3A_288 = arith.remsi %select_n3A_282, %select_n3A_287 : i32
        %ne3A_289 = arith.constant 0 : i32
        %ne3A_290 = arith.cmpi ne, %rem3A_288, %ne3A_289 : i32
        %lt3A_291 = arith.constant 0 : i32
        %lt3A_292 = arith.cmpi slt, %rem3A_288, %lt3A_291 : i32
        %lt3A_293 = arith.constant 0 : i32
        %lt3A_294 = arith.cmpi slt, %select_n3A_287, %lt3A_293 : i32
        %ne3A_295 = arith.xori %lt3A_292, %lt3A_294 : i1
        %and3A_296 = arith.andi %ne3A_295, %ne3A_290 : i1
        %add3A_297 = arith.addi %rem3A_288, %select_n3A_287 : i32
        %select_n3A_298 = arith.select %and3A_296, %add3A_297, %rem3A_288 : i32
        %mul3A_299 = arith.constant 24 : i32
        %mul3A_300 = arith.muli %select_n3A_298, %mul3A_299 : i32
        %jit3A_301 = arith.constant 24 : i32
        %eq3A_302 = arith.constant 0 : i32
        %eq3A_303 = arith.cmpi eq, %jit3A_301, %eq3A_302 : i32
        %jit3A_304 = arith.constant 1 : i32
        %select_n3A_305 = arith.select %eq3A_303, %jit3A_304, %jit3A_301 : i32
        %rem3A_306 = arith.remsi %add3A_225, %select_n3A_305 : i32
        %ne3A_307 = arith.constant 0 : i32
        %ne3A_308 = arith.cmpi ne, %rem3A_306, %ne3A_307 : i32
        %lt3A_309 = arith.constant 0 : i32
        %lt3A_310 = arith.cmpi slt, %rem3A_306, %lt3A_309 : i32
        %lt3A_311 = arith.constant 0 : i32
        %lt3A_312 = arith.cmpi slt, %select_n3A_305, %lt3A_311 : i32
        %ne3A_313 = arith.xori %lt3A_310, %lt3A_312 : i1
        %and3A_314 = arith.andi %ne3A_313, %ne3A_308 : i1
        %add3A_315 = arith.addi %rem3A_306, %select_n3A_305 : i32
        %select_n3A_316 = arith.select %and3A_314, %add3A_315, %rem3A_306 : i32
        %add3A_317 = arith.addi %mul3A_300, %select_n3A_316 : i32
        %mul3A_318 = arith.constant 64 : i32
        %mul3A_319 = arith.muli %add3A_317, %mul3A_318 : i32
        %add3A_320 = arith.constant 0 : i32
        %add3A_321 = arith.addi %mul3A_319, %add3A_320 : i32
        %get3A = arith.index_cast %add3A_321 : i32 to index
        %get3A_322 = tpu.vector_load %arg8[%get3A] {strides = array<i32>} : memref<3072xi32, #tpu.memory_space<vmem>>, vector<16xi32>,
        %get3A_323 = vector.shape_cast %get3A_322 : vector<16xi32> to vector<16xi32>
        %add3A_324 = arith.constant 0 : i32
        %add3A_325 = arith.addi %mul3A_319, %add3A_324 : i32
        %get3A_326 = arith.index_cast %add3A_325 : i32 to index
        %get3A_327 = tpu.vector_load %arg9[%get3A_326] {strides = array<i32>} : memref<3072xi32, #tpu.memory_space<vmem>>, vector<16xi32>,
        %get3A_328 = vector.shape_cast %get3A_327 : vector<16xi32> to vector<16xi32>
        %eq3A_329 = arith.cmpi eq, %get3A_323, %get3A_328 : vector<16xi32>
        %select_n3A_330 = arith.select %eq3A_329, %broadcast_in_dim3A_39, %get3A_328 : vector<16xi1>, vector<16xi32>
        %swap3A = arith.constant 0 : i32
        %swap3A_331 = arith.index_cast %swap3A : i32 to index
        %swap3A_332 = arith.constant 0 : index
        %swap3A_333 = tpu.vector_load %arg16[%swap3A_331, %swap3A_332] {strides = array<i32>} : memref<1x64xi32, #tpu.memory_space<vmem>>, vector<1x16xi32>,
        %swap3A_334 = vector.shape_cast %swap3A_333 : vector<1x16xi32> to vector<16xi32>
        %swap3A_335 = vector.shape_cast %select_n3A_330 : vector<16xi32> to vector<1x16xi32>
        tpu.vector_store %arg16[%swap3A_331, %swap3A_332], %swap3A_335 {strides = array<i32>} : memref<1x64xi32, #tpu.memory_space<vmem>>, vector<1x16xi32>,
        %add3A_336 = arith.constant 16 : i32
        %add3A_337 = arith.addi %mul3A_319, %add3A_336 : i32
        %get3A_338 = arith.index_cast %add3A_337 : i32 to index
        %get3A_339 = tpu.vector_load %arg8[%get3A_338] {strides = array<i32>} : memref<3072xi32, #tpu.memory_space<vmem>>, vector<16xi32>,
        %get3A_340 = vector.shape_cast %get3A_339 : vector<16xi32> to vector<16xi32>
        %add3A_341 = arith.constant 16 : i32
        %add3A_342 = arith.addi %mul3A_319, %add3A_341 : i32
        %get3A_343 = arith.index_cast %add3A_342 : i32 to index
        %get3A_344 = tpu.vector_load %arg9[%get3A_343] {strides = array<i32>} : memref<3072xi32, #tpu.memory_space<vmem>>, vector<16xi32>,
        %get3A_345 = vector.shape_cast %get3A_344 : vector<16xi32> to vector<16xi32>
        %eq3A_346 = arith.cmpi eq, %get3A_340, %get3A_345 : vector<16xi32>
        %select_n3A_347 = arith.select %eq3A_346, %broadcast_in_dim3A_39, %get3A_345 : vector<16xi1>, vector<16xi32>
        %swap3A_348 = arith.constant 0 : i32
        %swap3A_349 = arith.index_cast %swap3A_348 : i32 to index
        %swap3A_350 = arith.constant 16 : index
        %swap3A_351 = tpu.vector_load %arg16[%swap3A_349, %swap3A_350] {strides = array<i32>} : memref<1x64xi32, #tpu.memory_space<vmem>>, vector<1x16xi32>,
        %swap3A_352 = vector.shape_cast %swap3A_351 : vector<1x16xi32> to vector<16xi32>
        %swap3A_353 = vector.shape_cast %select_n3A_347 : vector<16xi32> to vector<1x16xi32>
        tpu.vector_store %arg16[%swap3A_349, %swap3A_350], %swap3A_353 {strides = array<i32>} : memref<1x64xi32, #tpu.memory_space<vmem>>, vector<1x16xi32>,
        %add3A_354 = arith.constant 32 : i32
        %add3A_355 = arith.addi %mul3A_319, %add3A_354 : i32
        %get3A_356 = arith.index_cast %add3A_355 : i32 to index
        %get3A_357 = tpu.vector_load %arg8[%get3A_356] {strides = array<i32>} : memref<3072xi32, #tpu.memory_space<vmem>>, vector<16xi32>,
        %get3A_358 = vector.shape_cast %get3A_357 : vector<16xi32> to vector<16xi32>
        %add3A_359 = arith.constant 32 : i32
        %add3A_360 = arith.addi %mul3A_319, %add3A_359 : i32
        %get3A_361 = arith.index_cast %add3A_360 : i32 to index
        %get3A_362 = tpu.vector_load %arg9[%get3A_361] {strides = array<i32>} : memref<3072xi32, #tpu.memory_space<vmem>>, vector<16xi32>,
        %get3A_363 = vector.shape_cast %get3A_362 : vector<16xi32> to vector<16xi32>
        %eq3A_364 = arith.cmpi eq, %get3A_358, %get3A_363 : vector<16xi32>
        %select_n3A_365 = arith.select %eq3A_364, %broadcast_in_dim3A_39, %get3A_363 : vector<16xi1>, vector<16xi32>
        %swap3A_366 = arith.constant 0 : i32
        %swap3A_367 = arith.index_cast %swap3A_366 : i32 to index
        %swap3A_368 = arith.constant 32 : index
        %swap3A_369 = tpu.vector_load %arg16[%swap3A_367, %swap3A_368] {strides = array<i32>} : memref<1x64xi32, #tpu.memory_space<vmem>>, vector<1x16xi32>,
        %swap3A_370 = vector.shape_cast %swap3A_369 : vector<1x16xi32> to vector<16xi32>
        %swap3A_371 = vector.shape_cast %select_n3A_365 : vector<16xi32> to vector<1x16xi32>
        tpu.vector_store %arg16[%swap3A_367, %swap3A_368], %swap3A_371 {strides = array<i32>} : memref<1x64xi32, #tpu.memory_space<vmem>>, vector<1x16xi32>,
        %add3A_372 = arith.constant 48 : i32
        %add3A_373 = arith.addi %mul3A_319, %add3A_372 : i32
        %get3A_374 = arith.index_cast %add3A_373 : i32 to index
        %get3A_375 = tpu.vector_load %arg8[%get3A_374] {strides = array<i32>} : memref<3072xi32, #tpu.memory_space<vmem>>, vector<16xi32>,
        %get3A_376 = vector.shape_cast %get3A_375 : vector<16xi32> to vector<16xi32>
        %add3A_377 = arith.constant 48 : i32
        %add3A_378 = arith.addi %mul3A_319, %add3A_377 : i32
        %get3A_379 = arith.index_cast %add3A_378 : i32 to index
        %get3A_380 = tpu.vector_load %arg9[%get3A_379] {strides = array<i32>} : memref<3072xi32, #tpu.memory_space<vmem>>, vector<16xi32>,
        %get3A_381 = vector.shape_cast %get3A_380 : vector<16xi32> to vector<16xi32>
        %eq3A_382 = arith.cmpi eq, %get3A_376, %get3A_381 : vector<16xi32>
        %select_n3A_383 = arith.select %eq3A_382, %broadcast_in_dim3A_39, %get3A_381 : vector<16xi1>, vector<16xi32>
        %swap3A_384 = arith.constant 0 : i32
        %swap3A_385 = arith.index_cast %swap3A_384 : i32 to index
        %swap3A_386 = arith.constant 48 : index
        %swap3A_387 = tpu.vector_load %arg16[%swap3A_385, %swap3A_386] {strides = array<i32>} : memref<1x64xi32, #tpu.memory_space<vmem>>, vector<1x16xi32>,
        %swap3A_388 = vector.shape_cast %swap3A_387 : vector<1x16xi32> to vector<16xi32>
        %swap3A_389 = vector.shape_cast %select_n3A_383 : vector<16xi32> to vector<1x16xi32>
        tpu.vector_store %arg16[%swap3A_385, %swap3A_386], %swap3A_389 {strides = array<i32>} : memref<1x64xi32, #tpu.memory_space<vmem>>, vector<1x16xi32>,
        %add3A_390 = arith.constant 4 : i32
        %add3A_391 = arith.addi %add3A_225, %add3A_390 : i32
        %add3A_392 = arith.constant 1 : i32
        %add3A_393 = arith.addi %add3A_391, %add3A_392 : i32
        %jit3A_394 = arith.constant 24 : i32
        %eq3A_395 = arith.constant 0 : i32
        %eq3A_396 = arith.cmpi eq, %jit3A_394, %eq3A_395 : i32
        %jit3A_397 = arith.constant 1 : i32
        %select_n3A_398 = arith.select %eq3A_396, %jit3A_397, %jit3A_394 : i32
        %rem3A_399 = arith.remsi %add3A_393, %select_n3A_398 : i32
        %ne3A_400 = arith.constant 0 : i32
        %ne3A_401 = arith.cmpi ne, %rem3A_399, %ne3A_400 : i32
        %lt3A_402 = arith.constant 0 : i32
        %lt3A_403 = arith.cmpi slt, %rem3A_399, %lt3A_402 : i32
        %lt3A_404 = arith.constant 0 : i32
        %lt3A_405 = arith.cmpi slt, %select_n3A_398, %lt3A_404 : i32
        %ne3A_406 = arith.xori %lt3A_403, %lt3A_405 : i1
        %and3A_407 = arith.andi %ne3A_406, %ne3A_401 : i1
        %add3A_408 = arith.addi %rem3A_399, %select_n3A_398 : i32
        %select_n3A_409 = arith.select %and3A_407, %add3A_408, %rem3A_399 : i32
        %eq3A_410 = arith.constant 0 : i32
        %eq3A_411 = arith.cmpi eq, %select_n3A_409, %eq3A_410 : i32
        %add3A_412 = arith.constant 4 : i32
        %add3A_413 = arith.addi %add3A_225, %add3A_412 : i32
        %add3A_414 = arith.constant 1 : i32
        %add3A_415 = arith.addi %add3A_413, %add3A_414 : i32
        %lt3A_416 = arith.cmpi slt, %add3A_415, %add3A_5 : i32
        %and3A_417 = arith.andi %eq3A_411, %lt3A_416 : i1
        %convert_element_type3A_418 = arith.extui %and3A_417 : i1 to i32
        %cond3A_419 = arith.constant 0 : i32
        %cond3A_420 = arith.cmpi ne, %convert_element_type3A_418, %cond3A_419 : i32
        scf.if %cond3A_420 {
          %add3A_437 = arith.constant 4 : i32
          %add3A_438 = arith.addi %add3A_225, %add3A_437 : i32
          %add3A_439 = arith.constant 1 : i32
          %add3A_440 = arith.addi %add3A_438, %add3A_439 : i32
          %jit3A_441 = arith.constant 24 : i32
          %div3A_442 = arith.divsi %add3A_440, %jit3A_441 : i32
          %sign3A_443 = arith.constant 0 : i32
          %sign3A_444 = arith.cmpi sgt, %add3A_440, %sign3A_443 : i32
          %sign3A_445 = arith.extui %sign3A_444 : i1 to i32
          %sign3A_446 = arith.constant 0 : i32
          %sign3A_447 = arith.cmpi slt, %add3A_440, %sign3A_446 : i32
          %sign3A_448 = arith.extui %sign3A_447 : i1 to i32
          %sign3A_449 = arith.subi %sign3A_445, %sign3A_448 : i32
          %sign3A_450 = arith.constant 0 : i32
          %sign3A_451 = arith.cmpi sgt, %jit3A_441, %sign3A_450 : i32
          %sign3A_452 = arith.extui %sign3A_451 : i1 to i32
          %sign3A_453 = arith.constant 0 : i32
          %sign3A_454 = arith.cmpi slt, %jit3A_441, %sign3A_453 : i32
          %sign3A_455 = arith.extui %sign3A_454 : i1 to i32
          %sign3A_456 = arith.subi %sign3A_452, %sign3A_455 : i32
          %ne3A_457 = arith.cmpi ne, %sign3A_449, %sign3A_456 : i32
          %rem3A_458 = arith.remsi %add3A_440, %jit3A_441 : i32
          %ne3A_459 = arith.constant 0 : i32
          %ne3A_460 = arith.cmpi ne, %rem3A_458, %ne3A_459 : i32
          %and3A_461 = arith.andi %ne3A_457, %ne3A_460 : i1
          %sub3A_462 = arith.constant 1 : i32
          %sub3A_463 = arith.subi %div3A_442, %sub3A_462 : i32
          %select_n3A_464 = arith.select %and3A_461, %sub3A_463, %div3A_442 : i32
          %mul3A_465 = arith.constant 24 : i32
          %mul3A_466 = arith.muli %select_n3A_464, %mul3A_465 : i32
          %add3A_467 = arith.addi %add3A, %mul3A_466 : i32
          %mul3A_468 = arith.constant 64 : i32
          %mul3A_469 = arith.muli %add3A_467, %mul3A_468 : i32
          %jit3A_470 = arith.constant 2 : i32
          %eq3A_471 = arith.constant 0 : i32
          %eq3A_472 = arith.cmpi eq, %jit3A_470, %eq3A_471 : i32
          %jit3A_473 = arith.constant 1 : i32
          %select_n3A_474 = arith.select %eq3A_472, %jit3A_473, %jit3A_470 : i32
          %rem3A_475 = arith.remsi %select_n3A_464, %select_n3A_474 : i32
          %ne3A_476 = arith.constant 0 : i32
          %ne3A_477 = arith.cmpi ne, %rem3A_475, %ne3A_476 : i32
          %lt3A_478 = arith.constant 0 : i32
          %lt3A_479 = arith.cmpi slt, %rem3A_475, %lt3A_478 : i32
          %lt3A_480 = arith.constant 0 : i32
          %lt3A_481 = arith.cmpi slt, %select_n3A_474, %lt3A_480 : i32
          %ne3A_482 = arith.xori %lt3A_479, %lt3A_481 : i1
          %and3A_483 = arith.andi %ne3A_482, %ne3A_477 : i1
          %add3A_484 = arith.addi %rem3A_475, %select_n3A_474 : i32
          %select_n3A_485 = arith.select %and3A_483, %add3A_484, %rem3A_475 : i32
          %mul3A_486 = arith.constant 24 : i32
          %mul3A_487 = arith.muli %select_n3A_485, %mul3A_486 : i32
          %mul3A_488 = arith.constant 64 : i32
          %mul3A_489 = arith.muli %mul3A_487, %mul3A_488 : i32
          "tpu.region"() ({
            %run_scoped3A = tpu.sem_alloc : memref<!tpu.dma_semaphore, #tpu.memory_space<semaphore_mem>>
            %dma_start3A_490 = tpu.memref_slice %arg8[%mul3A_489] : memref<3072xi32, #tpu.memory_space<vmem>> -> memref<1536xi32, #tpu.memory_space<vmem>>
            %dma_start3A_491 = tpu.memref_slice %arg2[%mul3A_469] : memref<323072xi32, #tpu.memory_space<hbm>> -> memref<1536xi32, #tpu.memory_space<hbm>>
            %dma_start3A_492 = tpu.memref_slice %arg8[%mul3A_489] : memref<3072xi32, #tpu.memory_space<vmem>> -> memref<1536xi32, #tpu.memory_space<vmem>>
            %dma_start3A_493 = tpu.memref_slice %arg2[%mul3A_469] : memref<323072xi32, #tpu.memory_space<hbm>> -> memref<1536xi32, #tpu.memory_space<hbm>>
            tpu.enqueue_dma source(%dma_start3A_493 : memref<1536xi32, #tpu.memory_space<hbm>>) target(%dma_start3A_492 : memref<1536xi32, #tpu.memory_space<vmem>>) target_semaphore(%run_scoped3A : memref<!tpu.dma_semaphore, #tpu.memory_space<semaphore_mem>>)
            %dma_wait3A_494 = tpu.memref_slice %arg8[%mul3A_489] : memref<3072xi32, #tpu.memory_space<vmem>> -> memref<1536xi32, #tpu.memory_space<vmem>>
            %dma_wait3A_495 = tpu.memref_slice %arg2[%mul3A_469] : memref<323072xi32, #tpu.memory_space<hbm>> -> memref<1536xi32, #tpu.memory_space<hbm>>
            %dma_wait3A_496 = tpu.memref_slice %arg8[%mul3A_489] : memref<3072xi32, #tpu.memory_space<vmem>> -> memref<1536xi32, #tpu.memory_space<vmem>>
            %dma_wait3A_497 = tpu.memref_slice %arg2[%mul3A_469] : memref<323072xi32, #tpu.memory_space<hbm>> -> memref<1536xi32, #tpu.memory_space<hbm>>
            tpu.wait_dma2 semaphore(%run_scoped3A : memref<!tpu.dma_semaphore, #tpu.memory_space<semaphore_mem>>) src(%dma_wait3A_497 : memref<1536xi32, #tpu.memory_space<hbm>>) dst(%dma_wait3A_496 : memref<1536xi32, #tpu.memory_space<vmem>>)
            tpu.yield
          }) : () -> ()
          "tpu.region"() ({
            %run_scoped3A = tpu.sem_alloc : memref<!tpu.dma_semaphore, #tpu.memory_space<semaphore_mem>>
            %dma_start3A_490 = tpu.memref_slice %arg9[%mul3A_489] : memref<3072xi32, #tpu.memory_space<vmem>> -> memref<1536xi32, #tpu.memory_space<vmem>>
            %dma_start3A_491 = tpu.memref_slice %arg3[%mul3A_469] : memref<323072xi32, #tpu.memory_space<hbm>> -> memref<1536xi32, #tpu.memory_space<hbm>>
            %dma_start3A_492 = tpu.memref_slice %arg9[%mul3A_489] : memref<3072xi32, #tpu.memory_space<vmem>> -> memref<1536xi32, #tpu.memory_space<vmem>>
            %dma_start3A_493 = tpu.memref_slice %arg3[%mul3A_469] : memref<323072xi32, #tpu.memory_space<hbm>> -> memref<1536xi32, #tpu.memory_space<hbm>>
            tpu.enqueue_dma source(%dma_start3A_493 : memref<1536xi32, #tpu.memory_space<hbm>>) target(%dma_start3A_492 : memref<1536xi32, #tpu.memory_space<vmem>>) target_semaphore(%run_scoped3A : memref<!tpu.dma_semaphore, #tpu.memory_space<semaphore_mem>>)
            %dma_wait3A_494 = tpu.memref_slice %arg9[%mul3A_489] : memref<3072xi32, #tpu.memory_space<vmem>> -> memref<1536xi32, #tpu.memory_space<vmem>>
            %dma_wait3A_495 = tpu.memref_slice %arg3[%mul3A_469] : memref<323072xi32, #tpu.memory_space<hbm>> -> memref<1536xi32, #tpu.memory_space<hbm>>
            %dma_wait3A_496 = tpu.memref_slice %arg9[%mul3A_489] : memref<3072xi32, #tpu.memory_space<vmem>> -> memref<1536xi32, #tpu.memory_space<vmem>>
            %dma_wait3A_497 = tpu.memref_slice %arg3[%mul3A_469] : memref<323072xi32, #tpu.memory_space<hbm>> -> memref<1536xi32, #tpu.memory_space<hbm>>
            tpu.wait_dma2 semaphore(%run_scoped3A : memref<!tpu.dma_semaphore, #tpu.memory_space<semaphore_mem>>) src(%dma_wait3A_497 : memref<1536xi32, #tpu.memory_space<hbm>>) dst(%dma_wait3A_496 : memref<1536xi32, #tpu.memory_space<vmem>>)
            tpu.yield
          }) : () -> ()
        } else {
        }
        %ge3A = arith.constant 1 : i32
        %ge3A_421 = arith.cmpi sge, %add3A_225, %ge3A : i32
        %convert_element_type3A_422 = arith.extui %ge3A_421 : i1 to i32
        %cond3A_423 = arith.constant 0 : i32
        %cond3A_424 = arith.cmpi ne, %convert_element_type3A_422, %cond3A_423 : i32
        scf.if %cond3A_424 {
          %dma_wait3A_437 = arith.constant 0 : i32
          %dma_wait3A_438 = arith.constant 0 : i32
          %dma_wait3A_439 = tpu.memref_slice %arg20[%dma_wait3A_437, %dma_wait3A_438] : memref<10240x128xf32, #tpu.memory_space<vmem_shared>> -> memref<64x128xf32, #tpu.memory_space<vmem_shared>>
          %dma_wait3A_440 = arith.constant 0 : i32
          %dma_wait3A_441 = arith.constant 0 : i32
          %dma_wait3A_442 = tpu.memref_slice %arg20[%dma_wait3A_440, %dma_wait3A_441] : memref<10240x128xf32, #tpu.memory_space<vmem_shared>> -> memref<64x128xf32, #tpu.memory_space<vmem_shared>>
          tpu.wait_dma2 semaphore(%arg26 : memref<!tpu.dma_semaphore, #tpu.memory_space<semaphore_mem>>) src(%arg10 : memref<64x128xf32, #tpu.memory_space<vmem>>) dst(%dma_wait3A_442 : memref<64x128xf32, #tpu.memory_space<vmem_shared>>)
        } else {
        }
        %add3A_425 = arith.constant 4 : i32
        %add3A_426 = arith.addi %add3A_225, %add3A_425 : i32
        %lt3A_427 = arith.cmpi slt, %add3A_426, %add3A_5 : i32
        %convert_element_type3A_428 = arith.extui %lt3A_427 : i1 to i32
        %cond3A_429 = arith.constant 0 : i32
        %cond3A_430 = arith.cmpi ne, %convert_element_type3A_428, %cond3A_429 : i32
        scf.if %cond3A_430 {
          %add3A_437 = arith.constant 4 : i32
          %add3A_438 = arith.addi %add3A_225, %add3A_437 : i32
          %jit3A_439 = arith.constant 24 : i32
          %div3A_440 = arith.divsi %add3A_438, %jit3A_439 : i32
          %sign3A_441 = arith.constant 0 : i32
          %sign3A_442 = arith.cmpi sgt, %add3A_438, %sign3A_441 : i32
          %sign3A_443 = arith.extui %sign3A_442 : i1 to i32
          %sign3A_444 = arith.constant 0 : i32
          %sign3A_445 = arith.cmpi slt, %add3A_438, %sign3A_444 : i32
          %sign3A_446 = arith.extui %sign3A_445 : i1 to i32
          %sign3A_447 = arith.subi %sign3A_443, %sign3A_446 : i32
          %sign3A_448 = arith.constant 0 : i32
          %sign3A_449 = arith.cmpi sgt, %jit3A_439, %sign3A_448 : i32
          %sign3A_450 = arith.extui %sign3A_449 : i1 to i32
          %sign3A_451 = arith.constant 0 : i32
          %sign3A_452 = arith.cmpi slt, %jit3A_439, %sign3A_451 : i32
          %sign3A_453 = arith.extui %sign3A_452 : i1 to i32
          %sign3A_454 = arith.subi %sign3A_450, %sign3A_453 : i32
          %ne3A_455 = arith.cmpi ne, %sign3A_447, %sign3A_454 : i32
          %rem3A_456 = arith.remsi %add3A_438, %jit3A_439 : i32
          %ne3A_457 = arith.constant 0 : i32
          %ne3A_458 = arith.cmpi ne, %rem3A_456, %ne3A_457 : i32
          %and3A_459 = arith.andi %ne3A_455, %ne3A_458 : i1
          %sub3A_460 = arith.constant 1 : i32
          %sub3A_461 = arith.subi %div3A_440, %sub3A_460 : i32
          %select_n3A_462 = arith.select %and3A_459, %sub3A_461, %div3A_440 : i32
          %jit3A_463 = arith.constant 2 : i32
          %eq3A_464 = arith.constant 0 : i32
          %eq3A_465 = arith.cmpi eq, %jit3A_463, %eq3A_464 : i32
          %jit3A_466 = arith.constant 1 : i32
          %select_n3A_467 = arith.select %eq3A_465, %jit3A_466, %jit3A_463 : i32
          %rem3A_468 = arith.remsi %select_n3A_462, %select_n3A_467 : i32
          %ne3A_469 = arith.constant 0 : i32
          %ne3A_470 = arith.cmpi ne, %rem3A_468, %ne3A_469 : i32
          %lt3A_471 = arith.constant 0 : i32
          %lt3A_472 = arith.cmpi slt, %rem3A_468, %lt3A_471 : i32
          %lt3A_473 = arith.constant 0 : i32
          %lt3A_474 = arith.cmpi slt, %select_n3A_467, %lt3A_473 : i32
          %ne3A_475 = arith.xori %lt3A_472, %lt3A_474 : i1
          %and3A_476 = arith.andi %ne3A_475, %ne3A_470 : i1
          %add3A_477 = arith.addi %rem3A_468, %select_n3A_467 : i32
          %select_n3A_478 = arith.select %and3A_476, %add3A_477, %rem3A_468 : i32
          %mul3A_479 = arith.constant 24 : i32
          %mul3A_480 = arith.muli %select_n3A_478, %mul3A_479 : i32
          %mul3A_481 = arith.constant 64 : i32
          %mul3A_482 = arith.muli %mul3A_480, %mul3A_481 : i32
          %jit3A_483 = arith.constant 24 : i32
          %eq3A_484 = arith.constant 0 : i32
          %eq3A_485 = arith.cmpi eq, %jit3A_483, %eq3A_484 : i32
          %jit3A_486 = arith.constant 1 : i32
          %select_n3A_487 = arith.select %eq3A_485, %jit3A_486, %jit3A_483 : i32
          %rem3A_488 = arith.remsi %add3A_438, %select_n3A_487 : i32
          %ne3A_489 = arith.constant 0 : i32
          %ne3A_490 = arith.cmpi ne, %rem3A_488, %ne3A_489 : i32
          %lt3A_491 = arith.constant 0 : i32
          %lt3A_492 = arith.cmpi slt, %rem3A_488, %lt3A_491 : i32
          %lt3A_493 = arith.constant 0 : i32
          %lt3A_494 = arith.cmpi slt, %select_n3A_487, %lt3A_493 : i32
          %ne3A_495 = arith.xori %lt3A_492, %lt3A_494 : i1
          %and3A_496 = arith.andi %ne3A_495, %ne3A_490 : i1
          %add3A_497 = arith.addi %rem3A_488, %select_n3A_487 : i32
          %select_n3A_498 = arith.select %and3A_496, %add3A_497, %rem3A_488 : i32
          %mul3A_499 = arith.constant 64 : i32
          %mul3A_500 = arith.muli %select_n3A_498, %mul3A_499 : i32
          %add3A_501 = arith.addi %mul3A_482, %mul3A_500 : i32
          %eq3A_502 = arith.constant 0 : i32
          %eq3A_503 = arith.cmpi eq, %arg0, %eq3A_502 : i32
          %convert_element_type3A_504 = arith.extui %eq3A_503 : i1 to i32
          %cond3A_505 = arith.constant 0 : i32
          %cond3A_506 = arith.cmpi ne, %convert_element_type3A_504, %cond3A_505 : i32
          scf.if %cond3A_506 {
            %dma_start3A_512 = tpu.memref_slice %arg8[%add3A_501] : memref<3072xi32, #tpu.memory_space<vmem>> -> memref<64xi32, #tpu.memory_space<vmem>>
            %dma_start3A_513 = arith.constant 0 : i32
            %dma_start3A_514 = arith.constant 0 : i32
            %dma_start3A_515 = tpu.memref_slice %arg4[%dma_start3A_513, %dma_start3A_514] : memref<10000x128xf32, #tpu.memory_space<hbm>> -> memref<10000x128xf32, #tpu.memory_space<hbm>>
            tpu.enqueue_indirect_dma source(%dma_start3A_515 : memref<10000x128xf32, #tpu.memory_space<hbm>>) target(%arg10 : memref<64x128xf32, #tpu.memory_space<vmem>>) offsets(%dma_start3A_512 : memref<64xi32, #tpu.memory_space<vmem>>) semaphore(%arg21 : memref<!tpu.dma_semaphore, #tpu.memory_space<semaphore_mem>>)
          } else {
          }
          %eq3A_507 = arith.constant 1 : i32
          %eq3A_508 = arith.cmpi eq, %arg0, %eq3A_507 : i32
          %convert_element_type3A_509 = arith.extui %eq3A_508 : i1 to i32
          %cond3A_510 = arith.constant 0 : i32
          %cond3A_511 = arith.cmpi ne, %convert_element_type3A_509, %cond3A_510 : i32
          scf.if %cond3A_511 {
            %dma_start3A_512 = tpu.memref_slice %arg8[%add3A_501] : memref<3072xi32, #tpu.memory_space<vmem>> -> memref<64xi32, #tpu.memory_space<vmem>>
            %dma_start3A_513 = arith.constant 0 : i32
            %dma_start3A_514 = arith.constant 0 : i32
            %dma_start3A_515 = tpu.memref_slice %arg5[%dma_start3A_513, %dma_start3A_514] : memref<10000x128xf32, #tpu.memory_space<hbm>> -> memref<10000x128xf32, #tpu.memory_space<hbm>>
            tpu.enqueue_indirect_dma source(%dma_start3A_515 : memref<10000x128xf32, #tpu.memory_space<hbm>>) target(%arg10 : memref<64x128xf32, #tpu.memory_space<vmem>>) offsets(%dma_start3A_512 : memref<64xi32, #tpu.memory_space<vmem>>) semaphore(%arg21 : memref<!tpu.dma_semaphore, #tpu.memory_space<semaphore_mem>>)
          } else {
          }
        } else {
        }
        %dma_start3A = arith.constant 0 : i32
        %dma_start3A_431 = arith.constant 0 : i32
        %dma_start3A_432 = tpu.memref_slice %arg16[%dma_start3A, %dma_start3A_431] : memref<1x64xi32, #tpu.memory_space<vmem>> -> memref<1x64xi32, #tpu.memory_space<vmem>>
        %dma_start3A_433 = tpu.memref_squeeze %dma_start3A_432 : memref<1x64xi32, #tpu.memory_space<vmem>> -> memref<64xi32, #tpu.memory_space<vmem>>
        %dma_start3A_434 = arith.constant 0 : i32
        %dma_start3A_435 = arith.constant 0 : i32
        %dma_start3A_436 = tpu.memref_slice %arg20[%dma_start3A_434, %dma_start3A_435] : memref<10240x128xf32, #tpu.memory_space<vmem_shared>> -> memref<10240x128xf32, #tpu.memory_space<vmem_shared>>
        tpu.enqueue_indirect_dma source(%arg11 : memref<64x128xf32, #tpu.memory_space<vmem>>) target(%dma_start3A_436 : memref<10240x128xf32, #tpu.memory_space<vmem_shared>>) offsets(%dma_start3A_433 : memref<64xi32, #tpu.memory_space<vmem>>) semaphore(%arg27 : memref<!tpu.dma_semaphore, #tpu.memory_space<semaphore_mem>>) {add = true}
      } else {
      }
      %mul3A_230 = arith.constant 5 : i32
      %mul3A_231 = arith.muli %while3A_213, %mul3A_230 : i32
      %add3A_232 = arith.constant 2 : i32
      %add3A_233 = arith.addi %mul3A_231, %add3A_232 : i32
      %lt3A_234 = arith.cmpi slt, %add3A_233, %add3A_5 : i32
      %convert_element_type3A_235 = arith.extui %lt3A_234 : i1 to i32
      %cond3A_236 = arith.constant 0 : i32
      %cond3A_237 = arith.cmpi ne, %convert_element_type3A_235, %cond3A_236 : i32
      scf.if %cond3A_237 {
        %dma_wait3A = arith.constant 0 : i32
        %dma_wait3A_254 = arith.constant 0 : i32
        %dma_wait3A_255 = tpu.memref_slice %arg4[%dma_wait3A, %dma_wait3A_254] : memref<10000x128xf32, #tpu.memory_space<hbm>> -> memref<64x128xf32, #tpu.memory_space<hbm>>
        %dma_wait3A_256 = arith.constant 0 : i32
        %dma_wait3A_257 = arith.constant 0 : i32
        %dma_wait3A_258 = tpu.memref_slice %arg4[%dma_wait3A_256, %dma_wait3A_257] : memref<10000x128xf32, #tpu.memory_space<hbm>> -> memref<64x128xf32, #tpu.memory_space<hbm>>
        tpu.wait_dma2 semaphore(%arg23 : memref<!tpu.dma_semaphore, #tpu.memory_space<semaphore_mem>>) src(%dma_wait3A_258 : memref<64x128xf32, #tpu.memory_space<hbm>>) dst(%arg12 : memref<64x128xf32, #tpu.memory_space<vmem>>)
        %jit3A_259 = arith.constant 24 : i32
        %div3A_260 = arith.divsi %add3A_233, %jit3A_259 : i32
        %sign3A_261 = arith.constant 0 : i32
        %sign3A_262 = arith.cmpi sgt, %add3A_233, %sign3A_261 : i32
        %sign3A_263 = arith.extui %sign3A_262 : i1 to i32
        %sign3A_264 = arith.constant 0 : i32
        %sign3A_265 = arith.cmpi slt, %add3A_233, %sign3A_264 : i32
        %sign3A_266 = arith.extui %sign3A_265 : i1 to i32
        %sign3A_267 = arith.subi %sign3A_263, %sign3A_266 : i32
        %sign3A_268 = arith.constant 0 : i32
        %sign3A_269 = arith.cmpi sgt, %jit3A_259, %sign3A_268 : i32
        %sign3A_270 = arith.extui %sign3A_269 : i1 to i32
        %sign3A_271 = arith.constant 0 : i32
        %sign3A_272 = arith.cmpi slt, %jit3A_259, %sign3A_271 : i32
        %sign3A_273 = arith.extui %sign3A_272 : i1 to i32
        %sign3A_274 = arith.subi %sign3A_270, %sign3A_273 : i32
        %ne3A_275 = arith.cmpi ne, %sign3A_267, %sign3A_274 : i32
        %rem3A_276 = arith.remsi %add3A_233, %jit3A_259 : i32
        %ne3A_277 = arith.constant 0 : i32
        %ne3A_278 = arith.cmpi ne, %rem3A_276, %ne3A_277 : i32
        %and3A_279 = arith.andi %ne3A_275, %ne3A_278 : i1
        %sub3A_280 = arith.constant 1 : i32
        %sub3A_281 = arith.subi %div3A_260, %sub3A_280 : i32
        %select_n3A_282 = arith.select %and3A_279, %sub3A_281, %div3A_260 : i32
        %jit3A_283 = arith.constant 2 : i32
        %eq3A_284 = arith.constant 0 : i32
        %eq3A_285 = arith.cmpi eq, %jit3A_283, %eq3A_284 : i32
        %jit3A_286 = arith.constant 1 : i32
        %select_n3A_287 = arith.select %eq3A_285, %jit3A_286, %jit3A_283 : i32
        %rem3A_288 = arith.remsi %select_n3A_282, %select_n3A_287 : i32
        %ne3A_289 = arith.constant 0 : i32
        %ne3A_290 = arith.cmpi ne, %rem3A_288, %ne3A_289 : i32
        %lt3A_291 = arith.constant 0 : i32
        %lt3A_292 = arith.cmpi slt, %rem3A_288, %lt3A_291 : i32
        %lt3A_293 = arith.constant 0 : i32
        %lt3A_294 = arith.cmpi slt, %select_n3A_287, %lt3A_293 : i32
        %ne3A_295 = arith.xori %lt3A_292, %lt3A_294 : i1
        %and3A_296 = arith.andi %ne3A_295, %ne3A_290 : i1
        %add3A_297 = arith.addi %rem3A_288, %select_n3A_287 : i32
        %select_n3A_298 = arith.select %and3A_296, %add3A_297, %rem3A_288 : i32
        %mul3A_299 = arith.constant 24 : i32
        %mul3A_300 = arith.muli %select_n3A_298, %mul3A_299 : i32
        %jit3A_301 = arith.constant 24 : i32
        %eq3A_302 = arith.constant 0 : i32
        %eq3A_303 = arith.cmpi eq, %jit3A_301, %eq3A_302 : i32
        %jit3A_304 = arith.constant 1 : i32
        %select_n3A_305 = arith.select %eq3A_303, %jit3A_304, %jit3A_301 : i32
        %rem3A_306 = arith.remsi %add3A_233, %select_n3A_305 : i32
        %ne3A_307 = arith.constant 0 : i32
        %ne3A_308 = arith.cmpi ne, %rem3A_306, %ne3A_307 : i32
        %lt3A_309 = arith.constant 0 : i32
        %lt3A_310 = arith.cmpi slt, %rem3A_306, %lt3A_309 : i32
        %lt3A_311 = arith.constant 0 : i32
        %lt3A_312 = arith.cmpi slt, %select_n3A_305, %lt3A_311 : i32
        %ne3A_313 = arith.xori %lt3A_310, %lt3A_312 : i1
        %and3A_314 = arith.andi %ne3A_313, %ne3A_308 : i1
        %add3A_315 = arith.addi %rem3A_306, %select_n3A_305 : i32
        %select_n3A_316 = arith.select %and3A_314, %add3A_315, %rem3A_306 : i32
        %add3A_317 = arith.addi %mul3A_300, %select_n3A_316 : i32
        %mul3A_318 = arith.constant 64 : i32
        %mul3A_319 = arith.muli %add3A_317, %mul3A_318 : i32
        %add3A_320 = arith.constant 0 : i32
        %add3A_321 = arith.addi %mul3A_319, %add3A_320 : i32
        %get3A = arith.index_cast %add3A_321 : i32 to index
        %get3A_322 = tpu.vector_load %arg8[%get3A] {strides = array<i32>} : memref<3072xi32, #tpu.memory_space<vmem>>, vector<16xi32>,
        %get3A_323 = vector.shape_cast %get3A_322 : vector<16xi32> to vector<16xi32>
        %add3A_324 = arith.constant 0 : i32
        %add3A_325 = arith.addi %mul3A_319, %add3A_324 : i32
        %get3A_326 = arith.index_cast %add3A_325 : i32 to index
        %get3A_327 = tpu.vector_load %arg9[%get3A_326] {strides = array<i32>} : memref<3072xi32, #tpu.memory_space<vmem>>, vector<16xi32>,
        %get3A_328 = vector.shape_cast %get3A_327 : vector<16xi32> to vector<16xi32>
        %eq3A_329 = arith.cmpi eq, %get3A_323, %get3A_328 : vector<16xi32>
        %select_n3A_330 = arith.select %eq3A_329, %broadcast_in_dim3A_39, %get3A_328 : vector<16xi1>, vector<16xi32>
        %swap3A = arith.constant 0 : i32
        %swap3A_331 = arith.index_cast %swap3A : i32 to index
        %swap3A_332 = arith.constant 0 : index
        %swap3A_333 = tpu.vector_load %arg17[%swap3A_331, %swap3A_332] {strides = array<i32>} : memref<1x64xi32, #tpu.memory_space<vmem>>, vector<1x16xi32>,
        %swap3A_334 = vector.shape_cast %swap3A_333 : vector<1x16xi32> to vector<16xi32>
        %swap3A_335 = vector.shape_cast %select_n3A_330 : vector<16xi32> to vector<1x16xi32>
        tpu.vector_store %arg17[%swap3A_331, %swap3A_332], %swap3A_335 {strides = array<i32>} : memref<1x64xi32, #tpu.memory_space<vmem>>, vector<1x16xi32>,
        %add3A_336 = arith.constant 16 : i32
        %add3A_337 = arith.addi %mul3A_319, %add3A_336 : i32
        %get3A_338 = arith.index_cast %add3A_337 : i32 to index
        %get3A_339 = tpu.vector_load %arg8[%get3A_338] {strides = array<i32>} : memref<3072xi32, #tpu.memory_space<vmem>>, vector<16xi32>,
        %get3A_340 = vector.shape_cast %get3A_339 : vector<16xi32> to vector<16xi32>
        %add3A_341 = arith.constant 16 : i32
        %add3A_342 = arith.addi %mul3A_319, %add3A_341 : i32
        %get3A_343 = arith.index_cast %add3A_342 : i32 to index
        %get3A_344 = tpu.vector_load %arg9[%get3A_343] {strides = array<i32>} : memref<3072xi32, #tpu.memory_space<vmem>>, vector<16xi32>,
        %get3A_345 = vector.shape_cast %get3A_344 : vector<16xi32> to vector<16xi32>
        %eq3A_346 = arith.cmpi eq, %get3A_340, %get3A_345 : vector<16xi32>
        %select_n3A_347 = arith.select %eq3A_346, %broadcast_in_dim3A_39, %get3A_345 : vector<16xi1>, vector<16xi32>
        %swap3A_348 = arith.constant 0 : i32
        %swap3A_349 = arith.index_cast %swap3A_348 : i32 to index
        %swap3A_350 = arith.constant 16 : index
        %swap3A_351 = tpu.vector_load %arg17[%swap3A_349, %swap3A_350] {strides = array<i32>} : memref<1x64xi32, #tpu.memory_space<vmem>>, vector<1x16xi32>,
        %swap3A_352 = vector.shape_cast %swap3A_351 : vector<1x16xi32> to vector<16xi32>
        %swap3A_353 = vector.shape_cast %select_n3A_347 : vector<16xi32> to vector<1x16xi32>
        tpu.vector_store %arg17[%swap3A_349, %swap3A_350], %swap3A_353 {strides = array<i32>} : memref<1x64xi32, #tpu.memory_space<vmem>>, vector<1x16xi32>,
        %add3A_354 = arith.constant 32 : i32
        %add3A_355 = arith.addi %mul3A_319, %add3A_354 : i32
        %get3A_356 = arith.index_cast %add3A_355 : i32 to index
        %get3A_357 = tpu.vector_load %arg8[%get3A_356] {strides = array<i32>} : memref<3072xi32, #tpu.memory_space<vmem>>, vector<16xi32>,
        %get3A_358 = vector.shape_cast %get3A_357 : vector<16xi32> to vector<16xi32>
        %add3A_359 = arith.constant 32 : i32
        %add3A_360 = arith.addi %mul3A_319, %add3A_359 : i32
        %get3A_361 = arith.index_cast %add3A_360 : i32 to index
        %get3A_362 = tpu.vector_load %arg9[%get3A_361] {strides = array<i32>} : memref<3072xi32, #tpu.memory_space<vmem>>, vector<16xi32>,
        %get3A_363 = vector.shape_cast %get3A_362 : vector<16xi32> to vector<16xi32>
        %eq3A_364 = arith.cmpi eq, %get3A_358, %get3A_363 : vector<16xi32>
        %select_n3A_365 = arith.select %eq3A_364, %broadcast_in_dim3A_39, %get3A_363 : vector<16xi1>, vector<16xi32>
        %swap3A_366 = arith.constant 0 : i32
        %swap3A_367 = arith.index_cast %swap3A_366 : i32 to index
        %swap3A_368 = arith.constant 32 : index
        %swap3A_369 = tpu.vector_load %arg17[%swap3A_367, %swap3A_368] {strides = array<i32>} : memref<1x64xi32, #tpu.memory_space<vmem>>, vector<1x16xi32>,
        %swap3A_370 = vector.shape_cast %swap3A_369 : vector<1x16xi32> to vector<16xi32>
        %swap3A_371 = vector.shape_cast %select_n3A_365 : vector<16xi32> to vector<1x16xi32>
        tpu.vector_store %arg17[%swap3A_367, %swap3A_368], %swap3A_371 {strides = array<i32>} : memref<1x64xi32, #tpu.memory_space<vmem>>, vector<1x16xi32>,
        %add3A_372 = arith.constant 48 : i32
        %add3A_373 = arith.addi %mul3A_319, %add3A_372 : i32
        %get3A_374 = arith.index_cast %add3A_373 : i32 to index
        %get3A_375 = tpu.vector_load %arg8[%get3A_374] {strides = array<i32>} : memref<3072xi32, #tpu.memory_space<vmem>>, vector<16xi32>,
        %get3A_376 = vector.shape_cast %get3A_375 : vector<16xi32> to vector<16xi32>
        %add3A_377 = arith.constant 48 : i32
        %add3A_378 = arith.addi %mul3A_319, %add3A_377 : i32
        %get3A_379 = arith.index_cast %add3A_378 : i32 to index
        %get3A_380 = tpu.vector_load %arg9[%get3A_379] {strides = array<i32>} : memref<3072xi32, #tpu.memory_space<vmem>>, vector<16xi32>,
        %get3A_381 = vector.shape_cast %get3A_380 : vector<16xi32> to vector<16xi32>
        %eq3A_382 = arith.cmpi eq, %get3A_376, %get3A_381 : vector<16xi32>
        %select_n3A_383 = arith.select %eq3A_382, %broadcast_in_dim3A_39, %get3A_381 : vector<16xi1>, vector<16xi32>
        %swap3A_384 = arith.constant 0 : i32
        %swap3A_385 = arith.index_cast %swap3A_384 : i32 to index
        %swap3A_386 = arith.constant 48 : index
        %swap3A_387 = tpu.vector_load %arg17[%swap3A_385, %swap3A_386] {strides = array<i32>} : memref<1x64xi32, #tpu.memory_space<vmem>>, vector<1x16xi32>,
        %swap3A_388 = vector.shape_cast %swap3A_387 : vector<1x16xi32> to vector<16xi32>
        %swap3A_389 = vector.shape_cast %select_n3A_383 : vector<16xi32> to vector<1x16xi32>
        tpu.vector_store %arg17[%swap3A_385, %swap3A_386], %swap3A_389 {strides = array<i32>} : memref<1x64xi32, #tpu.memory_space<vmem>>, vector<1x16xi32>,
        %add3A_390 = arith.constant 4 : i32
        %add3A_391 = arith.addi %add3A_233, %add3A_390 : i32
        %add3A_392 = arith.constant 1 : i32
        %add3A_393 = arith.addi %add3A_391, %add3A_392 : i32
        %jit3A_394 = arith.constant 24 : i32
        %eq3A_395 = arith.constant 0 : i32
        %eq3A_396 = arith.cmpi eq, %jit3A_394, %eq3A_395 : i32
        %jit3A_397 = arith.constant 1 : i32
        %select_n3A_398 = arith.select %eq3A_396, %jit3A_397, %jit3A_394 : i32
        %rem3A_399 = arith.remsi %add3A_393, %select_n3A_398 : i32
        %ne3A_400 = arith.constant 0 : i32
        %ne3A_401 = arith.cmpi ne, %rem3A_399, %ne3A_400 : i32
        %lt3A_402 = arith.constant 0 : i32
        %lt3A_403 = arith.cmpi slt, %rem3A_399, %lt3A_402 : i32
        %lt3A_404 = arith.constant 0 : i32
        %lt3A_405 = arith.cmpi slt, %select_n3A_398, %lt3A_404 : i32
        %ne3A_406 = arith.xori %lt3A_403, %lt3A_405 : i1
        %and3A_407 = arith.andi %ne3A_406, %ne3A_401 : i1
        %add3A_408 = arith.addi %rem3A_399, %select_n3A_398 : i32
        %select_n3A_409 = arith.select %and3A_407, %add3A_408, %rem3A_399 : i32
        %eq3A_410 = arith.constant 0 : i32
        %eq3A_411 = arith.cmpi eq, %select_n3A_409, %eq3A_410 : i32
        %add3A_412 = arith.constant 4 : i32
        %add3A_413 = arith.addi %add3A_233, %add3A_412 : i32
        %add3A_414 = arith.constant 1 : i32
        %add3A_415 = arith.addi %add3A_413, %add3A_414 : i32
        %lt3A_416 = arith.cmpi slt, %add3A_415, %add3A_5 : i32
        %and3A_417 = arith.andi %eq3A_411, %lt3A_416 : i1
        %convert_element_type3A_418 = arith.extui %and3A_417 : i1 to i32
        %cond3A_419 = arith.constant 0 : i32
        %cond3A_420 = arith.cmpi ne, %convert_element_type3A_418, %cond3A_419 : i32
        scf.if %cond3A_420 {
          %add3A_437 = arith.constant 4 : i32
          %add3A_438 = arith.addi %add3A_233, %add3A_437 : i32
          %add3A_439 = arith.constant 1 : i32
          %add3A_440 = arith.addi %add3A_438, %add3A_439 : i32
          %jit3A_441 = arith.constant 24 : i32
          %div3A_442 = arith.divsi %add3A_440, %jit3A_441 : i32
          %sign3A_443 = arith.constant 0 : i32
          %sign3A_444 = arith.cmpi sgt, %add3A_440, %sign3A_443 : i32
          %sign3A_445 = arith.extui %sign3A_444 : i1 to i32
          %sign3A_446 = arith.constant 0 : i32
          %sign3A_447 = arith.cmpi slt, %add3A_440, %sign3A_446 : i32
          %sign3A_448 = arith.extui %sign3A_447 : i1 to i32
          %sign3A_449 = arith.subi %sign3A_445, %sign3A_448 : i32
          %sign3A_450 = arith.constant 0 : i32
          %sign3A_451 = arith.cmpi sgt, %jit3A_441, %sign3A_450 : i32
          %sign3A_452 = arith.extui %sign3A_451 : i1 to i32
          %sign3A_453 = arith.constant 0 : i32
          %sign3A_454 = arith.cmpi slt, %jit3A_441, %sign3A_453 : i32
          %sign3A_455 = arith.extui %sign3A_454 : i1 to i32
          %sign3A_456 = arith.subi %sign3A_452, %sign3A_455 : i32
          %ne3A_457 = arith.cmpi ne, %sign3A_449, %sign3A_456 : i32
          %rem3A_458 = arith.remsi %add3A_440, %jit3A_441 : i32
          %ne3A_459 = arith.constant 0 : i32
          %ne3A_460 = arith.cmpi ne, %rem3A_458, %ne3A_459 : i32
          %and3A_461 = arith.andi %ne3A_457, %ne3A_460 : i1
          %sub3A_462 = arith.constant 1 : i32
          %sub3A_463 = arith.subi %div3A_442, %sub3A_462 : i32
          %select_n3A_464 = arith.select %and3A_461, %sub3A_463, %div3A_442 : i32
          %mul3A_465 = arith.constant 24 : i32
          %mul3A_466 = arith.muli %select_n3A_464, %mul3A_465 : i32
          %add3A_467 = arith.addi %add3A, %mul3A_466 : i32
          %mul3A_468 = arith.constant 64 : i32
          %mul3A_469 = arith.muli %add3A_467, %mul3A_468 : i32
          %jit3A_470 = arith.constant 2 : i32
          %eq3A_471 = arith.constant 0 : i32
          %eq3A_472 = arith.cmpi eq, %jit3A_470, %eq3A_471 : i32
          %jit3A_473 = arith.constant 1 : i32
          %select_n3A_474 = arith.select %eq3A_472, %jit3A_473, %jit3A_470 : i32
          %rem3A_475 = arith.remsi %select_n3A_464, %select_n3A_474 : i32
          %ne3A_476 = arith.constant 0 : i32
          %ne3A_477 = arith.cmpi ne, %rem3A_475, %ne3A_476 : i32
          %lt3A_478 = arith.constant 0 : i32
          %lt3A_479 = arith.cmpi slt, %rem3A_475, %lt3A_478 : i32
          %lt3A_480 = arith.constant 0 : i32
          %lt3A_481 = arith.cmpi slt, %select_n3A_474, %lt3A_480 : i32
          %ne3A_482 = arith.xori %lt3A_479, %lt3A_481 : i1
          %and3A_483 = arith.andi %ne3A_482, %ne3A_477 : i1
          %add3A_484 = arith.addi %rem3A_475, %select_n3A_474 : i32
          %select_n3A_485 = arith.select %and3A_483, %add3A_484, %rem3A_475 : i32
          %mul3A_486 = arith.constant 24 : i32
          %mul3A_487 = arith.muli %select_n3A_485, %mul3A_486 : i32
          %mul3A_488 = arith.constant 64 : i32
          %mul3A_489 = arith.muli %mul3A_487, %mul3A_488 : i32
          "tpu.region"() ({
            %run_scoped3A = tpu.sem_alloc : memref<!tpu.dma_semaphore, #tpu.memory_space<semaphore_mem>>
            %dma_start3A_490 = tpu.memref_slice %arg8[%mul3A_489] : memref<3072xi32, #tpu.memory_space<vmem>> -> memref<1536xi32, #tpu.memory_space<vmem>>
            %dma_start3A_491 = tpu.memref_slice %arg2[%mul3A_469] : memref<323072xi32, #tpu.memory_space<hbm>> -> memref<1536xi32, #tpu.memory_space<hbm>>
            %dma_start3A_492 = tpu.memref_slice %arg8[%mul3A_489] : memref<3072xi32, #tpu.memory_space<vmem>> -> memref<1536xi32, #tpu.memory_space<vmem>>
            %dma_start3A_493 = tpu.memref_slice %arg2[%mul3A_469] : memref<323072xi32, #tpu.memory_space<hbm>> -> memref<1536xi32, #tpu.memory_space<hbm>>
            tpu.enqueue_dma source(%dma_start3A_493 : memref<1536xi32, #tpu.memory_space<hbm>>) target(%dma_start3A_492 : memref<1536xi32, #tpu.memory_space<vmem>>) target_semaphore(%run_scoped3A : memref<!tpu.dma_semaphore, #tpu.memory_space<semaphore_mem>>)
            %dma_wait3A_494 = tpu.memref_slice %arg8[%mul3A_489] : memref<3072xi32, #tpu.memory_space<vmem>> -> memref<1536xi32, #tpu.memory_space<vmem>>
            %dma_wait3A_495 = tpu.memref_slice %arg2[%mul3A_469] : memref<323072xi32, #tpu.memory_space<hbm>> -> memref<1536xi32, #tpu.memory_space<hbm>>
            %dma_wait3A_496 = tpu.memref_slice %arg8[%mul3A_489] : memref<3072xi32, #tpu.memory_space<vmem>> -> memref<1536xi32, #tpu.memory_space<vmem>>
            %dma_wait3A_497 = tpu.memref_slice %arg2[%mul3A_469] : memref<323072xi32, #tpu.memory_space<hbm>> -> memref<1536xi32, #tpu.memory_space<hbm>>
            tpu.wait_dma2 semaphore(%run_scoped3A : memref<!tpu.dma_semaphore, #tpu.memory_space<semaphore_mem>>) src(%dma_wait3A_497 : memref<1536xi32, #tpu.memory_space<hbm>>) dst(%dma_wait3A_496 : memref<1536xi32, #tpu.memory_space<vmem>>)
            tpu.yield
          }) : () -> ()
          "tpu.region"() ({
            %run_scoped3A = tpu.sem_alloc : memref<!tpu.dma_semaphore, #tpu.memory_space<semaphore_mem>>
            %dma_start3A_490 = tpu.memref_slice %arg9[%mul3A_489] : memref<3072xi32, #tpu.memory_space<vmem>> -> memref<1536xi32, #tpu.memory_space<vmem>>
            %dma_start3A_491 = tpu.memref_slice %arg3[%mul3A_469] : memref<323072xi32, #tpu.memory_space<hbm>> -> memref<1536xi32, #tpu.memory_space<hbm>>
            %dma_start3A_492 = tpu.memref_slice %arg9[%mul3A_489] : memref<3072xi32, #tpu.memory_space<vmem>> -> memref<1536xi32, #tpu.memory_space<vmem>>
            %dma_start3A_493 = tpu.memref_slice %arg3[%mul3A_469] : memref<323072xi32, #tpu.memory_space<hbm>> -> memref<1536xi32, #tpu.memory_space<hbm>>
            tpu.enqueue_dma source(%dma_start3A_493 : memref<1536xi32, #tpu.memory_space<hbm>>) target(%dma_start3A_492 : memref<1536xi32, #tpu.memory_space<vmem>>) target_semaphore(%run_scoped3A : memref<!tpu.dma_semaphore, #tpu.memory_space<semaphore_mem>>)
            %dma_wait3A_494 = tpu.memref_slice %arg9[%mul3A_489] : memref<3072xi32, #tpu.memory_space<vmem>> -> memref<1536xi32, #tpu.memory_space<vmem>>
            %dma_wait3A_495 = tpu.memref_slice %arg3[%mul3A_469] : memref<323072xi32, #tpu.memory_space<hbm>> -> memref<1536xi32, #tpu.memory_space<hbm>>
            %dma_wait3A_496 = tpu.memref_slice %arg9[%mul3A_489] : memref<3072xi32, #tpu.memory_space<vmem>> -> memref<1536xi32, #tpu.memory_space<vmem>>
            %dma_wait3A_497 = tpu.memref_slice %arg3[%mul3A_469] : memref<323072xi32, #tpu.memory_space<hbm>> -> memref<1536xi32, #tpu.memory_space<hbm>>
            tpu.wait_dma2 semaphore(%run_scoped3A : memref<!tpu.dma_semaphore, #tpu.memory_space<semaphore_mem>>) src(%dma_wait3A_497 : memref<1536xi32, #tpu.memory_space<hbm>>) dst(%dma_wait3A_496 : memref<1536xi32, #tpu.memory_space<vmem>>)
            tpu.yield
          }) : () -> ()
        } else {
        }
        %ge3A = arith.constant 1 : i32
        %ge3A_421 = arith.cmpi sge, %add3A_233, %ge3A : i32
        %convert_element_type3A_422 = arith.extui %ge3A_421 : i1 to i32
        %cond3A_423 = arith.constant 0 : i32
        %cond3A_424 = arith.cmpi ne, %convert_element_type3A_422, %cond3A_423 : i32
        scf.if %cond3A_424 {
          %dma_wait3A_437 = arith.constant 0 : i32
          %dma_wait3A_438 = arith.constant 0 : i32
          %dma_wait3A_439 = tpu.memref_slice %arg20[%dma_wait3A_437, %dma_wait3A_438] : memref<10240x128xf32, #tpu.memory_space<vmem_shared>> -> memref<64x128xf32, #tpu.memory_space<vmem_shared>>
          %dma_wait3A_440 = arith.constant 0 : i32
          %dma_wait3A_441 = arith.constant 0 : i32
          %dma_wait3A_442 = tpu.memref_slice %arg20[%dma_wait3A_440, %dma_wait3A_441] : memref<10240x128xf32, #tpu.memory_space<vmem_shared>> -> memref<64x128xf32, #tpu.memory_space<vmem_shared>>
          tpu.wait_dma2 semaphore(%arg27 : memref<!tpu.dma_semaphore, #tpu.memory_space<semaphore_mem>>) src(%arg11 : memref<64x128xf32, #tpu.memory_space<vmem>>) dst(%dma_wait3A_442 : memref<64x128xf32, #tpu.memory_space<vmem_shared>>)
        } else {
        }
        %add3A_425 = arith.constant 4 : i32
        %add3A_426 = arith.addi %add3A_233, %add3A_425 : i32
        %lt3A_427 = arith.cmpi slt, %add3A_426, %add3A_5 : i32
        %convert_element_type3A_428 = arith.extui %lt3A_427 : i1 to i32
        %cond3A_429 = arith.constant 0 : i32
        %cond3A_430 = arith.cmpi ne, %convert_element_type3A_428, %cond3A_429 : i32
        scf.if %cond3A_430 {
          %add3A_437 = arith.constant 4 : i32
          %add3A_438 = arith.addi %add3A_233, %add3A_437 : i32
          %jit3A_439 = arith.constant 24 : i32
          %div3A_440 = arith.divsi %add3A_438, %jit3A_439 : i32
          %sign3A_441 = arith.constant 0 : i32
          %sign3A_442 = arith.cmpi sgt, %add3A_438, %sign3A_441 : i32
          %sign3A_443 = arith.extui %sign3A_442 : i1 to i32
          %sign3A_444 = arith.constant 0 : i32
          %sign3A_445 = arith.cmpi slt, %add3A_438, %sign3A_444 : i32
          %sign3A_446 = arith.extui %sign3A_445 : i1 to i32
          %sign3A_447 = arith.subi %sign3A_443, %sign3A_446 : i32
          %sign3A_448 = arith.constant 0 : i32
          %sign3A_449 = arith.cmpi sgt, %jit3A_439, %sign3A_448 : i32
          %sign3A_450 = arith.extui %sign3A_449 : i1 to i32
          %sign3A_451 = arith.constant 0 : i32
          %sign3A_452 = arith.cmpi slt, %jit3A_439, %sign3A_451 : i32
          %sign3A_453 = arith.extui %sign3A_452 : i1 to i32
          %sign3A_454 = arith.subi %sign3A_450, %sign3A_453 : i32
          %ne3A_455 = arith.cmpi ne, %sign3A_447, %sign3A_454 : i32
          %rem3A_456 = arith.remsi %add3A_438, %jit3A_439 : i32
          %ne3A_457 = arith.constant 0 : i32
          %ne3A_458 = arith.cmpi ne, %rem3A_456, %ne3A_457 : i32
          %and3A_459 = arith.andi %ne3A_455, %ne3A_458 : i1
          %sub3A_460 = arith.constant 1 : i32
          %sub3A_461 = arith.subi %div3A_440, %sub3A_460 : i32
          %select_n3A_462 = arith.select %and3A_459, %sub3A_461, %div3A_440 : i32
          %jit3A_463 = arith.constant 2 : i32
          %eq3A_464 = arith.constant 0 : i32
          %eq3A_465 = arith.cmpi eq, %jit3A_463, %eq3A_464 : i32
          %jit3A_466 = arith.constant 1 : i32
          %select_n3A_467 = arith.select %eq3A_465, %jit3A_466, %jit3A_463 : i32
          %rem3A_468 = arith.remsi %select_n3A_462, %select_n3A_467 : i32
          %ne3A_469 = arith.constant 0 : i32
          %ne3A_470 = arith.cmpi ne, %rem3A_468, %ne3A_469 : i32
          %lt3A_471 = arith.constant 0 : i32
          %lt3A_472 = arith.cmpi slt, %rem3A_468, %lt3A_471 : i32
          %lt3A_473 = arith.constant 0 : i32
          %lt3A_474 = arith.cmpi slt, %select_n3A_467, %lt3A_473 : i32
          %ne3A_475 = arith.xori %lt3A_472, %lt3A_474 : i1
          %and3A_476 = arith.andi %ne3A_475, %ne3A_470 : i1
          %add3A_477 = arith.addi %rem3A_468, %select_n3A_467 : i32
          %select_n3A_478 = arith.select %and3A_476, %add3A_477, %rem3A_468 : i32
          %mul3A_479 = arith.constant 24 : i32
          %mul3A_480 = arith.muli %select_n3A_478, %mul3A_479 : i32
          %mul3A_481 = arith.constant 64 : i32
          %mul3A_482 = arith.muli %mul3A_480, %mul3A_481 : i32
          %jit3A_483 = arith.constant 24 : i32
          %eq3A_484 = arith.constant 0 : i32
          %eq3A_485 = arith.cmpi eq, %jit3A_483, %eq3A_484 : i32
          %jit3A_486 = arith.constant 1 : i32
          %select_n3A_487 = arith.select %eq3A_485, %jit3A_486, %jit3A_483 : i32
          %rem3A_488 = arith.remsi %add3A_438, %select_n3A_487 : i32
          %ne3A_489 = arith.constant 0 : i32
          %ne3A_490 = arith.cmpi ne, %rem3A_488, %ne3A_489 : i32
          %lt3A_491 = arith.constant 0 : i32
          %lt3A_492 = arith.cmpi slt, %rem3A_488, %lt3A_491 : i32
          %lt3A_493 = arith.constant 0 : i32
          %lt3A_494 = arith.cmpi slt, %select_n3A_487, %lt3A_493 : i32
          %ne3A_495 = arith.xori %lt3A_492, %lt3A_494 : i1
          %and3A_496 = arith.andi %ne3A_495, %ne3A_490 : i1
          %add3A_497 = arith.addi %rem3A_488, %select_n3A_487 : i32
          %select_n3A_498 = arith.select %and3A_496, %add3A_497, %rem3A_488 : i32
          %mul3A_499 = arith.constant 64 : i32
          %mul3A_500 = arith.muli %select_n3A_498, %mul3A_499 : i32
          %add3A_501 = arith.addi %mul3A_482, %mul3A_500 : i32
          %eq3A_502 = arith.constant 0 : i32
          %eq3A_503 = arith.cmpi eq, %arg0, %eq3A_502 : i32
          %convert_element_type3A_504 = arith.extui %eq3A_503 : i1 to i32
          %cond3A_505 = arith.constant 0 : i32
          %cond3A_506 = arith.cmpi ne, %convert_element_type3A_504, %cond3A_505 : i32
          scf.if %cond3A_506 {
            %dma_start3A_512 = tpu.memref_slice %arg8[%add3A_501] : memref<3072xi32, #tpu.memory_space<vmem>> -> memref<64xi32, #tpu.memory_space<vmem>>
            %dma_start3A_513 = arith.constant 0 : i32
            %dma_start3A_514 = arith.constant 0 : i32
            %dma_start3A_515 = tpu.memref_slice %arg4[%dma_start3A_513, %dma_start3A_514] : memref<10000x128xf32, #tpu.memory_space<hbm>> -> memref<10000x128xf32, #tpu.memory_space<hbm>>
            tpu.enqueue_indirect_dma source(%dma_start3A_515 : memref<10000x128xf32, #tpu.memory_space<hbm>>) target(%arg11 : memref<64x128xf32, #tpu.memory_space<vmem>>) offsets(%dma_start3A_512 : memref<64xi32, #tpu.memory_space<vmem>>) semaphore(%arg22 : memref<!tpu.dma_semaphore, #tpu.memory_space<semaphore_mem>>)
          } else {
          }
          %eq3A_507 = arith.constant 1 : i32
          %eq3A_508 = arith.cmpi eq, %arg0, %eq3A_507 : i32
          %convert_element_type3A_509 = arith.extui %eq3A_508 : i1 to i32
          %cond3A_510 = arith.constant 0 : i32
          %cond3A_511 = arith.cmpi ne, %convert_element_type3A_509, %cond3A_510 : i32
          scf.if %cond3A_511 {
            %dma_start3A_512 = tpu.memref_slice %arg8[%add3A_501] : memref<3072xi32, #tpu.memory_space<vmem>> -> memref<64xi32, #tpu.memory_space<vmem>>
            %dma_start3A_513 = arith.constant 0 : i32
            %dma_start3A_514 = arith.constant 0 : i32
            %dma_start3A_515 = tpu.memref_slice %arg5[%dma_start3A_513, %dma_start3A_514] : memref<10000x128xf32, #tpu.memory_space<hbm>> -> memref<10000x128xf32, #tpu.memory_space<hbm>>
            tpu.enqueue_indirect_dma source(%dma_start3A_515 : memref<10000x128xf32, #tpu.memory_space<hbm>>) target(%arg11 : memref<64x128xf32, #tpu.memory_space<vmem>>) offsets(%dma_start3A_512 : memref<64xi32, #tpu.memory_space<vmem>>) semaphore(%arg22 : memref<!tpu.dma_semaphore, #tpu.memory_space<semaphore_mem>>)
          } else {
          }
        } else {
        }
        %dma_start3A = arith.constant 0 : i32
        %dma_start3A_431 = arith.constant 0 : i32
        %dma_start3A_432 = tpu.memref_slice %arg17[%dma_start3A, %dma_start3A_431] : memref<1x64xi32, #tpu.memory_space<vmem>> -> memref<1x64xi32, #tpu.memory_space<vmem>>
        %dma_start3A_433 = tpu.memref_squeeze %dma_start3A_432 : memref<1x64xi32, #tpu.memory_space<vmem>> -> memref<64xi32, #tpu.memory_space<vmem>>
        %dma_start3A_434 = arith.constant 0 : i32
        %dma_start3A_435 = arith.constant 0 : i32
        %dma_start3A_436 = tpu.memref_slice %arg20[%dma_start3A_434, %dma_start3A_435] : memref<10240x128xf32, #tpu.memory_space<vmem_shared>> -> memref<10240x128xf32, #tpu.memory_space<vmem_shared>>
        tpu.enqueue_indirect_dma source(%arg12 : memref<64x128xf32, #tpu.memory_space<vmem>>) target(%dma_start3A_436 : memref<10240x128xf32, #tpu.memory_space<vmem_shared>>) offsets(%dma_start3A_433 : memref<64xi32, #tpu.memory_space<vmem>>) semaphore(%arg28 : memref<!tpu.dma_semaphore, #tpu.memory_space<semaphore_mem>>) {add = true}
      } else {
      }
      %mul3A_238 = arith.constant 5 : i32
      %mul3A_239 = arith.muli %while3A_213, %mul3A_238 : i32
      %add3A_240 = arith.constant 3 : i32
      %add3A_241 = arith.addi %mul3A_239, %add3A_240 : i32
      %lt3A_242 = arith.cmpi slt, %add3A_241, %add3A_5 : i32
      %convert_element_type3A_243 = arith.extui %lt3A_242 : i1 to i32
      %cond3A_244 = arith.constant 0 : i32
      %cond3A_245 = arith.cmpi ne, %convert_element_type3A_243, %cond3A_244 : i32
      scf.if %cond3A_245 {
        %dma_wait3A = arith.constant 0 : i32
        %dma_wait3A_254 = arith.constant 0 : i32
        %dma_wait3A_255 = tpu.memref_slice %arg4[%dma_wait3A, %dma_wait3A_254] : memref<10000x128xf32, #tpu.memory_space<hbm>> -> memref<64x128xf32, #tpu.memory_space<hbm>>
        %dma_wait3A_256 = arith.constant 0 : i32
        %dma_wait3A_257 = arith.constant 0 : i32
        %dma_wait3A_258 = tpu.memref_slice %arg4[%dma_wait3A_256, %dma_wait3A_257] : memref<10000x128xf32, #tpu.memory_space<hbm>> -> memref<64x128xf32, #tpu.memory_space<hbm>>
        tpu.wait_dma2 semaphore(%arg24 : memref<!tpu.dma_semaphore, #tpu.memory_space<semaphore_mem>>) src(%dma_wait3A_258 : memref<64x128xf32, #tpu.memory_space<hbm>>) dst(%arg13 : memref<64x128xf32, #tpu.memory_space<vmem>>)
        %jit3A_259 = arith.constant 24 : i32
        %div3A_260 = arith.divsi %add3A_241, %jit3A_259 : i32
        %sign3A_261 = arith.constant 0 : i32
        %sign3A_262 = arith.cmpi sgt, %add3A_241, %sign3A_261 : i32
        %sign3A_263 = arith.extui %sign3A_262 : i1 to i32
        %sign3A_264 = arith.constant 0 : i32
        %sign3A_265 = arith.cmpi slt, %add3A_241, %sign3A_264 : i32
        %sign3A_266 = arith.extui %sign3A_265 : i1 to i32
        %sign3A_267 = arith.subi %sign3A_263, %sign3A_266 : i32
        %sign3A_268 = arith.constant 0 : i32
        %sign3A_269 = arith.cmpi sgt, %jit3A_259, %sign3A_268 : i32
        %sign3A_270 = arith.extui %sign3A_269 : i1 to i32
        %sign3A_271 = arith.constant 0 : i32
        %sign3A_272 = arith.cmpi slt, %jit3A_259, %sign3A_271 : i32
        %sign3A_273 = arith.extui %sign3A_272 : i1 to i32
        %sign3A_274 = arith.subi %sign3A_270, %sign3A_273 : i32
        %ne3A_275 = arith.cmpi ne, %sign3A_267, %sign3A_274 : i32
        %rem3A_276 = arith.remsi %add3A_241, %jit3A_259 : i32
        %ne3A_277 = arith.constant 0 : i32
        %ne3A_278 = arith.cmpi ne, %rem3A_276, %ne3A_277 : i32
        %and3A_279 = arith.andi %ne3A_275, %ne3A_278 : i1
        %sub3A_280 = arith.constant 1 : i32
        %sub3A_281 = arith.subi %div3A_260, %sub3A_280 : i32
        %select_n3A_282 = arith.select %and3A_279, %sub3A_281, %div3A_260 : i32
        %jit3A_283 = arith.constant 2 : i32
        %eq3A_284 = arith.constant 0 : i32
        %eq3A_285 = arith.cmpi eq, %jit3A_283, %eq3A_284 : i32
        %jit3A_286 = arith.constant 1 : i32
        %select_n3A_287 = arith.select %eq3A_285, %jit3A_286, %jit3A_283 : i32
        %rem3A_288 = arith.remsi %select_n3A_282, %select_n3A_287 : i32
        %ne3A_289 = arith.constant 0 : i32
        %ne3A_290 = arith.cmpi ne, %rem3A_288, %ne3A_289 : i32
        %lt3A_291 = arith.constant 0 : i32
        %lt3A_292 = arith.cmpi slt, %rem3A_288, %lt3A_291 : i32
        %lt3A_293 = arith.constant 0 : i32
        %lt3A_294 = arith.cmpi slt, %select_n3A_287, %lt3A_293 : i32
        %ne3A_295 = arith.xori %lt3A_292, %lt3A_294 : i1
        %and3A_296 = arith.andi %ne3A_295, %ne3A_290 : i1
        %add3A_297 = arith.addi %rem3A_288, %select_n3A_287 : i32
        %select_n3A_298 = arith.select %and3A_296, %add3A_297, %rem3A_288 : i32
        %mul3A_299 = arith.constant 24 : i32
        %mul3A_300 = arith.muli %select_n3A_298, %mul3A_299 : i32
        %jit3A_301 = arith.constant 24 : i32
        %eq3A_302 = arith.constant 0 : i32
        %eq3A_303 = arith.cmpi eq, %jit3A_301, %eq3A_302 : i32
        %jit3A_304 = arith.constant 1 : i32
        %select_n3A_305 = arith.select %eq3A_303, %jit3A_304, %jit3A_301 : i32
        %rem3A_306 = arith.remsi %add3A_241, %select_n3A_305 : i32
        %ne3A_307 = arith.constant 0 : i32
        %ne3A_308 = arith.cmpi ne, %rem3A_306, %ne3A_307 : i32
        %lt3A_309 = arith.constant 0 : i32
        %lt3A_310 = arith.cmpi slt, %rem3A_306, %lt3A_309 : i32
        %lt3A_311 = arith.constant 0 : i32
        %lt3A_312 = arith.cmpi slt, %select_n3A_305, %lt3A_311 : i32
        %ne3A_313 = arith.xori %lt3A_310, %lt3A_312 : i1
        %and3A_314 = arith.andi %ne3A_313, %ne3A_308 : i1
        %add3A_315 = arith.addi %rem3A_306, %select_n3A_305 : i32
        %select_n3A_316 = arith.select %and3A_314, %add3A_315, %rem3A_306 : i32
        %add3A_317 = arith.addi %mul3A_300, %select_n3A_316 : i32
        %mul3A_318 = arith.constant 64 : i32
        %mul3A_319 = arith.muli %add3A_317, %mul3A_318 : i32
        %add3A_320 = arith.constant 0 : i32
        %add3A_321 = arith.addi %mul3A_319, %add3A_320 : i32
        %get3A = arith.index_cast %add3A_321 : i32 to index
        %get3A_322 = tpu.vector_load %arg8[%get3A] {strides = array<i32>} : memref<3072xi32, #tpu.memory_space<vmem>>, vector<16xi32>,
        %get3A_323 = vector.shape_cast %get3A_322 : vector<16xi32> to vector<16xi32>
        %add3A_324 = arith.constant 0 : i32
        %add3A_325 = arith.addi %mul3A_319, %add3A_324 : i32
        %get3A_326 = arith.index_cast %add3A_325 : i32 to index
        %get3A_327 = tpu.vector_load %arg9[%get3A_326] {strides = array<i32>} : memref<3072xi32, #tpu.memory_space<vmem>>, vector<16xi32>,
        %get3A_328 = vector.shape_cast %get3A_327 : vector<16xi32> to vector<16xi32>
        %eq3A_329 = arith.cmpi eq, %get3A_323, %get3A_328 : vector<16xi32>
        %select_n3A_330 = arith.select %eq3A_329, %broadcast_in_dim3A_39, %get3A_328 : vector<16xi1>, vector<16xi32>
        %swap3A = arith.constant 0 : i32
        %swap3A_331 = arith.index_cast %swap3A : i32 to index
        %swap3A_332 = arith.constant 0 : index
        %swap3A_333 = tpu.vector_load %arg18[%swap3A_331, %swap3A_332] {strides = array<i32>} : memref<1x64xi32, #tpu.memory_space<vmem>>, vector<1x16xi32>,
        %swap3A_334 = vector.shape_cast %swap3A_333 : vector<1x16xi32> to vector<16xi32>
        %swap3A_335 = vector.shape_cast %select_n3A_330 : vector<16xi32> to vector<1x16xi32>
        tpu.vector_store %arg18[%swap3A_331, %swap3A_332], %swap3A_335 {strides = array<i32>} : memref<1x64xi32, #tpu.memory_space<vmem>>, vector<1x16xi32>,
        %add3A_336 = arith.constant 16 : i32
        %add3A_337 = arith.addi %mul3A_319, %add3A_336 : i32
        %get3A_338 = arith.index_cast %add3A_337 : i32 to index
        %get3A_339 = tpu.vector_load %arg8[%get3A_338] {strides = array<i32>} : memref<3072xi32, #tpu.memory_space<vmem>>, vector<16xi32>,
        %get3A_340 = vector.shape_cast %get3A_339 : vector<16xi32> to vector<16xi32>
        %add3A_341 = arith.constant 16 : i32
        %add3A_342 = arith.addi %mul3A_319, %add3A_341 : i32
        %get3A_343 = arith.index_cast %add3A_342 : i32 to index
        %get3A_344 = tpu.vector_load %arg9[%get3A_343] {strides = array<i32>} : memref<3072xi32, #tpu.memory_space<vmem>>, vector<16xi32>,
        %get3A_345 = vector.shape_cast %get3A_344 : vector<16xi32> to vector<16xi32>
        %eq3A_346 = arith.cmpi eq, %get3A_340, %get3A_345 : vector<16xi32>
        %select_n3A_347 = arith.select %eq3A_346, %broadcast_in_dim3A_39, %get3A_345 : vector<16xi1>, vector<16xi32>
        %swap3A_348 = arith.constant 0 : i32
        %swap3A_349 = arith.index_cast %swap3A_348 : i32 to index
        %swap3A_350 = arith.constant 16 : index
        %swap3A_351 = tpu.vector_load %arg18[%swap3A_349, %swap3A_350] {strides = array<i32>} : memref<1x64xi32, #tpu.memory_space<vmem>>, vector<1x16xi32>,
        %swap3A_352 = vector.shape_cast %swap3A_351 : vector<1x16xi32> to vector<16xi32>
        %swap3A_353 = vector.shape_cast %select_n3A_347 : vector<16xi32> to vector<1x16xi32>
        tpu.vector_store %arg18[%swap3A_349, %swap3A_350], %swap3A_353 {strides = array<i32>} : memref<1x64xi32, #tpu.memory_space<vmem>>, vector<1x16xi32>,
        %add3A_354 = arith.constant 32 : i32
        %add3A_355 = arith.addi %mul3A_319, %add3A_354 : i32
        %get3A_356 = arith.index_cast %add3A_355 : i32 to index
        %get3A_357 = tpu.vector_load %arg8[%get3A_356] {strides = array<i32>} : memref<3072xi32, #tpu.memory_space<vmem>>, vector<16xi32>,
        %get3A_358 = vector.shape_cast %get3A_357 : vector<16xi32> to vector<16xi32>
        %add3A_359 = arith.constant 32 : i32
        %add3A_360 = arith.addi %mul3A_319, %add3A_359 : i32
        %get3A_361 = arith.index_cast %add3A_360 : i32 to index
        %get3A_362 = tpu.vector_load %arg9[%get3A_361] {strides = array<i32>} : memref<3072xi32, #tpu.memory_space<vmem>>, vector<16xi32>,
        %get3A_363 = vector.shape_cast %get3A_362 : vector<16xi32> to vector<16xi32>
        %eq3A_364 = arith.cmpi eq, %get3A_358, %get3A_363 : vector<16xi32>
        %select_n3A_365 = arith.select %eq3A_364, %broadcast_in_dim3A_39, %get3A_363 : vector<16xi1>, vector<16xi32>
        %swap3A_366 = arith.constant 0 : i32
        %swap3A_367 = arith.index_cast %swap3A_366 : i32 to index
        %swap3A_368 = arith.constant 32 : index
        %swap3A_369 = tpu.vector_load %arg18[%swap3A_367, %swap3A_368] {strides = array<i32>} : memref<1x64xi32, #tpu.memory_space<vmem>>, vector<1x16xi32>,
        %swap3A_370 = vector.shape_cast %swap3A_369 : vector<1x16xi32> to vector<16xi32>
        %swap3A_371 = vector.shape_cast %select_n3A_365 : vector<16xi32> to vector<1x16xi32>
        tpu.vector_store %arg18[%swap3A_367, %swap3A_368], %swap3A_371 {strides = array<i32>} : memref<1x64xi32, #tpu.memory_space<vmem>>, vector<1x16xi32>,
        %add3A_372 = arith.constant 48 : i32
        %add3A_373 = arith.addi %mul3A_319, %add3A_372 : i32
        %get3A_374 = arith.index_cast %add3A_373 : i32 to index
        %get3A_375 = tpu.vector_load %arg8[%get3A_374] {strides = array<i32>} : memref<3072xi32, #tpu.memory_space<vmem>>, vector<16xi32>,
        %get3A_376 = vector.shape_cast %get3A_375 : vector<16xi32> to vector<16xi32>
        %add3A_377 = arith.constant 48 : i32
        %add3A_378 = arith.addi %mul3A_319, %add3A_377 : i32
        %get3A_379 = arith.index_cast %add3A_378 : i32 to index
        %get3A_380 = tpu.vector_load %arg9[%get3A_379] {strides = array<i32>} : memref<3072xi32, #tpu.memory_space<vmem>>, vector<16xi32>,
        %get3A_381 = vector.shape_cast %get3A_380 : vector<16xi32> to vector<16xi32>
        %eq3A_382 = arith.cmpi eq, %get3A_376, %get3A_381 : vector<16xi32>
        %select_n3A_383 = arith.select %eq3A_382, %broadcast_in_dim3A_39, %get3A_381 : vector<16xi1>, vector<16xi32>
        %swap3A_384 = arith.constant 0 : i32
        %swap3A_385 = arith.index_cast %swap3A_384 : i32 to index
        %swap3A_386 = arith.constant 48 : index
        %swap3A_387 = tpu.vector_load %arg18[%swap3A_385, %swap3A_386] {strides = array<i32>} : memref<1x64xi32, #tpu.memory_space<vmem>>, vector<1x16xi32>,
        %swap3A_388 = vector.shape_cast %swap3A_387 : vector<1x16xi32> to vector<16xi32>
        %swap3A_389 = vector.shape_cast %select_n3A_383 : vector<16xi32> to vector<1x16xi32>
        tpu.vector_store %arg18[%swap3A_385, %swap3A_386], %swap3A_389 {strides = array<i32>} : memref<1x64xi32, #tpu.memory_space<vmem>>, vector<1x16xi32>,
        %add3A_390 = arith.constant 4 : i32
        %add3A_391 = arith.addi %add3A_241, %add3A_390 : i32
        %add3A_392 = arith.constant 1 : i32
        %add3A_393 = arith.addi %add3A_391, %add3A_392 : i32
        %jit3A_394 = arith.constant 24 : i32
        %eq3A_395 = arith.constant 0 : i32
        %eq3A_396 = arith.cmpi eq, %jit3A_394, %eq3A_395 : i32
        %jit3A_397 = arith.constant 1 : i32
        %select_n3A_398 = arith.select %eq3A_396, %jit3A_397, %jit3A_394 : i32
        %rem3A_399 = arith.remsi %add3A_393, %select_n3A_398 : i32
        %ne3A_400 = arith.constant 0 : i32
        %ne3A_401 = arith.cmpi ne, %rem3A_399, %ne3A_400 : i32
        %lt3A_402 = arith.constant 0 : i32
        %lt3A_403 = arith.cmpi slt, %rem3A_399, %lt3A_402 : i32
        %lt3A_404 = arith.constant 0 : i32
        %lt3A_405 = arith.cmpi slt, %select_n3A_398, %lt3A_404 : i32
        %ne3A_406 = arith.xori %lt3A_403, %lt3A_405 : i1
        %and3A_407 = arith.andi %ne3A_406, %ne3A_401 : i1
        %add3A_408 = arith.addi %rem3A_399, %select_n3A_398 : i32
        %select_n3A_409 = arith.select %and3A_407, %add3A_408, %rem3A_399 : i32
        %eq3A_410 = arith.constant 0 : i32
        %eq3A_411 = arith.cmpi eq, %select_n3A_409, %eq3A_410 : i32
        %add3A_412 = arith.constant 4 : i32
        %add3A_413 = arith.addi %add3A_241, %add3A_412 : i32
        %add3A_414 = arith.constant 1 : i32
        %add3A_415 = arith.addi %add3A_413, %add3A_414 : i32
        %lt3A_416 = arith.cmpi slt, %add3A_415, %add3A_5 : i32
        %and3A_417 = arith.andi %eq3A_411, %lt3A_416 : i1
        %convert_element_type3A_418 = arith.extui %and3A_417 : i1 to i32
        %cond3A_419 = arith.constant 0 : i32
        %cond3A_420 = arith.cmpi ne, %convert_element_type3A_418, %cond3A_419 : i32
        scf.if %cond3A_420 {
          %add3A_437 = arith.constant 4 : i32
          %add3A_438 = arith.addi %add3A_241, %add3A_437 : i32
          %add3A_439 = arith.constant 1 : i32
          %add3A_440 = arith.addi %add3A_438, %add3A_439 : i32
          %jit3A_441 = arith.constant 24 : i32
          %div3A_442 = arith.divsi %add3A_440, %jit3A_441 : i32
          %sign3A_443 = arith.constant 0 : i32
          %sign3A_444 = arith.cmpi sgt, %add3A_440, %sign3A_443 : i32
          %sign3A_445 = arith.extui %sign3A_444 : i1 to i32
          %sign3A_446 = arith.constant 0 : i32
          %sign3A_447 = arith.cmpi slt, %add3A_440, %sign3A_446 : i32
          %sign3A_448 = arith.extui %sign3A_447 : i1 to i32
          %sign3A_449 = arith.subi %sign3A_445, %sign3A_448 : i32
          %sign3A_450 = arith.constant 0 : i32
          %sign3A_451 = arith.cmpi sgt, %jit3A_441, %sign3A_450 : i32
          %sign3A_452 = arith.extui %sign3A_451 : i1 to i32
          %sign3A_453 = arith.constant 0 : i32
          %sign3A_454 = arith.cmpi slt, %jit3A_441, %sign3A_453 : i32
          %sign3A_455 = arith.extui %sign3A_454 : i1 to i32
          %sign3A_456 = arith.subi %sign3A_452, %sign3A_455 : i32
          %ne3A_457 = arith.cmpi ne, %sign3A_449, %sign3A_456 : i32
          %rem3A_458 = arith.remsi %add3A_440, %jit3A_441 : i32
          %ne3A_459 = arith.constant 0 : i32
          %ne3A_460 = arith.cmpi ne, %rem3A_458, %ne3A_459 : i32
          %and3A_461 = arith.andi %ne3A_457, %ne3A_460 : i1
          %sub3A_462 = arith.constant 1 : i32
          %sub3A_463 = arith.subi %div3A_442, %sub3A_462 : i32
          %select_n3A_464 = arith.select %and3A_461, %sub3A_463, %div3A_442 : i32
          %mul3A_465 = arith.constant 24 : i32
          %mul3A_466 = arith.muli %select_n3A_464, %mul3A_465 : i32
          %add3A_467 = arith.addi %add3A, %mul3A_466 : i32
          %mul3A_468 = arith.constant 64 : i32
          %mul3A_469 = arith.muli %add3A_467, %mul3A_468 : i32
          %jit3A_470 = arith.constant 2 : i32
          %eq3A_471 = arith.constant 0 : i32
          %eq3A_472 = arith.cmpi eq, %jit3A_470, %eq3A_471 : i32
          %jit3A_473 = arith.constant 1 : i32
          %select_n3A_474 = arith.select %eq3A_472, %jit3A_473, %jit3A_470 : i32
          %rem3A_475 = arith.remsi %select_n3A_464, %select_n3A_474 : i32
          %ne3A_476 = arith.constant 0 : i32
          %ne3A_477 = arith.cmpi ne, %rem3A_475, %ne3A_476 : i32
          %lt3A_478 = arith.constant 0 : i32
          %lt3A_479 = arith.cmpi slt, %rem3A_475, %lt3A_478 : i32
          %lt3A_480 = arith.constant 0 : i32
          %lt3A_481 = arith.cmpi slt, %select_n3A_474, %lt3A_480 : i32
          %ne3A_482 = arith.xori %lt3A_479, %lt3A_481 : i1
          %and3A_483 = arith.andi %ne3A_482, %ne3A_477 : i1
          %add3A_484 = arith.addi %rem3A_475, %select_n3A_474 : i32
          %select_n3A_485 = arith.select %and3A_483, %add3A_484, %rem3A_475 : i32
          %mul3A_486 = arith.constant 24 : i32
          %mul3A_487 = arith.muli %select_n3A_485, %mul3A_486 : i32
          %mul3A_488 = arith.constant 64 : i32
          %mul3A_489 = arith.muli %mul3A_487, %mul3A_488 : i32
          "tpu.region"() ({
            %run_scoped3A = tpu.sem_alloc : memref<!tpu.dma_semaphore, #tpu.memory_space<semaphore_mem>>
            %dma_start3A_490 = tpu.memref_slice %arg8[%mul3A_489] : memref<3072xi32, #tpu.memory_space<vmem>> -> memref<1536xi32, #tpu.memory_space<vmem>>
            %dma_start3A_491 = tpu.memref_slice %arg2[%mul3A_469] : memref<323072xi32, #tpu.memory_space<hbm>> -> memref<1536xi32, #tpu.memory_space<hbm>>
            %dma_start3A_492 = tpu.memref_slice %arg8[%mul3A_489] : memref<3072xi32, #tpu.memory_space<vmem>> -> memref<1536xi32, #tpu.memory_space<vmem>>
            %dma_start3A_493 = tpu.memref_slice %arg2[%mul3A_469] : memref<323072xi32, #tpu.memory_space<hbm>> -> memref<1536xi32, #tpu.memory_space<hbm>>
            tpu.enqueue_dma source(%dma_start3A_493 : memref<1536xi32, #tpu.memory_space<hbm>>) target(%dma_start3A_492 : memref<1536xi32, #tpu.memory_space<vmem>>) target_semaphore(%run_scoped3A : memref<!tpu.dma_semaphore, #tpu.memory_space<semaphore_mem>>)
            %dma_wait3A_494 = tpu.memref_slice %arg8[%mul3A_489] : memref<3072xi32, #tpu.memory_space<vmem>> -> memref<1536xi32, #tpu.memory_space<vmem>>
            %dma_wait3A_495 = tpu.memref_slice %arg2[%mul3A_469] : memref<323072xi32, #tpu.memory_space<hbm>> -> memref<1536xi32, #tpu.memory_space<hbm>>
            %dma_wait3A_496 = tpu.memref_slice %arg8[%mul3A_489] : memref<3072xi32, #tpu.memory_space<vmem>> -> memref<1536xi32, #tpu.memory_space<vmem>>
            %dma_wait3A_497 = tpu.memref_slice %arg2[%mul3A_469] : memref<323072xi32, #tpu.memory_space<hbm>> -> memref<1536xi32, #tpu.memory_space<hbm>>
            tpu.wait_dma2 semaphore(%run_scoped3A : memref<!tpu.dma_semaphore, #tpu.memory_space<semaphore_mem>>) src(%dma_wait3A_497 : memref<1536xi32, #tpu.memory_space<hbm>>) dst(%dma_wait3A_496 : memref<1536xi32, #tpu.memory_space<vmem>>)
            tpu.yield
          }) : () -> ()
          "tpu.region"() ({
            %run_scoped3A = tpu.sem_alloc : memref<!tpu.dma_semaphore, #tpu.memory_space<semaphore_mem>>
            %dma_start3A_490 = tpu.memref_slice %arg9[%mul3A_489] : memref<3072xi32, #tpu.memory_space<vmem>> -> memref<1536xi32, #tpu.memory_space<vmem>>
            %dma_start3A_491 = tpu.memref_slice %arg3[%mul3A_469] : memref<323072xi32, #tpu.memory_space<hbm>> -> memref<1536xi32, #tpu.memory_space<hbm>>
            %dma_start3A_492 = tpu.memref_slice %arg9[%mul3A_489] : memref<3072xi32, #tpu.memory_space<vmem>> -> memref<1536xi32, #tpu.memory_space<vmem>>
            %dma_start3A_493 = tpu.memref_slice %arg3[%mul3A_469] : memref<323072xi32, #tpu.memory_space<hbm>> -> memref<1536xi32, #tpu.memory_space<hbm>>
            tpu.enqueue_dma source(%dma_start3A_493 : memref<1536xi32, #tpu.memory_space<hbm>>) target(%dma_start3A_492 : memref<1536xi32, #tpu.memory_space<vmem>>) target_semaphore(%run_scoped3A : memref<!tpu.dma_semaphore, #tpu.memory_space<semaphore_mem>>)
            %dma_wait3A_494 = tpu.memref_slice %arg9[%mul3A_489] : memref<3072xi32, #tpu.memory_space<vmem>> -> memref<1536xi32, #tpu.memory_space<vmem>>
            %dma_wait3A_495 = tpu.memref_slice %arg3[%mul3A_469] : memref<323072xi32, #tpu.memory_space<hbm>> -> memref<1536xi32, #tpu.memory_space<hbm>>
            %dma_wait3A_496 = tpu.memref_slice %arg9[%mul3A_489] : memref<3072xi32, #tpu.memory_space<vmem>> -> memref<1536xi32, #tpu.memory_space<vmem>>
            %dma_wait3A_497 = tpu.memref_slice %arg3[%mul3A_469] : memref<323072xi32, #tpu.memory_space<hbm>> -> memref<1536xi32, #tpu.memory_space<hbm>>
            tpu.wait_dma2 semaphore(%run_scoped3A : memref<!tpu.dma_semaphore, #tpu.memory_space<semaphore_mem>>) src(%dma_wait3A_497 : memref<1536xi32, #tpu.memory_space<hbm>>) dst(%dma_wait3A_496 : memref<1536xi32, #tpu.memory_space<vmem>>)
            tpu.yield
          }) : () -> ()
        } else {
        }
        %ge3A = arith.constant 1 : i32
        %ge3A_421 = arith.cmpi sge, %add3A_241, %ge3A : i32
        %convert_element_type3A_422 = arith.extui %ge3A_421 : i1 to i32
        %cond3A_423 = arith.constant 0 : i32
        %cond3A_424 = arith.cmpi ne, %convert_element_type3A_422, %cond3A_423 : i32
        scf.if %cond3A_424 {
          %dma_wait3A_437 = arith.constant 0 : i32
          %dma_wait3A_438 = arith.constant 0 : i32
          %dma_wait3A_439 = tpu.memref_slice %arg20[%dma_wait3A_437, %dma_wait3A_438] : memref<10240x128xf32, #tpu.memory_space<vmem_shared>> -> memref<64x128xf32, #tpu.memory_space<vmem_shared>>
          %dma_wait3A_440 = arith.constant 0 : i32
          %dma_wait3A_441 = arith.constant 0 : i32
          %dma_wait3A_442 = tpu.memref_slice %arg20[%dma_wait3A_440, %dma_wait3A_441] : memref<10240x128xf32, #tpu.memory_space<vmem_shared>> -> memref<64x128xf32, #tpu.memory_space<vmem_shared>>
          tpu.wait_dma2 semaphore(%arg28 : memref<!tpu.dma_semaphore, #tpu.memory_space<semaphore_mem>>) src(%arg12 : memref<64x128xf32, #tpu.memory_space<vmem>>) dst(%dma_wait3A_442 : memref<64x128xf32, #tpu.memory_space<vmem_shared>>)
        } else {
        }
        %add3A_425 = arith.constant 4 : i32
        %add3A_426 = arith.addi %add3A_241, %add3A_425 : i32
        %lt3A_427 = arith.cmpi slt, %add3A_426, %add3A_5 : i32
        %convert_element_type3A_428 = arith.extui %lt3A_427 : i1 to i32
        %cond3A_429 = arith.constant 0 : i32
        %cond3A_430 = arith.cmpi ne, %convert_element_type3A_428, %cond3A_429 : i32
        scf.if %cond3A_430 {
          %add3A_437 = arith.constant 4 : i32
          %add3A_438 = arith.addi %add3A_241, %add3A_437 : i32
          %jit3A_439 = arith.constant 24 : i32
          %div3A_440 = arith.divsi %add3A_438, %jit3A_439 : i32
          %sign3A_441 = arith.constant 0 : i32
          %sign3A_442 = arith.cmpi sgt, %add3A_438, %sign3A_441 : i32
          %sign3A_443 = arith.extui %sign3A_442 : i1 to i32
          %sign3A_444 = arith.constant 0 : i32
          %sign3A_445 = arith.cmpi slt, %add3A_438, %sign3A_444 : i32
          %sign3A_446 = arith.extui %sign3A_445 : i1 to i32
          %sign3A_447 = arith.subi %sign3A_443, %sign3A_446 : i32
          %sign3A_448 = arith.constant 0 : i32
          %sign3A_449 = arith.cmpi sgt, %jit3A_439, %sign3A_448 : i32
          %sign3A_450 = arith.extui %sign3A_449 : i1 to i32
          %sign3A_451 = arith.constant 0 : i32
          %sign3A_452 = arith.cmpi slt, %jit3A_439, %sign3A_451 : i32
          %sign3A_453 = arith.extui %sign3A_452 : i1 to i32
          %sign3A_454 = arith.subi %sign3A_450, %sign3A_453 : i32
          %ne3A_455 = arith.cmpi ne, %sign3A_447, %sign3A_454 : i32
          %rem3A_456 = arith.remsi %add3A_438, %jit3A_439 : i32
          %ne3A_457 = arith.constant 0 : i32
          %ne3A_458 = arith.cmpi ne, %rem3A_456, %ne3A_457 : i32
          %and3A_459 = arith.andi %ne3A_455, %ne3A_458 : i1
          %sub3A_460 = arith.constant 1 : i32
          %sub3A_461 = arith.subi %div3A_440, %sub3A_460 : i32
          %select_n3A_462 = arith.select %and3A_459, %sub3A_461, %div3A_440 : i32
          %jit3A_463 = arith.constant 2 : i32
          %eq3A_464 = arith.constant 0 : i32
          %eq3A_465 = arith.cmpi eq, %jit3A_463, %eq3A_464 : i32
          %jit3A_466 = arith.constant 1 : i32
          %select_n3A_467 = arith.select %eq3A_465, %jit3A_466, %jit3A_463 : i32
          %rem3A_468 = arith.remsi %select_n3A_462, %select_n3A_467 : i32
          %ne3A_469 = arith.constant 0 : i32
          %ne3A_470 = arith.cmpi ne, %rem3A_468, %ne3A_469 : i32
          %lt3A_471 = arith.constant 0 : i32
          %lt3A_472 = arith.cmpi slt, %rem3A_468, %lt3A_471 : i32
          %lt3A_473 = arith.constant 0 : i32
          %lt3A_474 = arith.cmpi slt, %select_n3A_467, %lt3A_473 : i32
          %ne3A_475 = arith.xori %lt3A_472, %lt3A_474 : i1
          %and3A_476 = arith.andi %ne3A_475, %ne3A_470 : i1
          %add3A_477 = arith.addi %rem3A_468, %select_n3A_467 : i32
          %select_n3A_478 = arith.select %and3A_476, %add3A_477, %rem3A_468 : i32
          %mul3A_479 = arith.constant 24 : i32
          %mul3A_480 = arith.muli %select_n3A_478, %mul3A_479 : i32
          %mul3A_481 = arith.constant 64 : i32
          %mul3A_482 = arith.muli %mul3A_480, %mul3A_481 : i32
          %jit3A_483 = arith.constant 24 : i32
          %eq3A_484 = arith.constant 0 : i32
          %eq3A_485 = arith.cmpi eq, %jit3A_483, %eq3A_484 : i32
          %jit3A_486 = arith.constant 1 : i32
          %select_n3A_487 = arith.select %eq3A_485, %jit3A_486, %jit3A_483 : i32
          %rem3A_488 = arith.remsi %add3A_438, %select_n3A_487 : i32
          %ne3A_489 = arith.constant 0 : i32
          %ne3A_490 = arith.cmpi ne, %rem3A_488, %ne3A_489 : i32
          %lt3A_491 = arith.constant 0 : i32
          %lt3A_492 = arith.cmpi slt, %rem3A_488, %lt3A_491 : i32
          %lt3A_493 = arith.constant 0 : i32
          %lt3A_494 = arith.cmpi slt, %select_n3A_487, %lt3A_493 : i32
          %ne3A_495 = arith.xori %lt3A_492, %lt3A_494 : i1
          %and3A_496 = arith.andi %ne3A_495, %ne3A_490 : i1
          %add3A_497 = arith.addi %rem3A_488, %select_n3A_487 : i32
          %select_n3A_498 = arith.select %and3A_496, %add3A_497, %rem3A_488 : i32
          %mul3A_499 = arith.constant 64 : i32
          %mul3A_500 = arith.muli %select_n3A_498, %mul3A_499 : i32
          %add3A_501 = arith.addi %mul3A_482, %mul3A_500 : i32
          %eq3A_502 = arith.constant 0 : i32
          %eq3A_503 = arith.cmpi eq, %arg0, %eq3A_502 : i32
          %convert_element_type3A_504 = arith.extui %eq3A_503 : i1 to i32
          %cond3A_505 = arith.constant 0 : i32
          %cond3A_506 = arith.cmpi ne, %convert_element_type3A_504, %cond3A_505 : i32
          scf.if %cond3A_506 {
            %dma_start3A_512 = tpu.memref_slice %arg8[%add3A_501] : memref<3072xi32, #tpu.memory_space<vmem>> -> memref<64xi32, #tpu.memory_space<vmem>>
            %dma_start3A_513 = arith.constant 0 : i32
            %dma_start3A_514 = arith.constant 0 : i32
            %dma_start3A_515 = tpu.memref_slice %arg4[%dma_start3A_513, %dma_start3A_514] : memref<10000x128xf32, #tpu.memory_space<hbm>> -> memref<10000x128xf32, #tpu.memory_space<hbm>>
            tpu.enqueue_indirect_dma source(%dma_start3A_515 : memref<10000x128xf32, #tpu.memory_space<hbm>>) target(%arg12 : memref<64x128xf32, #tpu.memory_space<vmem>>) offsets(%dma_start3A_512 : memref<64xi32, #tpu.memory_space<vmem>>) semaphore(%arg23 : memref<!tpu.dma_semaphore, #tpu.memory_space<semaphore_mem>>)
          } else {
          }
          %eq3A_507 = arith.constant 1 : i32
          %eq3A_508 = arith.cmpi eq, %arg0, %eq3A_507 : i32
          %convert_element_type3A_509 = arith.extui %eq3A_508 : i1 to i32
          %cond3A_510 = arith.constant 0 : i32
          %cond3A_511 = arith.cmpi ne, %convert_element_type3A_509, %cond3A_510 : i32
          scf.if %cond3A_511 {
            %dma_start3A_512 = tpu.memref_slice %arg8[%add3A_501] : memref<3072xi32, #tpu.memory_space<vmem>> -> memref<64xi32, #tpu.memory_space<vmem>>
            %dma_start3A_513 = arith.constant 0 : i32
            %dma_start3A_514 = arith.constant 0 : i32
            %dma_start3A_515 = tpu.memref_slice %arg5[%dma_start3A_513, %dma_start3A_514] : memref<10000x128xf32, #tpu.memory_space<hbm>> -> memref<10000x128xf32, #tpu.memory_space<hbm>>
            tpu.enqueue_indirect_dma source(%dma_start3A_515 : memref<10000x128xf32, #tpu.memory_space<hbm>>) target(%arg12 : memref<64x128xf32, #tpu.memory_space<vmem>>) offsets(%dma_start3A_512 : memref<64xi32, #tpu.memory_space<vmem>>) semaphore(%arg23 : memref<!tpu.dma_semaphore, #tpu.memory_space<semaphore_mem>>)
          } else {
          }
        } else {
        }
        %dma_start3A = arith.constant 0 : i32
        %dma_start3A_431 = arith.constant 0 : i32
        %dma_start3A_432 = tpu.memref_slice %arg18[%dma_start3A, %dma_start3A_431] : memref<1x64xi32, #tpu.memory_space<vmem>> -> memref<1x64xi32, #tpu.memory_space<vmem>>
        %dma_start3A_433 = tpu.memref_squeeze %dma_start3A_432 : memref<1x64xi32, #tpu.memory_space<vmem>> -> memref<64xi32, #tpu.memory_space<vmem>>
        %dma_start3A_434 = arith.constant 0 : i32
        %dma_start3A_435 = arith.constant 0 : i32
        %dma_start3A_436 = tpu.memref_slice %arg20[%dma_start3A_434, %dma_start3A_435] : memref<10240x128xf32, #tpu.memory_space<vmem_shared>> -> memref<10240x128xf32, #tpu.memory_space<vmem_shared>>
        tpu.enqueue_indirect_dma source(%arg13 : memref<64x128xf32, #tpu.memory_space<vmem>>) target(%dma_start3A_436 : memref<10240x128xf32, #tpu.memory_space<vmem_shared>>) offsets(%dma_start3A_433 : memref<64xi32, #tpu.memory_space<vmem>>) semaphore(%arg29 : memref<!tpu.dma_semaphore, #tpu.memory_space<semaphore_mem>>) {add = true}
      } else {
      }
      %mul3A_246 = arith.constant 5 : i32
      %mul3A_247 = arith.muli %while3A_213, %mul3A_246 : i32
      %add3A_248 = arith.constant 4 : i32
      %add3A_249 = arith.addi %mul3A_247, %add3A_248 : i32
      %lt3A_250 = arith.cmpi slt, %add3A_249, %add3A_5 : i32
      %convert_element_type3A_251 = arith.extui %lt3A_250 : i1 to i32
      %cond3A_252 = arith.constant 0 : i32
      %cond3A_253 = arith.cmpi ne, %convert_element_type3A_251, %cond3A_252 : i32
      scf.if %cond3A_253 {
        %dma_wait3A = arith.constant 0 : i32
        %dma_wait3A_254 = arith.constant 0 : i32
        %dma_wait3A_255 = tpu.memref_slice %arg4[%dma_wait3A, %dma_wait3A_254] : memref<10000x128xf32, #tpu.memory_space<hbm>> -> memref<64x128xf32, #tpu.memory_space<hbm>>
        %dma_wait3A_256 = arith.constant 0 : i32
        %dma_wait3A_257 = arith.constant 0 : i32
        %dma_wait3A_258 = tpu.memref_slice %arg4[%dma_wait3A_256, %dma_wait3A_257] : memref<10000x128xf32, #tpu.memory_space<hbm>> -> memref<64x128xf32, #tpu.memory_space<hbm>>
        tpu.wait_dma2 semaphore(%arg25 : memref<!tpu.dma_semaphore, #tpu.memory_space<semaphore_mem>>) src(%dma_wait3A_258 : memref<64x128xf32, #tpu.memory_space<hbm>>) dst(%arg14 : memref<64x128xf32, #tpu.memory_space<vmem>>)
        %jit3A_259 = arith.constant 24 : i32
        %div3A_260 = arith.divsi %add3A_249, %jit3A_259 : i32
        %sign3A_261 = arith.constant 0 : i32
        %sign3A_262 = arith.cmpi sgt, %add3A_249, %sign3A_261 : i32
        %sign3A_263 = arith.extui %sign3A_262 : i1 to i32
        %sign3A_264 = arith.constant 0 : i32
        %sign3A_265 = arith.cmpi slt, %add3A_249, %sign3A_264 : i32
        %sign3A_266 = arith.extui %sign3A_265 : i1 to i32
        %sign3A_267 = arith.subi %sign3A_263, %sign3A_266 : i32
        %sign3A_268 = arith.constant 0 : i32
        %sign3A_269 = arith.cmpi sgt, %jit3A_259, %sign3A_268 : i32
        %sign3A_270 = arith.extui %sign3A_269 : i1 to i32
        %sign3A_271 = arith.constant 0 : i32
        %sign3A_272 = arith.cmpi slt, %jit3A_259, %sign3A_271 : i32
        %sign3A_273 = arith.extui %sign3A_272 : i1 to i32
        %sign3A_274 = arith.subi %sign3A_270, %sign3A_273 : i32
        %ne3A_275 = arith.cmpi ne, %sign3A_267, %sign3A_274 : i32
        %rem3A_276 = arith.remsi %add3A_249, %jit3A_259 : i32
        %ne3A_277 = arith.constant 0 : i32
        %ne3A_278 = arith.cmpi ne, %rem3A_276, %ne3A_277 : i32
        %and3A_279 = arith.andi %ne3A_275, %ne3A_278 : i1
        %sub3A_280 = arith.constant 1 : i32
        %sub3A_281 = arith.subi %div3A_260, %sub3A_280 : i32
        %select_n3A_282 = arith.select %and3A_279, %sub3A_281, %div3A_260 : i32
        %jit3A_283 = arith.constant 2 : i32
        %eq3A_284 = arith.constant 0 : i32
        %eq3A_285 = arith.cmpi eq, %jit3A_283, %eq3A_284 : i32
        %jit3A_286 = arith.constant 1 : i32
        %select_n3A_287 = arith.select %eq3A_285, %jit3A_286, %jit3A_283 : i32
        %rem3A_288 = arith.remsi %select_n3A_282, %select_n3A_287 : i32
        %ne3A_289 = arith.constant 0 : i32
        %ne3A_290 = arith.cmpi ne, %rem3A_288, %ne3A_289 : i32
        %lt3A_291 = arith.constant 0 : i32
        %lt3A_292 = arith.cmpi slt, %rem3A_288, %lt3A_291 : i32
        %lt3A_293 = arith.constant 0 : i32
        %lt3A_294 = arith.cmpi slt, %select_n3A_287, %lt3A_293 : i32
        %ne3A_295 = arith.xori %lt3A_292, %lt3A_294 : i1
        %and3A_296 = arith.andi %ne3A_295, %ne3A_290 : i1
        %add3A_297 = arith.addi %rem3A_288, %select_n3A_287 : i32
        %select_n3A_298 = arith.select %and3A_296, %add3A_297, %rem3A_288 : i32
        %mul3A_299 = arith.constant 24 : i32
        %mul3A_300 = arith.muli %select_n3A_298, %mul3A_299 : i32
        %jit3A_301 = arith.constant 24 : i32
        %eq3A_302 = arith.constant 0 : i32
        %eq3A_303 = arith.cmpi eq, %jit3A_301, %eq3A_302 : i32
        %jit3A_304 = arith.constant 1 : i32
        %select_n3A_305 = arith.select %eq3A_303, %jit3A_304, %jit3A_301 : i32
        %rem3A_306 = arith.remsi %add3A_249, %select_n3A_305 : i32
        %ne3A_307 = arith.constant 0 : i32
        %ne3A_308 = arith.cmpi ne, %rem3A_306, %ne3A_307 : i32
        %lt3A_309 = arith.constant 0 : i32
        %lt3A_310 = arith.cmpi slt, %rem3A_306, %lt3A_309 : i32
        %lt3A_311 = arith.constant 0 : i32
        %lt3A_312 = arith.cmpi slt, %select_n3A_305, %lt3A_311 : i32
        %ne3A_313 = arith.xori %lt3A_310, %lt3A_312 : i1
        %and3A_314 = arith.andi %ne3A_313, %ne3A_308 : i1
        %add3A_315 = arith.addi %rem3A_306, %select_n3A_305 : i32
        %select_n3A_316 = arith.select %and3A_314, %add3A_315, %rem3A_306 : i32
        %add3A_317 = arith.addi %mul3A_300, %select_n3A_316 : i32
        %mul3A_318 = arith.constant 64 : i32
        %mul3A_319 = arith.muli %add3A_317, %mul3A_318 : i32
        %add3A_320 = arith.constant 0 : i32
        %add3A_321 = arith.addi %mul3A_319, %add3A_320 : i32
        %get3A = arith.index_cast %add3A_321 : i32 to index
        %get3A_322 = tpu.vector_load %arg8[%get3A] {strides = array<i32>} : memref<3072xi32, #tpu.memory_space<vmem>>, vector<16xi32>,
        %get3A_323 = vector.shape_cast %get3A_322 : vector<16xi32> to vector<16xi32>
        %add3A_324 = arith.constant 0 : i32
        %add3A_325 = arith.addi %mul3A_319, %add3A_324 : i32
        %get3A_326 = arith.index_cast %add3A_325 : i32 to index
        %get3A_327 = tpu.vector_load %arg9[%get3A_326] {strides = array<i32>} : memref<3072xi32, #tpu.memory_space<vmem>>, vector<16xi32>,
        %get3A_328 = vector.shape_cast %get3A_327 : vector<16xi32> to vector<16xi32>
        %eq3A_329 = arith.cmpi eq, %get3A_323, %get3A_328 : vector<16xi32>
        %select_n3A_330 = arith.select %eq3A_329, %broadcast_in_dim3A_39, %get3A_328 : vector<16xi1>, vector<16xi32>
        %swap3A = arith.constant 0 : i32
        %swap3A_331 = arith.index_cast %swap3A : i32 to index
        %swap3A_332 = arith.constant 0 : index
        %swap3A_333 = tpu.vector_load %arg19[%swap3A_331, %swap3A_332] {strides = array<i32>} : memref<1x64xi32, #tpu.memory_space<vmem>>, vector<1x16xi32>,
        %swap3A_334 = vector.shape_cast %swap3A_333 : vector<1x16xi32> to vector<16xi32>
        %swap3A_335 = vector.shape_cast %select_n3A_330 : vector<16xi32> to vector<1x16xi32>
        tpu.vector_store %arg19[%swap3A_331, %swap3A_332], %swap3A_335 {strides = array<i32>} : memref<1x64xi32, #tpu.memory_space<vmem>>, vector<1x16xi32>,
        %add3A_336 = arith.constant 16 : i32
        %add3A_337 = arith.addi %mul3A_319, %add3A_336 : i32
        %get3A_338 = arith.index_cast %add3A_337 : i32 to index
        %get3A_339 = tpu.vector_load %arg8[%get3A_338] {strides = array<i32>} : memref<3072xi32, #tpu.memory_space<vmem>>, vector<16xi32>,
        %get3A_340 = vector.shape_cast %get3A_339 : vector<16xi32> to vector<16xi32>
        %add3A_341 = arith.constant 16 : i32
        %add3A_342 = arith.addi %mul3A_319, %add3A_341 : i32
        %get3A_343 = arith.index_cast %add3A_342 : i32 to index
        %get3A_344 = tpu.vector_load %arg9[%get3A_343] {strides = array<i32>} : memref<3072xi32, #tpu.memory_space<vmem>>, vector<16xi32>,
        %get3A_345 = vector.shape_cast %get3A_344 : vector<16xi32> to vector<16xi32>
        %eq3A_346 = arith.cmpi eq, %get3A_340, %get3A_345 : vector<16xi32>
        %select_n3A_347 = arith.select %eq3A_346, %broadcast_in_dim3A_39, %get3A_345 : vector<16xi1>, vector<16xi32>
        %swap3A_348 = arith.constant 0 : i32
        %swap3A_349 = arith.index_cast %swap3A_348 : i32 to index
        %swap3A_350 = arith.constant 16 : index
        %swap3A_351 = tpu.vector_load %arg19[%swap3A_349, %swap3A_350] {strides = array<i32>} : memref<1x64xi32, #tpu.memory_space<vmem>>, vector<1x16xi32>,
        %swap3A_352 = vector.shape_cast %swap3A_351 : vector<1x16xi32> to vector<16xi32>
        %swap3A_353 = vector.shape_cast %select_n3A_347 : vector<16xi32> to vector<1x16xi32>
        tpu.vector_store %arg19[%swap3A_349, %swap3A_350], %swap3A_353 {strides = array<i32>} : memref<1x64xi32, #tpu.memory_space<vmem>>, vector<1x16xi32>,
        %add3A_354 = arith.constant 32 : i32
        %add3A_355 = arith.addi %mul3A_319, %add3A_354 : i32
        %get3A_356 = arith.index_cast %add3A_355 : i32 to index
        %get3A_357 = tpu.vector_load %arg8[%get3A_356] {strides = array<i32>} : memref<3072xi32, #tpu.memory_space<vmem>>, vector<16xi32>,
        %get3A_358 = vector.shape_cast %get3A_357 : vector<16xi32> to vector<16xi32>
        %add3A_359 = arith.constant 32 : i32
        %add3A_360 = arith.addi %mul3A_319, %add3A_359 : i32
        %get3A_361 = arith.index_cast %add3A_360 : i32 to index
        %get3A_362 = tpu.vector_load %arg9[%get3A_361] {strides = array<i32>} : memref<3072xi32, #tpu.memory_space<vmem>>, vector<16xi32>,
        %get3A_363 = vector.shape_cast %get3A_362 : vector<16xi32> to vector<16xi32>
        %eq3A_364 = arith.cmpi eq, %get3A_358, %get3A_363 : vector<16xi32>
        %select_n3A_365 = arith.select %eq3A_364, %broadcast_in_dim3A_39, %get3A_363 : vector<16xi1>, vector<16xi32>
        %swap3A_366 = arith.constant 0 : i32
        %swap3A_367 = arith.index_cast %swap3A_366 : i32 to index
        %swap3A_368 = arith.constant 32 : index
        %swap3A_369 = tpu.vector_load %arg19[%swap3A_367, %swap3A_368] {strides = array<i32>} : memref<1x64xi32, #tpu.memory_space<vmem>>, vector<1x16xi32>,
        %swap3A_370 = vector.shape_cast %swap3A_369 : vector<1x16xi32> to vector<16xi32>
        %swap3A_371 = vector.shape_cast %select_n3A_365 : vector<16xi32> to vector<1x16xi32>
        tpu.vector_store %arg19[%swap3A_367, %swap3A_368], %swap3A_371 {strides = array<i32>} : memref<1x64xi32, #tpu.memory_space<vmem>>, vector<1x16xi32>,
        %add3A_372 = arith.constant 48 : i32
        %add3A_373 = arith.addi %mul3A_319, %add3A_372 : i32
        %get3A_374 = arith.index_cast %add3A_373 : i32 to index
        %get3A_375 = tpu.vector_load %arg8[%get3A_374] {strides = array<i32>} : memref<3072xi32, #tpu.memory_space<vmem>>, vector<16xi32>,
        %get3A_376 = vector.shape_cast %get3A_375 : vector<16xi32> to vector<16xi32>
        %add3A_377 = arith.constant 48 : i32
        %add3A_378 = arith.addi %mul3A_319, %add3A_377 : i32
        %get3A_379 = arith.index_cast %add3A_378 : i32 to index
        %get3A_380 = tpu.vector_load %arg9[%get3A_379] {strides = array<i32>} : memref<3072xi32, #tpu.memory_space<vmem>>, vector<16xi32>,
        %get3A_381 = vector.shape_cast %get3A_380 : vector<16xi32> to vector<16xi32>
        %eq3A_382 = arith.cmpi eq, %get3A_376, %get3A_381 : vector<16xi32>
        %select_n3A_383 = arith.select %eq3A_382, %broadcast_in_dim3A_39, %get3A_381 : vector<16xi1>, vector<16xi32>
        %swap3A_384 = arith.constant 0 : i32
        %swap3A_385 = arith.index_cast %swap3A_384 : i32 to index
        %swap3A_386 = arith.constant 48 : index
        %swap3A_387 = tpu.vector_load %arg19[%swap3A_385, %swap3A_386] {strides = array<i32>} : memref<1x64xi32, #tpu.memory_space<vmem>>, vector<1x16xi32>,
        %swap3A_388 = vector.shape_cast %swap3A_387 : vector<1x16xi32> to vector<16xi32>
        %swap3A_389 = vector.shape_cast %select_n3A_383 : vector<16xi32> to vector<1x16xi32>
        tpu.vector_store %arg19[%swap3A_385, %swap3A_386], %swap3A_389 {strides = array<i32>} : memref<1x64xi32, #tpu.memory_space<vmem>>, vector<1x16xi32>,
        %add3A_390 = arith.constant 4 : i32
        %add3A_391 = arith.addi %add3A_249, %add3A_390 : i32
        %add3A_392 = arith.constant 1 : i32
        %add3A_393 = arith.addi %add3A_391, %add3A_392 : i32
        %jit3A_394 = arith.constant 24 : i32
        %eq3A_395 = arith.constant 0 : i32
        %eq3A_396 = arith.cmpi eq, %jit3A_394, %eq3A_395 : i32
        %jit3A_397 = arith.constant 1 : i32
        %select_n3A_398 = arith.select %eq3A_396, %jit3A_397, %jit3A_394 : i32
        %rem3A_399 = arith.remsi %add3A_393, %select_n3A_398 : i32
        %ne3A_400 = arith.constant 0 : i32
        %ne3A_401 = arith.cmpi ne, %rem3A_399, %ne3A_400 : i32
        %lt3A_402 = arith.constant 0 : i32
        %lt3A_403 = arith.cmpi slt, %rem3A_399, %lt3A_402 : i32
        %lt3A_404 = arith.constant 0 : i32
        %lt3A_405 = arith.cmpi slt, %select_n3A_398, %lt3A_404 : i32
        %ne3A_406 = arith.xori %lt3A_403, %lt3A_405 : i1
        %and3A_407 = arith.andi %ne3A_406, %ne3A_401 : i1
        %add3A_408 = arith.addi %rem3A_399, %select_n3A_398 : i32
        %select_n3A_409 = arith.select %and3A_407, %add3A_408, %rem3A_399 : i32
        %eq3A_410 = arith.constant 0 : i32
        %eq3A_411 = arith.cmpi eq, %select_n3A_409, %eq3A_410 : i32
        %add3A_412 = arith.constant 4 : i32
        %add3A_413 = arith.addi %add3A_249, %add3A_412 : i32
        %add3A_414 = arith.constant 1 : i32
        %add3A_415 = arith.addi %add3A_413, %add3A_414 : i32
        %lt3A_416 = arith.cmpi slt, %add3A_415, %add3A_5 : i32
        %and3A_417 = arith.andi %eq3A_411, %lt3A_416 : i1
        %convert_element_type3A_418 = arith.extui %and3A_417 : i1 to i32
        %cond3A_419 = arith.constant 0 : i32
        %cond3A_420 = arith.cmpi ne, %convert_element_type3A_418, %cond3A_419 : i32
        scf.if %cond3A_420 {
          %add3A_437 = arith.constant 4 : i32
          %add3A_438 = arith.addi %add3A_249, %add3A_437 : i32
          %add3A_439 = arith.constant 1 : i32
          %add3A_440 = arith.addi %add3A_438, %add3A_439 : i32
          %jit3A_441 = arith.constant 24 : i32
          %div3A_442 = arith.divsi %add3A_440, %jit3A_441 : i32
          %sign3A_443 = arith.constant 0 : i32
          %sign3A_444 = arith.cmpi sgt, %add3A_440, %sign3A_443 : i32
          %sign3A_445 = arith.extui %sign3A_444 : i1 to i32
          %sign3A_446 = arith.constant 0 : i32
          %sign3A_447 = arith.cmpi slt, %add3A_440, %sign3A_446 : i32
          %sign3A_448 = arith.extui %sign3A_447 : i1 to i32
          %sign3A_449 = arith.subi %sign3A_445, %sign3A_448 : i32
          %sign3A_450 = arith.constant 0 : i32
          %sign3A_451 = arith.cmpi sgt, %jit3A_441, %sign3A_450 : i32
          %sign3A_452 = arith.extui %sign3A_451 : i1 to i32
          %sign3A_453 = arith.constant 0 : i32
          %sign3A_454 = arith.cmpi slt, %jit3A_441, %sign3A_453 : i32
          %sign3A_455 = arith.extui %sign3A_454 : i1 to i32
          %sign3A_456 = arith.subi %sign3A_452, %sign3A_455 : i32
          %ne3A_457 = arith.cmpi ne, %sign3A_449, %sign3A_456 : i32
          %rem3A_458 = arith.remsi %add3A_440, %jit3A_441 : i32
          %ne3A_459 = arith.constant 0 : i32
          %ne3A_460 = arith.cmpi ne, %rem3A_458, %ne3A_459 : i32
          %and3A_461 = arith.andi %ne3A_457, %ne3A_460 : i1
          %sub3A_462 = arith.constant 1 : i32
          %sub3A_463 = arith.subi %div3A_442, %sub3A_462 : i32
          %select_n3A_464 = arith.select %and3A_461, %sub3A_463, %div3A_442 : i32
          %mul3A_465 = arith.constant 24 : i32
          %mul3A_466 = arith.muli %select_n3A_464, %mul3A_465 : i32
          %add3A_467 = arith.addi %add3A, %mul3A_466 : i32
          %mul3A_468 = arith.constant 64 : i32
          %mul3A_469 = arith.muli %add3A_467, %mul3A_468 : i32
          %jit3A_470 = arith.constant 2 : i32
          %eq3A_471 = arith.constant 0 : i32
          %eq3A_472 = arith.cmpi eq, %jit3A_470, %eq3A_471 : i32
          %jit3A_473 = arith.constant 1 : i32
          %select_n3A_474 = arith.select %eq3A_472, %jit3A_473, %jit3A_470 : i32
          %rem3A_475 = arith.remsi %select_n3A_464, %select_n3A_474 : i32
          %ne3A_476 = arith.constant 0 : i32
          %ne3A_477 = arith.cmpi ne, %rem3A_475, %ne3A_476 : i32
          %lt3A_478 = arith.constant 0 : i32
          %lt3A_479 = arith.cmpi slt, %rem3A_475, %lt3A_478 : i32
          %lt3A_480 = arith.constant 0 : i32
          %lt3A_481 = arith.cmpi slt, %select_n3A_474, %lt3A_480 : i32
          %ne3A_482 = arith.xori %lt3A_479, %lt3A_481 : i1
          %and3A_483 = arith.andi %ne3A_482, %ne3A_477 : i1
          %add3A_484 = arith.addi %rem3A_475, %select_n3A_474 : i32
          %select_n3A_485 = arith.select %and3A_483, %add3A_484, %rem3A_475 : i32
          %mul3A_486 = arith.constant 24 : i32
          %mul3A_487 = arith.muli %select_n3A_485, %mul3A_486 : i32
          %mul3A_488 = arith.constant 64 : i32
          %mul3A_489 = arith.muli %mul3A_487, %mul3A_488 : i32
          "tpu.region"() ({
            %run_scoped3A = tpu.sem_alloc : memref<!tpu.dma_semaphore, #tpu.memory_space<semaphore_mem>>
            %dma_start3A_490 = tpu.memref_slice %arg8[%mul3A_489] : memref<3072xi32, #tpu.memory_space<vmem>> -> memref<1536xi32, #tpu.memory_space<vmem>>
            %dma_start3A_491 = tpu.memref_slice %arg2[%mul3A_469] : memref<323072xi32, #tpu.memory_space<hbm>> -> memref<1536xi32, #tpu.memory_space<hbm>>
            %dma_start3A_492 = tpu.memref_slice %arg8[%mul3A_489] : memref<3072xi32, #tpu.memory_space<vmem>> -> memref<1536xi32, #tpu.memory_space<vmem>>
            %dma_start3A_493 = tpu.memref_slice %arg2[%mul3A_469] : memref<323072xi32, #tpu.memory_space<hbm>> -> memref<1536xi32, #tpu.memory_space<hbm>>
            tpu.enqueue_dma source(%dma_start3A_493 : memref<1536xi32, #tpu.memory_space<hbm>>) target(%dma_start3A_492 : memref<1536xi32, #tpu.memory_space<vmem>>) target_semaphore(%run_scoped3A : memref<!tpu.dma_semaphore, #tpu.memory_space<semaphore_mem>>)
            %dma_wait3A_494 = tpu.memref_slice %arg8[%mul3A_489] : memref<3072xi32, #tpu.memory_space<vmem>> -> memref<1536xi32, #tpu.memory_space<vmem>>
            %dma_wait3A_495 = tpu.memref_slice %arg2[%mul3A_469] : memref<323072xi32, #tpu.memory_space<hbm>> -> memref<1536xi32, #tpu.memory_space<hbm>>
            %dma_wait3A_496 = tpu.memref_slice %arg8[%mul3A_489] : memref<3072xi32, #tpu.memory_space<vmem>> -> memref<1536xi32, #tpu.memory_space<vmem>>
            %dma_wait3A_497 = tpu.memref_slice %arg2[%mul3A_469] : memref<323072xi32, #tpu.memory_space<hbm>> -> memref<1536xi32, #tpu.memory_space<hbm>>
            tpu.wait_dma2 semaphore(%run_scoped3A : memref<!tpu.dma_semaphore, #tpu.memory_space<semaphore_mem>>) src(%dma_wait3A_497 : memref<1536xi32, #tpu.memory_space<hbm>>) dst(%dma_wait3A_496 : memref<1536xi32, #tpu.memory_space<vmem>>)
            tpu.yield
          }) : () -> ()
          "tpu.region"() ({
            %run_scoped3A = tpu.sem_alloc : memref<!tpu.dma_semaphore, #tpu.memory_space<semaphore_mem>>
            %dma_start3A_490 = tpu.memref_slice %arg9[%mul3A_489] : memref<3072xi32, #tpu.memory_space<vmem>> -> memref<1536xi32, #tpu.memory_space<vmem>>
            %dma_start3A_491 = tpu.memref_slice %arg3[%mul3A_469] : memref<323072xi32, #tpu.memory_space<hbm>> -> memref<1536xi32, #tpu.memory_space<hbm>>
            %dma_start3A_492 = tpu.memref_slice %arg9[%mul3A_489] : memref<3072xi32, #tpu.memory_space<vmem>> -> memref<1536xi32, #tpu.memory_space<vmem>>
            %dma_start3A_493 = tpu.memref_slice %arg3[%mul3A_469] : memref<323072xi32, #tpu.memory_space<hbm>> -> memref<1536xi32, #tpu.memory_space<hbm>>
            tpu.enqueue_dma source(%dma_start3A_493 : memref<1536xi32, #tpu.memory_space<hbm>>) target(%dma_start3A_492 : memref<1536xi32, #tpu.memory_space<vmem>>) target_semaphore(%run_scoped3A : memref<!tpu.dma_semaphore, #tpu.memory_space<semaphore_mem>>)
            %dma_wait3A_494 = tpu.memref_slice %arg9[%mul3A_489] : memref<3072xi32, #tpu.memory_space<vmem>> -> memref<1536xi32, #tpu.memory_space<vmem>>
            %dma_wait3A_495 = tpu.memref_slice %arg3[%mul3A_469] : memref<323072xi32, #tpu.memory_space<hbm>> -> memref<1536xi32, #tpu.memory_space<hbm>>
            %dma_wait3A_496 = tpu.memref_slice %arg9[%mul3A_489] : memref<3072xi32, #tpu.memory_space<vmem>> -> memref<1536xi32, #tpu.memory_space<vmem>>
            %dma_wait3A_497 = tpu.memref_slice %arg3[%mul3A_469] : memref<323072xi32, #tpu.memory_space<hbm>> -> memref<1536xi32, #tpu.memory_space<hbm>>
            tpu.wait_dma2 semaphore(%run_scoped3A : memref<!tpu.dma_semaphore, #tpu.memory_space<semaphore_mem>>) src(%dma_wait3A_497 : memref<1536xi32, #tpu.memory_space<hbm>>) dst(%dma_wait3A_496 : memref<1536xi32, #tpu.memory_space<vmem>>)
            tpu.yield
          }) : () -> ()
        } else {
        }
        %ge3A = arith.constant 1 : i32
        %ge3A_421 = arith.cmpi sge, %add3A_249, %ge3A : i32
        %convert_element_type3A_422 = arith.extui %ge3A_421 : i1 to i32
        %cond3A_423 = arith.constant 0 : i32
        %cond3A_424 = arith.cmpi ne, %convert_element_type3A_422, %cond3A_423 : i32
        scf.if %cond3A_424 {
          %dma_wait3A_437 = arith.constant 0 : i32
          %dma_wait3A_438 = arith.constant 0 : i32
          %dma_wait3A_439 = tpu.memref_slice %arg20[%dma_wait3A_437, %dma_wait3A_438] : memref<10240x128xf32, #tpu.memory_space<vmem_shared>> -> memref<64x128xf32, #tpu.memory_space<vmem_shared>>
          %dma_wait3A_440 = arith.constant 0 : i32
          %dma_wait3A_441 = arith.constant 0 : i32
          %dma_wait3A_442 = tpu.memref_slice %arg20[%dma_wait3A_440, %dma_wait3A_441] : memref<10240x128xf32, #tpu.memory_space<vmem_shared>> -> memref<64x128xf32, #tpu.memory_space<vmem_shared>>
          tpu.wait_dma2 semaphore(%arg29 : memref<!tpu.dma_semaphore, #tpu.memory_space<semaphore_mem>>) src(%arg13 : memref<64x128xf32, #tpu.memory_space<vmem>>) dst(%dma_wait3A_442 : memref<64x128xf32, #tpu.memory_space<vmem_shared>>)
        } else {
        }
        %add3A_425 = arith.constant 4 : i32
        %add3A_426 = arith.addi %add3A_249, %add3A_425 : i32
        %lt3A_427 = arith.cmpi slt, %add3A_426, %add3A_5 : i32
        %convert_element_type3A_428 = arith.extui %lt3A_427 : i1 to i32
        %cond3A_429 = arith.constant 0 : i32
        %cond3A_430 = arith.cmpi ne, %convert_element_type3A_428, %cond3A_429 : i32
        scf.if %cond3A_430 {
          %add3A_437 = arith.constant 4 : i32
          %add3A_438 = arith.addi %add3A_249, %add3A_437 : i32
          %jit3A_439 = arith.constant 24 : i32
          %div3A_440 = arith.divsi %add3A_438, %jit3A_439 : i32
          %sign3A_441 = arith.constant 0 : i32
          %sign3A_442 = arith.cmpi sgt, %add3A_438, %sign3A_441 : i32
          %sign3A_443 = arith.extui %sign3A_442 : i1 to i32
          %sign3A_444 = arith.constant 0 : i32
          %sign3A_445 = arith.cmpi slt, %add3A_438, %sign3A_444 : i32
          %sign3A_446 = arith.extui %sign3A_445 : i1 to i32
          %sign3A_447 = arith.subi %sign3A_443, %sign3A_446 : i32
          %sign3A_448 = arith.constant 0 : i32
          %sign3A_449 = arith.cmpi sgt, %jit3A_439, %sign3A_448 : i32
          %sign3A_450 = arith.extui %sign3A_449 : i1 to i32
          %sign3A_451 = arith.constant 0 : i32
          %sign3A_452 = arith.cmpi slt, %jit3A_439, %sign3A_451 : i32
          %sign3A_453 = arith.extui %sign3A_452 : i1 to i32
          %sign3A_454 = arith.subi %sign3A_450, %sign3A_453 : i32
          %ne3A_455 = arith.cmpi ne, %sign3A_447, %sign3A_454 : i32
          %rem3A_456 = arith.remsi %add3A_438, %jit3A_439 : i32
          %ne3A_457 = arith.constant 0 : i32
          %ne3A_458 = arith.cmpi ne, %rem3A_456, %ne3A_457 : i32
          %and3A_459 = arith.andi %ne3A_455, %ne3A_458 : i1
          %sub3A_460 = arith.constant 1 : i32
          %sub3A_461 = arith.subi %div3A_440, %sub3A_460 : i32
          %select_n3A_462 = arith.select %and3A_459, %sub3A_461, %div3A_440 : i32
          %jit3A_463 = arith.constant 2 : i32
          %eq3A_464 = arith.constant 0 : i32
          %eq3A_465 = arith.cmpi eq, %jit3A_463, %eq3A_464 : i32
          %jit3A_466 = arith.constant 1 : i32
          %select_n3A_467 = arith.select %eq3A_465, %jit3A_466, %jit3A_463 : i32
          %rem3A_468 = arith.remsi %select_n3A_462, %select_n3A_467 : i32
          %ne3A_469 = arith.constant 0 : i32
          %ne3A_470 = arith.cmpi ne, %rem3A_468, %ne3A_469 : i32
          %lt3A_471 = arith.constant 0 : i32
          %lt3A_472 = arith.cmpi slt, %rem3A_468, %lt3A_471 : i32
          %lt3A_473 = arith.constant 0 : i32
          %lt3A_474 = arith.cmpi slt, %select_n3A_467, %lt3A_473 : i32
          %ne3A_475 = arith.xori %lt3A_472, %lt3A_474 : i1
          %and3A_476 = arith.andi %ne3A_475, %ne3A_470 : i1
          %add3A_477 = arith.addi %rem3A_468, %select_n3A_467 : i32
          %select_n3A_478 = arith.select %and3A_476, %add3A_477, %rem3A_468 : i32
          %mul3A_479 = arith.constant 24 : i32
          %mul3A_480 = arith.muli %select_n3A_478, %mul3A_479 : i32
          %mul3A_481 = arith.constant 64 : i32
          %mul3A_482 = arith.muli %mul3A_480, %mul3A_481 : i32
          %jit3A_483 = arith.constant 24 : i32
          %eq3A_484 = arith.constant 0 : i32
          %eq3A_485 = arith.cmpi eq, %jit3A_483, %eq3A_484 : i32
          %jit3A_486 = arith.constant 1 : i32
          %select_n3A_487 = arith.select %eq3A_485, %jit3A_486, %jit3A_483 : i32
          %rem3A_488 = arith.remsi %add3A_438, %select_n3A_487 : i32
          %ne3A_489 = arith.constant 0 : i32
          %ne3A_490 = arith.cmpi ne, %rem3A_488, %ne3A_489 : i32
          %lt3A_491 = arith.constant 0 : i32
          %lt3A_492 = arith.cmpi slt, %rem3A_488, %lt3A_491 : i32
          %lt3A_493 = arith.constant 0 : i32
          %lt3A_494 = arith.cmpi slt, %select_n3A_487, %lt3A_493 : i32
          %ne3A_495 = arith.xori %lt3A_492, %lt3A_494 : i1
          %and3A_496 = arith.andi %ne3A_495, %ne3A_490 : i1
          %add3A_497 = arith.addi %rem3A_488, %select_n3A_487 : i32
          %select_n3A_498 = arith.select %and3A_496, %add3A_497, %rem3A_488 : i32
          %mul3A_499 = arith.constant 64 : i32
          %mul3A_500 = arith.muli %select_n3A_498, %mul3A_499 : i32
          %add3A_501 = arith.addi %mul3A_482, %mul3A_500 : i32
          %eq3A_502 = arith.constant 0 : i32
          %eq3A_503 = arith.cmpi eq, %arg0, %eq3A_502 : i32
          %convert_element_type3A_504 = arith.extui %eq3A_503 : i1 to i32
          %cond3A_505 = arith.constant 0 : i32
          %cond3A_506 = arith.cmpi ne, %convert_element_type3A_504, %cond3A_505 : i32
          scf.if %cond3A_506 {
            %dma_start3A_512 = tpu.memref_slice %arg8[%add3A_501] : memref<3072xi32, #tpu.memory_space<vmem>> -> memref<64xi32, #tpu.memory_space<vmem>>
            %dma_start3A_513 = arith.constant 0 : i32
            %dma_start3A_514 = arith.constant 0 : i32
            %dma_start3A_515 = tpu.memref_slice %arg4[%dma_start3A_513, %dma_start3A_514] : memref<10000x128xf32, #tpu.memory_space<hbm>> -> memref<10000x128xf32, #tpu.memory_space<hbm>>
            tpu.enqueue_indirect_dma source(%dma_start3A_515 : memref<10000x128xf32, #tpu.memory_space<hbm>>) target(%arg13 : memref<64x128xf32, #tpu.memory_space<vmem>>) offsets(%dma_start3A_512 : memref<64xi32, #tpu.memory_space<vmem>>) semaphore(%arg24 : memref<!tpu.dma_semaphore, #tpu.memory_space<semaphore_mem>>)
          } else {
          }
          %eq3A_507 = arith.constant 1 : i32
          %eq3A_508 = arith.cmpi eq, %arg0, %eq3A_507 : i32
          %convert_element_type3A_509 = arith.extui %eq3A_508 : i1 to i32
          %cond3A_510 = arith.constant 0 : i32
          %cond3A_511 = arith.cmpi ne, %convert_element_type3A_509, %cond3A_510 : i32
          scf.if %cond3A_511 {
            %dma_start3A_512 = tpu.memref_slice %arg8[%add3A_501] : memref<3072xi32, #tpu.memory_space<vmem>> -> memref<64xi32, #tpu.memory_space<vmem>>
            %dma_start3A_513 = arith.constant 0 : i32
            %dma_start3A_514 = arith.constant 0 : i32
            %dma_start3A_515 = tpu.memref_slice %arg5[%dma_start3A_513, %dma_start3A_514] : memref<10000x128xf32, #tpu.memory_space<hbm>> -> memref<10000x128xf32, #tpu.memory_space<hbm>>
            tpu.enqueue_indirect_dma source(%dma_start3A_515 : memref<10000x128xf32, #tpu.memory_space<hbm>>) target(%arg13 : memref<64x128xf32, #tpu.memory_space<vmem>>) offsets(%dma_start3A_512 : memref<64xi32, #tpu.memory_space<vmem>>) semaphore(%arg24 : memref<!tpu.dma_semaphore, #tpu.memory_space<semaphore_mem>>)
          } else {
          }
        } else {
        }
        %dma_start3A = arith.constant 0 : i32
        %dma_start3A_431 = arith.constant 0 : i32
        %dma_start3A_432 = tpu.memref_slice %arg19[%dma_start3A, %dma_start3A_431] : memref<1x64xi32, #tpu.memory_space<vmem>> -> memref<1x64xi32, #tpu.memory_space<vmem>>
        %dma_start3A_433 = tpu.memref_squeeze %dma_start3A_432 : memref<1x64xi32, #tpu.memory_space<vmem>> -> memref<64xi32, #tpu.memory_space<vmem>>
        %dma_start3A_434 = arith.constant 0 : i32
        %dma_start3A_435 = arith.constant 0 : i32
        %dma_start3A_436 = tpu.memref_slice %arg20[%dma_start3A_434, %dma_start3A_435] : memref<10240x128xf32, #tpu.memory_space<vmem_shared>> -> memref<10240x128xf32, #tpu.memory_space<vmem_shared>>
        tpu.enqueue_indirect_dma source(%arg14 : memref<64x128xf32, #tpu.memory_space<vmem>>) target(%dma_start3A_436 : memref<10240x128xf32, #tpu.memory_space<vmem_shared>>) offsets(%dma_start3A_433 : memref<64xi32, #tpu.memory_space<vmem>>) semaphore(%arg30 : memref<!tpu.dma_semaphore, #tpu.memory_space<semaphore_mem>>) {add = true}
      } else {
      }
    }
    %sub3A_88 = arith.constant 1 : i32
    %sub3A_89 = arith.subi %add3A_5, %sub3A_88 : i32
    %jit3A_90 = arith.constant 5 : i32
    %eq3A = arith.constant 0 : i32
    %eq3A_91 = arith.cmpi eq, %jit3A_90, %eq3A : i32
    %jit3A_92 = arith.constant 1 : i32
    %select_n3A_93 = arith.select %eq3A_91, %jit3A_92, %jit3A_90 : i32
    %rem3A_94 = arith.remsi %sub3A_89, %select_n3A_93 : i32
    %ne3A_95 = arith.constant 0 : i32
    %ne3A_96 = arith.cmpi ne, %rem3A_94, %ne3A_95 : i32
    %lt3A_97 = arith.constant 0 : i32
    %lt3A_98 = arith.cmpi slt, %rem3A_94, %lt3A_97 : i32
    %lt3A_99 = arith.constant 0 : i32
    %lt3A_100 = arith.cmpi slt, %select_n3A_93, %lt3A_99 : i32
    %ne3A_101 = arith.xori %lt3A_98, %lt3A_100 : i1
    %and3A_102 = arith.andi %ne3A_101, %ne3A_96 : i1
    %add3A_103 = arith.addi %rem3A_94, %select_n3A_93 : i32
    %select_n3A_104 = arith.select %and3A_102, %add3A_103, %rem3A_94 : i32
    %eq3A_105 = arith.constant 0 : i32
    %eq3A_106 = arith.cmpi eq, %select_n3A_104, %eq3A_105 : i32
    %convert_element_type3A_107 = arith.extui %eq3A_106 : i1 to i32
    %cond3A_108 = arith.constant 0 : i32
    %cond3A_109 = arith.cmpi ne, %convert_element_type3A_107, %cond3A_108 : i32
    scf.if %cond3A_109 {
      %dma_wait3A = arith.constant 0 : i32
      %dma_wait3A_213 = arith.constant 0 : i32
      %dma_wait3A_214 = tpu.memref_slice %arg20[%dma_wait3A, %dma_wait3A_213] : memref<10240x128xf32, #tpu.memory_space<vmem_shared>> -> memref<64x128xf32, #tpu.memory_space<vmem_shared>>
      %dma_wait3A_215 = arith.constant 0 : i32
      %dma_wait3A_216 = arith.constant 0 : i32
      %dma_wait3A_217 = tpu.memref_slice %arg20[%dma_wait3A_215, %dma_wait3A_216] : memref<10240x128xf32, #tpu.memory_space<vmem_shared>> -> memref<64x128xf32, #tpu.memory_space<vmem_shared>>
      tpu.wait_dma2 semaphore(%arg26 : memref<!tpu.dma_semaphore, #tpu.memory_space<semaphore_mem>>) src(%arg10 : memref<64x128xf32, #tpu.memory_space<vmem>>) dst(%dma_wait3A_217 : memref<64x128xf32, #tpu.memory_space<vmem_shared>>)
    } else {
    }
    %sub3A_110 = arith.constant 1 : i32
    %sub3A_111 = arith.subi %add3A_5, %sub3A_110 : i32
    %jit3A_112 = arith.constant 5 : i32
    %eq3A_113 = arith.constant 0 : i32
    %eq3A_114 = arith.cmpi eq, %jit3A_112, %eq3A_113 : i32
    %jit3A_115 = arith.constant 1 : i32
    %select_n3A_116 = arith.select %eq3A_114, %jit3A_115, %jit3A_112 : i32
    %rem3A_117 = arith.remsi %sub3A_111, %select_n3A_116 : i32
    %ne3A_118 = arith.constant 0 : i32
    %ne3A_119 = arith.cmpi ne, %rem3A_117, %ne3A_118 : i32
    %lt3A_120 = arith.constant 0 : i32
    %lt3A_121 = arith.cmpi slt, %rem3A_117, %lt3A_120 : i32
    %lt3A_122 = arith.constant 0 : i32
    %lt3A_123 = arith.cmpi slt, %select_n3A_116, %lt3A_122 : i32
    %ne3A_124 = arith.xori %lt3A_121, %lt3A_123 : i1
    %and3A_125 = arith.andi %ne3A_124, %ne3A_119 : i1
    %add3A_126 = arith.addi %rem3A_117, %select_n3A_116 : i32
    %select_n3A_127 = arith.select %and3A_125, %add3A_126, %rem3A_117 : i32
    %eq3A_128 = arith.constant 1 : i32
    %eq3A_129 = arith.cmpi eq, %select_n3A_127, %eq3A_128 : i32
    %convert_element_type3A_130 = arith.extui %eq3A_129 : i1 to i32
    %cond3A_131 = arith.constant 0 : i32
    %cond3A_132 = arith.cmpi ne, %convert_element_type3A_130, %cond3A_131 : i32
    scf.if %cond3A_132 {
      %dma_wait3A = arith.constant 0 : i32
      %dma_wait3A_213 = arith.constant 0 : i32
      %dma_wait3A_214 = tpu.memref_slice %arg20[%dma_wait3A, %dma_wait3A_213] : memref<10240x128xf32, #tpu.memory_space<vmem_shared>> -> memref<64x128xf32, #tpu.memory_space<vmem_shared>>
      %dma_wait3A_215 = arith.constant 0 : i32
      %dma_wait3A_216 = arith.constant 0 : i32
      %dma_wait3A_217 = tpu.memref_slice %arg20[%dma_wait3A_215, %dma_wait3A_216] : memref<10240x128xf32, #tpu.memory_space<vmem_shared>> -> memref<64x128xf32, #tpu.memory_space<vmem_shared>>
      tpu.wait_dma2 semaphore(%arg27 : memref<!tpu.dma_semaphore, #tpu.memory_space<semaphore_mem>>) src(%arg11 : memref<64x128xf32, #tpu.memory_space<vmem>>) dst(%dma_wait3A_217 : memref<64x128xf32, #tpu.memory_space<vmem_shared>>)
    } else {
    }
    %sub3A_133 = arith.constant 1 : i32
    %sub3A_134 = arith.subi %add3A_5, %sub3A_133 : i32
    %jit3A_135 = arith.constant 5 : i32
    %eq3A_136 = arith.constant 0 : i32
    %eq3A_137 = arith.cmpi eq, %jit3A_135, %eq3A_136 : i32
    %jit3A_138 = arith.constant 1 : i32
    %select_n3A_139 = arith.select %eq3A_137, %jit3A_138, %jit3A_135 : i32
    %rem3A_140 = arith.remsi %sub3A_134, %select_n3A_139 : i32
    %ne3A_141 = arith.constant 0 : i32
    %ne3A_142 = arith.cmpi ne, %rem3A_140, %ne3A_141 : i32
    %lt3A_143 = arith.constant 0 : i32
    %lt3A_144 = arith.cmpi slt, %rem3A_140, %lt3A_143 : i32
    %lt3A_145 = arith.constant 0 : i32
    %lt3A_146 = arith.cmpi slt, %select_n3A_139, %lt3A_145 : i32
    %ne3A_147 = arith.xori %lt3A_144, %lt3A_146 : i1
    %and3A_148 = arith.andi %ne3A_147, %ne3A_142 : i1
    %add3A_149 = arith.addi %rem3A_140, %select_n3A_139 : i32
    %select_n3A_150 = arith.select %and3A_148, %add3A_149, %rem3A_140 : i32
    %eq3A_151 = arith.constant 2 : i32
    %eq3A_152 = arith.cmpi eq, %select_n3A_150, %eq3A_151 : i32
    %convert_element_type3A_153 = arith.extui %eq3A_152 : i1 to i32
    %cond3A_154 = arith.constant 0 : i32
    %cond3A_155 = arith.cmpi ne, %convert_element_type3A_153, %cond3A_154 : i32
    scf.if %cond3A_155 {
      %dma_wait3A = arith.constant 0 : i32
      %dma_wait3A_213 = arith.constant 0 : i32
      %dma_wait3A_214 = tpu.memref_slice %arg20[%dma_wait3A, %dma_wait3A_213] : memref<10240x128xf32, #tpu.memory_space<vmem_shared>> -> memref<64x128xf32, #tpu.memory_space<vmem_shared>>
      %dma_wait3A_215 = arith.constant 0 : i32
      %dma_wait3A_216 = arith.constant 0 : i32
      %dma_wait3A_217 = tpu.memref_slice %arg20[%dma_wait3A_215, %dma_wait3A_216] : memref<10240x128xf32, #tpu.memory_space<vmem_shared>> -> memref<64x128xf32, #tpu.memory_space<vmem_shared>>
      tpu.wait_dma2 semaphore(%arg28 : memref<!tpu.dma_semaphore, #tpu.memory_space<semaphore_mem>>) src(%arg12 : memref<64x128xf32, #tpu.memory_space<vmem>>) dst(%dma_wait3A_217 : memref<64x128xf32, #tpu.memory_space<vmem_shared>>)
    } else {
    }
    %sub3A_156 = arith.constant 1 : i32
    %sub3A_157 = arith.subi %add3A_5, %sub3A_156 : i32
    %jit3A_158 = arith.constant 5 : i32
    %eq3A_159 = arith.constant 0 : i32
    %eq3A_160 = arith.cmpi eq, %jit3A_158, %eq3A_159 : i32
    %jit3A_161 = arith.constant 1 : i32
    %select_n3A_162 = arith.select %eq3A_160, %jit3A_161, %jit3A_158 : i32
    %rem3A_163 = arith.remsi %sub3A_157, %select_n3A_162 : i32
    %ne3A_164 = arith.constant 0 : i32
    %ne3A_165 = arith.cmpi ne, %rem3A_163, %ne3A_164 : i32
    %lt3A_166 = arith.constant 0 : i32
    %lt3A_167 = arith.cmpi slt, %rem3A_163, %lt3A_166 : i32
    %lt3A_168 = arith.constant 0 : i32
    %lt3A_169 = arith.cmpi slt, %select_n3A_162, %lt3A_168 : i32
    %ne3A_170 = arith.xori %lt3A_167, %lt3A_169 : i1
    %and3A_171 = arith.andi %ne3A_170, %ne3A_165 : i1
    %add3A_172 = arith.addi %rem3A_163, %select_n3A_162 : i32
    %select_n3A_173 = arith.select %and3A_171, %add3A_172, %rem3A_163 : i32
    %eq3A_174 = arith.constant 3 : i32
    %eq3A_175 = arith.cmpi eq, %select_n3A_173, %eq3A_174 : i32
    %convert_element_type3A_176 = arith.extui %eq3A_175 : i1 to i32
    %cond3A_177 = arith.constant 0 : i32
    %cond3A_178 = arith.cmpi ne, %convert_element_type3A_176, %cond3A_177 : i32
    scf.if %cond3A_178 {
      %dma_wait3A = arith.constant 0 : i32
      %dma_wait3A_213 = arith.constant 0 : i32
      %dma_wait3A_214 = tpu.memref_slice %arg20[%dma_wait3A, %dma_wait3A_213] : memref<10240x128xf32, #tpu.memory_space<vmem_shared>> -> memref<64x128xf32, #tpu.memory_space<vmem_shared>>
      %dma_wait3A_215 = arith.constant 0 : i32
      %dma_wait3A_216 = arith.constant 0 : i32
      %dma_wait3A_217 = tpu.memref_slice %arg20[%dma_wait3A_215, %dma_wait3A_216] : memref<10240x128xf32, #tpu.memory_space<vmem_shared>> -> memref<64x128xf32, #tpu.memory_space<vmem_shared>>
      tpu.wait_dma2 semaphore(%arg29 : memref<!tpu.dma_semaphore, #tpu.memory_space<semaphore_mem>>) src(%arg13 : memref<64x128xf32, #tpu.memory_space<vmem>>) dst(%dma_wait3A_217 : memref<64x128xf32, #tpu.memory_space<vmem_shared>>)
    } else {
    }
    %sub3A_179 = arith.constant 1 : i32
    %sub3A_180 = arith.subi %add3A_5, %sub3A_179 : i32
    %jit3A_181 = arith.constant 5 : i32
    %eq3A_182 = arith.constant 0 : i32
    %eq3A_183 = arith.cmpi eq, %jit3A_181, %eq3A_182 : i32
    %jit3A_184 = arith.constant 1 : i32
    %select_n3A_185 = arith.select %eq3A_183, %jit3A_184, %jit3A_181 : i32
    %rem3A_186 = arith.remsi %sub3A_180, %select_n3A_185 : i32
    %ne3A_187 = arith.constant 0 : i32
    %ne3A_188 = arith.cmpi ne, %rem3A_186, %ne3A_187 : i32
    %lt3A_189 = arith.constant 0 : i32
    %lt3A_190 = arith.cmpi slt, %rem3A_186, %lt3A_189 : i32
    %lt3A_191 = arith.constant 0 : i32
    %lt3A_192 = arith.cmpi slt, %select_n3A_185, %lt3A_191 : i32
    %ne3A_193 = arith.xori %lt3A_190, %lt3A_192 : i1
    %and3A_194 = arith.andi %ne3A_193, %ne3A_188 : i1
    %add3A_195 = arith.addi %rem3A_186, %select_n3A_185 : i32
    %select_n3A_196 = arith.select %and3A_194, %add3A_195, %rem3A_186 : i32
    %eq3A_197 = arith.constant 4 : i32
    %eq3A_198 = arith.cmpi eq, %select_n3A_196, %eq3A_197 : i32
    %convert_element_type3A_199 = arith.extui %eq3A_198 : i1 to i32
    %cond3A_200 = arith.constant 0 : i32
    %cond3A_201 = arith.cmpi ne, %convert_element_type3A_199, %cond3A_200 : i32
    scf.if %cond3A_201 {
      %dma_wait3A = arith.constant 0 : i32
      %dma_wait3A_213 = arith.constant 0 : i32
      %dma_wait3A_214 = tpu.memref_slice %arg20[%dma_wait3A, %dma_wait3A_213] : memref<10240x128xf32, #tpu.memory_space<vmem_shared>> -> memref<64x128xf32, #tpu.memory_space<vmem_shared>>
      %dma_wait3A_215 = arith.constant 0 : i32
      %dma_wait3A_216 = arith.constant 0 : i32
      %dma_wait3A_217 = tpu.memref_slice %arg20[%dma_wait3A_215, %dma_wait3A_216] : memref<10240x128xf32, #tpu.memory_space<vmem_shared>> -> memref<64x128xf32, #tpu.memory_space<vmem_shared>>
      tpu.wait_dma2 semaphore(%arg30 : memref<!tpu.dma_semaphore, #tpu.memory_space<semaphore_mem>>) src(%arg14 : memref<64x128xf32, #tpu.memory_space<vmem>>) dst(%dma_wait3A_217 : memref<64x128xf32, #tpu.memory_space<vmem_shared>>)
    } else {
    }
    %barrier3A_202 = arith.constant 0 : index
    tpu.barrier barrier_id(%barrier3A_202)
    %eq3A_203 = arith.constant 0 : i32
    %eq3A_204 = arith.cmpi eq, %arg0, %eq3A_203 : i32
    %convert_element_type3A_205 = arith.extui %eq3A_204 : i1 to i32
    %cond3A_206 = arith.constant 0 : i32
    %cond3A_207 = arith.cmpi ne, %convert_element_type3A_205, %cond3A_206 : i32
    scf.if %cond3A_207 {
      "tpu.region"() ({
        %run_scoped3A = tpu.sem_alloc : memref<!tpu.dma_semaphore, #tpu.memory_space<semaphore_mem>>
        %dma_start3A = arith.constant 0 : i32
        %dma_start3A_213 = tpu.memref_slice %arg6[%mul3A_17, %dma_start3A] : memref<10240x128xf32, #tpu.memory_space<hbm>> -> memref<640x128xf32, #tpu.memory_space<hbm>>
        %dma_start3A_214 = arith.constant 0 : i32
        %dma_start3A_215 = tpu.memref_slice %arg20[%mul3A_17, %dma_start3A_214] : memref<10240x128xf32, #tpu.memory_space<vmem_shared>> -> memref<640x128xf32, #tpu.memory_space<vmem_shared>>
        tpu.enqueue_dma source(%dma_start3A_215 : memref<640x128xf32, #tpu.memory_space<vmem_shared>>) target(%dma_start3A_213 : memref<640x128xf32, #tpu.memory_space<hbm>>) target_semaphore(%run_scoped3A : memref<!tpu.dma_semaphore, #tpu.memory_space<semaphore_mem>>)
        %dma_wait3A = arith.constant 0 : i32
        %dma_wait3A_216 = tpu.memref_slice %arg6[%mul3A_17, %dma_wait3A] : memref<10240x128xf32, #tpu.memory_space<hbm>> -> memref<640x128xf32, #tpu.memory_space<hbm>>
        %dma_wait3A_217 = arith.constant 0 : i32
        %dma_wait3A_218 = tpu.memref_slice %arg20[%mul3A_17, %dma_wait3A_217] : memref<10240x128xf32, #tpu.memory_space<vmem_shared>> -> memref<640x128xf32, #tpu.memory_space<vmem_shared>>
        tpu.wait_dma2 semaphore(%run_scoped3A : memref<!tpu.dma_semaphore, #tpu.memory_space<semaphore_mem>>) src(%dma_wait3A_218 : memref<640x128xf32, #tpu.memory_space<vmem_shared>>) dst(%dma_wait3A_216 : memref<640x128xf32, #tpu.memory_space<hbm>>)
        tpu.yield
      }) : () -> ()
    } else {
    }
    %eq3A_208 = arith.constant 1 : i32
    %eq3A_209 = arith.cmpi eq, %arg0, %eq3A_208 : i32
    %convert_element_type3A_210 = arith.extui %eq3A_209 : i1 to i32
    %cond3A_211 = arith.constant 0 : i32
    %cond3A_212 = arith.cmpi ne, %convert_element_type3A_210, %cond3A_211 : i32
    scf.if %cond3A_212 {
      "tpu.region"() ({
        %run_scoped3A = tpu.sem_alloc : memref<!tpu.dma_semaphore, #tpu.memory_space<semaphore_mem>>
        %dma_start3A = arith.constant 0 : i32
        %dma_start3A_213 = tpu.memref_slice %arg7[%mul3A_17, %dma_start3A] : memref<10240x128xf32, #tpu.memory_space<hbm>> -> memref<640x128xf32, #tpu.memory_space<hbm>>
        %dma_start3A_214 = arith.constant 0 : i32
        %dma_start3A_215 = tpu.memref_slice %arg20[%mul3A_17, %dma_start3A_214] : memref<10240x128xf32, #tpu.memory_space<vmem_shared>> -> memref<640x128xf32, #tpu.memory_space<vmem_shared>>
        tpu.enqueue_dma source(%dma_start3A_215 : memref<640x128xf32, #tpu.memory_space<vmem_shared>>) target(%dma_start3A_213 : memref<640x128xf32, #tpu.memory_space<hbm>>) target_semaphore(%run_scoped3A : memref<!tpu.dma_semaphore, #tpu.memory_space<semaphore_mem>>)
        %dma_wait3A = arith.constant 0 : i32
        %dma_wait3A_216 = tpu.memref_slice %arg7[%mul3A_17, %dma_wait3A] : memref<10240x128xf32, #tpu.memory_space<hbm>> -> memref<640x128xf32, #tpu.memory_space<hbm>>
        %dma_wait3A_217 = arith.constant 0 : i32
        %dma_wait3A_218 = tpu.memref_slice %arg20[%mul3A_17, %dma_wait3A_217] : memref<10240x128xf32, #tpu.memory_space<vmem_shared>> -> memref<640x128xf32, #tpu.memory_space<vmem_shared>>
        tpu.wait_dma2 semaphore(%run_scoped3A : memref<!tpu.dma_semaphore, #tpu.memory_space<semaphore_mem>>) src(%dma_wait3A_218 : memref<640x128xf32, #tpu.memory_space<vmem_shared>>) dst(%dma_wait3A_216 : memref<640x128xf32, #tpu.memory_space<hbm>>)
        tpu.yield
      }) : () -> ()
    } else {
    }
    return
  }
}

module attributes {stable_mosaic.version = 14 : i64} {
  func.func @_pre_body(%arg0: i32, %arg1: memref<2000x128xf32, #tpu.memory_space<vmem>>, %arg2: memref<2000x3xf32, #tpu.memory_space<vmem>>, %arg3: memref<128x128xf32, #tpu.memory_space<vmem>>, %arg4: memref<128x128xf32, #tpu.memory_space<vmem>>, %arg5: memref<3x128xf32, #tpu.memory_space<vmem>>, %arg6: memref<1x128xf32, #tpu.memory_space<vmem>>, %arg7: memref<2000x128xf32, #tpu.memory_space<vmem>>, %arg8: memref<2000x128xf32, #tpu.memory_space<vmem>>, %arg9: memref<2000x128xf32, #tpu.memory_space<vmem>>) attributes {dimension_semantics = [#tpu.dimension_semantics<arbitrary>], iteration_bounds = array<i64: 5>, scalar_prefetch = 0 : i64, scratch_operands = 0 : i64, tpu.core_type = #tpu.core_type<tc>, window_params = [{transform_indices = @transform_0, window_bounds = array<i64: 2000, 128>}, {transform_indices = @transform_1, window_bounds = array<i64: 2000, 3>}, {pipeline_mode = #tpu.pipeline_mode<synchronous>, transform_indices = @transform_2, window_bounds = array<i64: 128, 128>}, {pipeline_mode = #tpu.pipeline_mode<synchronous>, transform_indices = @transform_3, window_bounds = array<i64: 128, 128>}, {pipeline_mode = #tpu.pipeline_mode<synchronous>, transform_indices = @transform_4, window_bounds = array<i64: 3, 128>}, {pipeline_mode = #tpu.pipeline_mode<synchronous>, transform_indices = @transform_5, window_bounds = array<i64: 1, 128>}, {transform_indices = @transform_6, window_bounds = array<i64: 2000, 128>}, {transform_indices = @transform_7, window_bounds = array<i64: 2000, 128>}, {transform_indices = @transform_8, window_bounds = array<i64: 2000, 128>}]} {
    %get3A = arith.constant 0 : index
    %get3A_0 = arith.constant 0 : index
    %get3A_1 = vector.load %arg1[%get3A, %get3A_0] : memref<2000x128xf32, #tpu.memory_space<vmem>>, vector<2000x128xf32>
    %get3A_2 = arith.constant 0 : index
    %get3A_3 = arith.constant 0 : index
    %get3A_4 = vector.load %arg2[%get3A_2, %get3A_3] : memref<2000x3xf32, #tpu.memory_space<vmem>>, vector<2000x3xf32>
    %get3A_5 = arith.constant 0 : index
    %get3A_6 = arith.constant 0 : index
    %get3A_7 = vector.load %arg5[%get3A_5, %get3A_6] : memref<3x128xf32, #tpu.memory_space<vmem>>, vector<3x128xf32>
    %slice3A = vector.extract_strided_slice %get3A_4 {offsets = [0, 0], sizes = [2000, 1], strides = [1, 1]} : vector<2000x3xf32> to vector<2000x1xf32>
    %slice3A_8 = vector.extract_strided_slice %get3A_7 {offsets = [0, 0], sizes = [1, 128], strides = [1, 1]} : vector<3x128xf32> to vector<1x128xf32>
    %mul3A = vector.broadcast %slice3A : vector<2000x1xf32> to vector<2000x128xf32>
    %mul3A_9 = vector.broadcast %slice3A_8 : vector<1x128xf32> to vector<2000x128xf32>
    %mul3A_10 = arith.mulf %mul3A, %mul3A_9 : vector<2000x128xf32>
    %slice3A_11 = vector.extract_strided_slice %get3A_4 {offsets = [0, 1], sizes = [2000, 1], strides = [1, 1]} : vector<2000x3xf32> to vector<2000x1xf32>
    %slice3A_12 = vector.extract_strided_slice %get3A_7 {offsets = [1, 0], sizes = [1, 128], strides = [1, 1]} : vector<3x128xf32> to vector<1x128xf32>
    %mul3A_13 = vector.broadcast %slice3A_11 : vector<2000x1xf32> to vector<2000x128xf32>
    %mul3A_14 = vector.broadcast %slice3A_12 : vector<1x128xf32> to vector<2000x128xf32>
    %mul3A_15 = arith.mulf %mul3A_13, %mul3A_14 : vector<2000x128xf32>
    %add3A = arith.addf %mul3A_10, %mul3A_15 : vector<2000x128xf32>
    %slice3A_16 = vector.extract_strided_slice %get3A_4 {offsets = [0, 2], sizes = [2000, 1], strides = [1, 1]} : vector<2000x3xf32> to vector<2000x1xf32>
    %slice3A_17 = vector.extract_strided_slice %get3A_7 {offsets = [2, 0], sizes = [1, 128], strides = [1, 1]} : vector<3x128xf32> to vector<1x128xf32>
    %mul3A_18 = vector.broadcast %slice3A_16 : vector<2000x1xf32> to vector<2000x128xf32>
    %mul3A_19 = vector.broadcast %slice3A_17 : vector<1x128xf32> to vector<2000x128xf32>
    %mul3A_20 = arith.mulf %mul3A_18, %mul3A_19 : vector<2000x128xf32>
    %add3A_21 = arith.addf %add3A, %mul3A_20 : vector<2000x128xf32>
    %get3A_22 = arith.constant 0 : index
    %get3A_23 = arith.constant 0 : index
    %get3A_24 = vector.load %arg4[%get3A_22, %get3A_23] : memref<128x128xf32, #tpu.memory_space<vmem>>, vector<128x128xf32>
    %dot_general3A = arith.constant dense<0.000000e+00> : vector<2000x128xf32>
    %dot_general3A_25 = tpu.matmul %get3A_1, %get3A_24, %dot_general3A {dimension_numbers = #tpu.dot_dimension_numbers<[1], [0], [0], [1], [0, 0, 1, 1], [], []>, transpose_lhs_hint = false} : vector<2000x128xf32>, vector<128x128xf32>, vector<2000x128xf32> -> vector<2000x128xf32>
    %add3A_26 = arith.addf %dot_general3A_25, %add3A_21 : vector<2000x128xf32>
    %neg3A = arith.constant 0.000000e+00 : f32
    %neg3A_27 = vector.broadcast %neg3A : f32 to vector<2000x128xf32>
    %neg3A_28 = arith.subf %neg3A_27, %add3A_26 : vector<2000x128xf32>
    %exp3A = math.exp %neg3A_28 : vector<2000x128xf32>
    %get3A_29 = arith.constant 0 : index
    %get3A_30 = arith.constant 0 : index
    %get3A_31 = vector.load %arg3[%get3A_29, %get3A_30] : memref<128x128xf32, #tpu.memory_space<vmem>>, vector<128x128xf32>
    %dot_general3A_32 = arith.constant dense<0.000000e+00> : vector<2000x128xf32>
    %dot_general3A_33 = tpu.matmul %get3A_1, %get3A_31, %dot_general3A_32 {dimension_numbers = #tpu.dot_dimension_numbers<[1], [0], [0], [1], [0, 0, 1, 1], [], []>, transpose_lhs_hint = false} : vector<2000x128xf32>, vector<128x128xf32>, vector<2000x128xf32> -> vector<2000x128xf32>
    %sub3A = arith.subf %dot_general3A_33, %add3A_21 : vector<2000x128xf32>
    %swap3A = arith.constant 0 : index
    %swap3A_34 = arith.constant 0 : index
    %swap3A_35 = vector.load %arg7[%swap3A, %swap3A_34] : memref<2000x128xf32, #tpu.memory_space<vmem>>, vector<2000x128xf32>
    tpu.vector_store %arg7[%swap3A, %swap3A_34], %exp3A {strides = array<i32>} : memref<2000x128xf32, #tpu.memory_space<vmem>>, vector<2000x128xf32>,
    %mul3A_36 = arith.mulf %exp3A, %sub3A : vector<2000x128xf32>
    %swap3A_37 = arith.constant 0 : index
    %swap3A_38 = arith.constant 0 : index
    %swap3A_39 = vector.load %arg8[%swap3A_37, %swap3A_38] : memref<2000x128xf32, #tpu.memory_space<vmem>>, vector<2000x128xf32>
    tpu.vector_store %arg8[%swap3A_37, %swap3A_38], %mul3A_36 {strides = array<i32>} : memref<2000x128xf32, #tpu.memory_space<vmem>>, vector<2000x128xf32>,
    %get3A_40 = arith.constant 0 : index
    %get3A_41 = arith.constant 0 : index
    %get3A_42 = vector.load %arg6[%get3A_40, %get3A_41] : memref<1x128xf32, #tpu.memory_space<vmem>>, vector<1x128xf32>
    %add3A_43 = vector.broadcast %get3A_42 : vector<1x128xf32> to vector<2000x128xf32>
    %add3A_44 = arith.addf %add3A_21, %add3A_43 : vector<2000x128xf32>
    %swap3A_45 = arith.constant 0 : index
    %swap3A_46 = arith.constant 0 : index
    %swap3A_47 = vector.load %arg9[%swap3A_45, %swap3A_46] : memref<2000x128xf32, #tpu.memory_space<vmem>>, vector<2000x128xf32>
    tpu.vector_store %arg9[%swap3A_45, %swap3A_46], %add3A_44 {strides = array<i32>} : memref<2000x128xf32, #tpu.memory_space<vmem>>, vector<2000x128xf32>,
    return
  }
  func.func @transform_0(%arg0: i32) -> (i32, i32) {
    %c0_i32 = arith.constant 0 : i32
    %c0_i32_0 = arith.constant 0 : i32
    return %arg0, %c0_i32 : i32, i32
  }
  func.func @transform_1(%arg0: i32) -> (i32, i32) {
    %c0_i32 = arith.constant 0 : i32
    %c0_i32_0 = arith.constant 0 : i32
    return %arg0, %c0_i32 : i32, i32
  }
  func.func @transform_2(%arg0: i32) -> (i32, i32) {
    %c0_i32 = arith.constant 0 : i32
    %c0_i32_0 = arith.constant 0 : i32
    %c0_i32_1 = arith.constant 0 : i32
    return %c0_i32, %c0_i32_0 : i32, i32
  }
  func.func @transform_3(%arg0: i32) -> (i32, i32) {
    %c0_i32 = arith.constant 0 : i32
    %c0_i32_0 = arith.constant 0 : i32
    %c0_i32_1 = arith.constant 0 : i32
    return %c0_i32, %c0_i32_0 : i32, i32
  }
  func.func @transform_4(%arg0: i32) -> (i32, i32) {
    %c0_i32 = arith.constant 0 : i32
    %c0_i32_0 = arith.constant 0 : i32
    %c0_i32_1 = arith.constant 0 : i32
    return %c0_i32, %c0_i32_0 : i32, i32
  }
  func.func @transform_5(%arg0: i32) -> (i32, i32) {
    %c0_i32 = arith.constant 0 : i32
    %c0_i32_0 = arith.constant 0 : i32
    %c0_i32_1 = arith.constant 0 : i32
    return %c0_i32, %c0_i32_0 : i32, i32
  }
  func.func @transform_6(%arg0: i32) -> (i32, i32) {
    %c0_i32 = arith.constant 0 : i32
    %c0_i32_0 = arith.constant 0 : i32
    return %arg0, %c0_i32 : i32, i32
  }
  func.func @transform_7(%arg0: i32) -> (i32, i32) {
    %c0_i32 = arith.constant 0 : i32
    %c0_i32_0 = arith.constant 0 : i32
    return %arg0, %c0_i32 : i32, i32
  }
  func.func @transform_8(%arg0: i32) -> (i32, i32) {
    %c0_i32 = arith.constant 0 : i32
    %c0_i32_0 = arith.constant 0 : i32
    return %arg0, %c0_i32 : i32, i32
  }
}

module attributes {stable_mosaic.version = 14 : i64} {
  func.func @_fin_body(%arg0: i32, %arg1: memref<2000x128xf32, #tpu.memory_space<vmem>>, %arg2: memref<2000x128xf32, #tpu.memory_space<vmem>>, %arg3: memref<2000x128xf32, #tpu.memory_space<vmem>>, %arg4: memref<2000x128xf32, #tpu.memory_space<vmem>>, %arg5: memref<2000x128xf32, #tpu.memory_space<vmem>>, %arg6: memref<2000x128xf32, #tpu.memory_space<vmem>>) attributes {dimension_semantics = [#tpu.dimension_semantics<arbitrary>], iteration_bounds = array<i64: 5>, scalar_prefetch = 0 : i64, scratch_operands = 0 : i64, tpu.core_type = #tpu.core_type<tc>, window_params = [{transform_indices = @transform_0, window_bounds = array<i64: 2000, 128>}, {transform_indices = @transform_1, window_bounds = array<i64: 2000, 128>}, {transform_indices = @transform_2, window_bounds = array<i64: 2000, 128>}, {transform_indices = @transform_3, window_bounds = array<i64: 2000, 128>}, {transform_indices = @transform_4, window_bounds = array<i64: 2000, 128>}, {transform_indices = @transform_5, window_bounds = array<i64: 2000, 128>}]} {
    %get3A = arith.constant 0 : index
    %get3A_0 = arith.constant 0 : index
    %get3A_1 = vector.load %arg1[%get3A, %get3A_0] : memref<2000x128xf32, #tpu.memory_space<vmem>>, vector<2000x128xf32>
    %get3A_2 = arith.constant 0 : index
    %get3A_3 = arith.constant 0 : index
    %get3A_4 = vector.load %arg3[%get3A_2, %get3A_3] : memref<2000x128xf32, #tpu.memory_space<vmem>>, vector<2000x128xf32>
    %add3A = arith.addf %get3A_1, %get3A_4 : vector<2000x128xf32>
    %get3A_5 = arith.constant 0 : index
    %get3A_6 = arith.constant 0 : index
    %get3A_7 = vector.load %arg2[%get3A_5, %get3A_6] : memref<2000x128xf32, #tpu.memory_space<vmem>>, vector<2000x128xf32>
    %get3A_8 = arith.constant 0 : index
    %get3A_9 = arith.constant 0 : index
    %get3A_10 = vector.load %arg4[%get3A_8, %get3A_9] : memref<2000x128xf32, #tpu.memory_space<vmem>>, vector<2000x128xf32>
    %add3A_11 = arith.addf %get3A_7, %get3A_10 : vector<2000x128xf32>
    %div3A = arith.divf %add3A_11, %add3A : vector<2000x128xf32>
    %get3A_12 = arith.constant 0 : index
    %get3A_13 = arith.constant 0 : index
    %get3A_14 = vector.load %arg5[%get3A_12, %get3A_13] : memref<2000x128xf32, #tpu.memory_space<vmem>>, vector<2000x128xf32>
    %add3A_15 = arith.addf %div3A, %get3A_14 : vector<2000x128xf32>
    %swap3A = arith.constant 0 : index
    %swap3A_16 = arith.constant 0 : index
    %swap3A_17 = vector.load %arg6[%swap3A, %swap3A_16] : memref<2000x128xf32, #tpu.memory_space<vmem>>, vector<2000x128xf32>
    tpu.vector_store %arg6[%swap3A, %swap3A_16], %add3A_15 {strides = array<i32>} : memref<2000x128xf32, #tpu.memory_space<vmem>>, vector<2000x128xf32>,
    return
  }
  func.func @transform_0(%arg0: i32) -> (i32, i32) {
    %c0_i32 = arith.constant 0 : i32
    %c0_i32_0 = arith.constant 0 : i32
    return %arg0, %c0_i32 : i32, i32
  }
  func.func @transform_1(%arg0: i32) -> (i32, i32) {
    %c0_i32 = arith.constant 0 : i32
    %c0_i32_0 = arith.constant 0 : i32
    return %arg0, %c0_i32 : i32, i32
  }
  func.func @transform_2(%arg0: i32) -> (i32, i32) {
    %c0_i32 = arith.constant 0 : i32
    %c0_i32_0 = arith.constant 0 : i32
    return %arg0, %c0_i32 : i32, i32
  }
  func.func @transform_3(%arg0: i32) -> (i32, i32) {
    %c0_i32 = arith.constant 0 : i32
    %c0_i32_0 = arith.constant 0 : i32
    return %arg0, %c0_i32 : i32, i32
  }
  func.func @transform_4(%arg0: i32) -> (i32, i32) {
    %c0_i32 = arith.constant 0 : i32
    %c0_i32_0 = arith.constant 0 : i32
    return %arg0, %c0_i32 : i32, i32
  }
  func.func @transform_5(%arg0: i32) -> (i32, i32) {
    %c0_i32 = arith.constant 0 : i32
    %c0_i32_0 = arith.constant 0 : i32
    return %arg0, %c0_i32 : i32, i32
  }
}

</mosaic_0001>

<sc_bundles>
// kernel: kernel.5.cloned.1.call-start
scs
__scs_entry_jumppad:
0x0: {  	(pc) =	sbr.rel $0x88, $3  }
0x1: {  	(tag) =	ssettag $0x0;
	lr =	simm.s32 $0x1  }
0x2: {  	[smem:$0x3F9A] =	sst lr;
	_ =	strace $0xD0000000  }
0x3: {  	_ = 	snop  }
0x4: {  	_ = 	snop  }
0x5: {  	_ = 	snop  }
0x6: {  	_ = 	snop  }
0x7: {  	_ = 	snop  }
__scs_overlays_trampoline_lowered:
0x8: {  	[smem:$0x3FA9] =	sst s0  }
0x9: {  	[smem:$0x3FAA] =	sst s1  }
0xa: {  	[smem:$0x3FAB] =	sst s2  }
0xb: {  	[smem:$0x3FAC] =	sst s3  }
0xc: {  	[smem:$0x3FAD] =	sst s4  }
0xd: {  	[smem:$0x3FAE] =	sst s5  }
0xe: {  	[smem:$0x3FAF] =	sst s6  }
0xf: {  	[smem:$0x3FB0] =	sst s7  }
0x10: {  	[smem:$0x3FB1] =	sst s8  }
0x11: {  	[smem:$0x3FB2] =	sst s9;
	s0 =	simm.s32 @!p0 $0x0  }
0x12: {  	s1 =	sld [smem:$0x3F98];
	s0 =	simm.s32 @p0 $0x1  }
0x13: {  	[smem:$0x3FB3] =	sst s0;
	s0 =	simm.s32 @!p1 $0x0  }
0x14: {  	s2 =	sld [smem:$0x3F97];
	s0 =	simm.s32 @p1 $0x1  }
0x15: {  	[smem:$0x3FB4] =	sst s0;
	s0 =	simm.s32 @!p2 $0x0  }
0x16: {  	s3 =	sld [smem:$0x3FDB];
	s0 =	simm.s32 @p2 $0x1  }
0x17: {  	s4 =	simm.s32 $0x1BF5;
	[smem:$0x3FB6] =	sst s0  }
0x18: {  	s0 =	sld [smem:$0x3F99];
	_ =	swait.ge [sflag:s4], $0x0  }
0x19: {  	s7 =	sld [smem:$0x3F9A]  }
0x1a: {  	s8 =	sadd.s32 $0xFFFFE003, lr  }
0x1b: {  	s9 =	sadd.s32 $0xFFFFFEF7, lr;
	s5 =	simm.s32 $0xFFFFFFFF;
	p2 =	slt.u32 s8, $0xFFFFF086  }
0x1c: {  	p1 =	slt.u32 s9, $0xF7A;
	s5 =	simm.s32 @!p2 $0x0  }
0x1d: {  	s5 =	simm.s32 @p1 $0x1;
	p0 =	seq.s32 s7, s2  }
0x1e: {  	s7 =	smul.u32 @!p0 $0xF7A, s2;
	p2 =	seq.s32 @!p0 s5, $0x0  }
0x1f: {  	s9 =	smul.u32 $0xF7A, s1;
	s8 =	simm.s32 @!p0 $0x1BF5;
	p2 =	por !p2, p0  }
0x20: {  	[sflag:s8] =	ssyncset.s32 @!p0 $0xFFFFF086;
	s6 =	sadd.s32 @!p0 s3, s7;
	s7 =	simm.s32 @!p0 $0x108  }
0x21: {  	s3 =	sadd.s32 s3, s9;
	s6 =	sadd.s32 @!p0 $0x88, s6;
	s7 =	simm.s32 @p2 $0x1082  }
0x22: {  	[simem:s7], [sflag:s8] =	dma.local @!p0 [hbm:s6], $0xF7A  }
0x23: {  	s9 =	sor.u32 $0xD0000000, s2;
	s6 =	simm.s32 $0x108;
	_ =	swait.ge @!p0 [sflag:s8], $0x0  }
0x24: {  	s3 =	sadd.s32 $0x88, s3;
	s6 =	simm.s32 @!p1 $0x1082;
	[sflag:s4] =	ssyncset.s32 $0xFFFFF086  }
0x25: {  	[simem:s6], [sflag:s4] =	dma.local [hbm:s3], $0xF7A  }
0x26: {  	[smem:$0x3F9A] =	sst s1;
	(tag) =	ssettag s2;
	_ =	strace s9  }
0x27: {  	s1 =	sld [smem:$0x3FAA]  }
0x28: {  	s2 =	sld [smem:$0x3FAB]  }
0x29: {  	s4 =	sld [smem:$0x3FAD]  }
0x2a: {  	p0 =	seq.s32 s5, $0x0;
	s5 =	sld [smem:$0x3FAE]  }
0x2b: {  	s6 =	sld [smem:$0x3FAF]  }
0x2c: {  	s7 =	sld [smem:$0x3FB0]  }
0x2d: {  	s3 =	simm.s32 $0x108;
	s8 =	sld [smem:$0x3FB1]  }
0x2e: {  	s3 =	simm.s32 @!p0 $0x1082;
	s9 =	sld [smem:$0x3FB2]  }
0x2f: {  	lr =	sadd.s32 s0, s3;
	s0 =	sld [smem:$0x3FA9]  }
0x30: {  	s3 =	sld [smem:$0x3FAC]  }
0x31: {  	[smem:$0x3FB5] =	sst s10  }
0x32: {  	s10 =	sld [smem:$0x3FB3];
	_ =	sdelay $0x3  }
0x33: {  	p0 =	seq.s32 s10, $0x1;
	s10 =	sld [smem:$0x3FB5];
	_ =	sdelay $0x3  }
0x34: {  	[smem:$0x3FB5] =	sst s10  }
0x35: {  	s10 =	sld [smem:$0x3FB4];
	_ =	sdelay $0x3  }
0x36: {  	p1 =	seq.s32 s10, $0x1;
	s10 =	sld [smem:$0x3FB5];
	_ =	sdelay $0x3  }
0x37: {  	[smem:$0x3FB5] =	sst s10  }
0x38: {  	s10 =	sld [smem:$0x3FB6]  }
0x39: {  	_ = 	snop;
	(pc) =	sbr.ind lr, $3  }
0x3a: {  	_ = 	snop  }
0x3b: {  	_ = 	snop  }
0x3c: {  	p2 =	seq.s32 s10, $0x1;
	s10 =	sld [smem:$0x3FB5]  }
0x3d: {  	_ =	shalt  }
0x3e: {  	_ =	shalt  }
0x3f: {  	_ =	shalt  }
0x40: {  	_ =	shalt  }
0x41: {  	_ =	shalt  }
0x42: {  	_ =	shalt  }
0x43: {  	_ =	shalt  }
0x44: {  	_ =	shalt  }
0x45: {  	_ =	shalt  }
0x46: {  	_ =	shalt  }
0x47: {  	_ =	shalt  }
0x48: {  	_ =	shalt  }
0x49: {  	_ =	shalt  }
0x4a: {  	_ =	shalt  }
0x4b: {  	_ =	shalt  }
0x4c: {  	_ =	shalt  }
0x4d: {  	_ =	shalt  }
0x4e: {  	_ =	shalt  }
0x4f: {  	_ =	shalt  }
0x50: {  	_ =	shalt  }
0x51: {  	_ =	shalt  }
0x52: {  	_ =	shalt  }
0x53: {  	_ =	shalt  }
0x54: {  	_ =	shalt  }
0x55: {  	_ =	shalt  }
0x56: {  	_ =	shalt  }
0x57: {  	_ =	shalt  }
0x58: {  	_ =	shalt  }
0x59: {  	_ =	shalt  }
0x5a: {  	_ =	shalt  }
0x5b: {  	_ =	shalt  }
0x5c: {  	_ =	shalt  }
0x5d: {  	_ =	shalt  }
0x5e: {  	_ =	shalt  }
0x5f: {  	_ =	shalt  }
0x60: {  	_ =	shalt  }
0x61: {  	_ =	shalt  }
0x62: {  	_ =	shalt  }
0x63: {  	_ =	shalt  }
0x64: {  	_ =	shalt  }
0x65: {  	_ =	shalt  }
0x66: {  	_ =	shalt  }
0x67: {  	_ =	shalt  }
0x68: {  	_ =	shalt  }
0x69: {  	_ =	shalt  }
0x6a: {  	_ =	shalt  }
0x6b: {  	_ =	shalt  }
0x6c: {  	_ =	shalt  }
0x6d: {  	_ =	shalt  }
0x6e: {  	_ =	shalt  }
0x6f: {  	_ =	shalt  }
0x70: {  	_ =	shalt  }
0x71: {  	_ =	shalt  }
0x72: {  	_ =	shalt  }
0x73: {  	_ =	shalt  }
0x74: {  	_ =	shalt  }
0x75: {  	_ =	shalt  }
0x76: {  	_ =	shalt  }
0x77: {  	_ =	shalt  }
0x78: {  	_ =	shalt  }
0x79: {  	_ =	shalt  }
0x7a: {  	_ =	shalt  }
0x7b: {  	_ =	shalt  }
0x7c: {  	_ =	shalt  }
0x7d: {  	_ =	shalt  }
0x7e: {  	_ =	shalt  }
0x7f: {  	_ =	shalt  }
0x80: {  	_ =	shalt  }
0x81: {  	_ =	shalt  }
0x82: {  	_ =	shalt  }
0x83: {  	_ =	shalt  }
0x84: {  	_ =	shalt  }
0x85: {  	_ =	shalt  }
0x86: {  	_ =	shalt  }
0x87: {  	_ =	shalt  }
.Lfunc_end0:
.L_simem_size_0:
called_computation_lowered:
.L_overlay_start_0:
0x88: {  	s2 =	sld [smem:$0x3FD9]  }
0x89: {  	s3 =	sld [smem:$0x3FFE];
	_ =	sdelay $0x1  }
0x8a: {  	s1 =	srdreg.scid  }
0x8b: {  	s0 =	sand.u32 $0x1, s1  }
0x8c: {  	s17 =	sshll.u32 s0, $0xA;
	s2 =	sadd.s32 s3, s2  }
0x8d: {  	s2 =	sadd.s32 s2, s17  }
0x8e: {  	[smem:$0x3FC1] =	sst s2  }
0x8f: {  	_ = 	snop  }
0x90: {  	s2 =	sld [smem:$0x3FD0];
	(tm) =	ssettm $0x1  }
0x91: {  	s18 =	sld [smem:$0x3FFB];
	_ =	sdelay $0x3  }
0x92: {  	_ =	strace s18  }
0x93: {  	s3 =	sld [smem:$0x3FFC];
	_ =	sdelay $0x3  }
0x94: {  	_ =	strace s3  }
0x95: {  	s3 =	sld [smem:$0x3FFD];
	_ =	sdelay $0x3  }
0x96: {  	_ =	strace s3  }
0x97: {  	_ =	strace $0x8FFFFFFF  }
0x98: {  	s19 =	sld [smem:$0x3FDB];
	_ =	sdelay $0x1  }
0x99: {  	s4 =	simm.s32 $_scs_section_size  }
0x9a: {  	s5 =	simm.s32 $_size__tile_overlayer_lowered;
	s6 =	simm.s32 $_tile_overlayer_lowered  }
0x9b: {  	s22 =	simm.s32 $0x1BFF;
	s21 =	sshll.u32 s6, $0x1;
	s3 =	sadd.s32 s4, s19  }
0x9c: {  	s7 =	simm.s32 $0x0;
	s20 =	sshll.u32 s5, $0x1;
	s5 =	sadd.s32 s21, s3  }
0x9d: {  	[timem:s7], [sflag:s22] =	dma.local [hbm:s5], s20  }
0x9e: {  	_ =	swait.ge [sflag:s22], s20  }
0x9f: {  	s4 =	ssub.s32 $0x0, s20;
	[sflag:s22] =	ssyncset.done $0x0  }
0xa0: {  	[sflag:s22] =	ssyncadd.s32 s4;
	_ =	sdelay $0x1  }
0xa1: {  	s23 =	simm.s32 $0x1B8B  }
0xa2: {  	_ =	swait.ge [sflag:s23], $0x1  }
0xa3: {  	[sflag:s23] =	ssyncset.done $0x0  }
0xa4: {  	s25 =	simm.s32 $0x1B8E;
	s24 =	sld [smem:$0x3FFE];
	[sflag:s23] =	ssyncadd.s32 $0xFFFFFFFF  }
0xa5: {  	s26 =	simm.s32 $execute0_lowered;
	[smem:$0x3FD2] =	sst s25  }
0xa6: {  	s5 =	sshll.u32 s26, $0x1;
	_ =	strace $0x80000046;
	[dreg:$0x1] =	wrdreg $0xFFFFFFFF  }
0xa7: {  	s28 =	simm.s32 $_size_execute0_lowered;
	s3 =	sadd.s32 s3, s5;
	[dreg:$0x0] =	wrdreg $0x0  }
0xa8: {  	s5 =	sshll.u32 s28, $0x1;
	[dreg:$0x2] =	wrdreg s3  }
0xa9: {  	[dreg:$0x3] =	wrdreg s5  }
0xaa: {  	[dreg:$0x4] =	wrdreg $0xC0  }
0xab: {  	_ =	task [dreg:s7], $0x5FFFF  }
0xac: {  	[dreg:$0x1] =	wrdreg $0xFFFFFFFF  }
0xad: {  	[dreg:$0x0] =	wrdreg $0x60  }
0xae: {  	[dreg:$0x2] =	wrdreg s24  }
0xaf: {  	[dreg:$0x3] =	wrdreg s2  }
0xb0: {  	[dreg:$0x4] =	wrdreg $0xBA800  }
0xb1: {  	[dreg:$0x5] =	wrdreg $0x9  }
0xb2: {  	_ =	task.clear_ibuf [dreg:s7], $0x6FFFF;
	_ =	strace $0x90000046  }
0xb3: {  	s29 =	simm.s32 $0x9;
	_ =	strace $0x80000048  }
0xb4: {  	_ =	swait.ge [sflag:s29], $0x1  }
0xb5: {  	[sflag:s29] =	ssyncadd.s32 $0xFFFFFFFF  }
0xb6: {  	_ =	strace $0x90000048  }
0xb7: {  	_ =	sfence  }
0xb8: {  	s30 =	sld [smem:$0x0];
	_ =	sdelay $0x2  }
0xb9: {  	s31 =	sshll.u32 s1, $0xD;
	s1 =	sshrl.u32 s1, $0x2  }
0xba: {  	s3 =	sand.u32 $0x4000, s31;
	s1 =	sadd.s32 s1, s30  }
0xbb: {  	s0 =	sor.u32 s3, s0;
	s1 =	sshll.u32 s1, $0x11  }
0xbc: {  	s0 =	sor.u32 s1, s0  }
0xbd: {  	s0 =	sadd.s32 $0x8F2B, s0  }
0xbe: {  	[sflag:s0] =	ssyncadd.remote.s32 $0x1  }
0xbf: {  	_ =	sfence.sel $0xFFFF  }
0xc0: {  	[dreg:$0x0] =	wrdreg $0xFFFFFFFF;
	(pc) =	sbr.abs _section_cstart, $3  }
0xc1: {  	[dreg:$0x1] =	wrdreg $0xFFFFFFFF  }
0xc2: {  	_ =	task.clear_ibuf [dreg:s7], $0x2FFFF;
	_ =	strace $0x9FFFFFFF  }
0xc3: {  	(tm) =	ssettm $0x7FFFFFFF  }
tec
execute0_lowered:
.L_overlay_start_1:
0x0: {  	(tag) =	ssettag $0x1  }
0x1: {  	s0 =	rddreg [dreg:$0x0]  }
0x2: {  	s1 =	rddreg [dreg:$0x1]  }
0x3: {  	s2 =	rddreg [dreg:$0x2];
	s3 =	simm.s32 $0x0;
	s15 =	srdreg.scid  }
0x4: {  	s13 =	stileid.u32;
	s28 =	simm.s32 $0x1800;
	s29 =	simm.s32 $0x40  }
0x5: {  	s30 =	simm.s32 $0x3800;
	[smem:$0x7FF] =	sst s3;
	s4 =	sadd.s32 $0xC800, s0  }
0x6: {  	s6 =	sadd.s32 $0x2A00, s0;
	s5 =	sadd.s32 $0x16600, s0;
	s3 =	sand.u32 $0x1, s15  }
0x7: {  	s9 =	sadd.s32 $0x3D800, s0;
	s0 =	sadd.s32 $0x65800, s0;
	s10 =	smul.u32 $0x138, s13  }
0x8: {  	s16 =	smin.u32 s13, $0x8;
	s12 =	smul.u32 $0x50000, s13;
	p0 =	slt.u32 s13, $0x8  }
0x9: {  	s26 =	smul.u32 $0x2800, s13;
	s13 =	simm.s32 $0x7;
	s15 =	simm.s32 $0x4  }
0xa: {  	_ =	strace $0x80000047;
	s7 =	ssub.s32 $0x2, s3;
	p1 =	seq.s32 s3, $0x1  }
0xb: {  	s8 =	sshrl.u32 s7, $0x1;
	s1 =	smov.u32 @p1 s5;
	s5 =	simm.s32 $0x8  }
0xc: {  	s12 =	sshrl.u32 s12, $0x2;
	s9 =	smov.u32 @p1 s0;
	s5 =	simm.s32 @!p0 $0x7  }
0xd: {  	s11 =	ssub.s32 s7, s8;
	s0 =	sadd.s32 s9, s26;
	[dreg:$0x11] =	wrdreg s5  }
0xe: {  	s7 =	sadd.s32 s16, s10;
	s16 =	sadd.s32 s12, s2;
	[dreg:$0x12] =	wrdreg s0  }
0xf: {  	s3 =	simm.s32 $0x2;
	s17 =	sadd.s32 $0x2000, s16;
	[dreg:$0x6] =	wrdreg s16  }
0x10: {  	s8 =	simm.s32 $0x139;
	s18 =	sadd.s32 $0x4000, s16;
	[dreg:$0x7] =	wrdreg s17  }
0x11: {  	s26 =	simm.s32 $0x1;
	s19 =	sadd.s32 $0x6000, s16;
	[dreg:$0x8] =	wrdreg s18  }
0x12: {  	s9 =	simm.s32 $0x6;
	s20 =	sadd.s32 $0x8000, s16;
	[dreg:$0x9] =	wrdreg s19  }
0x13: {  	s12 =	simm.s32 $0x3;
	s21 =	sadd.s32 $0xA000, s16;
	[dreg:$0xa] =	wrdreg s20  }
0x14: {  	s8 =	simm.s32 @!p0 $0x138;
	s22 =	sadd.s32 $0xC000, s16;
	[dreg:$0xb] =	wrdreg s21  }
0x15: {  	s10 =	sshll.u32 s7, $0x3;
	s23 =	sadd.s32 $0xE000, s16;
	[dreg:$0xc] =	wrdreg s22  }
0x16: {  	s24 =	sadd.s32 $0x10000, s16;
	s25 =	sadd.s32 $0x12000, s16;
	[dreg:$0xd] =	wrdreg s23  }
.Ltmp0:
0x17: {  	s31 =	smax.u32 s11, $0x1;
	[dreg:$0xe] =	wrdreg s24;
	(pc) =	sbr.rel .LBB2_1-.Ltmp0, $4  }
0x18: {  	s5 =	simm.s32 $0x0;
	s14 =	sadd.s32 s4, s10;
	[dreg:$0xf] =	wrdreg s25  }
0x19: {  	s10 =	sadd.s32 s6, s10;
	[dreg:$0x10] =	wrdreg s31;
	s23 =	simm.s32 $0x8  }
0x1a: {  	s25 =	simm.s32 $0xB;
	s17 =	simm.s32 $0x5;
	[dreg:$0x4] =	wrdreg s14  }
0x1b: {  	v0 =	vimm.f32 $0.0e+00;
	s18 =	simm.s32 $0x9;
	[dreg:$0x5] =	wrdreg s10;
	s10 =	simm.s32 $0xB880  }
.LBB2_11:
0x1c: {  	s0 =	rddreg [dreg:$0x11]  }
0x1d: {  	_ =	swait.ge [sflag:s0], $0x2000  }
0x1e: {  	[sflag:s0] =	ssyncset.done $0x0  }
0x1f: {  	[sflag:s0] =	ssyncadd.s32 $0xFFFFE000  }
0x20: {  	s22 =	stileid.u32;
	[bflag:$0x0] =	sbarrier.arrive $0xFFFF  }
0x21: {  	s0 =	sshll.u32 s22, $0x6;
	s16 =	rddreg [dreg:$0x6]  }
0x22: {  	s0 =	sor.u32 $0x1C0B, s0;
	s11 =	rddreg [dreg:$0x12];
	s5 =	sshrl.u32 s16, $0x3  }
0x23: {  	[hbm:s11], [sflag:s0] =	dma.local [spmem:s5], $0x2800  }
0x24: {  	_ =	swait.ge [sflag:s25], $0x2800  }
0x25: {  	s24 =	rddreg [dreg:$0x13]  }
0x26: {  	s31 =	rddreg [dreg:$0x10];
	s5 =	sadd.s32 $0x1, s24  }
0x27: {  	p0 =	sne.s32 s5, s31  }
.Ltmp1:
0x28: {  	_ = 	snop;
	(pc) =	sbr.rel @!p0 .LBB2_12-.Ltmp1, $3  }
0x29: {  	_ =	sdelay $0x1  }
0x2a: {  	[sflag:s25] =	ssyncset.done $0x0  }
0x2b: {  	[sflag:s25] =	ssyncadd.s32 $0xFFFFD800  }
.LBB2_1:
0x2c: {  	[dreg:$0x13] =	wrdreg s5  }
0x2d: {  	s0 =	simm.s32 $0x0;
	s24 =	rddreg [dreg:$0x4]  }
0x2e: {  	[tilespmem:s0], [sflag:$0xB] =	stream.linear.gather [hbm4b:s24+s0], $0x600, $0x38;
	[tilespmem:$0x1FA80] =	vst v63  }
0x2f: {  	_ =	swait.ge [sflag:s25], $0x600  }
0x30: {  	[sflag:s25] =	ssyncset.done $0x0  }
0x31: {  	s11 =	simm.s32 $0xC00;
	s31 =	rddreg [dreg:$0x5];
	[sflag:s25] =	ssyncadd.s32 $0xFFFFFA00  }
0x32: {  	[tilespmem:s11], [sflag:$0xB] =	stream.linear.gather [hbm4b:s31+s0], $0x600, $0x38;
	[tilespmem:$0x1FA80] =	vst v63  }
0x33: {  	_ =	swait.ge [sflag:s25], $0x600  }
0x34: {  	[sflag:s25] =	ssyncset.done $0x0  }
0x35: {  	s14 =	simm.s32 $0x200;
	s11 =	simm.s32 $0x0;
	[sflag:s25] =	ssyncadd.s32 $0xFFFFFA00  }
.LBB2_2:
0x36: {  	p0 =	sne.s32 s14, $0x7E00;
	[tilespmem:s11+$0x1870] =	vst v0  }
0x37: {  	[tilespmem:s11+$0x1800] =	vst v0  }
0x38: {  	[tilespmem:s11+$0x1810] =	vst v0  }
.Ltmp2:
0x39: {  	[tilespmem:s11+$0x1820] =	vst v0;
	(pc) =	sbr.rel @p0 .LBB2_2-.Ltmp2, $4  }
0x3a: {  	[tilespmem:s11+$0x1830] =	vst v0  }
0x3b: {  	[tilespmem:s11+$0x1840] =	vst v0  }
0x3c: {  	[tilespmem:s11+$0x1850] =	vst v0  }
0x3d: {  	[tilespmem:s11+$0x1860] =	vst v0;
	s11 =	sshra.s32 s14, $0x2;
	s14 =	sadd.s32 $0x200, s14  }
0x3e: {  	[tilespmem:s11+$0x1870] =	vst v0  }
0x3f: {  	[tilespmem:s11+$0x1800] =	vst v0  }
0x40: {  	[tilespmem:s11+$0x1810] =	vst v0  }
0x41: {  	[tilespmem:s11+$0x1820] =	vst v0  }
0x42: {  	[tilespmem:s11+$0x1830] =	vst v0  }
0x43: {  	[tilespmem:s11+$0x1840] =	vst v0  }
0x44: {  	[tilespmem:s11+$0x1850] =	vst v0  }
0x45: {  	[tilespmem:s11+$0x1860] =	vst v0  }
0x46: {  	[spmem:s16] =	stream.linear.scatter [tilespmem:s28], [sflag:$0xB], $0x2000, $0x38;
	[tilespmem:$0x1FA80] =	vst v63  }
0x47: {  	_ =	swait.ge [sflag:s25], $0x2000  }
0x48: {  	[sflag:s25] =	ssyncset.done $0x0  }
0x49: {  	s0 =	rddreg [dreg:$0x7];
	[sflag:s25] =	ssyncadd.s32 $0xFFFFE000  }
0x4a: {  	[spmem:s0] =	stream.linear.scatter [tilespmem:s28], [sflag:$0xB], $0x2000, $0x38;
	[tilespmem:$0x1FA80] =	vst v63  }
0x4b: {  	_ =	swait.ge [sflag:s25], $0x2000  }
0x4c: {  	[sflag:s25] =	ssyncset.done $0x0  }
0x4d: {  	s24 =	rddreg [dreg:$0x8];
	[sflag:s25] =	ssyncadd.s32 $0xFFFFE000  }
0x4e: {  	[spmem:s24] =	stream.linear.scatter [tilespmem:s28], [sflag:$0xB], $0x2000, $0x38;
	[tilespmem:$0x1FA80] =	vst v63  }
0x4f: {  	_ =	swait.ge [sflag:s25], $0x2000  }
0x50: {  	[sflag:s25] =	ssyncset.done $0x0  }
0x51: {  	s31 =	rddreg [dreg:$0x9];
	[sflag:s25] =	ssyncadd.s32 $0xFFFFE000  }
0x52: {  	[spmem:s31] =	stream.linear.scatter [tilespmem:s28], [sflag:$0xB], $0x2000, $0x38;
	[tilespmem:$0x1FA80] =	vst v63  }
0x53: {  	_ =	swait.ge [sflag:s25], $0x2000  }
0x54: {  	[sflag:s25] =	ssyncset.done $0x0  }
0x55: {  	s5 =	rddreg [dreg:$0xa];
	[sflag:s25] =	ssyncadd.s32 $0xFFFFE000  }
0x56: {  	[spmem:s5] =	stream.linear.scatter [tilespmem:s28], [sflag:$0xB], $0x2000, $0x38;
	[tilespmem:$0x1FA80] =	vst v63  }
0x57: {  	_ =	swait.ge [sflag:s25], $0x2000  }
0x58: {  	[sflag:s25] =	ssyncset.done $0x0  }
0x59: {  	s11 =	rddreg [dreg:$0xb];
	[sflag:s25] =	ssyncadd.s32 $0xFFFFE000  }
0x5a: {  	[spmem:s11] =	stream.linear.scatter [tilespmem:s28], [sflag:$0xB], $0x2000, $0x38;
	[tilespmem:$0x1FA80] =	vst v63  }
0x5b: {  	_ =	swait.ge [sflag:s25], $0x2000  }
0x5c: {  	[sflag:s25] =	ssyncset.done $0x0  }
0x5d: {  	s14 =	rddreg [dreg:$0xc];
	[sflag:s25] =	ssyncadd.s32 $0xFFFFE000  }
0x5e: {  	[spmem:s14] =	stream.linear.scatter [tilespmem:s28], [sflag:$0xB], $0x2000, $0x38;
	[tilespmem:$0x1FA80] =	vst v63  }
0x5f: {  	_ =	swait.ge [sflag:s25], $0x2000  }
0x60: {  	[sflag:s25] =	ssyncset.done $0x0  }
0x61: {  	s16 =	rddreg [dreg:$0xd];
	[sflag:s25] =	ssyncadd.s32 $0xFFFFE000  }
0x62: {  	[spmem:s16] =	stream.linear.scatter [tilespmem:s28], [sflag:$0xB], $0x2000, $0x38;
	[tilespmem:$0x1FA80] =	vst v63  }
0x63: {  	_ =	swait.ge [sflag:s25], $0x2000  }
0x64: {  	[sflag:s25] =	ssyncset.done $0x0  }
0x65: {  	s19 =	rddreg [dreg:$0xe];
	[sflag:s25] =	ssyncadd.s32 $0xFFFFE000  }
0x66: {  	[spmem:s19] =	stream.linear.scatter [tilespmem:s28], [sflag:$0xB], $0x2000, $0x38;
	[tilespmem:$0x1FA80] =	vst v63  }
0x67: {  	_ =	swait.ge [sflag:s25], $0x2000  }
0x68: {  	[sflag:s25] =	ssyncset.done $0x0  }
0x69: {  	s20 =	rddreg [dreg:$0xf];
	[sflag:s25] =	ssyncadd.s32 $0xFFFFE000  }
0x6a: {  	[spmem:s20] =	stream.linear.scatter [tilespmem:s28], [sflag:$0xB], $0x2000, $0x38;
	[tilespmem:$0x1FA80] =	vst v63  }
0x6b: {  	_ =	swait.ge [sflag:s25], $0x2000  }
0x6c: {  	[sflag:s25] =	ssyncset.done $0x0  }
0x6d: {  	[sflag:s25] =	ssyncadd.s32 $0xFFFFE000  }
0x6e: {  	s24 =	simm.s32 $0x0;
	[bflag:$0x0] =	sbarrier.arrive $0xFFFF  }
0x6f: {  	[tilespmem:s28], [sflag:$0x1] =	stream.indirect.gather [hbm4b:s1+s29], $0x80, s24, s29, $0xb8;
	[tilespmem:$0x1FA80] =	vst v63  }
0x70: {  	_ = 	snop  }
0x71: {  	[tilespmem:s30], [sflag:$0x2] =	stream.indirect.gather [hbm4b:s1+s29], $0x80, s29, s29, $0xb8;
	[tilespmem:$0x1FA80] =	vst v63  }
.Ltmp3:
0x72: {  	_ = 	snop;
	(pc) =	sbr.rel .LBB2_4-.Ltmp3, $4  }
0x73: {  	s21 =	simm.s32 $0x80;
	s5 =	simm.s32 $0x5800  }
0x74: {  	[tilespmem:s5], [sflag:$0x3] =	stream.indirect.gather [hbm4b:s1+s29], $0x80, s21, s29, $0xb8;
	[tilespmem:$0x1FA80] =	vst v63  }
0x75: {  	s22 =	simm.s32 $0xC0;
	s31 =	simm.s32 $0x7800  }
0x76: {  	[tilespmem:s31], [sflag:$0x4] =	stream.indirect.gather [hbm4b:s1+s29], $0x80, s22, s29, $0xb8;
	[tilespmem:$0x1FA80] =	vst v63  }
.LBB2_10:
0x77: {  	p0 =	sne.s32 s11, $0x13B  }
.Ltmp4:
0x78: {  	_ = 	snop;
	(pc) =	sbr.rel @!p0 .LBB2_11-.Ltmp4, $2  }
0x79: {  	_ =	sdelay $0x2  }
0x7a: {  	s24 =	smov.u32 s11  }
.LBB2_4:
0x7b: {  	s11 =	smul.u32 $0xAAAB, s24;
	_ =	sdelay $0x1  }
0x7c: {  	s14 =	sshrl.u32 s11, $0x14  }
0x7d: {  	s16 =	smul.u32 $0x18, s14  }
0x7e: {  	s14 =	sand.u32 $0x1, s14  }
0x7f: {  	p0 =	seq.s32 s14, $0x1;
	s14 =	simm.s32 $0x18;
	s16 =	ssub.s32 s24, s16  }
0x80: {  	_ =	swait.ge [sflag:s26], $0x2000;
	s14 =	simm.s32 @!p0 $0x0;
	s16 =	sand.u32 $0xFFFF, s16  }
0x81: {  	[sflag:s26] =	ssyncset.done $0x0;
	s14 =	sadd.s32 s16, s14  }
0x82: {  	[sflag:s26] =	ssyncadd.s32 $0xFFFFE000;
	s16 =	sshll.u32 s14, $0x6  }
0x83: {  	v1 =	vld [tilespmem:s16+$0x0]  }
0x84: {  	v2 =	vld [tilespmem:s16+$0xC00];
	_ =	sdelay $0x4  }
0x85: {  	vm0 =	veq.s32 v1, v2  }
0x86: {  	v1 =	vsel vm0, $0x27FF, v2  }
0x87: {  	[tilespmem:$0xB800] =	vst v1  }
0x88: {  	v1 =	vld [tilespmem:s16+$0x10]  }
0x89: {  	v2 =	vld [tilespmem:s16+$0xC10];
	_ =	sdelay $0x4  }
0x8a: {  	vm9 =	veq.s32 v1, v2  }
0x8b: {  	v1 =	vsel vm9, $0x27FF, v2  }
0x8c: {  	[tilespmem:$0xB810] =	vst v1  }
0x8d: {  	v1 =	vld [tilespmem:s16+$0x20]  }
0x8e: {  	v2 =	vld [tilespmem:s16+$0xC20];
	_ =	sdelay $0x2  }
0x8f: {  	s11 =	sadd.s32 $0x35557, s11  }
0x90: {  	s21 =	sshrl.u32 s11, $0x14  }
0x91: {  	s5 =	smul.u32 $0x18, s21;
	vm10 =	veq.s32 v1, v2  }
0x92: {  	s11 =	sadd.s32 $0x5, s24;
	v1 =	vsel vm10, $0x27FF, v2  }
0x93: {  	p1 =	sge.u32 s11, s8;
	s14 =	ssub.s32 s11, s5;
	[tilespmem:$0xB820] =	vst v1  }
0x94: {  	s19 =	sand.u32 @!p1 $0xFFFF, s14;
	v1 =	vld [tilespmem:s16+$0x30]  }
0x95: {  	p0 =	sne.s32 @!p1 s19, $0x0;
	v2 =	vld [tilespmem:s16+$0xC30]  }
0x96: {  	p2 =	por p0, p1  }
0x97: {  	s16 =	smul.u32 @!p2 $0x18, s21  }
0x98: {  	s19 =	sand.u32 @!p2 $0x1, s21  }
0x99: {  	p3 =	seq.s32 @!p2 s19, $0x1;
	s16 =	sand.u32 @!p2 $0xFFF8, s16  }
0x9a: {  	s20 =	simm.s32 @!p2 $0x0;
	p0 =	por @!p1 !p3, p0;
	s16 =	sadd.s32 @!p2 s16, s7;
	vm11 =	veq.s32 v1, v2  }
0x9b: {  	s19 =	simm.s32 @!p2 $0x600;
	p0 =	por !p0, p1;
	s16 =	sshll.u32 @!p2 s16, $0x3;
	v1 =	vsel vm11, $0x27FF, v2  }
0x9c: {  	s0 =	simm.s32 @!p2 $0xB;
	s19 =	simm.s32 @!p0 $0x0;
	s22 =	sadd.s32 @!p2 s4, s16;
	[tilespmem:$0xB830] =	vst v1  }
0x9d: {  	[tilespmem:s19], [sflag:$0xB] =	stream.linear.gather @!p2 [hbm4b:s22+s20], $0x600, $0x38;
	[tilespmem:$0x1FA80] =	vst v63  }
0x9e: {  	_ =	swait.ge @!p2 [sflag:s0], $0x600  }
0x9f: {  	s16 =	sadd.s32 @!p2 s6, s16;
	s22 =	sadd.s32 $0x4, s24;
	[sflag:s0] =	ssyncset.done @!p2 $0x0  }
0xa0: {  	s19 =	sadd.s32 @!p2 $0xC00, s19;
	p0 =	sge.u32 s22, s8;
	[sflag:s0] =	ssyncadd.s32 @!p2 $0xFFFFFA00  }
0xa1: {  	[tilespmem:s19], [sflag:$0xB] =	stream.linear.gather @!p2 [hbm4b:s16+s20], $0x600, $0x38;
	[tilespmem:$0x1FA80] =	vst v63  }
0xa2: {  	s16 =	smul.u32 @!p0 $0xAAAB, s22  }
0xa3: {  	_ =	swait.ge @!p2 [sflag:s0], $0x600  }
0xa4: {  	p3 =	seq.s32 s24, $0x0;
	[sflag:s0] =	ssyncset.done @!p2 $0x0;
	s16 =	sshrl.u32 @!p0 s16, $0x14  }
0xa5: {  	[sflag:s0] =	ssyncadd.s32 @!p2 $0xFFFFFA00;
	s0 =	simm.s32 @!p3 $0xA;
	s19 =	smul.u32 @!p0 $0x18, s16  }
0xa6: {  	s16 =	sand.u32 @!p0 $0x1, s16;
	_ =	swait.ge @!p3 [sflag:s0], $0x2000  }
0xa7: {  	p2 =	seq.s32 @!p0 s16, $0x1;
	s16 =	simm.s32 @!p0 $0x600;
	s19 =	ssub.s32 @!p0 s22, s19  }
0xa8: {  	[sflag:s0] =	ssyncset.done @!p3 $0x0;
	p2 =	por !p2, p0;
	s19 =	sshll.u32 @!p0 s19, $0x6  }
0xa9: {  	[sflag:s0] =	ssyncadd.s32 @!p3 $0xFFFFE000;
	s16 =	simm.s32 @p2 $0x0;
	s0 =	sand.u32 @!p0 $0xFFC0, s19  }
0xaa: {  	s19 =	simm.s32 @!p0 $0x9800;
	s0 =	sadd.s32 @!p0 s0, s16;
	s16 =	simm.s32 @!p0 $0x40  }
0xab: {  	[tilespmem:s19], [sflag:$0x5] =	stream.indirect.gather @!p0 [hbm4b:s1+s16], $0x80, s0, s16, $0xb8;
	[tilespmem:$0x1FA80] =	vst v63  }
0xac: {  	s19 =	sadd.s32 $0x1, s24  }
0xad: {  	s20 =	sand.u32 $0xFFFF, s19  }
0xae: {  	s5 =	simm.s32 $0xB800;
	s16 =	smul.u32 $0xAAAB, s20  }
0xaf: {  	[spmem:s2] =	stream.indirect.scatter.add.f32 [tilespmem:s28], [sflag:$0x6], $0x80, s5, s29, $0xb8;
	[tilespmem:$0x1FA80] =	vst v63  }
0xb0: {  	s16 =	sshrl.u32 s16, $0x14  }
0xb1: {  	s31 =	smul.u32 $0x18, s16  }
0xb2: {  	s16 =	sand.u32 $0x1, s16  }
0xb3: {  	p2 =	seq.s32 s16, $0x1;
	s16 =	simm.s32 $0x18;
	s0 =	ssub.s32 s19, s31  }
0xb4: {  	_ =	swait.ge [sflag:s3], $0x2000;
	s16 =	simm.s32 @!p2 $0x0;
	s0 =	sand.u32 $0xFFFF, s0  }
0xb5: {  	[sflag:s3] =	ssyncset.done $0x0;
	s0 =	sadd.s32 s0, s16  }
0xb6: {  	[sflag:s3] =	ssyncadd.s32 $0xFFFFE000;
	s0 =	sshll.u32 s0, $0x6  }
0xb7: {  	v1 =	vld [tilespmem:s0+$0x0]  }
0xb8: {  	v2 =	vld [tilespmem:s0+$0xC00];
	_ =	sdelay $0x4  }
0xb9: {  	vm12 =	veq.s32 v1, v2  }
0xba: {  	v1 =	vsel vm12, $0x27FF, v2  }
0xbb: {  	[tilespmem:$0xB880] =	vst v1  }
0xbc: {  	v1 =	vld [tilespmem:s0+$0x10]  }
0xbd: {  	v2 =	vld [tilespmem:s0+$0xC10];
	_ =	sdelay $0x4  }
0xbe: {  	vm13 =	veq.s32 v1, v2  }
0xbf: {  	v1 =	vsel vm13, $0x27FF, v2  }
0xc0: {  	[tilespmem:$0xB890] =	vst v1  }
0xc1: {  	v1 =	vld [tilespmem:s0+$0x20]  }
0xc2: {  	v2 =	vld [tilespmem:s0+$0xC20]  }
0xc3: {  	s5 =	sadd.s32 $0x6, s24  }
0xc4: {  	s31 =	smul.u32 $0xAAAB, s5;
	_ =	sdelay $0x1  }
0xc5: {  	s19 =	sshrl.u32 s31, $0x14  }
0xc6: {  	s16 =	smul.u32 $0x18, s19;
	vm14 =	veq.s32 v1, v2  }
0xc7: {  	v1 =	vsel vm14, $0x27FF, v2  }
0xc8: {  	p2 =	sge.u32 s5, s8;
	s16 =	ssub.s32 s5, s16;
	[tilespmem:$0xB8A0] =	vst v1  }
0xc9: {  	s20 =	sand.u32 @!p2 $0xFFFF, s16;
	v1 =	vld [tilespmem:s0+$0x30]  }
0xca: {  	p4 =	sne.s32 @!p2 s20, $0x0;
	v2 =	vld [tilespmem:s0+$0xC30]  }
0xcb: {  	p3 =	por p4, p2  }
0xcc: {  	s0 =	smul.u32 @!p3 $0x18, s19  }
0xcd: {  	s20 =	sand.u32 @!p3 $0x1, s19  }
0xce: {  	p5 =	seq.s32 @!p3 s20, $0x1;
	s0 =	sand.u32 @!p3 $0xFFF8, s0  }
0xcf: {  	p4 =	por @!p2 !p5, p4;
	s0 =	sadd.s32 @!p3 s0, s7;
	vm15 =	veq.s32 v1, v2  }
0xd0: {  	s20 =	simm.s32 @!p3 $0x600;
	p4 =	por !p4, p2;
	s0 =	sshll.u32 @!p3 s0, $0x3;
	v1 =	vsel vm15, $0x27FF, v2  }
0xd1: {  	s5 =	simm.s32 @!p3 $0x0;
	s20 =	simm.s32 @!p4 $0x0;
	s31 =	sadd.s32 @!p3 s4, s0;
	[tilespmem:$0xB8B0] =	vst v1  }
0xd2: {  	[tilespmem:s20], [sflag:$0xB] =	stream.linear.gather @!p3 [hbm4b:s31+s5], $0x600, $0x38;
	[tilespmem:$0x1FA80] =	vst v63  }
0xd3: {  	s31 =	simm.s32 @!p3 $0xB  }
0xd4: {  	_ =	swait.ge @!p3 [sflag:s31], $0x600  }
0xd5: {  	[sflag:s31] =	ssyncset.done @!p3 $0x0  }
0xd6: {  	s0 =	sadd.s32 @!p3 s6, s0;
	s20 =	sadd.s32 @!p3 $0xC00, s20;
	[sflag:s31] =	ssyncadd.s32 @!p3 $0xFFFFFA00  }
0xd7: {  	[tilespmem:s20], [sflag:$0xB] =	stream.linear.gather @!p3 [hbm4b:s0+s5], $0x600, $0x38;
	[tilespmem:$0x1FA80] =	vst v63  }
0xd8: {  	_ =	swait.ge @!p3 [sflag:s31], $0x600  }
0xd9: {  	s0 =	sand.u32 @!p1 $0x1, s21;
	s5 =	sshll.u32 @!p1 s14, $0x6;
	[sflag:s31] =	ssyncset.done @!p3 $0x0  }
0xda: {  	s14 =	simm.s32 @!p1 $0x1800;
	[sflag:s31] =	ssyncadd.s32 @!p3 $0xFFFFFA00;
	p3 =	seq.s32 @!p1 s0, $0x1  }
0xdb: {  	s0 =	simm.s32 @!p1 $0x600;
	_ =	swait.ge [sflag:s9], $0x2000;
	p3 =	por !p3, p1  }
0xdc: {  	s5 =	sand.u32 @!p1 $0xFFC0, s5;
	[sflag:s9] =	ssyncset.done $0x0;
	s0 =	simm.s32 @p3 $0x0  }
0xdd: {  	[sflag:s9] =	ssyncadd.s32 $0xFFFFE000;
	s0 =	sadd.s32 @!p1 s5, s0;
	s5 =	simm.s32 @!p1 $0x40  }
0xde: {  	[tilespmem:s14], [sflag:$0x1] =	stream.indirect.gather @!p1 [hbm4b:s1+s5], $0x80, s0, s5, $0xb8;
	[tilespmem:$0x1FA80] =	vst v63  }
0xdf: {  	s14 =	sadd.s32 $0x2, s24  }
0xe0: {  	p1 =	sge.u32 s14, s8  }
.Ltmp5:
0xe1: {  	_ = 	snop;
	(pc) =	sbr.rel @p1 .LBB2_6-.Ltmp5, $2  }
0xe2: {  	_ =	sdelay $0x2  }
0xe3: {  	[spmem:s2] =	stream.indirect.scatter.add.f32 [tilespmem:s30], [sflag:$0x7], $0x80, s10, s29, $0xb8;
	[tilespmem:$0x1FA80] =	vst v63  }
0xe4: {  	s0 =	smul.u32 $0xAAAB, s14;
	_ =	sdelay $0x1  }
0xe5: {  	s0 =	sshrl.u32 s0, $0x14  }
0xe6: {  	s5 =	smul.u32 $0x18, s0  }
0xe7: {  	s0 =	sand.u32 $0x1, s0  }
0xe8: {  	p1 =	seq.s32 s0, $0x1;
	s0 =	simm.s32 $0x18;
	s5 =	ssub.s32 s14, s5  }
0xe9: {  	_ =	swait.ge [sflag:s12], $0x2000;
	s0 =	simm.s32 @!p1 $0x0;
	s5 =	sand.u32 $0xFFFF, s5  }
0xea: {  	[sflag:s12] =	ssyncset.done $0x0;
	s0 =	sadd.s32 s5, s0  }
0xeb: {  	[sflag:s12] =	ssyncadd.s32 $0xFFFFE000;
	s0 =	sshll.u32 s0, $0x6  }
0xec: {  	v1 =	vld [tilespmem:s0+$0x0]  }
0xed: {  	v2 =	vld [tilespmem:s0+$0xC00];
	_ =	sdelay $0x4  }
0xee: {  	vm0 =	veq.s32 v1, v2  }
0xef: {  	v1 =	vsel vm0, $0x27FF, v2  }
0xf0: {  	[tilespmem:$0xB900] =	vst v1  }
0xf1: {  	v1 =	vld [tilespmem:s0+$0x10]  }
0xf2: {  	v2 =	vld [tilespmem:s0+$0xC10];
	_ =	sdelay $0x4  }
0xf3: {  	vm13 =	veq.s32 v1, v2  }
0xf4: {  	v1 =	vsel vm13, $0x27FF, v2  }
0xf5: {  	s5 =	sadd.s32 $0x7, s24;
	[tilespmem:$0xB910] =	vst v1  }
0xf6: {  	s20 =	smul.u32 $0xAAAB, s5;
	v1 =	vld [tilespmem:s0+$0x20]  }
0xf7: {  	v2 =	vld [tilespmem:s0+$0xC20]  }
0xf8: {  	s14 =	sshrl.u32 s20, $0x14  }
0xf9: {  	s14 =	smul.u32 $0x18, s14;
	_ =	sdelay $0x1  }
0xfa: {  	p3 =	sge.u32 s5, s8;
	s14 =	ssub.s32 s5, s14  }
0xfb: {  	s14 =	sand.u32 @!p3 $0xFFFF, s14;
	vm14 =	veq.s32 v1, v2  }
0xfc: {  	p4 =	sne.s32 @!p3 s14, $0x0;
	v1 =	vsel vm14, $0x27FF, v2  }
0xfd: {  	p1 =	por p4, p3;
	[tilespmem:$0xB920] =	vst v1  }
0xfe: {  	s5 =	smul.u32 @!p1 $0xAAAB, s5;
	v1 =	vld [tilespmem:s0+$0x30]  }
0xff: {  	v2 =	vld [tilespmem:s0+$0xC30]  }
0x100: {  	s0 =	sshrl.u32 @!p1 s5, $0x14  }
0x101: {  	s5 =	smul.u32 @!p1 $0x18, s0  }
0x102: {  	s0 =	sand.u32 @!p1 $0x1, s0  }
0x103: {  	p5 =	seq.s32 @!p1 s0, $0x1;
	s0 =	sand.u32 @!p1 $0xFFF8, s5  }
0x104: {  	p4 =	por @!p3 !p5, p4;
	s0 =	sadd.s32 @!p1 s0, s7;
	vm15 =	veq.s32 v1, v2  }
0x105: {  	s5 =	simm.s32 @!p1 $0x600;
	p3 =	por !p4, p3;
	s0 =	sshll.u32 @!p1 s0, $0x3;
	v1 =	vsel vm15, $0x27FF, v2  }
0x106: {  	s20 =	simm.s32 @!p1 $0x0;
	s5 =	simm.s32 @!p3 $0x0;
	s14 =	sadd.s32 @!p1 s4, s0;
	[tilespmem:$0xB930] =	vst v1  }
0x107: {  	[tilespmem:s5], [sflag:$0xB] =	stream.linear.gather @!p1 [hbm4b:s14+s20], $0x600, $0x38;
	[tilespmem:$0x1FA80] =	vst v63  }
0x108: {  	s14 =	simm.s32 @!p1 $0xB  }
0x109: {  	_ =	swait.ge @!p1 [sflag:s14], $0x600  }
0x10a: {  	[sflag:s14] =	ssyncset.done @!p1 $0x0  }
0x10b: {  	s0 =	sadd.s32 @!p1 s6, s0;
	s5 =	sadd.s32 @!p1 $0xC00, s5;
	[sflag:s14] =	ssyncadd.s32 @!p1 $0xFFFFFA00  }
0x10c: {  	[tilespmem:s5], [sflag:$0xB] =	stream.linear.gather @!p1 [hbm4b:s0+s20], $0x600, $0x38;
	[tilespmem:$0x1FA80] =	vst v63  }
0x10d: {  	_ =	swait.ge @!p1 [sflag:s14], $0x600  }
0x10e: {  	s0 =	sand.u32 @!p2 $0x1, s19;
	s5 =	sshll.u32 @!p2 s16, $0x6;
	[sflag:s14] =	ssyncset.done @!p1 $0x0  }
0x10f: {  	s5 =	sand.u32 @!p2 $0xFFC0, s5;
	[sflag:s14] =	ssyncadd.s32 @!p1 $0xFFFFFA00;
	p1 =	seq.s32 @!p2 s0, $0x1  }
0x110: {  	s0 =	simm.s32 @!p2 $0x600;
	_ =	swait.ge [sflag:s13], $0x2000;
	p1 =	por !p1, p2  }
0x111: {  	s14 =	simm.s32 @!p2 $0x3800;
	[sflag:s13] =	ssyncset.done $0x0;
	s0 =	simm.s32 @p1 $0x0  }
0x112: {  	[sflag:s13] =	ssyncadd.s32 $0xFFFFE000;
	s0 =	sadd.s32 @!p2 s5, s0;
	s5 =	simm.s32 @!p2 $0x40  }
0x113: {  	[tilespmem:s14], [sflag:$0x2] =	stream.indirect.gather @!p2 [hbm4b:s1+s5], $0x80, s0, s5, $0xb8;
	[tilespmem:$0x1FA80] =	vst v63  }
0x114: {  	s21 =	simm.s32 $0x5800;
	s31 =	simm.s32 $0xB900  }
0x115: {  	[spmem:s2] =	stream.indirect.scatter.add.f32 [tilespmem:s21], [sflag:$0x8], $0x80, s31, s29, $0xb8;
	[tilespmem:$0x1FA80] =	vst v63  }
.LBB2_6:
0x116: {  	s14 =	sadd.s32 $0x3, s24  }
0x117: {  	p1 =	sge.u32 s14, s8  }
.Ltmp6:
0x118: {  	_ = 	snop;
	(pc) =	sbr.rel @p1 .LBB2_8-.Ltmp6, $1  }
0x119: {  	_ =	sdelay $0x3  }
0x11a: {  	s0 =	smul.u32 $0xAAAB, s14;
	_ =	sdelay $0x1  }
0x11b: {  	s0 =	sshrl.u32 s0, $0x14  }
0x11c: {  	s5 =	smul.u32 $0x18, s0  }
0x11d: {  	s0 =	sand.u32 $0x1, s0  }
0x11e: {  	p1 =	seq.s32 s0, $0x1;
	s0 =	simm.s32 $0x18;
	s5 =	ssub.s32 s14, s5  }
0x11f: {  	_ =	swait.ge [sflag:s15], $0x2000;
	s0 =	simm.s32 @!p1 $0x0;
	s5 =	sand.u32 $0xFFFF, s5  }
0x120: {  	[sflag:s15] =	ssyncset.done $0x0;
	s0 =	sadd.s32 s5, s0  }
0x121: {  	[sflag:s15] =	ssyncadd.s32 $0xFFFFE000;
	s0 =	sshll.u32 s0, $0x6  }
0x122: {  	v1 =	vld [tilespmem:s0+$0x0]  }
0x123: {  	v2 =	vld [tilespmem:s0+$0xC00];
	_ =	sdelay $0x4  }
0x124: {  	vm0 =	veq.s32 v1, v2  }
0x125: {  	v1 =	vsel vm0, $0x27FF, v2  }
0x126: {  	[tilespmem:$0xB980] =	vst v1  }
0x127: {  	v1 =	vld [tilespmem:s0+$0x10]  }
0x128: {  	v2 =	vld [tilespmem:s0+$0xC10];
	_ =	sdelay $0x4  }
0x129: {  	vm13 =	veq.s32 v1, v2  }
0x12a: {  	v1 =	vsel vm13, $0x27FF, v2  }
0x12b: {  	s5 =	sadd.s32 $0x8, s24;
	[tilespmem:$0xB990] =	vst v1  }
0x12c: {  	s20 =	smul.u32 $0xAAAB, s5;
	v1 =	vld [tilespmem:s0+$0x20]  }
0x12d: {  	v2 =	vld [tilespmem:s0+$0xC20]  }
0x12e: {  	s14 =	sshrl.u32 s20, $0x14  }
0x12f: {  	s14 =	smul.u32 $0x18, s14;
	_ =	sdelay $0x1  }
0x130: {  	p2 =	sge.u32 s5, s8;
	s14 =	ssub.s32 s5, s14  }
0x131: {  	s14 =	sand.u32 @!p2 $0xFFFF, s14;
	vm14 =	veq.s32 v1, v2  }
0x132: {  	p3 =	sne.s32 @!p2 s14, $0x0;
	v1 =	vsel vm14, $0x27FF, v2  }
0x133: {  	p1 =	por p3, p2;
	[tilespmem:$0xB9A0] =	vst v1  }
0x134: {  	s5 =	smul.u32 @!p1 $0xAAAB, s5;
	v1 =	vld [tilespmem:s0+$0x30]  }
0x135: {  	v2 =	vld [tilespmem:s0+$0xC30]  }
0x136: {  	s0 =	sshrl.u32 @!p1 s5, $0x14  }
0x137: {  	s5 =	smul.u32 @!p1 $0x18, s0  }
0x138: {  	s0 =	sand.u32 @!p1 $0x1, s0  }
0x139: {  	p4 =	seq.s32 @!p1 s0, $0x1;
	s0 =	sand.u32 @!p1 $0xFFF8, s5  }
0x13a: {  	p3 =	por @!p2 !p4, p3;
	s0 =	sadd.s32 @!p1 s0, s7;
	vm15 =	veq.s32 v1, v2  }
0x13b: {  	s5 =	simm.s32 @!p1 $0x600;
	p2 =	por !p3, p2;
	s0 =	sshll.u32 @!p1 s0, $0x3;
	v1 =	vsel vm15, $0x27FF, v2  }
0x13c: {  	s16 =	simm.s32 @!p1 $0x0;
	s5 =	simm.s32 @!p2 $0x0;
	s14 =	sadd.s32 @!p1 s4, s0;
	[tilespmem:$0xB9B0] =	vst v1  }
0x13d: {  	[tilespmem:s5], [sflag:$0xB] =	stream.linear.gather @!p1 [hbm4b:s14+s16], $0x600, $0x38;
	[tilespmem:$0x1FA80] =	vst v63  }
0x13e: {  	s14 =	simm.s32 @!p1 $0xB  }
0x13f: {  	_ =	swait.ge @!p1 [sflag:s14], $0x600  }
0x140: {  	[sflag:s14] =	ssyncset.done @!p1 $0x0  }
0x141: {  	s0 =	sadd.s32 @!p1 s6, s0;
	s5 =	sadd.s32 @!p1 $0xC00, s5;
	[sflag:s14] =	ssyncadd.s32 @!p1 $0xFFFFFA00  }
0x142: {  	[tilespmem:s5], [sflag:$0xB] =	stream.linear.gather @!p1 [hbm4b:s0+s16], $0x600, $0x38;
	[tilespmem:$0x1FA80] =	vst v63  }
0x143: {  	s0 =	sadd.s32 $0x7, s24  }
0x144: {  	p2 =	sge.u32 s0, s8  }
0x145: {  	s5 =	smul.u32 @!p2 $0xAAAB, s0  }
0x146: {  	_ =	swait.ge @!p1 [sflag:s14], $0x600  }
0x147: {  	[sflag:s14] =	ssyncset.done @!p1 $0x0;
	s5 =	sshrl.u32 @!p2 s5, $0x14  }
0x148: {  	[sflag:s14] =	ssyncadd.s32 @!p1 $0xFFFFFA00;
	s14 =	smul.u32 @!p2 $0x18, s5  }
0x149: {  	_ =	swait.ge [sflag:s23], $0x2000;
	s5 =	sand.u32 @!p2 $0x1, s5  }
0x14a: {  	[sflag:s23] =	ssyncset.done $0x0;
	p1 =	seq.s32 @!p2 s5, $0x1;
	s0 =	ssub.s32 @!p2 s0, s14  }
0x14b: {  	s5 =	simm.s32 @!p2 $0x600;
	p1 =	por !p1, p2;
	s0 =	sshll.u32 @!p2 s0, $0x6  }
0x14c: {  	[sflag:s23] =	ssyncadd.s32 $0xFFFFE000;
	s5 =	simm.s32 @p1 $0x0;
	s0 =	sand.u32 @!p2 $0xFFC0, s0  }
0x14d: {  	s14 =	simm.s32 @!p2 $0x5800;
	s0 =	sadd.s32 @!p2 s0, s5;
	s5 =	simm.s32 @!p2 $0x40  }
0x14e: {  	[tilespmem:s14], [sflag:$0x3] =	stream.indirect.gather @!p2 [hbm4b:s1+s5], $0x80, s0, s5, $0xb8;
	[tilespmem:$0x1FA80] =	vst v63  }
0x14f: {  	s21 =	simm.s32 $0x7800;
	s31 =	simm.s32 $0xB980  }
0x150: {  	[spmem:s2] =	stream.indirect.scatter.add.f32 [tilespmem:s21], [sflag:$0x9], $0x80, s31, s29, $0xb8;
	[tilespmem:$0x1FA80] =	vst v63  }
.LBB2_8:
.Ltmp7:
0x151: {  	(pc) =	sbr.rel @p0 .LBB2_10-.Ltmp7, $1  }
0x152: {  	_ =	sdelay $0x3  }
0x153: {  	s0 =	smul.u32 $0xAAAB, s22;
	_ =	sdelay $0x1  }
0x154: {  	s0 =	sshrl.u32 s0, $0x14  }
0x155: {  	s5 =	smul.u32 $0x18, s0  }
0x156: {  	s0 =	sand.u32 $0x1, s0  }
0x157: {  	p0 =	seq.s32 s0, $0x1;
	s0 =	simm.s32 $0x18;
	s5 =	ssub.s32 s22, s5  }
0x158: {  	_ =	swait.ge [sflag:s17], $0x2000;
	s0 =	simm.s32 @!p0 $0x0;
	s5 =	sand.u32 $0xFFFF, s5  }
0x159: {  	[sflag:s17] =	ssyncset.done $0x0;
	s0 =	sadd.s32 s5, s0  }
0x15a: {  	[sflag:s17] =	ssyncadd.s32 $0xFFFFE000;
	s0 =	sshll.u32 s0, $0x6  }
0x15b: {  	v1 =	vld [tilespmem:s0+$0x0]  }
0x15c: {  	v2 =	vld [tilespmem:s0+$0xC00];
	_ =	sdelay $0x4  }
0x15d: {  	vm0 =	veq.s32 v1, v2  }
0x15e: {  	v1 =	vsel vm0, $0x27FF, v2  }
0x15f: {  	[tilespmem:$0xBA00] =	vst v1  }
0x160: {  	v1 =	vld [tilespmem:s0+$0x10]  }
0x161: {  	v2 =	vld [tilespmem:s0+$0xC10];
	_ =	sdelay $0x4  }
0x162: {  	vm13 =	veq.s32 v1, v2  }
0x163: {  	v1 =	vsel vm13, $0x27FF, v2  }
0x164: {  	s5 =	sadd.s32 $0x9, s24;
	[tilespmem:$0xBA10] =	vst v1  }
0x165: {  	s14 =	smul.u32 $0xAAAB, s5;
	v1 =	vld [tilespmem:s0+$0x20]  }
0x166: {  	v2 =	vld [tilespmem:s0+$0xC20]  }
0x167: {  	s14 =	sshrl.u32 s14, $0x14  }
0x168: {  	s14 =	smul.u32 $0x18, s14;
	_ =	sdelay $0x1  }
0x169: {  	p1 =	sge.u32 s5, s8;
	s14 =	ssub.s32 s5, s14  }
0x16a: {  	s14 =	sand.u32 @!p1 $0xFFFF, s14;
	vm14 =	veq.s32 v1, v2  }
0x16b: {  	p2 =	sne.s32 @!p1 s14, $0x0;
	v1 =	vsel vm14, $0x27FF, v2  }
0x16c: {  	p0 =	por p2, p1;
	[tilespmem:$0xBA20] =	vst v1  }
0x16d: {  	s5 =	smul.u32 @!p0 $0xAAAB, s5;
	v1 =	vld [tilespmem:s0+$0x30]  }
0x16e: {  	v2 =	vld [tilespmem:s0+$0xC30]  }
0x16f: {  	s0 =	sshrl.u32 @!p0 s5, $0x14  }
0x170: {  	s5 =	smul.u32 @!p0 $0x18, s0  }
0x171: {  	s0 =	sand.u32 @!p0 $0x1, s0  }
0x172: {  	p3 =	seq.s32 @!p0 s0, $0x1;
	s0 =	sand.u32 @!p0 $0xFFF8, s5  }
0x173: {  	p2 =	por @!p1 !p3, p2;
	s0 =	sadd.s32 @!p0 s0, s7;
	vm15 =	veq.s32 v1, v2  }
0x174: {  	s5 =	simm.s32 @!p0 $0x600;
	p1 =	por !p2, p1;
	s0 =	sshll.u32 @!p0 s0, $0x3;
	v1 =	vsel vm15, $0x27FF, v2  }
0x175: {  	s16 =	simm.s32 @!p0 $0x0;
	s5 =	simm.s32 @!p1 $0x0;
	s14 =	sadd.s32 @!p0 s4, s0;
	[tilespmem:$0xBA30] =	vst v1  }
0x176: {  	[tilespmem:s5], [sflag:$0xB] =	stream.linear.gather @!p0 [hbm4b:s14+s16], $0x600, $0x38;
	[tilespmem:$0x1FA80] =	vst v63  }
0x177: {  	s14 =	simm.s32 @!p0 $0xB  }
0x178: {  	_ =	swait.ge @!p0 [sflag:s14], $0x600  }
0x179: {  	[sflag:s14] =	ssyncset.done @!p0 $0x0  }
0x17a: {  	s0 =	sadd.s32 @!p0 s6, s0;
	s5 =	sadd.s32 @!p0 $0xC00, s5;
	[sflag:s14] =	ssyncadd.s32 @!p0 $0xFFFFFA00  }
0x17b: {  	[tilespmem:s5], [sflag:$0xB] =	stream.linear.gather @!p0 [hbm4b:s0+s16], $0x600, $0x38;
	[tilespmem:$0x1FA80] =	vst v63  }
0x17c: {  	s0 =	sadd.s32 $0x8, s24  }
0x17d: {  	p1 =	sge.u32 s0, s8  }
0x17e: {  	_ =	swait.ge @!p0 [sflag:s14], $0x600;
	s5 =	smul.u32 @!p1 $0xAAAB, s0  }
0x17f: {  	[sflag:s14] =	ssyncset.done @!p0 $0x0  }
0x180: {  	[sflag:s14] =	ssyncadd.s32 @!p0 $0xFFFFFA00;
	s5 =	sshrl.u32 @!p1 s5, $0x14  }
0x181: {  	_ =	swait.ge [sflag:s18], $0x2000;
	s14 =	smul.u32 @!p1 $0x18, s5  }
0x182: {  	s5 =	sand.u32 @!p1 $0x1, s5;
	[sflag:s18] =	ssyncset.done $0x0  }
0x183: {  	p0 =	seq.s32 @!p1 s5, $0x1;
	s5 =	simm.s32 @!p1 $0x600;
	s0 =	ssub.s32 @!p1 s0, s14  }
0x184: {  	[sflag:s18] =	ssyncadd.s32 $0xFFFFE000;
	p0 =	por !p0, p1;
	s0 =	sshll.u32 @!p1 s0, $0x6  }
.Ltmp8:
0x185: {  	s5 =	simm.s32 @p0 $0x0;
	s0 =	sand.u32 @!p1 $0xFFC0, s0;
	(pc) =	sbr.rel .LBB2_10-.Ltmp8, $4  }
0x186: {  	s14 =	simm.s32 @!p1 $0x7800;
	s0 =	sadd.s32 @!p1 s0, s5;
	s5 =	simm.s32 @!p1 $0x40  }
0x187: {  	[tilespmem:s14], [sflag:$0x4] =	stream.indirect.gather @!p1 [hbm4b:s1+s5], $0x80, s0, s5, $0xb8;
	[tilespmem:$0x1FA80] =	vst v63  }
0x188: {  	s31 =	simm.s32 $0x9800;
	s24 =	simm.s32 $0xBA00  }
0x189: {  	[spmem:s2] =	stream.indirect.scatter.add.f32 [tilespmem:s31], [sflag:$0xA], $0x80, s24, s29, $0xb8;
	[tilespmem:$0x1FA80] =	vst v63  }
.LBB2_12:
0x18a: {  	_ =	sfence.sel $0x180000  }
0x18b: {  	[bflag:$0x0] =	sbarrier.arrive $0xFFFF  }
0x18c: {  	_ =	strace $0x90000047  }
0x18d: {  	s0 =	stileid.u32;
	[bflag:$0x2] =	sbarrier.arrive $0xFFFF  }
0x18e: {  	p0 =	sne.s32 s0, $0x0;
	s0 =	rddreg [dreg:$0x3]  }
0x18f: {  	s0 =	sadd.s32 @!p0 $0x100000, s0  }
0x190: {  	[sflag:s0] =	ssyncadd.tile.s32 @!p0 $0x1;
	_ =	shalt  }
.Lfunc_end2:
_tile_overlayer_lowered:
.L_overlay_start_2:
0x191: {  	(tag) =	ssettag $0x2  }
0x192: {  	s0 =	rddreg [dreg:$0x0];
	s2 =	stileid.u32  }
0x193: {  	s1 =	rddreg [dreg:$0x1];
	p0 =	sne.s32 s2, $0x0  }
0x194: {  	s3 =	rddreg [dreg:$0x2];
	[bflag:$0x3] =	sbarrier.arrive $0xFFFF;
	s2 =	simm.s32 @!p0 $0x1C0B  }
0x195: {  	[timem:s3], [sflag:s2] =	dma.local @!p0 [hbm:s0], s1  }
0x196: {  	s0 =	simm.s32 @!p0 $0xB  }
0x197: {  	_ =	swait.ge @!p0 [sflag:s0], s1  }
0x198: {  	s1 =	ssub.s32 @!p0 $0x0, s1;
	[sflag:s0] =	ssyncset.done @!p0 $0x0  }
0x199: {  	[sflag:s0] =	ssyncadd.s32 @!p0 s1  }
0x19a: {  	[bflag:$0x3] =	sbarrier.arrive $0xFFFF  }
0x19b: {  	_ =	shalt  }

</sc_bundles>
